<compile_context>
chip_gen: v7x
topology: tpu7x:2x2x1
jax: 0.10.2.dev20260603
libtpu: 0.0.44.dev20260713+nightly
codegen_flags: <defaults>
</compile_context>

<pallas_src>
import functools

import jax
import jax.numpy as jnp
from jax import lax
from jax.experimental import pallas as pl
from jax.experimental.pallas import tpu as pltpu
from jax.experimental.pallas import tpu_sc as plsc

_BT = 128
_D = 64


@functools.lru_cache(maxsize=None)
def _make_gather(NB, SEQ, V):
    info = plsc.get_sparse_core_info()
    NC, NS = info.num_cores, info.num_subcores
    NW = NC * NS
    assert NB % (NW * _BT) == 0
    bt_per_w = NB // _BT // NW
    n_slabs = bt_per_w * SEQ
    NBT = NB // _BT

    mesh = plsc.VectorSubcoreMesh(core_axis_name="c", subcore_axis_name="s")

    @functools.partial(
        pl.kernel,
        mesh=mesh,
        out_type=jax.ShapeDtypeStruct((SEQ, _D // 8, NBT, 8, _BT), jnp.float32),
        compiler_params=pltpu.CompilerParams(
            use_tc_tiling_on_sc=False, needs_layout_passes=False
        ),
        scratch_types=[
            pltpu.VMEM((2, _BT), jnp.int32),
            pltpu.VMEM((2, _BT, _D), jnp.float32),
            pltpu.VMEM((2, _D // 8, 8, _BT + 1), jnp.float32),
            pltpu.SemaphoreType.DMA,
            pltpu.SemaphoreType.DMA,
            pltpu.SemaphoreType.DMA,
            pltpu.SemaphoreType.DMA,
            pltpu.SemaphoreType.DMA,
            pltpu.SemaphoreType.DMA,
        ],
    )
    def gather_kernel(table_hbm, idx_hbm, out_hbm, sidx_v, rows_v, slab_v,
                      i0, i1, g0, g1, w0, w1):
        wid = lax.axis_index("s") * NC + lax.axis_index("c")
        bt0 = wid * bt_per_w
        isems = (i0, i1)
        gsems = (g0, g1)
        wsems = (w0, w1)
        iota = lax.iota(jnp.int32, 16)
        lhi = lax.shift_right_logical(iota, 3)
        ljr = lax.bitwise_and(iota, 7)
        zero16 = jnp.zeros((16,), jnp.int32)

        def slab_pos(n):
            bt_local = n // SEQ
            s = n - bt_local * SEQ
            return bt0 + bt_local, s

        def idx_slice(n):
            bt, s = slab_pos(n)
            return idx_hbm.at[pl.ds(s * NB + bt * _BT, _BT)]

        def start_idx(n, buf):
            pltpu.async_copy(idx_slice(n), sidx_v.at[buf], isems[buf])

        def wait_idx(n, buf):
            pltpu.make_async_copy(idx_slice(n), sidx_v.at[buf], isems[buf]).wait()

        def start_gather(buf):
            pltpu.async_copy(table_hbm.at[sidx_v.at[buf]], rows_v.at[buf], gsems[buf])

        def wait_gather(buf):
            pltpu.make_async_copy(
                table_hbm.at[sidx_v.at[buf]], rows_v.at[buf], gsems[buf]
            ).wait()

        def slab_src(buf):
            return slab_v.at[buf, :, :, pl.ds(0, _BT)]

        def out_slice(n):
            bt, s = slab_pos(n)
            return out_hbm.at[s, :, bt, :, :]

        def start_write(n, buf):
            pltpu.async_copy(slab_src(buf), out_slice(n), wsems[buf])

        def wait_write(n, buf):
            pltpu.make_async_copy(slab_src(buf), out_slice(n), wsems[buf]).wait()

        def transpose(buf):
            sbuf = slab_v.at[buf]
            jtvs = [lhi + 2 * k for k in range(_D // 16)]

            @pl.loop(0, _BT, unroll=16)
            def _(bc):
                bcv = zero16 + bc
                for k in range(_D // 16):
                    vec = rows_v[buf, bc, pl.ds(k * 16, 16)]
                    plsc.store_scatter(sbuf, [jtvs[k], ljr, bcv], vec)

        start_idx(0, 0)
        start_idx(1, 1)
        wait_idx(0, 0)
        start_gather(0)

        @pl.loop(0, n_slabs, step=2)
        def _(n0):
            for b in range(2):
                n = n0 + b
                nb = 1 - b
                wait_gather(b)

                @pl.when(n + 2 < n_slabs)
                def _():
                    start_idx(n + 2, b)

                @pl.when(n + 1 < n_slabs)
                def _():
                    wait_idx(n + 1, nb)
                    start_gather(nb)

                @pl.when(n >= 2)
                def _():
                    wait_write(n - 2, b)

                transpose(b)
                start_write(n, b)

        wait_write(n_slabs - 2, 0)
        wait_write(n_slabs - 1, 1)

    return gather_kernel


def kernel(x, table):
    NB, SEQ = x.shape
    V, D = table.shape
    idx = jnp.transpose(x).reshape(-1).astype(jnp.int32)
    out5 = _make_gather(NB, SEQ, V)(table, idx)
    out = jnp.transpose(out5, (2, 4, 0, 1, 3)).reshape(NB, SEQ, D)
    return out

# --- scband reference (transcript-rebuilt; emitter-appended) ---
"""Pipeline reference for scband-token-embedding-51668456571370 (READ-ONLY COPY).

The authoritative reference and input builder live on the scoring server;
editing this copy changes nothing except your own understanding.
"""

import jax, jax.numpy as jnp
import numpy as np

VOCAB = 1000000
EMBED_DIM = 64
SCALE = 1.0  # scale=False -> 1.0


def setup_inputs(seed: int = 0) -> dict:
    key = jax.random.key(seed)
    k1, k2 = jax.random.split(key)
    x = jax.random.randint(k1, (16384, 50), 0, VOCAB, dtype=jnp.int64) if jax.config.jax_enable_x64 else jax.random.randint(k1, (16384, 50), 0, VOCAB, dtype=jnp.int32)
    table = jax.random.normal(k2, (VOCAB, EMBED_DIM), dtype=jnp.float32)
    return {"x": x, "table": table}


def reference(x, table):
    # TokenEmbedding.forward: embed(x) * scale (scale=1.0, padding_idx=None)
    out = jnp.take(table, x, axis=0) * SCALE
    return out

if __name__ == "__main__":
    import jax
    _d = setup_inputs()
    print(jax.jit(kernel)(*tuple(_d.values())))

</pallas_src>

<mosaic_0001>
#map = affine_map<(d0, d1) -> (0, 0)>
#map1 = affine_map<(d0, d1) -> (0)>
#map2 = affine_map<(d0, d1) -> (0, 0, 0, 0, 0)>
module attributes {stable_mosaic.version = 14 : i64} {
  func.func @gather_kernel(%arg0: i32, %arg1: i32, %arg2: memref<1000000x64xf32, #tpu.memory_space<hbm>>, %arg3: memref<819200xi32, #tpu.memory_space<hbm>>, %arg4: memref<50x8x128x8x128xf32, #tpu.memory_space<hbm>>, %arg5: memref<2x128xi32, #tpu.memory_space<vmem>>, %arg6: memref<2x128x64xf32, #tpu.memory_space<vmem>>, %arg7: memref<2x8x8x129xf32, #tpu.memory_space<vmem>>, %arg8: memref<!tpu.dma_semaphore, #tpu.memory_space<semaphore_mem>>, %arg9: memref<!tpu.dma_semaphore, #tpu.memory_space<semaphore_mem>>, %arg10: memref<!tpu.dma_semaphore, #tpu.memory_space<semaphore_mem>>, %arg11: memref<!tpu.dma_semaphore, #tpu.memory_space<semaphore_mem>>, %arg12: memref<!tpu.dma_semaphore, #tpu.memory_space<semaphore_mem>>, %arg13: memref<!tpu.dma_semaphore, #tpu.memory_space<semaphore_mem>>) attributes {dimension_semantics = [#tpu.dimension_semantics<core_parallel>, #tpu.dimension_semantics<subcore_parallel>], iteration_bounds = array<i64: 2, 16>, scalar_prefetch = 0 : i64, scratch_operands = 9 : i64, tpu.core_type = #tpu.core_type<sc_vector_subcore>, window_params = [{transform_indices = #map}, {transform_indices = #map1}, {transform_indices = #map2}]} {
    %mul3A = arith.constant 2 : i32
    %mul3A_0 = arith.muli %arg1, %mul3A : i32
    %add3A = arith.addi %mul3A_0, %arg0 : i32
    %mul3A_1 = arith.constant 4 : i32
    %mul3A_2 = arith.muli %add3A, %mul3A_1 : i32
    %iota3A = tpu.iota {dimensions = array<i32: 0>} : vector<16xi32>
    %shift_right_logical3A = arith.constant 3 : i32
    %shift_right_logical3A_3 = vector.broadcast %shift_right_logical3A : i32 to vector<16xi32>
    %shift_right_logical3A_4 = arith.shrui %iota3A, %shift_right_logical3A_3 : vector<16xi32>
    %and3A = arith.constant 7 : i32
    %and3A_5 = vector.broadcast %and3A : i32 to vector<16xi32>
    %and3A_6 = arith.andi %iota3A, %and3A_5 : vector<16xi32>
    %broadcast_in_dim3A = arith.constant 0 : i32
    %broadcast_in_dim3A_7 = vector.broadcast %broadcast_in_dim3A : i32 to vector<16xi32>
    %add3A_8 = arith.constant 0 : i32
    %add3A_9 = arith.addi %mul3A_2, %add3A_8 : i32
    %mul3A_10 = arith.constant 128 : i32
    %mul3A_11 = arith.muli %add3A_9, %mul3A_10 : i32
    %add3A_12 = arith.constant 0 : i32
    %add3A_13 = arith.addi %add3A_12, %mul3A_11 : i32
    %dma_start3A = arith.constant 0 : i32
    %dma_start3A_14 = arith.constant 0 : i32
    %dma_start3A_15 = tpu.memref_slice %arg5[%dma_start3A, %dma_start3A_14] : memref<2x128xi32, #tpu.memory_space<vmem>> -> memref<1x128xi32, #tpu.memory_space<vmem>>
    %dma_start3A_16 = tpu.memref_squeeze %dma_start3A_15 : memref<1x128xi32, #tpu.memory_space<vmem>> -> memref<128xi32, #tpu.memory_space<vmem>>
    %dma_start3A_17 = tpu.memref_slice %arg3[%add3A_13] : memref<819200xi32, #tpu.memory_space<hbm>> -> memref<128xi32, #tpu.memory_space<hbm>>
    %dma_start3A_18 = arith.constant 0 : i32
    %dma_start3A_19 = tpu.memref_slice %arg5[%dma_start3A, %dma_start3A_18] : memref<2x128xi32, #tpu.memory_space<vmem>> -> memref<1x128xi32, #tpu.memory_space<vmem>>
    %dma_start3A_20 = tpu.memref_squeeze %dma_start3A_19 : memref<1x128xi32, #tpu.memory_space<vmem>> -> memref<128xi32, #tpu.memory_space<vmem>>
    %dma_start3A_21 = tpu.memref_slice %arg3[%add3A_13] : memref<819200xi32, #tpu.memory_space<hbm>> -> memref<128xi32, #tpu.memory_space<hbm>>
    tpu.enqueue_dma source(%dma_start3A_21 : memref<128xi32, #tpu.memory_space<hbm>>) target(%dma_start3A_20 : memref<128xi32, #tpu.memory_space<vmem>>) target_semaphore(%arg8 : memref<!tpu.dma_semaphore, #tpu.memory_space<semaphore_mem>>)
    %add3A_22 = arith.constant 0 : i32
    %add3A_23 = arith.addi %mul3A_2, %add3A_22 : i32
    %mul3A_24 = arith.constant 128 : i32
    %mul3A_25 = arith.muli %add3A_23, %mul3A_24 : i32
    %add3A_26 = arith.constant 16384 : i32
    %add3A_27 = arith.addi %add3A_26, %mul3A_25 : i32
    %dma_start3A_28 = arith.constant 1 : i32
    %dma_start3A_29 = arith.constant 0 : i32
    %dma_start3A_30 = tpu.memref_slice %arg5[%dma_start3A_28, %dma_start3A_29] : memref<2x128xi32, #tpu.memory_space<vmem>> -> memref<1x128xi32, #tpu.memory_space<vmem>>
    %dma_start3A_31 = tpu.memref_squeeze %dma_start3A_30 : memref<1x128xi32, #tpu.memory_space<vmem>> -> memref<128xi32, #tpu.memory_space<vmem>>
    %dma_start3A_32 = tpu.memref_slice %arg3[%add3A_27] : memref<819200xi32, #tpu.memory_space<hbm>> -> memref<128xi32, #tpu.memory_space<hbm>>
    %dma_start3A_33 = arith.constant 0 : i32
    %dma_start3A_34 = tpu.memref_slice %arg5[%dma_start3A_28, %dma_start3A_33] : memref<2x128xi32, #tpu.memory_space<vmem>> -> memref<1x128xi32, #tpu.memory_space<vmem>>
    %dma_start3A_35 = tpu.memref_squeeze %dma_start3A_34 : memref<1x128xi32, #tpu.memory_space<vmem>> -> memref<128xi32, #tpu.memory_space<vmem>>
    %dma_start3A_36 = tpu.memref_slice %arg3[%add3A_27] : memref<819200xi32, #tpu.memory_space<hbm>> -> memref<128xi32, #tpu.memory_space<hbm>>
    tpu.enqueue_dma source(%dma_start3A_36 : memref<128xi32, #tpu.memory_space<hbm>>) target(%dma_start3A_35 : memref<128xi32, #tpu.memory_space<vmem>>) target_semaphore(%arg9 : memref<!tpu.dma_semaphore, #tpu.memory_space<semaphore_mem>>)
    %add3A_37 = arith.constant 0 : i32
    %add3A_38 = arith.addi %mul3A_2, %add3A_37 : i32
    %mul3A_39 = arith.constant 128 : i32
    %mul3A_40 = arith.muli %add3A_38, %mul3A_39 : i32
    %add3A_41 = arith.constant 0 : i32
    %add3A_42 = arith.addi %add3A_41, %mul3A_40 : i32
    %dma_wait3A = arith.constant 0 : i32
    %dma_wait3A_43 = arith.constant 0 : i32
    %dma_wait3A_44 = tpu.memref_slice %arg5[%dma_wait3A, %dma_wait3A_43] : memref<2x128xi32, #tpu.memory_space<vmem>> -> memref<1x128xi32, #tpu.memory_space<vmem>>
    %dma_wait3A_45 = tpu.memref_squeeze %dma_wait3A_44 : memref<1x128xi32, #tpu.memory_space<vmem>> -> memref<128xi32, #tpu.memory_space<vmem>>
    %dma_wait3A_46 = tpu.memref_slice %arg3[%add3A_42] : memref<819200xi32, #tpu.memory_space<hbm>> -> memref<128xi32, #tpu.memory_space<hbm>>
    %dma_wait3A_47 = arith.constant 0 : i32
    %dma_wait3A_48 = tpu.memref_slice %arg5[%dma_wait3A, %dma_wait3A_47] : memref<2x128xi32, #tpu.memory_space<vmem>> -> memref<1x128xi32, #tpu.memory_space<vmem>>
    %dma_wait3A_49 = tpu.memref_squeeze %dma_wait3A_48 : memref<1x128xi32, #tpu.memory_space<vmem>> -> memref<128xi32, #tpu.memory_space<vmem>>
    %dma_wait3A_50 = tpu.memref_slice %arg3[%add3A_42] : memref<819200xi32, #tpu.memory_space<hbm>> -> memref<128xi32, #tpu.memory_space<hbm>>
    tpu.wait_dma2 semaphore(%arg8 : memref<!tpu.dma_semaphore, #tpu.memory_space<semaphore_mem>>) src(%dma_wait3A_50 : memref<128xi32, #tpu.memory_space<hbm>>) dst(%dma_wait3A_49 : memref<128xi32, #tpu.memory_space<vmem>>)
    %dma_start3A_51 = arith.constant 0 : i32
    %dma_start3A_52 = arith.constant 0 : i32
    %dma_start3A_53 = arith.constant 0 : i32
    %dma_start3A_54 = arith.constant 0 : i32
    %dma_start3A_55 = tpu.memref_slice %arg6[%dma_start3A_52, %dma_start3A_53, %dma_start3A_54] : memref<2x128x64xf32, #tpu.memory_space<vmem>> -> memref<1x128x64xf32, #tpu.memory_space<vmem>>
    %dma_start3A_56 = tpu.memref_squeeze %dma_start3A_55 : memref<1x128x64xf32, #tpu.memory_space<vmem>> -> memref<128x64xf32, #tpu.memory_space<vmem>>
    %dma_start3A_57 = arith.constant 0 : i32
    %dma_start3A_58 = tpu.memref_slice %arg5[%dma_start3A_51, %dma_start3A_57] : memref<2x128xi32, #tpu.memory_space<vmem>> -> memref<1x128xi32, #tpu.memory_space<vmem>>
    %dma_start3A_59 = tpu.memref_squeeze %dma_start3A_58 : memref<1x128xi32, #tpu.memory_space<vmem>> -> memref<128xi32, #tpu.memory_space<vmem>>
    %dma_start3A_60 = arith.constant 0 : i32
    %dma_start3A_61 = arith.constant 0 : i32
    %dma_start3A_62 = tpu.memref_slice %arg2[%dma_start3A_60, %dma_start3A_61] : memref<1000000x64xf32, #tpu.memory_space<hbm>> -> memref<1000000x64xf32, #tpu.memory_space<hbm>>
    tpu.enqueue_indirect_dma source(%dma_start3A_62 : memref<1000000x64xf32, #tpu.memory_space<hbm>>) target(%dma_start3A_56 : memref<128x64xf32, #tpu.memory_space<vmem>>) offsets(%dma_start3A_59 : memref<128xi32, #tpu.memory_space<vmem>>) semaphore(%arg10 : memref<!tpu.dma_semaphore, #tpu.memory_space<semaphore_mem>>)
    %scan3A = arith.constant 0 : i32
    %scan3A_63 = arith.constant 100 : i32
    %scan3A_64 = arith.addi %scan3A, %scan3A_63 : i32
    %scan3A_65 = arith.constant 1 : i32
    scf.for %scan3A_115 = %scan3A to %scan3A_64 step %scan3A_65  : i32 {
      %mul3A_116 = arith.constant 2 : i32
      %mul3A_117 = arith.muli %scan3A_115, %mul3A_116 : i32
      %add3A_118 = arith.constant 0 : i32
      %add3A_119 = arith.addi %add3A_118, %mul3A_117 : i32
      %add3A_120 = arith.constant 0 : i32
      %add3A_121 = arith.addi %add3A_119, %add3A_120 : i32
      %dma_wait3A_122 = arith.constant 0 : i32
      %dma_wait3A_123 = arith.constant 0 : i32
      %dma_wait3A_124 = arith.constant 0 : i32
      %dma_wait3A_125 = arith.constant 0 : i32
      %dma_wait3A_126 = tpu.memref_slice %arg6[%dma_wait3A_123, %dma_wait3A_124, %dma_wait3A_125] : memref<2x128x64xf32, #tpu.memory_space<vmem>> -> memref<1x128x64xf32, #tpu.memory_space<vmem>>
      %dma_wait3A_127 = tpu.memref_squeeze %dma_wait3A_126 : memref<1x128x64xf32, #tpu.memory_space<vmem>> -> memref<128x64xf32, #tpu.memory_space<vmem>>
      %dma_wait3A_128 = arith.constant 0 : i32
      %dma_wait3A_129 = tpu.memref_slice %arg5[%dma_wait3A_122, %dma_wait3A_128] : memref<2x128xi32, #tpu.memory_space<vmem>> -> memref<1x128xi32, #tpu.memory_space<vmem>>
      %dma_wait3A_130 = tpu.memref_squeeze %dma_wait3A_129 : memref<1x128xi32, #tpu.memory_space<vmem>> -> memref<128xi32, #tpu.memory_space<vmem>>
      %dma_wait3A_131 = arith.constant 0 : i32
      %dma_wait3A_132 = arith.constant 0 : i32
      %dma_wait3A_133 = tpu.memref_slice %arg2[%dma_wait3A_131, %dma_wait3A_132] : memref<1000000x64xf32, #tpu.memory_space<hbm>> -> memref<1000000x64xf32, #tpu.memory_space<hbm>>
      tpu.wait_indirect_dma semaphore(%arg10 : memref<!tpu.dma_semaphore, #tpu.memory_space<semaphore_mem>>) src(%dma_wait3A_133 : memref<1000000x64xf32, #tpu.memory_space<hbm>>) dst(%dma_wait3A_127 : memref<128x64xf32, #tpu.memory_space<vmem>>)
      %add3A_134 = arith.constant 2 : i32
      %add3A_135 = arith.addi %add3A_121, %add3A_134 : i32
      %lt3A = arith.constant 200 : i32
      %lt3A_136 = arith.cmpi slt, %add3A_135, %lt3A : i32
      %convert_element_type3A = arith.extui %lt3A_136 : i1 to i32
      %cond3A = arith.constant 0 : i32
      %cond3A_137 = arith.cmpi ne, %convert_element_type3A, %cond3A : i32
      scf.if %cond3A_137 {
        %add3A_309 = arith.constant 2 : i32
        %add3A_310 = arith.addi %add3A_121, %add3A_309 : i32
        %jit3A_311 = arith.constant 50 : i32
        %div3A_312 = arith.divsi %add3A_310, %jit3A_311 : i32
        %sign3A_313 = arith.constant 0 : i32
        %sign3A_314 = arith.cmpi sgt, %add3A_310, %sign3A_313 : i32
        %sign3A_315 = arith.extui %sign3A_314 : i1 to i32
        %sign3A_316 = arith.constant 0 : i32
        %sign3A_317 = arith.cmpi slt, %add3A_310, %sign3A_316 : i32
        %sign3A_318 = arith.extui %sign3A_317 : i1 to i32
        %sign3A_319 = arith.subi %sign3A_315, %sign3A_318 : i32
        %sign3A_320 = arith.constant 0 : i32
        %sign3A_321 = arith.cmpi sgt, %jit3A_311, %sign3A_320 : i32
        %sign3A_322 = arith.extui %sign3A_321 : i1 to i32
        %sign3A_323 = arith.constant 0 : i32
        %sign3A_324 = arith.cmpi slt, %jit3A_311, %sign3A_323 : i32
        %sign3A_325 = arith.extui %sign3A_324 : i1 to i32
        %sign3A_326 = arith.subi %sign3A_322, %sign3A_325 : i32
        %ne3A_327 = arith.cmpi ne, %sign3A_319, %sign3A_326 : i32
        %rem3A_328 = arith.remsi %add3A_310, %jit3A_311 : i32
        %ne3A_329 = arith.constant 0 : i32
        %ne3A_330 = arith.cmpi ne, %rem3A_328, %ne3A_329 : i32
        %and3A_331 = arith.andi %ne3A_327, %ne3A_330 : i1
        %sub3A_332 = arith.constant 1 : i32
        %sub3A_333 = arith.subi %div3A_312, %sub3A_332 : i32
        %select_n3A_334 = arith.select %and3A_331, %sub3A_333, %div3A_312 : i32
        %mul3A_335 = arith.constant 50 : i32
        %mul3A_336 = arith.muli %select_n3A_334, %mul3A_335 : i32
        %sub3A_337 = arith.subi %add3A_310, %mul3A_336 : i32
        %add3A_338 = arith.addi %mul3A_2, %select_n3A_334 : i32
        %mul3A_339 = arith.constant 16384 : i32
        %mul3A_340 = arith.muli %sub3A_337, %mul3A_339 : i32
        %mul3A_341 = arith.constant 128 : i32
        %mul3A_342 = arith.muli %add3A_338, %mul3A_341 : i32
        %add3A_343 = arith.addi %mul3A_340, %mul3A_342 : i32
        %dma_start3A_344 = arith.constant 0 : i32
        %dma_start3A_345 = arith.constant 0 : i32
        %dma_start3A_346 = tpu.memref_slice %arg5[%dma_start3A_344, %dma_start3A_345] : memref<2x128xi32, #tpu.memory_space<vmem>> -> memref<1x128xi32, #tpu.memory_space<vmem>>
        %dma_start3A_347 = tpu.memref_squeeze %dma_start3A_346 : memref<1x128xi32, #tpu.memory_space<vmem>> -> memref<128xi32, #tpu.memory_space<vmem>>
        %dma_start3A_348 = tpu.memref_slice %arg3[%add3A_343] : memref<819200xi32, #tpu.memory_space<hbm>> -> memref<128xi32, #tpu.memory_space<hbm>>
        %dma_start3A_349 = arith.constant 0 : i32
        %dma_start3A_350 = tpu.memref_slice %arg5[%dma_start3A_344, %dma_start3A_349] : memref<2x128xi32, #tpu.memory_space<vmem>> -> memref<1x128xi32, #tpu.memory_space<vmem>>
        %dma_start3A_351 = tpu.memref_squeeze %dma_start3A_350 : memref<1x128xi32, #tpu.memory_space<vmem>> -> memref<128xi32, #tpu.memory_space<vmem>>
        %dma_start3A_352 = tpu.memref_slice %arg3[%add3A_343] : memref<819200xi32, #tpu.memory_space<hbm>> -> memref<128xi32, #tpu.memory_space<hbm>>
        tpu.enqueue_dma source(%dma_start3A_352 : memref<128xi32, #tpu.memory_space<hbm>>) target(%dma_start3A_351 : memref<128xi32, #tpu.memory_space<vmem>>) target_semaphore(%arg8 : memref<!tpu.dma_semaphore, #tpu.memory_space<semaphore_mem>>)
      } else {
      }
      %add3A_138 = arith.constant 1 : i32
      %add3A_139 = arith.addi %add3A_121, %add3A_138 : i32
      %lt3A_140 = arith.constant 200 : i32
      %lt3A_141 = arith.cmpi slt, %add3A_139, %lt3A_140 : i32
      %convert_element_type3A_142 = arith.extui %lt3A_141 : i1 to i32
      %cond3A_143 = arith.constant 0 : i32
      %cond3A_144 = arith.cmpi ne, %convert_element_type3A_142, %cond3A_143 : i32
      scf.if %cond3A_144 {
        %add3A_309 = arith.constant 1 : i32
        %add3A_310 = arith.addi %add3A_121, %add3A_309 : i32
        %jit3A_311 = arith.constant 50 : i32
        %div3A_312 = arith.divsi %add3A_310, %jit3A_311 : i32
        %sign3A_313 = arith.constant 0 : i32
        %sign3A_314 = arith.cmpi sgt, %add3A_310, %sign3A_313 : i32
        %sign3A_315 = arith.extui %sign3A_314 : i1 to i32
        %sign3A_316 = arith.constant 0 : i32
        %sign3A_317 = arith.cmpi slt, %add3A_310, %sign3A_316 : i32
        %sign3A_318 = arith.extui %sign3A_317 : i1 to i32
        %sign3A_319 = arith.subi %sign3A_315, %sign3A_318 : i32
        %sign3A_320 = arith.constant 0 : i32
        %sign3A_321 = arith.cmpi sgt, %jit3A_311, %sign3A_320 : i32
        %sign3A_322 = arith.extui %sign3A_321 : i1 to i32
        %sign3A_323 = arith.constant 0 : i32
        %sign3A_324 = arith.cmpi slt, %jit3A_311, %sign3A_323 : i32
        %sign3A_325 = arith.extui %sign3A_324 : i1 to i32
        %sign3A_326 = arith.subi %sign3A_322, %sign3A_325 : i32
        %ne3A_327 = arith.cmpi ne, %sign3A_319, %sign3A_326 : i32
        %rem3A_328 = arith.remsi %add3A_310, %jit3A_311 : i32
        %ne3A_329 = arith.constant 0 : i32
        %ne3A_330 = arith.cmpi ne, %rem3A_328, %ne3A_329 : i32
        %and3A_331 = arith.andi %ne3A_327, %ne3A_330 : i1
        %sub3A_332 = arith.constant 1 : i32
        %sub3A_333 = arith.subi %div3A_312, %sub3A_332 : i32
        %select_n3A_334 = arith.select %and3A_331, %sub3A_333, %div3A_312 : i32
        %mul3A_335 = arith.constant 50 : i32
        %mul3A_336 = arith.muli %select_n3A_334, %mul3A_335 : i32
        %sub3A_337 = arith.subi %add3A_310, %mul3A_336 : i32
        %add3A_338 = arith.addi %mul3A_2, %select_n3A_334 : i32
        %mul3A_339 = arith.constant 16384 : i32
        %mul3A_340 = arith.muli %sub3A_337, %mul3A_339 : i32
        %mul3A_341 = arith.constant 128 : i32
        %mul3A_342 = arith.muli %add3A_338, %mul3A_341 : i32
        %add3A_343 = arith.addi %mul3A_340, %mul3A_342 : i32
        %dma_wait3A_344 = arith.constant 1 : i32
        %dma_wait3A_345 = arith.constant 0 : i32
        %dma_wait3A_346 = tpu.memref_slice %arg5[%dma_wait3A_344, %dma_wait3A_345] : memref<2x128xi32, #tpu.memory_space<vmem>> -> memref<1x128xi32, #tpu.memory_space<vmem>>
        %dma_wait3A_347 = tpu.memref_squeeze %dma_wait3A_346 : memref<1x128xi32, #tpu.memory_space<vmem>> -> memref<128xi32, #tpu.memory_space<vmem>>
        %dma_wait3A_348 = tpu.memref_slice %arg3[%add3A_343] : memref<819200xi32, #tpu.memory_space<hbm>> -> memref<128xi32, #tpu.memory_space<hbm>>
        %dma_wait3A_349 = arith.constant 0 : i32
        %dma_wait3A_350 = tpu.memref_slice %arg5[%dma_wait3A_344, %dma_wait3A_349] : memref<2x128xi32, #tpu.memory_space<vmem>> -> memref<1x128xi32, #tpu.memory_space<vmem>>
        %dma_wait3A_351 = tpu.memref_squeeze %dma_wait3A_350 : memref<1x128xi32, #tpu.memory_space<vmem>> -> memref<128xi32, #tpu.memory_space<vmem>>
        %dma_wait3A_352 = tpu.memref_slice %arg3[%add3A_343] : memref<819200xi32, #tpu.memory_space<hbm>> -> memref<128xi32, #tpu.memory_space<hbm>>
        tpu.wait_dma2 semaphore(%arg9 : memref<!tpu.dma_semaphore, #tpu.memory_space<semaphore_mem>>) src(%dma_wait3A_352 : memref<128xi32, #tpu.memory_space<hbm>>) dst(%dma_wait3A_351 : memref<128xi32, #tpu.memory_space<vmem>>)
        %dma_start3A_353 = arith.constant 1 : i32
        %dma_start3A_354 = arith.constant 1 : i32
        %dma_start3A_355 = arith.constant 0 : i32
        %dma_start3A_356 = arith.constant 0 : i32
        %dma_start3A_357 = tpu.memref_slice %arg6[%dma_start3A_354, %dma_start3A_355, %dma_start3A_356] : memref<2x128x64xf32, #tpu.memory_space<vmem>> -> memref<1x128x64xf32, #tpu.memory_space<vmem>>
        %dma_start3A_358 = tpu.memref_squeeze %dma_start3A_357 : memref<1x128x64xf32, #tpu.memory_space<vmem>> -> memref<128x64xf32, #tpu.memory_space<vmem>>
        %dma_start3A_359 = arith.constant 0 : i32
        %dma_start3A_360 = tpu.memref_slice %arg5[%dma_start3A_353, %dma_start3A_359] : memref<2x128xi32, #tpu.memory_space<vmem>> -> memref<1x128xi32, #tpu.memory_space<vmem>>
        %dma_start3A_361 = tpu.memref_squeeze %dma_start3A_360 : memref<1x128xi32, #tpu.memory_space<vmem>> -> memref<128xi32, #tpu.memory_space<vmem>>
        %dma_start3A_362 = arith.constant 0 : i32
        %dma_start3A_363 = arith.constant 0 : i32
        %dma_start3A_364 = tpu.memref_slice %arg2[%dma_start3A_362, %dma_start3A_363] : memref<1000000x64xf32, #tpu.memory_space<hbm>> -> memref<1000000x64xf32, #tpu.memory_space<hbm>>
        tpu.enqueue_indirect_dma source(%dma_start3A_364 : memref<1000000x64xf32, #tpu.memory_space<hbm>>) target(%dma_start3A_358 : memref<128x64xf32, #tpu.memory_space<vmem>>) offsets(%dma_start3A_361 : memref<128xi32, #tpu.memory_space<vmem>>) semaphore(%arg11 : memref<!tpu.dma_semaphore, #tpu.memory_space<semaphore_mem>>)
      } else {
      }
      %ge3A = arith.constant 2 : i32
      %ge3A_145 = arith.cmpi sge, %add3A_121, %ge3A : i32
      %convert_element_type3A_146 = arith.extui %ge3A_145 : i1 to i32
      %cond3A_147 = arith.constant 0 : i32
      %cond3A_148 = arith.cmpi ne, %convert_element_type3A_146, %cond3A_147 : i32
      scf.if %cond3A_148 {
        %sub3A_309 = arith.constant 2 : i32
        %sub3A_310 = arith.subi %add3A_121, %sub3A_309 : i32
        %jit3A_311 = arith.constant 50 : i32
        %div3A_312 = arith.divsi %sub3A_310, %jit3A_311 : i32
        %sign3A_313 = arith.constant 0 : i32
        %sign3A_314 = arith.cmpi sgt, %sub3A_310, %sign3A_313 : i32
        %sign3A_315 = arith.extui %sign3A_314 : i1 to i32
        %sign3A_316 = arith.constant 0 : i32
        %sign3A_317 = arith.cmpi slt, %sub3A_310, %sign3A_316 : i32
        %sign3A_318 = arith.extui %sign3A_317 : i1 to i32
        %sign3A_319 = arith.subi %sign3A_315, %sign3A_318 : i32
        %sign3A_320 = arith.constant 0 : i32
        %sign3A_321 = arith.cmpi sgt, %jit3A_311, %sign3A_320 : i32
        %sign3A_322 = arith.extui %sign3A_321 : i1 to i32
        %sign3A_323 = arith.constant 0 : i32
        %sign3A_324 = arith.cmpi slt, %jit3A_311, %sign3A_323 : i32
        %sign3A_325 = arith.extui %sign3A_324 : i1 to i32
        %sign3A_326 = arith.subi %sign3A_322, %sign3A_325 : i32
        %ne3A_327 = arith.cmpi ne, %sign3A_319, %sign3A_326 : i32
        %rem3A_328 = arith.remsi %sub3A_310, %jit3A_311 : i32
        %ne3A_329 = arith.constant 0 : i32
        %ne3A_330 = arith.cmpi ne, %rem3A_328, %ne3A_329 : i32
        %and3A_331 = arith.andi %ne3A_327, %ne3A_330 : i1
        %sub3A_332 = arith.constant 1 : i32
        %sub3A_333 = arith.subi %div3A_312, %sub3A_332 : i32
        %select_n3A_334 = arith.select %and3A_331, %sub3A_333, %div3A_312 : i32
        %mul3A_335 = arith.constant 50 : i32
        %mul3A_336 = arith.muli %select_n3A_334, %mul3A_335 : i32
        %sub3A_337 = arith.subi %sub3A_310, %mul3A_336 : i32
        %add3A_338 = arith.addi %mul3A_2, %select_n3A_334 : i32
        %dma_wait3A_339 = arith.constant 0 : i32
        %dma_wait3A_340 = arith.constant 0 : i32
        %dma_wait3A_341 = arith.constant 0 : i32
        %dma_wait3A_342 = arith.constant 0 : i32
        %dma_wait3A_343 = tpu.memref_slice %arg7[%dma_wait3A_339, %dma_wait3A_340, %dma_wait3A_341, %dma_wait3A_342] : memref<2x8x8x129xf32, #tpu.memory_space<vmem>> -> memref<1x8x8x128xf32, #tpu.memory_space<vmem>>
        %dma_wait3A_344 = tpu.memref_squeeze %dma_wait3A_343 : memref<1x8x8x128xf32, #tpu.memory_space<vmem>> -> memref<8x8x128xf32, #tpu.memory_space<vmem>>
        %dma_wait3A_345 = arith.constant 0 : i32
        %dma_wait3A_346 = arith.constant 0 : i32
        %dma_wait3A_347 = arith.constant 0 : i32
        %dma_wait3A_348 = tpu.memref_slice %arg4[%sub3A_337, %dma_wait3A_345, %add3A_338, %dma_wait3A_346, %dma_wait3A_347] : memref<50x8x128x8x128xf32, #tpu.memory_space<hbm>> -> memref<1x8x1x8x128xf32, #tpu.memory_space<hbm>>
        %dma_wait3A_349 = tpu.memref_squeeze %dma_wait3A_348 : memref<1x8x1x8x128xf32, #tpu.memory_space<hbm>> -> memref<8x8x128xf32, #tpu.memory_space<hbm>>
        %dma_wait3A_350 = arith.constant 0 : i32
        %dma_wait3A_351 = arith.constant 0 : i32
        %dma_wait3A_352 = arith.constant 0 : i32
        %dma_wait3A_353 = tpu.memref_slice %arg4[%sub3A_337, %dma_wait3A_350, %add3A_338, %dma_wait3A_351, %dma_wait3A_352] : memref<50x8x128x8x128xf32, #tpu.memory_space<hbm>> -> memref<1x8x1x8x128xf32, #tpu.memory_space<hbm>>
        %dma_wait3A_354 = tpu.memref_squeeze %dma_wait3A_353 : memref<1x8x1x8x128xf32, #tpu.memory_space<hbm>> -> memref<8x8x128xf32, #tpu.memory_space<hbm>>
        %dma_wait3A_355 = arith.constant 0 : i32
        %dma_wait3A_356 = arith.constant 0 : i32
        %dma_wait3A_357 = arith.constant 0 : i32
        %dma_wait3A_358 = tpu.memref_slice %arg7[%dma_wait3A_339, %dma_wait3A_355, %dma_wait3A_356, %dma_wait3A_357] : memref<2x8x8x129xf32, #tpu.memory_space<vmem>> -> memref<1x8x8x128xf32, #tpu.memory_space<vmem>>
        %dma_wait3A_359 = tpu.memref_squeeze %dma_wait3A_358 : memref<1x8x8x128xf32, #tpu.memory_space<vmem>> -> memref<8x8x128xf32, #tpu.memory_space<vmem>>
        tpu.wait_dma2 semaphore(%arg12 : memref<!tpu.dma_semaphore, #tpu.memory_space<semaphore_mem>>) src(%dma_wait3A_359 : memref<8x8x128xf32, #tpu.memory_space<vmem>>) dst(%dma_wait3A_354 : memref<8x8x128xf32, #tpu.memory_space<hbm>>)
      } else {
      }
      %add3A_149 = arith.constant 0 : i32
      %add3A_150 = vector.broadcast %add3A_149 : i32 to vector<16xi32>
      %add3A_151 = arith.addi %shift_right_logical3A_4, %add3A_150 : vector<16xi32>
      %add3A_152 = arith.constant 2 : i32
      %add3A_153 = vector.broadcast %add3A_152 : i32 to vector<16xi32>
      %add3A_154 = arith.addi %shift_right_logical3A_4, %add3A_153 : vector<16xi32>
      %add3A_155 = arith.constant 4 : i32
      %add3A_156 = vector.broadcast %add3A_155 : i32 to vector<16xi32>
      %add3A_157 = arith.addi %shift_right_logical3A_4, %add3A_156 : vector<16xi32>
      %add3A_158 = arith.constant 6 : i32
      %add3A_159 = vector.broadcast %add3A_158 : i32 to vector<16xi32>
      %add3A_160 = arith.addi %shift_right_logical3A_4, %add3A_159 : vector<16xi32>
      %scan3A_161 = arith.constant 0 : i32
      %scan3A_162 = arith.constant 0 : i32
      %scan3A_163 = arith.constant 128 : i32
      %scan3A_164 = arith.addi %scan3A_162, %scan3A_163 : i32
      %scan3A_165 = arith.constant 16 : i32
      scf.for %scan3A_309 = %scan3A_162 to %scan3A_164 step %scan3A_165  : i32 {
        %mul3A_310 = arith.constant 1 : i32
        %mul3A_311 = arith.muli %scan3A_309, %mul3A_310 : i32
        %add3A_312 = arith.constant 0 : i32
        %add3A_313 = arith.addi %add3A_312, %mul3A_311 : i32
        %add3A_314 = vector.broadcast %add3A_313 : i32 to vector<16xi32>
        %add3A_315 = arith.addi %broadcast_in_dim3A_7, %add3A_314 : vector<16xi32>
        %get3A = arith.constant 0 : i32
        %get3A_316 = arith.index_cast %get3A : i32 to index
        %get3A_317 = arith.index_cast %add3A_313 : i32 to index
        %get3A_318 = arith.constant 0 : index
        %get3A_319 = tpu.vector_load %arg6[%get3A_316, %get3A_317, %get3A_318] {strides = array<i32>} : memref<2x128x64xf32, #tpu.memory_space<vmem>>, vector<16xf32>,
        %scatter3A = arith.constant 0 : i32
        %scatter3A_320 = arith.constant 0 : i32
        %scatter3A_321 = arith.constant 0 : i32
        %scatter3A_322 = tpu.memref_slice %arg7[%scan3A_161, %scatter3A, %scatter3A_320, %scatter3A_321] : memref<2x8x8x129xf32, #tpu.memory_space<vmem>> -> memref<1x8x8x129xf32, #tpu.memory_space<vmem>>
        %scatter3A_323 = tpu.memref_squeeze %scatter3A_322 : memref<1x8x8x129xf32, #tpu.memory_space<vmem>> -> memref<8x8x129xf32, #tpu.memory_space<vmem>>
        tpu.vector_store_idx %scatter3A_323[%add3A_151, %and3A_6, %add3A_315], %get3A_319 : memref<8x8x129xf32, #tpu.memory_space<vmem>>[vector<16xi32>, vector<16xi32>, vector<16xi32>], vector<16xf32>,
        %get3A_324 = arith.constant 0 : i32
        %get3A_325 = arith.index_cast %get3A_324 : i32 to index
        %get3A_326 = arith.index_cast %add3A_313 : i32 to index
        %get3A_327 = arith.constant 16 : index
        %get3A_328 = tpu.vector_load %arg6[%get3A_325, %get3A_326, %get3A_327] {strides = array<i32>} : memref<2x128x64xf32, #tpu.memory_space<vmem>>, vector<16xf32>,
        %scatter3A_329 = arith.constant 0 : i32
        %scatter3A_330 = arith.constant 0 : i32
        %scatter3A_331 = arith.constant 0 : i32
        %scatter3A_332 = tpu.memref_slice %arg7[%scan3A_161, %scatter3A_329, %scatter3A_330, %scatter3A_331] : memref<2x8x8x129xf32, #tpu.memory_space<vmem>> -> memref<1x8x8x129xf32, #tpu.memory_space<vmem>>
        %scatter3A_333 = tpu.memref_squeeze %scatter3A_332 : memref<1x8x8x129xf32, #tpu.memory_space<vmem>> -> memref<8x8x129xf32, #tpu.memory_space<vmem>>
        tpu.vector_store_idx %scatter3A_333[%add3A_154, %and3A_6, %add3A_315], %get3A_328 : memref<8x8x129xf32, #tpu.memory_space<vmem>>[vector<16xi32>, vector<16xi32>, vector<16xi32>], vector<16xf32>,
        %get3A_334 = arith.constant 0 : i32
        %get3A_335 = arith.index_cast %get3A_334 : i32 to index
        %get3A_336 = arith.index_cast %add3A_313 : i32 to index
        %get3A_337 = arith.constant 32 : index
        %get3A_338 = tpu.vector_load %arg6[%get3A_335, %get3A_336, %get3A_337] {strides = array<i32>} : memref<2x128x64xf32, #tpu.memory_space<vmem>>, vector<16xf32>,
        %scatter3A_339 = arith.constant 0 : i32
        %scatter3A_340 = arith.constant 0 : i32
        %scatter3A_341 = arith.constant 0 : i32
        %scatter3A_342 = tpu.memref_slice %arg7[%scan3A_161, %scatter3A_339, %scatter3A_340, %scatter3A_341] : memref<2x8x8x129xf32, #tpu.memory_space<vmem>> -> memref<1x8x8x129xf32, #tpu.memory_space<vmem>>
        %scatter3A_343 = tpu.memref_squeeze %scatter3A_342 : memref<1x8x8x129xf32, #tpu.memory_space<vmem>> -> memref<8x8x129xf32, #tpu.memory_space<vmem>>
        tpu.vector_store_idx %scatter3A_343[%add3A_157, %and3A_6, %add3A_315], %get3A_338 : memref<8x8x129xf32, #tpu.memory_space<vmem>>[vector<16xi32>, vector<16xi32>, vector<16xi32>], vector<16xf32>,
        %get3A_344 = arith.constant 0 : i32
        %get3A_345 = arith.index_cast %get3A_344 : i32 to index
        %get3A_346 = arith.index_cast %add3A_313 : i32 to index
        %get3A_347 = arith.constant 48 : index
        %get3A_348 = tpu.vector_load %arg6[%get3A_345, %get3A_346, %get3A_347] {strides = array<i32>} : memref<2x128x64xf32, #tpu.memory_space<vmem>>, vector<16xf32>,
        %scatter3A_349 = arith.constant 0 : i32
        %scatter3A_350 = arith.constant 0 : i32
        %scatter3A_351 = arith.constant 0 : i32
        %scatter3A_352 = tpu.memref_slice %arg7[%scan3A_161, %scatter3A_349, %scatter3A_350, %scatter3A_351] : memref<2x8x8x129xf32, #tpu.memory_space<vmem>> -> memref<1x8x8x129xf32, #tpu.memory_space<vmem>>
        %scatter3A_353 = tpu.memref_squeeze %scatter3A_352 : memref<1x8x8x129xf32, #tpu.memory_space<vmem>> -> memref<8x8x129xf32, #tpu.memory_space<vmem>>
        tpu.vector_store_idx %scatter3A_353[%add3A_160, %and3A_6, %add3A_315], %get3A_348 : memref<8x8x129xf32, #tpu.memory_space<vmem>>[vector<16xi32>, vector<16xi32>, vector<16xi32>], vector<16xf32>,
        %scan3A_354 = arith.constant 1 : i32
        %scan3A_355 = arith.addi %scan3A_309, %scan3A_354 : i32
        %mul3A_356 = arith.constant 1 : i32
        %mul3A_357 = arith.muli %scan3A_355, %mul3A_356 : i32
        %add3A_358 = arith.constant 0 : i32
        %add3A_359 = arith.addi %add3A_358, %mul3A_357 : i32
        %add3A_360 = vector.broadcast %add3A_359 : i32 to vector<16xi32>
        %add3A_361 = arith.addi %broadcast_in_dim3A_7, %add3A_360 : vector<16xi32>
        %get3A_362 = arith.constant 0 : i32
        %get3A_363 = arith.index_cast %get3A_362 : i32 to index
        %get3A_364 = arith.index_cast %add3A_359 : i32 to index
        %get3A_365 = arith.constant 0 : index
        %get3A_366 = tpu.vector_load %arg6[%get3A_363, %get3A_364, %get3A_365] {strides = array<i32>} : memref<2x128x64xf32, #tpu.memory_space<vmem>>, vector<16xf32>,
        %scatter3A_367 = arith.constant 0 : i32
        %scatter3A_368 = arith.constant 0 : i32
        %scatter3A_369 = arith.constant 0 : i32
        %scatter3A_370 = tpu.memref_slice %arg7[%scan3A_161, %scatter3A_367, %scatter3A_368, %scatter3A_369] : memref<2x8x8x129xf32, #tpu.memory_space<vmem>> -> memref<1x8x8x129xf32, #tpu.memory_space<vmem>>
        %scatter3A_371 = tpu.memref_squeeze %scatter3A_370 : memref<1x8x8x129xf32, #tpu.memory_space<vmem>> -> memref<8x8x129xf32, #tpu.memory_space<vmem>>
        tpu.vector_store_idx %scatter3A_371[%add3A_151, %and3A_6, %add3A_361], %get3A_366 : memref<8x8x129xf32, #tpu.memory_space<vmem>>[vector<16xi32>, vector<16xi32>, vector<16xi32>], vector<16xf32>,
        %get3A_372 = arith.constant 0 : i32
        %get3A_373 = arith.index_cast %get3A_372 : i32 to index
        %get3A_374 = arith.index_cast %add3A_359 : i32 to index
        %get3A_375 = arith.constant 16 : index
        %get3A_376 = tpu.vector_load %arg6[%get3A_373, %get3A_374, %get3A_375] {strides = array<i32>} : memref<2x128x64xf32, #tpu.memory_space<vmem>>, vector<16xf32>,
        %scatter3A_377 = arith.constant 0 : i32
        %scatter3A_378 = arith.constant 0 : i32
        %scatter3A_379 = arith.constant 0 : i32
        %scatter3A_380 = tpu.memref_slice %arg7[%scan3A_161, %scatter3A_377, %scatter3A_378, %scatter3A_379] : memref<2x8x8x129xf32, #tpu.memory_space<vmem>> -> memref<1x8x8x129xf32, #tpu.memory_space<vmem>>
        %scatter3A_381 = tpu.memref_squeeze %scatter3A_380 : memref<1x8x8x129xf32, #tpu.memory_space<vmem>> -> memref<8x8x129xf32, #tpu.memory_space<vmem>>
        tpu.vector_store_idx %scatter3A_381[%add3A_154, %and3A_6, %add3A_361], %get3A_376 : memref<8x8x129xf32, #tpu.memory_space<vmem>>[vector<16xi32>, vector<16xi32>, vector<16xi32>], vector<16xf32>,
        %get3A_382 = arith.constant 0 : i32
        %get3A_383 = arith.index_cast %get3A_382 : i32 to index
        %get3A_384 = arith.index_cast %add3A_359 : i32 to index
        %get3A_385 = arith.constant 32 : index
        %get3A_386 = tpu.vector_load %arg6[%get3A_383, %get3A_384, %get3A_385] {strides = array<i32>} : memref<2x128x64xf32, #tpu.memory_space<vmem>>, vector<16xf32>,
        %scatter3A_387 = arith.constant 0 : i32
        %scatter3A_388 = arith.constant 0 : i32
        %scatter3A_389 = arith.constant 0 : i32
        %scatter3A_390 = tpu.memref_slice %arg7[%scan3A_161, %scatter3A_387, %scatter3A_388, %scatter3A_389] : memref<2x8x8x129xf32, #tpu.memory_space<vmem>> -> memref<1x8x8x129xf32, #tpu.memory_space<vmem>>
        %scatter3A_391 = tpu.memref_squeeze %scatter3A_390 : memref<1x8x8x129xf32, #tpu.memory_space<vmem>> -> memref<8x8x129xf32, #tpu.memory_space<vmem>>
        tpu.vector_store_idx %scatter3A_391[%add3A_157, %and3A_6, %add3A_361], %get3A_386 : memref<8x8x129xf32, #tpu.memory_space<vmem>>[vector<16xi32>, vector<16xi32>, vector<16xi32>], vector<16xf32>,
        %get3A_392 = arith.constant 0 : i32
        %get3A_393 = arith.index_cast %get3A_392 : i32 to index
        %get3A_394 = arith.index_cast %add3A_359 : i32 to index
        %get3A_395 = arith.constant 48 : index
        %get3A_396 = tpu.vector_load %arg6[%get3A_393, %get3A_394, %get3A_395] {strides = array<i32>} : memref<2x128x64xf32, #tpu.memory_space<vmem>>, vector<16xf32>,
        %scatter3A_397 = arith.constant 0 : i32
        %scatter3A_398 = arith.constant 0 : i32
        %scatter3A_399 = arith.constant 0 : i32
        %scatter3A_400 = tpu.memref_slice %arg7[%scan3A_161, %scatter3A_397, %scatter3A_398, %scatter3A_399] : memref<2x8x8x129xf32, #tpu.memory_space<vmem>> -> memref<1x8x8x129xf32, #tpu.memory_space<vmem>>
        %scatter3A_401 = tpu.memref_squeeze %scatter3A_400 : memref<1x8x8x129xf32, #tpu.memory_space<vmem>> -> memref<8x8x129xf32, #tpu.memory_space<vmem>>
        tpu.vector_store_idx %scatter3A_401[%add3A_160, %and3A_6, %add3A_361], %get3A_396 : memref<8x8x129xf32, #tpu.memory_space<vmem>>[vector<16xi32>, vector<16xi32>, vector<16xi32>], vector<16xf32>,
        %scan3A_402 = arith.constant 2 : i32
        %scan3A_403 = arith.addi %scan3A_309, %scan3A_402 : i32
        %mul3A_404 = arith.constant 1 : i32
        %mul3A_405 = arith.muli %scan3A_403, %mul3A_404 : i32
        %add3A_406 = arith.constant 0 : i32
        %add3A_407 = arith.addi %add3A_406, %mul3A_405 : i32
        %add3A_408 = vector.broadcast %add3A_407 : i32 to vector<16xi32>
        %add3A_409 = arith.addi %broadcast_in_dim3A_7, %add3A_408 : vector<16xi32>
        %get3A_410 = arith.constant 0 : i32
        %get3A_411 = arith.index_cast %get3A_410 : i32 to index
        %get3A_412 = arith.index_cast %add3A_407 : i32 to index
        %get3A_413 = arith.constant 0 : index
        %get3A_414 = tpu.vector_load %arg6[%get3A_411, %get3A_412, %get3A_413] {strides = array<i32>} : memref<2x128x64xf32, #tpu.memory_space<vmem>>, vector<16xf32>,
        %scatter3A_415 = arith.constant 0 : i32
        %scatter3A_416 = arith.constant 0 : i32
        %scatter3A_417 = arith.constant 0 : i32
        %scatter3A_418 = tpu.memref_slice %arg7[%scan3A_161, %scatter3A_415, %scatter3A_416, %scatter3A_417] : memref<2x8x8x129xf32, #tpu.memory_space<vmem>> -> memref<1x8x8x129xf32, #tpu.memory_space<vmem>>
        %scatter3A_419 = tpu.memref_squeeze %scatter3A_418 : memref<1x8x8x129xf32, #tpu.memory_space<vmem>> -> memref<8x8x129xf32, #tpu.memory_space<vmem>>
        tpu.vector_store_idx %scatter3A_419[%add3A_151, %and3A_6, %add3A_409], %get3A_414 : memref<8x8x129xf32, #tpu.memory_space<vmem>>[vector<16xi32>, vector<16xi32>, vector<16xi32>], vector<16xf32>,
        %get3A_420 = arith.constant 0 : i32
        %get3A_421 = arith.index_cast %get3A_420 : i32 to index
        %get3A_422 = arith.index_cast %add3A_407 : i32 to index
        %get3A_423 = arith.constant 16 : index
        %get3A_424 = tpu.vector_load %arg6[%get3A_421, %get3A_422, %get3A_423] {strides = array<i32>} : memref<2x128x64xf32, #tpu.memory_space<vmem>>, vector<16xf32>,
        %scatter3A_425 = arith.constant 0 : i32
        %scatter3A_426 = arith.constant 0 : i32
        %scatter3A_427 = arith.constant 0 : i32
        %scatter3A_428 = tpu.memref_slice %arg7[%scan3A_161, %scatter3A_425, %scatter3A_426, %scatter3A_427] : memref<2x8x8x129xf32, #tpu.memory_space<vmem>> -> memref<1x8x8x129xf32, #tpu.memory_space<vmem>>
        %scatter3A_429 = tpu.memref_squeeze %scatter3A_428 : memref<1x8x8x129xf32, #tpu.memory_space<vmem>> -> memref<8x8x129xf32, #tpu.memory_space<vmem>>
        tpu.vector_store_idx %scatter3A_429[%add3A_154, %and3A_6, %add3A_409], %get3A_424 : memref<8x8x129xf32, #tpu.memory_space<vmem>>[vector<16xi32>, vector<16xi32>, vector<16xi32>], vector<16xf32>,
        %get3A_430 = arith.constant 0 : i32
        %get3A_431 = arith.index_cast %get3A_430 : i32 to index
        %get3A_432 = arith.index_cast %add3A_407 : i32 to index
        %get3A_433 = arith.constant 32 : index
        %get3A_434 = tpu.vector_load %arg6[%get3A_431, %get3A_432, %get3A_433] {strides = array<i32>} : memref<2x128x64xf32, #tpu.memory_space<vmem>>, vector<16xf32>,
        %scatter3A_435 = arith.constant 0 : i32
        %scatter3A_436 = arith.constant 0 : i32
        %scatter3A_437 = arith.constant 0 : i32
        %scatter3A_438 = tpu.memref_slice %arg7[%scan3A_161, %scatter3A_435, %scatter3A_436, %scatter3A_437] : memref<2x8x8x129xf32, #tpu.memory_space<vmem>> -> memref<1x8x8x129xf32, #tpu.memory_space<vmem>>
        %scatter3A_439 = tpu.memref_squeeze %scatter3A_438 : memref<1x8x8x129xf32, #tpu.memory_space<vmem>> -> memref<8x8x129xf32, #tpu.memory_space<vmem>>
        tpu.vector_store_idx %scatter3A_439[%add3A_157, %and3A_6, %add3A_409], %get3A_434 : memref<8x8x129xf32, #tpu.memory_space<vmem>>[vector<16xi32>, vector<16xi32>, vector<16xi32>], vector<16xf32>,
        %get3A_440 = arith.constant 0 : i32
        %get3A_441 = arith.index_cast %get3A_440 : i32 to index
        %get3A_442 = arith.index_cast %add3A_407 : i32 to index
        %get3A_443 = arith.constant 48 : index
        %get3A_444 = tpu.vector_load %arg6[%get3A_441, %get3A_442, %get3A_443] {strides = array<i32>} : memref<2x128x64xf32, #tpu.memory_space<vmem>>, vector<16xf32>,
        %scatter3A_445 = arith.constant 0 : i32
        %scatter3A_446 = arith.constant 0 : i32
        %scatter3A_447 = arith.constant 0 : i32
        %scatter3A_448 = tpu.memref_slice %arg7[%scan3A_161, %scatter3A_445, %scatter3A_446, %scatter3A_447] : memref<2x8x8x129xf32, #tpu.memory_space<vmem>> -> memref<1x8x8x129xf32, #tpu.memory_space<vmem>>
        %scatter3A_449 = tpu.memref_squeeze %scatter3A_448 : memref<1x8x8x129xf32, #tpu.memory_space<vmem>> -> memref<8x8x129xf32, #tpu.memory_space<vmem>>
        tpu.vector_store_idx %scatter3A_449[%add3A_160, %and3A_6, %add3A_409], %get3A_444 : memref<8x8x129xf32, #tpu.memory_space<vmem>>[vector<16xi32>, vector<16xi32>, vector<16xi32>], vector<16xf32>,
        %scan3A_450 = arith.constant 3 : i32
        %scan3A_451 = arith.addi %scan3A_309, %scan3A_450 : i32
        %mul3A_452 = arith.constant 1 : i32
        %mul3A_453 = arith.muli %scan3A_451, %mul3A_452 : i32
        %add3A_454 = arith.constant 0 : i32
        %add3A_455 = arith.addi %add3A_454, %mul3A_453 : i32
        %add3A_456 = vector.broadcast %add3A_455 : i32 to vector<16xi32>
        %add3A_457 = arith.addi %broadcast_in_dim3A_7, %add3A_456 : vector<16xi32>
        %get3A_458 = arith.constant 0 : i32
        %get3A_459 = arith.index_cast %get3A_458 : i32 to index
        %get3A_460 = arith.index_cast %add3A_455 : i32 to index
        %get3A_461 = arith.constant 0 : index
        %get3A_462 = tpu.vector_load %arg6[%get3A_459, %get3A_460, %get3A_461] {strides = array<i32>} : memref<2x128x64xf32, #tpu.memory_space<vmem>>, vector<16xf32>,
        %scatter3A_463 = arith.constant 0 : i32
        %scatter3A_464 = arith.constant 0 : i32
        %scatter3A_465 = arith.constant 0 : i32
        %scatter3A_466 = tpu.memref_slice %arg7[%scan3A_161, %scatter3A_463, %scatter3A_464, %scatter3A_465] : memref<2x8x8x129xf32, #tpu.memory_space<vmem>> -> memref<1x8x8x129xf32, #tpu.memory_space<vmem>>
        %scatter3A_467 = tpu.memref_squeeze %scatter3A_466 : memref<1x8x8x129xf32, #tpu.memory_space<vmem>> -> memref<8x8x129xf32, #tpu.memory_space<vmem>>
        tpu.vector_store_idx %scatter3A_467[%add3A_151, %and3A_6, %add3A_457], %get3A_462 : memref<8x8x129xf32, #tpu.memory_space<vmem>>[vector<16xi32>, vector<16xi32>, vector<16xi32>], vector<16xf32>,
        %get3A_468 = arith.constant 0 : i32
        %get3A_469 = arith.index_cast %get3A_468 : i32 to index
        %get3A_470 = arith.index_cast %add3A_455 : i32 to index
        %get3A_471 = arith.constant 16 : index
        %get3A_472 = tpu.vector_load %arg6[%get3A_469, %get3A_470, %get3A_471] {strides = array<i32>} : memref<2x128x64xf32, #tpu.memory_space<vmem>>, vector<16xf32>,
        %scatter3A_473 = arith.constant 0 : i32
        %scatter3A_474 = arith.constant 0 : i32
        %scatter3A_475 = arith.constant 0 : i32
        %scatter3A_476 = tpu.memref_slice %arg7[%scan3A_161, %scatter3A_473, %scatter3A_474, %scatter3A_475] : memref<2x8x8x129xf32, #tpu.memory_space<vmem>> -> memref<1x8x8x129xf32, #tpu.memory_space<vmem>>
        %scatter3A_477 = tpu.memref_squeeze %scatter3A_476 : memref<1x8x8x129xf32, #tpu.memory_space<vmem>> -> memref<8x8x129xf32, #tpu.memory_space<vmem>>
        tpu.vector_store_idx %scatter3A_477[%add3A_154, %and3A_6, %add3A_457], %get3A_472 : memref<8x8x129xf32, #tpu.memory_space<vmem>>[vector<16xi32>, vector<16xi32>, vector<16xi32>], vector<16xf32>,
        %get3A_478 = arith.constant 0 : i32
        %get3A_479 = arith.index_cast %get3A_478 : i32 to index
        %get3A_480 = arith.index_cast %add3A_455 : i32 to index
        %get3A_481 = arith.constant 32 : index
        %get3A_482 = tpu.vector_load %arg6[%get3A_479, %get3A_480, %get3A_481] {strides = array<i32>} : memref<2x128x64xf32, #tpu.memory_space<vmem>>, vector<16xf32>,
        %scatter3A_483 = arith.constant 0 : i32
        %scatter3A_484 = arith.constant 0 : i32
        %scatter3A_485 = arith.constant 0 : i32
        %scatter3A_486 = tpu.memref_slice %arg7[%scan3A_161, %scatter3A_483, %scatter3A_484, %scatter3A_485] : memref<2x8x8x129xf32, #tpu.memory_space<vmem>> -> memref<1x8x8x129xf32, #tpu.memory_space<vmem>>
        %scatter3A_487 = tpu.memref_squeeze %scatter3A_486 : memref<1x8x8x129xf32, #tpu.memory_space<vmem>> -> memref<8x8x129xf32, #tpu.memory_space<vmem>>
        tpu.vector_store_idx %scatter3A_487[%add3A_157, %and3A_6, %add3A_457], %get3A_482 : memref<8x8x129xf32, #tpu.memory_space<vmem>>[vector<16xi32>, vector<16xi32>, vector<16xi32>], vector<16xf32>,
        %get3A_488 = arith.constant 0 : i32
        %get3A_489 = arith.index_cast %get3A_488 : i32 to index
        %get3A_490 = arith.index_cast %add3A_455 : i32 to index
        %get3A_491 = arith.constant 48 : index
        %get3A_492 = tpu.vector_load %arg6[%get3A_489, %get3A_490, %get3A_491] {strides = array<i32>} : memref<2x128x64xf32, #tpu.memory_space<vmem>>, vector<16xf32>,
        %scatter3A_493 = arith.constant 0 : i32
        %scatter3A_494 = arith.constant 0 : i32
        %scatter3A_495 = arith.constant 0 : i32
        %scatter3A_496 = tpu.memref_slice %arg7[%scan3A_161, %scatter3A_493, %scatter3A_494, %scatter3A_495] : memref<2x8x8x129xf32, #tpu.memory_space<vmem>> -> memref<1x8x8x129xf32, #tpu.memory_space<vmem>>
        %scatter3A_497 = tpu.memref_squeeze %scatter3A_496 : memref<1x8x8x129xf32, #tpu.memory_space<vmem>> -> memref<8x8x129xf32, #tpu.memory_space<vmem>>
        tpu.vector_store_idx %scatter3A_497[%add3A_160, %and3A_6, %add3A_457], %get3A_492 : memref<8x8x129xf32, #tpu.memory_space<vmem>>[vector<16xi32>, vector<16xi32>, vector<16xi32>], vector<16xf32>,
        %scan3A_498 = arith.constant 4 : i32
        %scan3A_499 = arith.addi %scan3A_309, %scan3A_498 : i32
        %mul3A_500 = arith.constant 1 : i32
        %mul3A_501 = arith.muli %scan3A_499, %mul3A_500 : i32
        %add3A_502 = arith.constant 0 : i32
        %add3A_503 = arith.addi %add3A_502, %mul3A_501 : i32
        %add3A_504 = vector.broadcast %add3A_503 : i32 to vector<16xi32>
        %add3A_505 = arith.addi %broadcast_in_dim3A_7, %add3A_504 : vector<16xi32>
        %get3A_506 = arith.constant 0 : i32
        %get3A_507 = arith.index_cast %get3A_506 : i32 to index
        %get3A_508 = arith.index_cast %add3A_503 : i32 to index
        %get3A_509 = arith.constant 0 : index
        %get3A_510 = tpu.vector_load %arg6[%get3A_507, %get3A_508, %get3A_509] {strides = array<i32>} : memref<2x128x64xf32, #tpu.memory_space<vmem>>, vector<16xf32>,
        %scatter3A_511 = arith.constant 0 : i32
        %scatter3A_512 = arith.constant 0 : i32
        %scatter3A_513 = arith.constant 0 : i32
        %scatter3A_514 = tpu.memref_slice %arg7[%scan3A_161, %scatter3A_511, %scatter3A_512, %scatter3A_513] : memref<2x8x8x129xf32, #tpu.memory_space<vmem>> -> memref<1x8x8x129xf32, #tpu.memory_space<vmem>>
        %scatter3A_515 = tpu.memref_squeeze %scatter3A_514 : memref<1x8x8x129xf32, #tpu.memory_space<vmem>> -> memref<8x8x129xf32, #tpu.memory_space<vmem>>
        tpu.vector_store_idx %scatter3A_515[%add3A_151, %and3A_6, %add3A_505], %get3A_510 : memref<8x8x129xf32, #tpu.memory_space<vmem>>[vector<16xi32>, vector<16xi32>, vector<16xi32>], vector<16xf32>,
        %get3A_516 = arith.constant 0 : i32
        %get3A_517 = arith.index_cast %get3A_516 : i32 to index
        %get3A_518 = arith.index_cast %add3A_503 : i32 to index
        %get3A_519 = arith.constant 16 : index
        %get3A_520 = tpu.vector_load %arg6[%get3A_517, %get3A_518, %get3A_519] {strides = array<i32>} : memref<2x128x64xf32, #tpu.memory_space<vmem>>, vector<16xf32>,
        %scatter3A_521 = arith.constant 0 : i32
        %scatter3A_522 = arith.constant 0 : i32
        %scatter3A_523 = arith.constant 0 : i32
        %scatter3A_524 = tpu.memref_slice %arg7[%scan3A_161, %scatter3A_521, %scatter3A_522, %scatter3A_523] : memref<2x8x8x129xf32, #tpu.memory_space<vmem>> -> memref<1x8x8x129xf32, #tpu.memory_space<vmem>>
        %scatter3A_525 = tpu.memref_squeeze %scatter3A_524 : memref<1x8x8x129xf32, #tpu.memory_space<vmem>> -> memref<8x8x129xf32, #tpu.memory_space<vmem>>
        tpu.vector_store_idx %scatter3A_525[%add3A_154, %and3A_6, %add3A_505], %get3A_520 : memref<8x8x129xf32, #tpu.memory_space<vmem>>[vector<16xi32>, vector<16xi32>, vector<16xi32>], vector<16xf32>,
        %get3A_526 = arith.constant 0 : i32
        %get3A_527 = arith.index_cast %get3A_526 : i32 to index
        %get3A_528 = arith.index_cast %add3A_503 : i32 to index
        %get3A_529 = arith.constant 32 : index
        %get3A_530 = tpu.vector_load %arg6[%get3A_527, %get3A_528, %get3A_529] {strides = array<i32>} : memref<2x128x64xf32, #tpu.memory_space<vmem>>, vector<16xf32>,
        %scatter3A_531 = arith.constant 0 : i32
        %scatter3A_532 = arith.constant 0 : i32
        %scatter3A_533 = arith.constant 0 : i32
        %scatter3A_534 = tpu.memref_slice %arg7[%scan3A_161, %scatter3A_531, %scatter3A_532, %scatter3A_533] : memref<2x8x8x129xf32, #tpu.memory_space<vmem>> -> memref<1x8x8x129xf32, #tpu.memory_space<vmem>>
        %scatter3A_535 = tpu.memref_squeeze %scatter3A_534 : memref<1x8x8x129xf32, #tpu.memory_space<vmem>> -> memref<8x8x129xf32, #tpu.memory_space<vmem>>
        tpu.vector_store_idx %scatter3A_535[%add3A_157, %and3A_6, %add3A_505], %get3A_530 : memref<8x8x129xf32, #tpu.memory_space<vmem>>[vector<16xi32>, vector<16xi32>, vector<16xi32>], vector<16xf32>,
        %get3A_536 = arith.constant 0 : i32
        %get3A_537 = arith.index_cast %get3A_536 : i32 to index
        %get3A_538 = arith.index_cast %add3A_503 : i32 to index
        %get3A_539 = arith.constant 48 : index
        %get3A_540 = tpu.vector_load %arg6[%get3A_537, %get3A_538, %get3A_539] {strides = array<i32>} : memref<2x128x64xf32, #tpu.memory_space<vmem>>, vector<16xf32>,
        %scatter3A_541 = arith.constant 0 : i32
        %scatter3A_542 = arith.constant 0 : i32
        %scatter3A_543 = arith.constant 0 : i32
        %scatter3A_544 = tpu.memref_slice %arg7[%scan3A_161, %scatter3A_541, %scatter3A_542, %scatter3A_543] : memref<2x8x8x129xf32, #tpu.memory_space<vmem>> -> memref<1x8x8x129xf32, #tpu.memory_space<vmem>>
        %scatter3A_545 = tpu.memref_squeeze %scatter3A_544 : memref<1x8x8x129xf32, #tpu.memory_space<vmem>> -> memref<8x8x129xf32, #tpu.memory_space<vmem>>
        tpu.vector_store_idx %scatter3A_545[%add3A_160, %and3A_6, %add3A_505], %get3A_540 : memref<8x8x129xf32, #tpu.memory_space<vmem>>[vector<16xi32>, vector<16xi32>, vector<16xi32>], vector<16xf32>,
        %scan3A_546 = arith.constant 5 : i32
        %scan3A_547 = arith.addi %scan3A_309, %scan3A_546 : i32
        %mul3A_548 = arith.constant 1 : i32
        %mul3A_549 = arith.muli %scan3A_547, %mul3A_548 : i32
        %add3A_550 = arith.constant 0 : i32
        %add3A_551 = arith.addi %add3A_550, %mul3A_549 : i32
        %add3A_552 = vector.broadcast %add3A_551 : i32 to vector<16xi32>
        %add3A_553 = arith.addi %broadcast_in_dim3A_7, %add3A_552 : vector<16xi32>
        %get3A_554 = arith.constant 0 : i32
        %get3A_555 = arith.index_cast %get3A_554 : i32 to index
        %get3A_556 = arith.index_cast %add3A_551 : i32 to index
        %get3A_557 = arith.constant 0 : index
        %get3A_558 = tpu.vector_load %arg6[%get3A_555, %get3A_556, %get3A_557] {strides = array<i32>} : memref<2x128x64xf32, #tpu.memory_space<vmem>>, vector<16xf32>,
        %scatter3A_559 = arith.constant 0 : i32
        %scatter3A_560 = arith.constant 0 : i32
        %scatter3A_561 = arith.constant 0 : i32
        %scatter3A_562 = tpu.memref_slice %arg7[%scan3A_161, %scatter3A_559, %scatter3A_560, %scatter3A_561] : memref<2x8x8x129xf32, #tpu.memory_space<vmem>> -> memref<1x8x8x129xf32, #tpu.memory_space<vmem>>
        %scatter3A_563 = tpu.memref_squeeze %scatter3A_562 : memref<1x8x8x129xf32, #tpu.memory_space<vmem>> -> memref<8x8x129xf32, #tpu.memory_space<vmem>>
        tpu.vector_store_idx %scatter3A_563[%add3A_151, %and3A_6, %add3A_553], %get3A_558 : memref<8x8x129xf32, #tpu.memory_space<vmem>>[vector<16xi32>, vector<16xi32>, vector<16xi32>], vector<16xf32>,
        %get3A_564 = arith.constant 0 : i32
        %get3A_565 = arith.index_cast %get3A_564 : i32 to index
        %get3A_566 = arith.index_cast %add3A_551 : i32 to index
        %get3A_567 = arith.constant 16 : index
        %get3A_568 = tpu.vector_load %arg6[%get3A_565, %get3A_566, %get3A_567] {strides = array<i32>} : memref<2x128x64xf32, #tpu.memory_space<vmem>>, vector<16xf32>,
        %scatter3A_569 = arith.constant 0 : i32
        %scatter3A_570 = arith.constant 0 : i32
        %scatter3A_571 = arith.constant 0 : i32
        %scatter3A_572 = tpu.memref_slice %arg7[%scan3A_161, %scatter3A_569, %scatter3A_570, %scatter3A_571] : memref<2x8x8x129xf32, #tpu.memory_space<vmem>> -> memref<1x8x8x129xf32, #tpu.memory_space<vmem>>
        %scatter3A_573 = tpu.memref_squeeze %scatter3A_572 : memref<1x8x8x129xf32, #tpu.memory_space<vmem>> -> memref<8x8x129xf32, #tpu.memory_space<vmem>>
        tpu.vector_store_idx %scatter3A_573[%add3A_154, %and3A_6, %add3A_553], %get3A_568 : memref<8x8x129xf32, #tpu.memory_space<vmem>>[vector<16xi32>, vector<16xi32>, vector<16xi32>], vector<16xf32>,
        %get3A_574 = arith.constant 0 : i32
        %get3A_575 = arith.index_cast %get3A_574 : i32 to index
        %get3A_576 = arith.index_cast %add3A_551 : i32 to index
        %get3A_577 = arith.constant 32 : index
        %get3A_578 = tpu.vector_load %arg6[%get3A_575, %get3A_576, %get3A_577] {strides = array<i32>} : memref<2x128x64xf32, #tpu.memory_space<vmem>>, vector<16xf32>,
        %scatter3A_579 = arith.constant 0 : i32
        %scatter3A_580 = arith.constant 0 : i32
        %scatter3A_581 = arith.constant 0 : i32
        %scatter3A_582 = tpu.memref_slice %arg7[%scan3A_161, %scatter3A_579, %scatter3A_580, %scatter3A_581] : memref<2x8x8x129xf32, #tpu.memory_space<vmem>> -> memref<1x8x8x129xf32, #tpu.memory_space<vmem>>
        %scatter3A_583 = tpu.memref_squeeze %scatter3A_582 : memref<1x8x8x129xf32, #tpu.memory_space<vmem>> -> memref<8x8x129xf32, #tpu.memory_space<vmem>>
        tpu.vector_store_idx %scatter3A_583[%add3A_157, %and3A_6, %add3A_553], %get3A_578 : memref<8x8x129xf32, #tpu.memory_space<vmem>>[vector<16xi32>, vector<16xi32>, vector<16xi32>], vector<16xf32>,
        %get3A_584 = arith.constant 0 : i32
        %get3A_585 = arith.index_cast %get3A_584 : i32 to index
        %get3A_586 = arith.index_cast %add3A_551 : i32 to index
        %get3A_587 = arith.constant 48 : index
        %get3A_588 = tpu.vector_load %arg6[%get3A_585, %get3A_586, %get3A_587] {strides = array<i32>} : memref<2x128x64xf32, #tpu.memory_space<vmem>>, vector<16xf32>,
        %scatter3A_589 = arith.constant 0 : i32
        %scatter3A_590 = arith.constant 0 : i32
        %scatter3A_591 = arith.constant 0 : i32
        %scatter3A_592 = tpu.memref_slice %arg7[%scan3A_161, %scatter3A_589, %scatter3A_590, %scatter3A_591] : memref<2x8x8x129xf32, #tpu.memory_space<vmem>> -> memref<1x8x8x129xf32, #tpu.memory_space<vmem>>
        %scatter3A_593 = tpu.memref_squeeze %scatter3A_592 : memref<1x8x8x129xf32, #tpu.memory_space<vmem>> -> memref<8x8x129xf32, #tpu.memory_space<vmem>>
        tpu.vector_store_idx %scatter3A_593[%add3A_160, %and3A_6, %add3A_553], %get3A_588 : memref<8x8x129xf32, #tpu.memory_space<vmem>>[vector<16xi32>, vector<16xi32>, vector<16xi32>], vector<16xf32>,
        %scan3A_594 = arith.constant 6 : i32
        %scan3A_595 = arith.addi %scan3A_309, %scan3A_594 : i32
        %mul3A_596 = arith.constant 1 : i32
        %mul3A_597 = arith.muli %scan3A_595, %mul3A_596 : i32
        %add3A_598 = arith.constant 0 : i32
        %add3A_599 = arith.addi %add3A_598, %mul3A_597 : i32
        %add3A_600 = vector.broadcast %add3A_599 : i32 to vector<16xi32>
        %add3A_601 = arith.addi %broadcast_in_dim3A_7, %add3A_600 : vector<16xi32>
        %get3A_602 = arith.constant 0 : i32
        %get3A_603 = arith.index_cast %get3A_602 : i32 to index
        %get3A_604 = arith.index_cast %add3A_599 : i32 to index
        %get3A_605 = arith.constant 0 : index
        %get3A_606 = tpu.vector_load %arg6[%get3A_603, %get3A_604, %get3A_605] {strides = array<i32>} : memref<2x128x64xf32, #tpu.memory_space<vmem>>, vector<16xf32>,
        %scatter3A_607 = arith.constant 0 : i32
        %scatter3A_608 = arith.constant 0 : i32
        %scatter3A_609 = arith.constant 0 : i32
        %scatter3A_610 = tpu.memref_slice %arg7[%scan3A_161, %scatter3A_607, %scatter3A_608, %scatter3A_609] : memref<2x8x8x129xf32, #tpu.memory_space<vmem>> -> memref<1x8x8x129xf32, #tpu.memory_space<vmem>>
        %scatter3A_611 = tpu.memref_squeeze %scatter3A_610 : memref<1x8x8x129xf32, #tpu.memory_space<vmem>> -> memref<8x8x129xf32, #tpu.memory_space<vmem>>
        tpu.vector_store_idx %scatter3A_611[%add3A_151, %and3A_6, %add3A_601], %get3A_606 : memref<8x8x129xf32, #tpu.memory_space<vmem>>[vector<16xi32>, vector<16xi32>, vector<16xi32>], vector<16xf32>,
        %get3A_612 = arith.constant 0 : i32
        %get3A_613 = arith.index_cast %get3A_612 : i32 to index
        %get3A_614 = arith.index_cast %add3A_599 : i32 to index
        %get3A_615 = arith.constant 16 : index
        %get3A_616 = tpu.vector_load %arg6[%get3A_613, %get3A_614, %get3A_615] {strides = array<i32>} : memref<2x128x64xf32, #tpu.memory_space<vmem>>, vector<16xf32>,
        %scatter3A_617 = arith.constant 0 : i32
        %scatter3A_618 = arith.constant 0 : i32
        %scatter3A_619 = arith.constant 0 : i32
        %scatter3A_620 = tpu.memref_slice %arg7[%scan3A_161, %scatter3A_617, %scatter3A_618, %scatter3A_619] : memref<2x8x8x129xf32, #tpu.memory_space<vmem>> -> memref<1x8x8x129xf32, #tpu.memory_space<vmem>>
        %scatter3A_621 = tpu.memref_squeeze %scatter3A_620 : memref<1x8x8x129xf32, #tpu.memory_space<vmem>> -> memref<8x8x129xf32, #tpu.memory_space<vmem>>
        tpu.vector_store_idx %scatter3A_621[%add3A_154, %and3A_6, %add3A_601], %get3A_616 : memref<8x8x129xf32, #tpu.memory_space<vmem>>[vector<16xi32>, vector<16xi32>, vector<16xi32>], vector<16xf32>,
        %get3A_622 = arith.constant 0 : i32
        %get3A_623 = arith.index_cast %get3A_622 : i32 to index
        %get3A_624 = arith.index_cast %add3A_599 : i32 to index
        %get3A_625 = arith.constant 32 : index
        %get3A_626 = tpu.vector_load %arg6[%get3A_623, %get3A_624, %get3A_625] {strides = array<i32>} : memref<2x128x64xf32, #tpu.memory_space<vmem>>, vector<16xf32>,
        %scatter3A_627 = arith.constant 0 : i32
        %scatter3A_628 = arith.constant 0 : i32
        %scatter3A_629 = arith.constant 0 : i32
        %scatter3A_630 = tpu.memref_slice %arg7[%scan3A_161, %scatter3A_627, %scatter3A_628, %scatter3A_629] : memref<2x8x8x129xf32, #tpu.memory_space<vmem>> -> memref<1x8x8x129xf32, #tpu.memory_space<vmem>>
        %scatter3A_631 = tpu.memref_squeeze %scatter3A_630 : memref<1x8x8x129xf32, #tpu.memory_space<vmem>> -> memref<8x8x129xf32, #tpu.memory_space<vmem>>
        tpu.vector_store_idx %scatter3A_631[%add3A_157, %and3A_6, %add3A_601], %get3A_626 : memref<8x8x129xf32, #tpu.memory_space<vmem>>[vector<16xi32>, vector<16xi32>, vector<16xi32>], vector<16xf32>,
        %get3A_632 = arith.constant 0 : i32
        %get3A_633 = arith.index_cast %get3A_632 : i32 to index
        %get3A_634 = arith.index_cast %add3A_599 : i32 to index
        %get3A_635 = arith.constant 48 : index
        %get3A_636 = tpu.vector_load %arg6[%get3A_633, %get3A_634, %get3A_635] {strides = array<i32>} : memref<2x128x64xf32, #tpu.memory_space<vmem>>, vector<16xf32>,
        %scatter3A_637 = arith.constant 0 : i32
        %scatter3A_638 = arith.constant 0 : i32
        %scatter3A_639 = arith.constant 0 : i32
        %scatter3A_640 = tpu.memref_slice %arg7[%scan3A_161, %scatter3A_637, %scatter3A_638, %scatter3A_639] : memref<2x8x8x129xf32, #tpu.memory_space<vmem>> -> memref<1x8x8x129xf32, #tpu.memory_space<vmem>>
        %scatter3A_641 = tpu.memref_squeeze %scatter3A_640 : memref<1x8x8x129xf32, #tpu.memory_space<vmem>> -> memref<8x8x129xf32, #tpu.memory_space<vmem>>
        tpu.vector_store_idx %scatter3A_641[%add3A_160, %and3A_6, %add3A_601], %get3A_636 : memref<8x8x129xf32, #tpu.memory_space<vmem>>[vector<16xi32>, vector<16xi32>, vector<16xi32>], vector<16xf32>,
        %scan3A_642 = arith.constant 7 : i32
        %scan3A_643 = arith.addi %scan3A_309, %scan3A_642 : i32
        %mul3A_644 = arith.constant 1 : i32
        %mul3A_645 = arith.muli %scan3A_643, %mul3A_644 : i32
        %add3A_646 = arith.constant 0 : i32
        %add3A_647 = arith.addi %add3A_646, %mul3A_645 : i32
        %add3A_648 = vector.broadcast %add3A_647 : i32 to vector<16xi32>
        %add3A_649 = arith.addi %broadcast_in_dim3A_7, %add3A_648 : vector<16xi32>
        %get3A_650 = arith.constant 0 : i32
        %get3A_651 = arith.index_cast %get3A_650 : i32 to index
        %get3A_652 = arith.index_cast %add3A_647 : i32 to index
        %get3A_653 = arith.constant 0 : index
        %get3A_654 = tpu.vector_load %arg6[%get3A_651, %get3A_652, %get3A_653] {strides = array<i32>} : memref<2x128x64xf32, #tpu.memory_space<vmem>>, vector<16xf32>,
        %scatter3A_655 = arith.constant 0 : i32
        %scatter3A_656 = arith.constant 0 : i32
        %scatter3A_657 = arith.constant 0 : i32
        %scatter3A_658 = tpu.memref_slice %arg7[%scan3A_161, %scatter3A_655, %scatter3A_656, %scatter3A_657] : memref<2x8x8x129xf32, #tpu.memory_space<vmem>> -> memref<1x8x8x129xf32, #tpu.memory_space<vmem>>
        %scatter3A_659 = tpu.memref_squeeze %scatter3A_658 : memref<1x8x8x129xf32, #tpu.memory_space<vmem>> -> memref<8x8x129xf32, #tpu.memory_space<vmem>>
        tpu.vector_store_idx %scatter3A_659[%add3A_151, %and3A_6, %add3A_649], %get3A_654 : memref<8x8x129xf32, #tpu.memory_space<vmem>>[vector<16xi32>, vector<16xi32>, vector<16xi32>], vector<16xf32>,
        %get3A_660 = arith.constant 0 : i32
        %get3A_661 = arith.index_cast %get3A_660 : i32 to index
        %get3A_662 = arith.index_cast %add3A_647 : i32 to index
        %get3A_663 = arith.constant 16 : index
        %get3A_664 = tpu.vector_load %arg6[%get3A_661, %get3A_662, %get3A_663] {strides = array<i32>} : memref<2x128x64xf32, #tpu.memory_space<vmem>>, vector<16xf32>,
        %scatter3A_665 = arith.constant 0 : i32
        %scatter3A_666 = arith.constant 0 : i32
        %scatter3A_667 = arith.constant 0 : i32
        %scatter3A_668 = tpu.memref_slice %arg7[%scan3A_161, %scatter3A_665, %scatter3A_666, %scatter3A_667] : memref<2x8x8x129xf32, #tpu.memory_space<vmem>> -> memref<1x8x8x129xf32, #tpu.memory_space<vmem>>
        %scatter3A_669 = tpu.memref_squeeze %scatter3A_668 : memref<1x8x8x129xf32, #tpu.memory_space<vmem>> -> memref<8x8x129xf32, #tpu.memory_space<vmem>>
        tpu.vector_store_idx %scatter3A_669[%add3A_154, %and3A_6, %add3A_649], %get3A_664 : memref<8x8x129xf32, #tpu.memory_space<vmem>>[vector<16xi32>, vector<16xi32>, vector<16xi32>], vector<16xf32>,
        %get3A_670 = arith.constant 0 : i32
        %get3A_671 = arith.index_cast %get3A_670 : i32 to index
        %get3A_672 = arith.index_cast %add3A_647 : i32 to index
        %get3A_673 = arith.constant 32 : index
        %get3A_674 = tpu.vector_load %arg6[%get3A_671, %get3A_672, %get3A_673] {strides = array<i32>} : memref<2x128x64xf32, #tpu.memory_space<vmem>>, vector<16xf32>,
        %scatter3A_675 = arith.constant 0 : i32
        %scatter3A_676 = arith.constant 0 : i32
        %scatter3A_677 = arith.constant 0 : i32
        %scatter3A_678 = tpu.memref_slice %arg7[%scan3A_161, %scatter3A_675, %scatter3A_676, %scatter3A_677] : memref<2x8x8x129xf32, #tpu.memory_space<vmem>> -> memref<1x8x8x129xf32, #tpu.memory_space<vmem>>
        %scatter3A_679 = tpu.memref_squeeze %scatter3A_678 : memref<1x8x8x129xf32, #tpu.memory_space<vmem>> -> memref<8x8x129xf32, #tpu.memory_space<vmem>>
        tpu.vector_store_idx %scatter3A_679[%add3A_157, %and3A_6, %add3A_649], %get3A_674 : memref<8x8x129xf32, #tpu.memory_space<vmem>>[vector<16xi32>, vector<16xi32>, vector<16xi32>], vector<16xf32>,
        %get3A_680 = arith.constant 0 : i32
        %get3A_681 = arith.index_cast %get3A_680 : i32 to index
        %get3A_682 = arith.index_cast %add3A_647 : i32 to index
        %get3A_683 = arith.constant 48 : index
        %get3A_684 = tpu.vector_load %arg6[%get3A_681, %get3A_682, %get3A_683] {strides = array<i32>} : memref<2x128x64xf32, #tpu.memory_space<vmem>>, vector<16xf32>,
        %scatter3A_685 = arith.constant 0 : i32
        %scatter3A_686 = arith.constant 0 : i32
        %scatter3A_687 = arith.constant 0 : i32
        %scatter3A_688 = tpu.memref_slice %arg7[%scan3A_161, %scatter3A_685, %scatter3A_686, %scatter3A_687] : memref<2x8x8x129xf32, #tpu.memory_space<vmem>> -> memref<1x8x8x129xf32, #tpu.memory_space<vmem>>
        %scatter3A_689 = tpu.memref_squeeze %scatter3A_688 : memref<1x8x8x129xf32, #tpu.memory_space<vmem>> -> memref<8x8x129xf32, #tpu.memory_space<vmem>>
        tpu.vector_store_idx %scatter3A_689[%add3A_160, %and3A_6, %add3A_649], %get3A_684 : memref<8x8x129xf32, #tpu.memory_space<vmem>>[vector<16xi32>, vector<16xi32>, vector<16xi32>], vector<16xf32>,
        %scan3A_690 = arith.constant 8 : i32
        %scan3A_691 = arith.addi %scan3A_309, %scan3A_690 : i32
        %mul3A_692 = arith.constant 1 : i32
        %mul3A_693 = arith.muli %scan3A_691, %mul3A_692 : i32
        %add3A_694 = arith.constant 0 : i32
        %add3A_695 = arith.addi %add3A_694, %mul3A_693 : i32
        %add3A_696 = vector.broadcast %add3A_695 : i32 to vector<16xi32>
        %add3A_697 = arith.addi %broadcast_in_dim3A_7, %add3A_696 : vector<16xi32>
        %get3A_698 = arith.constant 0 : i32
        %get3A_699 = arith.index_cast %get3A_698 : i32 to index
        %get3A_700 = arith.index_cast %add3A_695 : i32 to index
        %get3A_701 = arith.constant 0 : index
        %get3A_702 = tpu.vector_load %arg6[%get3A_699, %get3A_700, %get3A_701] {strides = array<i32>} : memref<2x128x64xf32, #tpu.memory_space<vmem>>, vector<16xf32>,
        %scatter3A_703 = arith.constant 0 : i32
        %scatter3A_704 = arith.constant 0 : i32
        %scatter3A_705 = arith.constant 0 : i32
        %scatter3A_706 = tpu.memref_slice %arg7[%scan3A_161, %scatter3A_703, %scatter3A_704, %scatter3A_705] : memref<2x8x8x129xf32, #tpu.memory_space<vmem>> -> memref<1x8x8x129xf32, #tpu.memory_space<vmem>>
        %scatter3A_707 = tpu.memref_squeeze %scatter3A_706 : memref<1x8x8x129xf32, #tpu.memory_space<vmem>> -> memref<8x8x129xf32, #tpu.memory_space<vmem>>
        tpu.vector_store_idx %scatter3A_707[%add3A_151, %and3A_6, %add3A_697], %get3A_702 : memref<8x8x129xf32, #tpu.memory_space<vmem>>[vector<16xi32>, vector<16xi32>, vector<16xi32>], vector<16xf32>,
        %get3A_708 = arith.constant 0 : i32
        %get3A_709 = arith.index_cast %get3A_708 : i32 to index
        %get3A_710 = arith.index_cast %add3A_695 : i32 to index
        %get3A_711 = arith.constant 16 : index
        %get3A_712 = tpu.vector_load %arg6[%get3A_709, %get3A_710, %get3A_711] {strides = array<i32>} : memref<2x128x64xf32, #tpu.memory_space<vmem>>, vector<16xf32>,
        %scatter3A_713 = arith.constant 0 : i32
        %scatter3A_714 = arith.constant 0 : i32
        %scatter3A_715 = arith.constant 0 : i32
        %scatter3A_716 = tpu.memref_slice %arg7[%scan3A_161, %scatter3A_713, %scatter3A_714, %scatter3A_715] : memref<2x8x8x129xf32, #tpu.memory_space<vmem>> -> memref<1x8x8x129xf32, #tpu.memory_space<vmem>>
        %scatter3A_717 = tpu.memref_squeeze %scatter3A_716 : memref<1x8x8x129xf32, #tpu.memory_space<vmem>> -> memref<8x8x129xf32, #tpu.memory_space<vmem>>
        tpu.vector_store_idx %scatter3A_717[%add3A_154, %and3A_6, %add3A_697], %get3A_712 : memref<8x8x129xf32, #tpu.memory_space<vmem>>[vector<16xi32>, vector<16xi32>, vector<16xi32>], vector<16xf32>,
        %get3A_718 = arith.constant 0 : i32
        %get3A_719 = arith.index_cast %get3A_718 : i32 to index
        %get3A_720 = arith.index_cast %add3A_695 : i32 to index
        %get3A_721 = arith.constant 32 : index
        %get3A_722 = tpu.vector_load %arg6[%get3A_719, %get3A_720, %get3A_721] {strides = array<i32>} : memref<2x128x64xf32, #tpu.memory_space<vmem>>, vector<16xf32>,
        %scatter3A_723 = arith.constant 0 : i32
        %scatter3A_724 = arith.constant 0 : i32
        %scatter3A_725 = arith.constant 0 : i32
        %scatter3A_726 = tpu.memref_slice %arg7[%scan3A_161, %scatter3A_723, %scatter3A_724, %scatter3A_725] : memref<2x8x8x129xf32, #tpu.memory_space<vmem>> -> memref<1x8x8x129xf32, #tpu.memory_space<vmem>>
        %scatter3A_727 = tpu.memref_squeeze %scatter3A_726 : memref<1x8x8x129xf32, #tpu.memory_space<vmem>> -> memref<8x8x129xf32, #tpu.memory_space<vmem>>
        tpu.vector_store_idx %scatter3A_727[%add3A_157, %and3A_6, %add3A_697], %get3A_722 : memref<8x8x129xf32, #tpu.memory_space<vmem>>[vector<16xi32>, vector<16xi32>, vector<16xi32>], vector<16xf32>,
        %get3A_728 = arith.constant 0 : i32
        %get3A_729 = arith.index_cast %get3A_728 : i32 to index
        %get3A_730 = arith.index_cast %add3A_695 : i32 to index
        %get3A_731 = arith.constant 48 : index
        %get3A_732 = tpu.vector_load %arg6[%get3A_729, %get3A_730, %get3A_731] {strides = array<i32>} : memref<2x128x64xf32, #tpu.memory_space<vmem>>, vector<16xf32>,
        %scatter3A_733 = arith.constant 0 : i32
        %scatter3A_734 = arith.constant 0 : i32
        %scatter3A_735 = arith.constant 0 : i32
        %scatter3A_736 = tpu.memref_slice %arg7[%scan3A_161, %scatter3A_733, %scatter3A_734, %scatter3A_735] : memref<2x8x8x129xf32, #tpu.memory_space<vmem>> -> memref<1x8x8x129xf32, #tpu.memory_space<vmem>>
        %scatter3A_737 = tpu.memref_squeeze %scatter3A_736 : memref<1x8x8x129xf32, #tpu.memory_space<vmem>> -> memref<8x8x129xf32, #tpu.memory_space<vmem>>
        tpu.vector_store_idx %scatter3A_737[%add3A_160, %and3A_6, %add3A_697], %get3A_732 : memref<8x8x129xf32, #tpu.memory_space<vmem>>[vector<16xi32>, vector<16xi32>, vector<16xi32>], vector<16xf32>,
        %scan3A_738 = arith.constant 9 : i32
        %scan3A_739 = arith.addi %scan3A_309, %scan3A_738 : i32
        %mul3A_740 = arith.constant 1 : i32
        %mul3A_741 = arith.muli %scan3A_739, %mul3A_740 : i32
        %add3A_742 = arith.constant 0 : i32
        %add3A_743 = arith.addi %add3A_742, %mul3A_741 : i32
        %add3A_744 = vector.broadcast %add3A_743 : i32 to vector<16xi32>
        %add3A_745 = arith.addi %broadcast_in_dim3A_7, %add3A_744 : vector<16xi32>
        %get3A_746 = arith.constant 0 : i32
        %get3A_747 = arith.index_cast %get3A_746 : i32 to index
        %get3A_748 = arith.index_cast %add3A_743 : i32 to index
        %get3A_749 = arith.constant 0 : index
        %get3A_750 = tpu.vector_load %arg6[%get3A_747, %get3A_748, %get3A_749] {strides = array<i32>} : memref<2x128x64xf32, #tpu.memory_space<vmem>>, vector<16xf32>,
        %scatter3A_751 = arith.constant 0 : i32
        %scatter3A_752 = arith.constant 0 : i32
        %scatter3A_753 = arith.constant 0 : i32
        %scatter3A_754 = tpu.memref_slice %arg7[%scan3A_161, %scatter3A_751, %scatter3A_752, %scatter3A_753] : memref<2x8x8x129xf32, #tpu.memory_space<vmem>> -> memref<1x8x8x129xf32, #tpu.memory_space<vmem>>
        %scatter3A_755 = tpu.memref_squeeze %scatter3A_754 : memref<1x8x8x129xf32, #tpu.memory_space<vmem>> -> memref<8x8x129xf32, #tpu.memory_space<vmem>>
        tpu.vector_store_idx %scatter3A_755[%add3A_151, %and3A_6, %add3A_745], %get3A_750 : memref<8x8x129xf32, #tpu.memory_space<vmem>>[vector<16xi32>, vector<16xi32>, vector<16xi32>], vector<16xf32>,
        %get3A_756 = arith.constant 0 : i32
        %get3A_757 = arith.index_cast %get3A_756 : i32 to index
        %get3A_758 = arith.index_cast %add3A_743 : i32 to index
        %get3A_759 = arith.constant 16 : index
        %get3A_760 = tpu.vector_load %arg6[%get3A_757, %get3A_758, %get3A_759] {strides = array<i32>} : memref<2x128x64xf32, #tpu.memory_space<vmem>>, vector<16xf32>,
        %scatter3A_761 = arith.constant 0 : i32
        %scatter3A_762 = arith.constant 0 : i32
        %scatter3A_763 = arith.constant 0 : i32
        %scatter3A_764 = tpu.memref_slice %arg7[%scan3A_161, %scatter3A_761, %scatter3A_762, %scatter3A_763] : memref<2x8x8x129xf32, #tpu.memory_space<vmem>> -> memref<1x8x8x129xf32, #tpu.memory_space<vmem>>
        %scatter3A_765 = tpu.memref_squeeze %scatter3A_764 : memref<1x8x8x129xf32, #tpu.memory_space<vmem>> -> memref<8x8x129xf32, #tpu.memory_space<vmem>>
        tpu.vector_store_idx %scatter3A_765[%add3A_154, %and3A_6, %add3A_745], %get3A_760 : memref<8x8x129xf32, #tpu.memory_space<vmem>>[vector<16xi32>, vector<16xi32>, vector<16xi32>], vector<16xf32>,
        %get3A_766 = arith.constant 0 : i32
        %get3A_767 = arith.index_cast %get3A_766 : i32 to index
        %get3A_768 = arith.index_cast %add3A_743 : i32 to index
        %get3A_769 = arith.constant 32 : index
        %get3A_770 = tpu.vector_load %arg6[%get3A_767, %get3A_768, %get3A_769] {strides = array<i32>} : memref<2x128x64xf32, #tpu.memory_space<vmem>>, vector<16xf32>,
        %scatter3A_771 = arith.constant 0 : i32
        %scatter3A_772 = arith.constant 0 : i32
        %scatter3A_773 = arith.constant 0 : i32
        %scatter3A_774 = tpu.memref_slice %arg7[%scan3A_161, %scatter3A_771, %scatter3A_772, %scatter3A_773] : memref<2x8x8x129xf32, #tpu.memory_space<vmem>> -> memref<1x8x8x129xf32, #tpu.memory_space<vmem>>
        %scatter3A_775 = tpu.memref_squeeze %scatter3A_774 : memref<1x8x8x129xf32, #tpu.memory_space<vmem>> -> memref<8x8x129xf32, #tpu.memory_space<vmem>>
        tpu.vector_store_idx %scatter3A_775[%add3A_157, %and3A_6, %add3A_745], %get3A_770 : memref<8x8x129xf32, #tpu.memory_space<vmem>>[vector<16xi32>, vector<16xi32>, vector<16xi32>], vector<16xf32>,
        %get3A_776 = arith.constant 0 : i32
        %get3A_777 = arith.index_cast %get3A_776 : i32 to index
        %get3A_778 = arith.index_cast %add3A_743 : i32 to index
        %get3A_779 = arith.constant 48 : index
        %get3A_780 = tpu.vector_load %arg6[%get3A_777, %get3A_778, %get3A_779] {strides = array<i32>} : memref<2x128x64xf32, #tpu.memory_space<vmem>>, vector<16xf32>,
        %scatter3A_781 = arith.constant 0 : i32
        %scatter3A_782 = arith.constant 0 : i32
        %scatter3A_783 = arith.constant 0 : i32
        %scatter3A_784 = tpu.memref_slice %arg7[%scan3A_161, %scatter3A_781, %scatter3A_782, %scatter3A_783] : memref<2x8x8x129xf32, #tpu.memory_space<vmem>> -> memref<1x8x8x129xf32, #tpu.memory_space<vmem>>
        %scatter3A_785 = tpu.memref_squeeze %scatter3A_784 : memref<1x8x8x129xf32, #tpu.memory_space<vmem>> -> memref<8x8x129xf32, #tpu.memory_space<vmem>>
        tpu.vector_store_idx %scatter3A_785[%add3A_160, %and3A_6, %add3A_745], %get3A_780 : memref<8x8x129xf32, #tpu.memory_space<vmem>>[vector<16xi32>, vector<16xi32>, vector<16xi32>], vector<16xf32>,
        %scan3A_786 = arith.constant 10 : i32
        %scan3A_787 = arith.addi %scan3A_309, %scan3A_786 : i32
        %mul3A_788 = arith.constant 1 : i32
        %mul3A_789 = arith.muli %scan3A_787, %mul3A_788 : i32
        %add3A_790 = arith.constant 0 : i32
        %add3A_791 = arith.addi %add3A_790, %mul3A_789 : i32
        %add3A_792 = vector.broadcast %add3A_791 : i32 to vector<16xi32>
        %add3A_793 = arith.addi %broadcast_in_dim3A_7, %add3A_792 : vector<16xi32>
        %get3A_794 = arith.constant 0 : i32
        %get3A_795 = arith.index_cast %get3A_794 : i32 to index
        %get3A_796 = arith.index_cast %add3A_791 : i32 to index
        %get3A_797 = arith.constant 0 : index
        %get3A_798 = tpu.vector_load %arg6[%get3A_795, %get3A_796, %get3A_797] {strides = array<i32>} : memref<2x128x64xf32, #tpu.memory_space<vmem>>, vector<16xf32>,
        %scatter3A_799 = arith.constant 0 : i32
        %scatter3A_800 = arith.constant 0 : i32
        %scatter3A_801 = arith.constant 0 : i32
        %scatter3A_802 = tpu.memref_slice %arg7[%scan3A_161, %scatter3A_799, %scatter3A_800, %scatter3A_801] : memref<2x8x8x129xf32, #tpu.memory_space<vmem>> -> memref<1x8x8x129xf32, #tpu.memory_space<vmem>>
        %scatter3A_803 = tpu.memref_squeeze %scatter3A_802 : memref<1x8x8x129xf32, #tpu.memory_space<vmem>> -> memref<8x8x129xf32, #tpu.memory_space<vmem>>
        tpu.vector_store_idx %scatter3A_803[%add3A_151, %and3A_6, %add3A_793], %get3A_798 : memref<8x8x129xf32, #tpu.memory_space<vmem>>[vector<16xi32>, vector<16xi32>, vector<16xi32>], vector<16xf32>,
        %get3A_804 = arith.constant 0 : i32
        %get3A_805 = arith.index_cast %get3A_804 : i32 to index
        %get3A_806 = arith.index_cast %add3A_791 : i32 to index
        %get3A_807 = arith.constant 16 : index
        %get3A_808 = tpu.vector_load %arg6[%get3A_805, %get3A_806, %get3A_807] {strides = array<i32>} : memref<2x128x64xf32, #tpu.memory_space<vmem>>, vector<16xf32>,
        %scatter3A_809 = arith.constant 0 : i32
        %scatter3A_810 = arith.constant 0 : i32
        %scatter3A_811 = arith.constant 0 : i32
        %scatter3A_812 = tpu.memref_slice %arg7[%scan3A_161, %scatter3A_809, %scatter3A_810, %scatter3A_811] : memref<2x8x8x129xf32, #tpu.memory_space<vmem>> -> memref<1x8x8x129xf32, #tpu.memory_space<vmem>>
        %scatter3A_813 = tpu.memref_squeeze %scatter3A_812 : memref<1x8x8x129xf32, #tpu.memory_space<vmem>> -> memref<8x8x129xf32, #tpu.memory_space<vmem>>
        tpu.vector_store_idx %scatter3A_813[%add3A_154, %and3A_6, %add3A_793], %get3A_808 : memref<8x8x129xf32, #tpu.memory_space<vmem>>[vector<16xi32>, vector<16xi32>, vector<16xi32>], vector<16xf32>,
        %get3A_814 = arith.constant 0 : i32
        %get3A_815 = arith.index_cast %get3A_814 : i32 to index
        %get3A_816 = arith.index_cast %add3A_791 : i32 to index
        %get3A_817 = arith.constant 32 : index
        %get3A_818 = tpu.vector_load %arg6[%get3A_815, %get3A_816, %get3A_817] {strides = array<i32>} : memref<2x128x64xf32, #tpu.memory_space<vmem>>, vector<16xf32>,
        %scatter3A_819 = arith.constant 0 : i32
        %scatter3A_820 = arith.constant 0 : i32
        %scatter3A_821 = arith.constant 0 : i32
        %scatter3A_822 = tpu.memref_slice %arg7[%scan3A_161, %scatter3A_819, %scatter3A_820, %scatter3A_821] : memref<2x8x8x129xf32, #tpu.memory_space<vmem>> -> memref<1x8x8x129xf32, #tpu.memory_space<vmem>>
        %scatter3A_823 = tpu.memref_squeeze %scatter3A_822 : memref<1x8x8x129xf32, #tpu.memory_space<vmem>> -> memref<8x8x129xf32, #tpu.memory_space<vmem>>
        tpu.vector_store_idx %scatter3A_823[%add3A_157, %and3A_6, %add3A_793], %get3A_818 : memref<8x8x129xf32, #tpu.memory_space<vmem>>[vector<16xi32>, vector<16xi32>, vector<16xi32>], vector<16xf32>,
        %get3A_824 = arith.constant 0 : i32
        %get3A_825 = arith.index_cast %get3A_824 : i32 to index
        %get3A_826 = arith.index_cast %add3A_791 : i32 to index
        %get3A_827 = arith.constant 48 : index
        %get3A_828 = tpu.vector_load %arg6[%get3A_825, %get3A_826, %get3A_827] {strides = array<i32>} : memref<2x128x64xf32, #tpu.memory_space<vmem>>, vector<16xf32>,
        %scatter3A_829 = arith.constant 0 : i32
        %scatter3A_830 = arith.constant 0 : i32
        %scatter3A_831 = arith.constant 0 : i32
        %scatter3A_832 = tpu.memref_slice %arg7[%scan3A_161, %scatter3A_829, %scatter3A_830, %scatter3A_831] : memref<2x8x8x129xf32, #tpu.memory_space<vmem>> -> memref<1x8x8x129xf32, #tpu.memory_space<vmem>>
        %scatter3A_833 = tpu.memref_squeeze %scatter3A_832 : memref<1x8x8x129xf32, #tpu.memory_space<vmem>> -> memref<8x8x129xf32, #tpu.memory_space<vmem>>
        tpu.vector_store_idx %scatter3A_833[%add3A_160, %and3A_6, %add3A_793], %get3A_828 : memref<8x8x129xf32, #tpu.memory_space<vmem>>[vector<16xi32>, vector<16xi32>, vector<16xi32>], vector<16xf32>,
        %scan3A_834 = arith.constant 11 : i32
        %scan3A_835 = arith.addi %scan3A_309, %scan3A_834 : i32
        %mul3A_836 = arith.constant 1 : i32
        %mul3A_837 = arith.muli %scan3A_835, %mul3A_836 : i32
        %add3A_838 = arith.constant 0 : i32
        %add3A_839 = arith.addi %add3A_838, %mul3A_837 : i32
        %add3A_840 = vector.broadcast %add3A_839 : i32 to vector<16xi32>
        %add3A_841 = arith.addi %broadcast_in_dim3A_7, %add3A_840 : vector<16xi32>
        %get3A_842 = arith.constant 0 : i32
        %get3A_843 = arith.index_cast %get3A_842 : i32 to index
        %get3A_844 = arith.index_cast %add3A_839 : i32 to index
        %get3A_845 = arith.constant 0 : index
        %get3A_846 = tpu.vector_load %arg6[%get3A_843, %get3A_844, %get3A_845] {strides = array<i32>} : memref<2x128x64xf32, #tpu.memory_space<vmem>>, vector<16xf32>,
        %scatter3A_847 = arith.constant 0 : i32
        %scatter3A_848 = arith.constant 0 : i32
        %scatter3A_849 = arith.constant 0 : i32
        %scatter3A_850 = tpu.memref_slice %arg7[%scan3A_161, %scatter3A_847, %scatter3A_848, %scatter3A_849] : memref<2x8x8x129xf32, #tpu.memory_space<vmem>> -> memref<1x8x8x129xf32, #tpu.memory_space<vmem>>
        %scatter3A_851 = tpu.memref_squeeze %scatter3A_850 : memref<1x8x8x129xf32, #tpu.memory_space<vmem>> -> memref<8x8x129xf32, #tpu.memory_space<vmem>>
        tpu.vector_store_idx %scatter3A_851[%add3A_151, %and3A_6, %add3A_841], %get3A_846 : memref<8x8x129xf32, #tpu.memory_space<vmem>>[vector<16xi32>, vector<16xi32>, vector<16xi32>], vector<16xf32>,
        %get3A_852 = arith.constant 0 : i32
        %get3A_853 = arith.index_cast %get3A_852 : i32 to index
        %get3A_854 = arith.index_cast %add3A_839 : i32 to index
        %get3A_855 = arith.constant 16 : index
        %get3A_856 = tpu.vector_load %arg6[%get3A_853, %get3A_854, %get3A_855] {strides = array<i32>} : memref<2x128x64xf32, #tpu.memory_space<vmem>>, vector<16xf32>,
        %scatter3A_857 = arith.constant 0 : i32
        %scatter3A_858 = arith.constant 0 : i32
        %scatter3A_859 = arith.constant 0 : i32
        %scatter3A_860 = tpu.memref_slice %arg7[%scan3A_161, %scatter3A_857, %scatter3A_858, %scatter3A_859] : memref<2x8x8x129xf32, #tpu.memory_space<vmem>> -> memref<1x8x8x129xf32, #tpu.memory_space<vmem>>
        %scatter3A_861 = tpu.memref_squeeze %scatter3A_860 : memref<1x8x8x129xf32, #tpu.memory_space<vmem>> -> memref<8x8x129xf32, #tpu.memory_space<vmem>>
        tpu.vector_store_idx %scatter3A_861[%add3A_154, %and3A_6, %add3A_841], %get3A_856 : memref<8x8x129xf32, #tpu.memory_space<vmem>>[vector<16xi32>, vector<16xi32>, vector<16xi32>], vector<16xf32>,
        %get3A_862 = arith.constant 0 : i32
        %get3A_863 = arith.index_cast %get3A_862 : i32 to index
        %get3A_864 = arith.index_cast %add3A_839 : i32 to index
        %get3A_865 = arith.constant 32 : index
        %get3A_866 = tpu.vector_load %arg6[%get3A_863, %get3A_864, %get3A_865] {strides = array<i32>} : memref<2x128x64xf32, #tpu.memory_space<vmem>>, vector<16xf32>,
        %scatter3A_867 = arith.constant 0 : i32
        %scatter3A_868 = arith.constant 0 : i32
        %scatter3A_869 = arith.constant 0 : i32
        %scatter3A_870 = tpu.memref_slice %arg7[%scan3A_161, %scatter3A_867, %scatter3A_868, %scatter3A_869] : memref<2x8x8x129xf32, #tpu.memory_space<vmem>> -> memref<1x8x8x129xf32, #tpu.memory_space<vmem>>
        %scatter3A_871 = tpu.memref_squeeze %scatter3A_870 : memref<1x8x8x129xf32, #tpu.memory_space<vmem>> -> memref<8x8x129xf32, #tpu.memory_space<vmem>>
        tpu.vector_store_idx %scatter3A_871[%add3A_157, %and3A_6, %add3A_841], %get3A_866 : memref<8x8x129xf32, #tpu.memory_space<vmem>>[vector<16xi32>, vector<16xi32>, vector<16xi32>], vector<16xf32>,
        %get3A_872 = arith.constant 0 : i32
        %get3A_873 = arith.index_cast %get3A_872 : i32 to index
        %get3A_874 = arith.index_cast %add3A_839 : i32 to index
        %get3A_875 = arith.constant 48 : index
        %get3A_876 = tpu.vector_load %arg6[%get3A_873, %get3A_874, %get3A_875] {strides = array<i32>} : memref<2x128x64xf32, #tpu.memory_space<vmem>>, vector<16xf32>,
        %scatter3A_877 = arith.constant 0 : i32
        %scatter3A_878 = arith.constant 0 : i32
        %scatter3A_879 = arith.constant 0 : i32
        %scatter3A_880 = tpu.memref_slice %arg7[%scan3A_161, %scatter3A_877, %scatter3A_878, %scatter3A_879] : memref<2x8x8x129xf32, #tpu.memory_space<vmem>> -> memref<1x8x8x129xf32, #tpu.memory_space<vmem>>
        %scatter3A_881 = tpu.memref_squeeze %scatter3A_880 : memref<1x8x8x129xf32, #tpu.memory_space<vmem>> -> memref<8x8x129xf32, #tpu.memory_space<vmem>>
        tpu.vector_store_idx %scatter3A_881[%add3A_160, %and3A_6, %add3A_841], %get3A_876 : memref<8x8x129xf32, #tpu.memory_space<vmem>>[vector<16xi32>, vector<16xi32>, vector<16xi32>], vector<16xf32>,
        %scan3A_882 = arith.constant 12 : i32
        %scan3A_883 = arith.addi %scan3A_309, %scan3A_882 : i32
        %mul3A_884 = arith.constant 1 : i32
        %mul3A_885 = arith.muli %scan3A_883, %mul3A_884 : i32
        %add3A_886 = arith.constant 0 : i32
        %add3A_887 = arith.addi %add3A_886, %mul3A_885 : i32
        %add3A_888 = vector.broadcast %add3A_887 : i32 to vector<16xi32>
        %add3A_889 = arith.addi %broadcast_in_dim3A_7, %add3A_888 : vector<16xi32>
        %get3A_890 = arith.constant 0 : i32
        %get3A_891 = arith.index_cast %get3A_890 : i32 to index
        %get3A_892 = arith.index_cast %add3A_887 : i32 to index
        %get3A_893 = arith.constant 0 : index
        %get3A_894 = tpu.vector_load %arg6[%get3A_891, %get3A_892, %get3A_893] {strides = array<i32>} : memref<2x128x64xf32, #tpu.memory_space<vmem>>, vector<16xf32>,
        %scatter3A_895 = arith.constant 0 : i32
        %scatter3A_896 = arith.constant 0 : i32
        %scatter3A_897 = arith.constant 0 : i32
        %scatter3A_898 = tpu.memref_slice %arg7[%scan3A_161, %scatter3A_895, %scatter3A_896, %scatter3A_897] : memref<2x8x8x129xf32, #tpu.memory_space<vmem>> -> memref<1x8x8x129xf32, #tpu.memory_space<vmem>>
        %scatter3A_899 = tpu.memref_squeeze %scatter3A_898 : memref<1x8x8x129xf32, #tpu.memory_space<vmem>> -> memref<8x8x129xf32, #tpu.memory_space<vmem>>
        tpu.vector_store_idx %scatter3A_899[%add3A_151, %and3A_6, %add3A_889], %get3A_894 : memref<8x8x129xf32, #tpu.memory_space<vmem>>[vector<16xi32>, vector<16xi32>, vector<16xi32>], vector<16xf32>,
        %get3A_900 = arith.constant 0 : i32
        %get3A_901 = arith.index_cast %get3A_900 : i32 to index
        %get3A_902 = arith.index_cast %add3A_887 : i32 to index
        %get3A_903 = arith.constant 16 : index
        %get3A_904 = tpu.vector_load %arg6[%get3A_901, %get3A_902, %get3A_903] {strides = array<i32>} : memref<2x128x64xf32, #tpu.memory_space<vmem>>, vector<16xf32>,
        %scatter3A_905 = arith.constant 0 : i32
        %scatter3A_906 = arith.constant 0 : i32
        %scatter3A_907 = arith.constant 0 : i32
        %scatter3A_908 = tpu.memref_slice %arg7[%scan3A_161, %scatter3A_905, %scatter3A_906, %scatter3A_907] : memref<2x8x8x129xf32, #tpu.memory_space<vmem>> -> memref<1x8x8x129xf32, #tpu.memory_space<vmem>>
        %scatter3A_909 = tpu.memref_squeeze %scatter3A_908 : memref<1x8x8x129xf32, #tpu.memory_space<vmem>> -> memref<8x8x129xf32, #tpu.memory_space<vmem>>
        tpu.vector_store_idx %scatter3A_909[%add3A_154, %and3A_6, %add3A_889], %get3A_904 : memref<8x8x129xf32, #tpu.memory_space<vmem>>[vector<16xi32>, vector<16xi32>, vector<16xi32>], vector<16xf32>,
        %get3A_910 = arith.constant 0 : i32
        %get3A_911 = arith.index_cast %get3A_910 : i32 to index
        %get3A_912 = arith.index_cast %add3A_887 : i32 to index
        %get3A_913 = arith.constant 32 : index
        %get3A_914 = tpu.vector_load %arg6[%get3A_911, %get3A_912, %get3A_913] {strides = array<i32>} : memref<2x128x64xf32, #tpu.memory_space<vmem>>, vector<16xf32>,
        %scatter3A_915 = arith.constant 0 : i32
        %scatter3A_916 = arith.constant 0 : i32
        %scatter3A_917 = arith.constant 0 : i32
        %scatter3A_918 = tpu.memref_slice %arg7[%scan3A_161, %scatter3A_915, %scatter3A_916, %scatter3A_917] : memref<2x8x8x129xf32, #tpu.memory_space<vmem>> -> memref<1x8x8x129xf32, #tpu.memory_space<vmem>>
        %scatter3A_919 = tpu.memref_squeeze %scatter3A_918 : memref<1x8x8x129xf32, #tpu.memory_space<vmem>> -> memref<8x8x129xf32, #tpu.memory_space<vmem>>
        tpu.vector_store_idx %scatter3A_919[%add3A_157, %and3A_6, %add3A_889], %get3A_914 : memref<8x8x129xf32, #tpu.memory_space<vmem>>[vector<16xi32>, vector<16xi32>, vector<16xi32>], vector<16xf32>,
        %get3A_920 = arith.constant 0 : i32
        %get3A_921 = arith.index_cast %get3A_920 : i32 to index
        %get3A_922 = arith.index_cast %add3A_887 : i32 to index
        %get3A_923 = arith.constant 48 : index
        %get3A_924 = tpu.vector_load %arg6[%get3A_921, %get3A_922, %get3A_923] {strides = array<i32>} : memref<2x128x64xf32, #tpu.memory_space<vmem>>, vector<16xf32>,
        %scatter3A_925 = arith.constant 0 : i32
        %scatter3A_926 = arith.constant 0 : i32
        %scatter3A_927 = arith.constant 0 : i32
        %scatter3A_928 = tpu.memref_slice %arg7[%scan3A_161, %scatter3A_925, %scatter3A_926, %scatter3A_927] : memref<2x8x8x129xf32, #tpu.memory_space<vmem>> -> memref<1x8x8x129xf32, #tpu.memory_space<vmem>>
        %scatter3A_929 = tpu.memref_squeeze %scatter3A_928 : memref<1x8x8x129xf32, #tpu.memory_space<vmem>> -> memref<8x8x129xf32, #tpu.memory_space<vmem>>
        tpu.vector_store_idx %scatter3A_929[%add3A_160, %and3A_6, %add3A_889], %get3A_924 : memref<8x8x129xf32, #tpu.memory_space<vmem>>[vector<16xi32>, vector<16xi32>, vector<16xi32>], vector<16xf32>,
        %scan3A_930 = arith.constant 13 : i32
        %scan3A_931 = arith.addi %scan3A_309, %scan3A_930 : i32
        %mul3A_932 = arith.constant 1 : i32
        %mul3A_933 = arith.muli %scan3A_931, %mul3A_932 : i32
        %add3A_934 = arith.constant 0 : i32
        %add3A_935 = arith.addi %add3A_934, %mul3A_933 : i32
        %add3A_936 = vector.broadcast %add3A_935 : i32 to vector<16xi32>
        %add3A_937 = arith.addi %broadcast_in_dim3A_7, %add3A_936 : vector<16xi32>
        %get3A_938 = arith.constant 0 : i32
        %get3A_939 = arith.index_cast %get3A_938 : i32 to index
        %get3A_940 = arith.index_cast %add3A_935 : i32 to index
        %get3A_941 = arith.constant 0 : index
        %get3A_942 = tpu.vector_load %arg6[%get3A_939, %get3A_940, %get3A_941] {strides = array<i32>} : memref<2x128x64xf32, #tpu.memory_space<vmem>>, vector<16xf32>,
        %scatter3A_943 = arith.constant 0 : i32
        %scatter3A_944 = arith.constant 0 : i32
        %scatter3A_945 = arith.constant 0 : i32
        %scatter3A_946 = tpu.memref_slice %arg7[%scan3A_161, %scatter3A_943, %scatter3A_944, %scatter3A_945] : memref<2x8x8x129xf32, #tpu.memory_space<vmem>> -> memref<1x8x8x129xf32, #tpu.memory_space<vmem>>
        %scatter3A_947 = tpu.memref_squeeze %scatter3A_946 : memref<1x8x8x129xf32, #tpu.memory_space<vmem>> -> memref<8x8x129xf32, #tpu.memory_space<vmem>>
        tpu.vector_store_idx %scatter3A_947[%add3A_151, %and3A_6, %add3A_937], %get3A_942 : memref<8x8x129xf32, #tpu.memory_space<vmem>>[vector<16xi32>, vector<16xi32>, vector<16xi32>], vector<16xf32>,
        %get3A_948 = arith.constant 0 : i32
        %get3A_949 = arith.index_cast %get3A_948 : i32 to index
        %get3A_950 = arith.index_cast %add3A_935 : i32 to index
        %get3A_951 = arith.constant 16 : index
        %get3A_952 = tpu.vector_load %arg6[%get3A_949, %get3A_950, %get3A_951] {strides = array<i32>} : memref<2x128x64xf32, #tpu.memory_space<vmem>>, vector<16xf32>,
        %scatter3A_953 = arith.constant 0 : i32
        %scatter3A_954 = arith.constant 0 : i32
        %scatter3A_955 = arith.constant 0 : i32
        %scatter3A_956 = tpu.memref_slice %arg7[%scan3A_161, %scatter3A_953, %scatter3A_954, %scatter3A_955] : memref<2x8x8x129xf32, #tpu.memory_space<vmem>> -> memref<1x8x8x129xf32, #tpu.memory_space<vmem>>
        %scatter3A_957 = tpu.memref_squeeze %scatter3A_956 : memref<1x8x8x129xf32, #tpu.memory_space<vmem>> -> memref<8x8x129xf32, #tpu.memory_space<vmem>>
        tpu.vector_store_idx %scatter3A_957[%add3A_154, %and3A_6, %add3A_937], %get3A_952 : memref<8x8x129xf32, #tpu.memory_space<vmem>>[vector<16xi32>, vector<16xi32>, vector<16xi32>], vector<16xf32>,
        %get3A_958 = arith.constant 0 : i32
        %get3A_959 = arith.index_cast %get3A_958 : i32 to index
        %get3A_960 = arith.index_cast %add3A_935 : i32 to index
        %get3A_961 = arith.constant 32 : index
        %get3A_962 = tpu.vector_load %arg6[%get3A_959, %get3A_960, %get3A_961] {strides = array<i32>} : memref<2x128x64xf32, #tpu.memory_space<vmem>>, vector<16xf32>,
        %scatter3A_963 = arith.constant 0 : i32
        %scatter3A_964 = arith.constant 0 : i32
        %scatter3A_965 = arith.constant 0 : i32
        %scatter3A_966 = tpu.memref_slice %arg7[%scan3A_161, %scatter3A_963, %scatter3A_964, %scatter3A_965] : memref<2x8x8x129xf32, #tpu.memory_space<vmem>> -> memref<1x8x8x129xf32, #tpu.memory_space<vmem>>
        %scatter3A_967 = tpu.memref_squeeze %scatter3A_966 : memref<1x8x8x129xf32, #tpu.memory_space<vmem>> -> memref<8x8x129xf32, #tpu.memory_space<vmem>>
        tpu.vector_store_idx %scatter3A_967[%add3A_157, %and3A_6, %add3A_937], %get3A_962 : memref<8x8x129xf32, #tpu.memory_space<vmem>>[vector<16xi32>, vector<16xi32>, vector<16xi32>], vector<16xf32>,
        %get3A_968 = arith.constant 0 : i32
        %get3A_969 = arith.index_cast %get3A_968 : i32 to index
        %get3A_970 = arith.index_cast %add3A_935 : i32 to index
        %get3A_971 = arith.constant 48 : index
        %get3A_972 = tpu.vector_load %arg6[%get3A_969, %get3A_970, %get3A_971] {strides = array<i32>} : memref<2x128x64xf32, #tpu.memory_space<vmem>>, vector<16xf32>,
        %scatter3A_973 = arith.constant 0 : i32
        %scatter3A_974 = arith.constant 0 : i32
        %scatter3A_975 = arith.constant 0 : i32
        %scatter3A_976 = tpu.memref_slice %arg7[%scan3A_161, %scatter3A_973, %scatter3A_974, %scatter3A_975] : memref<2x8x8x129xf32, #tpu.memory_space<vmem>> -> memref<1x8x8x129xf32, #tpu.memory_space<vmem>>
        %scatter3A_977 = tpu.memref_squeeze %scatter3A_976 : memref<1x8x8x129xf32, #tpu.memory_space<vmem>> -> memref<8x8x129xf32, #tpu.memory_space<vmem>>
        tpu.vector_store_idx %scatter3A_977[%add3A_160, %and3A_6, %add3A_937], %get3A_972 : memref<8x8x129xf32, #tpu.memory_space<vmem>>[vector<16xi32>, vector<16xi32>, vector<16xi32>], vector<16xf32>,
        %scan3A_978 = arith.constant 14 : i32
        %scan3A_979 = arith.addi %scan3A_309, %scan3A_978 : i32
        %mul3A_980 = arith.constant 1 : i32
        %mul3A_981 = arith.muli %scan3A_979, %mul3A_980 : i32
        %add3A_982 = arith.constant 0 : i32
        %add3A_983 = arith.addi %add3A_982, %mul3A_981 : i32
        %add3A_984 = vector.broadcast %add3A_983 : i32 to vector<16xi32>
        %add3A_985 = arith.addi %broadcast_in_dim3A_7, %add3A_984 : vector<16xi32>
        %get3A_986 = arith.constant 0 : i32
        %get3A_987 = arith.index_cast %get3A_986 : i32 to index
        %get3A_988 = arith.index_cast %add3A_983 : i32 to index
        %get3A_989 = arith.constant 0 : index
        %get3A_990 = tpu.vector_load %arg6[%get3A_987, %get3A_988, %get3A_989] {strides = array<i32>} : memref<2x128x64xf32, #tpu.memory_space<vmem>>, vector<16xf32>,
        %scatter3A_991 = arith.constant 0 : i32
        %scatter3A_992 = arith.constant 0 : i32
        %scatter3A_993 = arith.constant 0 : i32
        %scatter3A_994 = tpu.memref_slice %arg7[%scan3A_161, %scatter3A_991, %scatter3A_992, %scatter3A_993] : memref<2x8x8x129xf32, #tpu.memory_space<vmem>> -> memref<1x8x8x129xf32, #tpu.memory_space<vmem>>
        %scatter3A_995 = tpu.memref_squeeze %scatter3A_994 : memref<1x8x8x129xf32, #tpu.memory_space<vmem>> -> memref<8x8x129xf32, #tpu.memory_space<vmem>>
        tpu.vector_store_idx %scatter3A_995[%add3A_151, %and3A_6, %add3A_985], %get3A_990 : memref<8x8x129xf32, #tpu.memory_space<vmem>>[vector<16xi32>, vector<16xi32>, vector<16xi32>], vector<16xf32>,
        %get3A_996 = arith.constant 0 : i32
        %get3A_997 = arith.index_cast %get3A_996 : i32 to index
        %get3A_998 = arith.index_cast %add3A_983 : i32 to index
        %get3A_999 = arith.constant 16 : index
        %get3A_1000 = tpu.vector_load %arg6[%get3A_997, %get3A_998, %get3A_999] {strides = array<i32>} : memref<2x128x64xf32, #tpu.memory_space<vmem>>, vector<16xf32>,
        %scatter3A_1001 = arith.constant 0 : i32
        %scatter3A_1002 = arith.constant 0 : i32
        %scatter3A_1003 = arith.constant 0 : i32
        %scatter3A_1004 = tpu.memref_slice %arg7[%scan3A_161, %scatter3A_1001, %scatter3A_1002, %scatter3A_1003] : memref<2x8x8x129xf32, #tpu.memory_space<vmem>> -> memref<1x8x8x129xf32, #tpu.memory_space<vmem>>
        %scatter3A_1005 = tpu.memref_squeeze %scatter3A_1004 : memref<1x8x8x129xf32, #tpu.memory_space<vmem>> -> memref<8x8x129xf32, #tpu.memory_space<vmem>>
        tpu.vector_store_idx %scatter3A_1005[%add3A_154, %and3A_6, %add3A_985], %get3A_1000 : memref<8x8x129xf32, #tpu.memory_space<vmem>>[vector<16xi32>, vector<16xi32>, vector<16xi32>], vector<16xf32>,
        %get3A_1006 = arith.constant 0 : i32
        %get3A_1007 = arith.index_cast %get3A_1006 : i32 to index
        %get3A_1008 = arith.index_cast %add3A_983 : i32 to index
        %get3A_1009 = arith.constant 32 : index
        %get3A_1010 = tpu.vector_load %arg6[%get3A_1007, %get3A_1008, %get3A_1009] {strides = array<i32>} : memref<2x128x64xf32, #tpu.memory_space<vmem>>, vector<16xf32>,
        %scatter3A_1011 = arith.constant 0 : i32
        %scatter3A_1012 = arith.constant 0 : i32
        %scatter3A_1013 = arith.constant 0 : i32
        %scatter3A_1014 = tpu.memref_slice %arg7[%scan3A_161, %scatter3A_1011, %scatter3A_1012, %scatter3A_1013] : memref<2x8x8x129xf32, #tpu.memory_space<vmem>> -> memref<1x8x8x129xf32, #tpu.memory_space<vmem>>
        %scatter3A_1015 = tpu.memref_squeeze %scatter3A_1014 : memref<1x8x8x129xf32, #tpu.memory_space<vmem>> -> memref<8x8x129xf32, #tpu.memory_space<vmem>>
        tpu.vector_store_idx %scatter3A_1015[%add3A_157, %and3A_6, %add3A_985], %get3A_1010 : memref<8x8x129xf32, #tpu.memory_space<vmem>>[vector<16xi32>, vector<16xi32>, vector<16xi32>], vector<16xf32>,
        %get3A_1016 = arith.constant 0 : i32
        %get3A_1017 = arith.index_cast %get3A_1016 : i32 to index
        %get3A_1018 = arith.index_cast %add3A_983 : i32 to index
        %get3A_1019 = arith.constant 48 : index
        %get3A_1020 = tpu.vector_load %arg6[%get3A_1017, %get3A_1018, %get3A_1019] {strides = array<i32>} : memref<2x128x64xf32, #tpu.memory_space<vmem>>, vector<16xf32>,
        %scatter3A_1021 = arith.constant 0 : i32
        %scatter3A_1022 = arith.constant 0 : i32
        %scatter3A_1023 = arith.constant 0 : i32
        %scatter3A_1024 = tpu.memref_slice %arg7[%scan3A_161, %scatter3A_1021, %scatter3A_1022, %scatter3A_1023] : memref<2x8x8x129xf32, #tpu.memory_space<vmem>> -> memref<1x8x8x129xf32, #tpu.memory_space<vmem>>
        %scatter3A_1025 = tpu.memref_squeeze %scatter3A_1024 : memref<1x8x8x129xf32, #tpu.memory_space<vmem>> -> memref<8x8x129xf32, #tpu.memory_space<vmem>>
        tpu.vector_store_idx %scatter3A_1025[%add3A_160, %and3A_6, %add3A_985], %get3A_1020 : memref<8x8x129xf32, #tpu.memory_space<vmem>>[vector<16xi32>, vector<16xi32>, vector<16xi32>], vector<16xf32>,
        %scan3A_1026 = arith.constant 15 : i32
        %scan3A_1027 = arith.addi %scan3A_309, %scan3A_1026 : i32
        %mul3A_1028 = arith.constant 1 : i32
        %mul3A_1029 = arith.muli %scan3A_1027, %mul3A_1028 : i32
        %add3A_1030 = arith.constant 0 : i32
        %add3A_1031 = arith.addi %add3A_1030, %mul3A_1029 : i32
        %add3A_1032 = vector.broadcast %add3A_1031 : i32 to vector<16xi32>
        %add3A_1033 = arith.addi %broadcast_in_dim3A_7, %add3A_1032 : vector<16xi32>
        %get3A_1034 = arith.constant 0 : i32
        %get3A_1035 = arith.index_cast %get3A_1034 : i32 to index
        %get3A_1036 = arith.index_cast %add3A_1031 : i32 to index
        %get3A_1037 = arith.constant 0 : index
        %get3A_1038 = tpu.vector_load %arg6[%get3A_1035, %get3A_1036, %get3A_1037] {strides = array<i32>} : memref<2x128x64xf32, #tpu.memory_space<vmem>>, vector<16xf32>,
        %scatter3A_1039 = arith.constant 0 : i32
        %scatter3A_1040 = arith.constant 0 : i32
        %scatter3A_1041 = arith.constant 0 : i32
        %scatter3A_1042 = tpu.memref_slice %arg7[%scan3A_161, %scatter3A_1039, %scatter3A_1040, %scatter3A_1041] : memref<2x8x8x129xf32, #tpu.memory_space<vmem>> -> memref<1x8x8x129xf32, #tpu.memory_space<vmem>>
        %scatter3A_1043 = tpu.memref_squeeze %scatter3A_1042 : memref<1x8x8x129xf32, #tpu.memory_space<vmem>> -> memref<8x8x129xf32, #tpu.memory_space<vmem>>
        tpu.vector_store_idx %scatter3A_1043[%add3A_151, %and3A_6, %add3A_1033], %get3A_1038 : memref<8x8x129xf32, #tpu.memory_space<vmem>>[vector<16xi32>, vector<16xi32>, vector<16xi32>], vector<16xf32>,
        %get3A_1044 = arith.constant 0 : i32
        %get3A_1045 = arith.index_cast %get3A_1044 : i32 to index
        %get3A_1046 = arith.index_cast %add3A_1031 : i32 to index
        %get3A_1047 = arith.constant 16 : index
        %get3A_1048 = tpu.vector_load %arg6[%get3A_1045, %get3A_1046, %get3A_1047] {strides = array<i32>} : memref<2x128x64xf32, #tpu.memory_space<vmem>>, vector<16xf32>,
        %scatter3A_1049 = arith.constant 0 : i32
        %scatter3A_1050 = arith.constant 0 : i32
        %scatter3A_1051 = arith.constant 0 : i32
        %scatter3A_1052 = tpu.memref_slice %arg7[%scan3A_161, %scatter3A_1049, %scatter3A_1050, %scatter3A_1051] : memref<2x8x8x129xf32, #tpu.memory_space<vmem>> -> memref<1x8x8x129xf32, #tpu.memory_space<vmem>>
        %scatter3A_1053 = tpu.memref_squeeze %scatter3A_1052 : memref<1x8x8x129xf32, #tpu.memory_space<vmem>> -> memref<8x8x129xf32, #tpu.memory_space<vmem>>
        tpu.vector_store_idx %scatter3A_1053[%add3A_154, %and3A_6, %add3A_1033], %get3A_1048 : memref<8x8x129xf32, #tpu.memory_space<vmem>>[vector<16xi32>, vector<16xi32>, vector<16xi32>], vector<16xf32>,
        %get3A_1054 = arith.constant 0 : i32
        %get3A_1055 = arith.index_cast %get3A_1054 : i32 to index
        %get3A_1056 = arith.index_cast %add3A_1031 : i32 to index
        %get3A_1057 = arith.constant 32 : index
        %get3A_1058 = tpu.vector_load %arg6[%get3A_1055, %get3A_1056, %get3A_1057] {strides = array<i32>} : memref<2x128x64xf32, #tpu.memory_space<vmem>>, vector<16xf32>,
        %scatter3A_1059 = arith.constant 0 : i32
        %scatter3A_1060 = arith.constant 0 : i32
        %scatter3A_1061 = arith.constant 0 : i32
        %scatter3A_1062 = tpu.memref_slice %arg7[%scan3A_161, %scatter3A_1059, %scatter3A_1060, %scatter3A_1061] : memref<2x8x8x129xf32, #tpu.memory_space<vmem>> -> memref<1x8x8x129xf32, #tpu.memory_space<vmem>>
        %scatter3A_1063 = tpu.memref_squeeze %scatter3A_1062 : memref<1x8x8x129xf32, #tpu.memory_space<vmem>> -> memref<8x8x129xf32, #tpu.memory_space<vmem>>
        tpu.vector_store_idx %scatter3A_1063[%add3A_157, %and3A_6, %add3A_1033], %get3A_1058 : memref<8x8x129xf32, #tpu.memory_space<vmem>>[vector<16xi32>, vector<16xi32>, vector<16xi32>], vector<16xf32>,
        %get3A_1064 = arith.constant 0 : i32
        %get3A_1065 = arith.index_cast %get3A_1064 : i32 to index
        %get3A_1066 = arith.index_cast %add3A_1031 : i32 to index
        %get3A_1067 = arith.constant 48 : index
        %get3A_1068 = tpu.vector_load %arg6[%get3A_1065, %get3A_1066, %get3A_1067] {strides = array<i32>} : memref<2x128x64xf32, #tpu.memory_space<vmem>>, vector<16xf32>,
        %scatter3A_1069 = arith.constant 0 : i32
        %scatter3A_1070 = arith.constant 0 : i32
        %scatter3A_1071 = arith.constant 0 : i32
        %scatter3A_1072 = tpu.memref_slice %arg7[%scan3A_161, %scatter3A_1069, %scatter3A_1070, %scatter3A_1071] : memref<2x8x8x129xf32, #tpu.memory_space<vmem>> -> memref<1x8x8x129xf32, #tpu.memory_space<vmem>>
        %scatter3A_1073 = tpu.memref_squeeze %scatter3A_1072 : memref<1x8x8x129xf32, #tpu.memory_space<vmem>> -> memref<8x8x129xf32, #tpu.memory_space<vmem>>
        tpu.vector_store_idx %scatter3A_1073[%add3A_160, %and3A_6, %add3A_1033], %get3A_1068 : memref<8x8x129xf32, #tpu.memory_space<vmem>>[vector<16xi32>, vector<16xi32>, vector<16xi32>], vector<16xf32>,
      }
      %scan3A_166 = arith.constant 128 : i32
      %jit3A = arith.constant 50 : i32
      %div3A = arith.divsi %add3A_121, %jit3A : i32
      %sign3A = arith.constant 0 : i32
      %sign3A_167 = arith.cmpi sgt, %add3A_121, %sign3A : i32
      %sign3A_168 = arith.extui %sign3A_167 : i1 to i32
      %sign3A_169 = arith.constant 0 : i32
      %sign3A_170 = arith.cmpi slt, %add3A_121, %sign3A_169 : i32
      %sign3A_171 = arith.extui %sign3A_170 : i1 to i32
      %sign3A_172 = arith.subi %sign3A_168, %sign3A_171 : i32
      %sign3A_173 = arith.constant 0 : i32
      %sign3A_174 = arith.cmpi sgt, %jit3A, %sign3A_173 : i32
      %sign3A_175 = arith.extui %sign3A_174 : i1 to i32
      %sign3A_176 = arith.constant 0 : i32
      %sign3A_177 = arith.cmpi slt, %jit3A, %sign3A_176 : i32
      %sign3A_178 = arith.extui %sign3A_177 : i1 to i32
      %sign3A_179 = arith.subi %sign3A_175, %sign3A_178 : i32
      %ne3A = arith.cmpi ne, %sign3A_172, %sign3A_179 : i32
      %rem3A = arith.remsi %add3A_121, %jit3A : i32
      %ne3A_180 = arith.constant 0 : i32
      %ne3A_181 = arith.cmpi ne, %rem3A, %ne3A_180 : i32
      %and3A_182 = arith.andi %ne3A, %ne3A_181 : i1
      %sub3A = arith.constant 1 : i32
      %sub3A_183 = arith.subi %div3A, %sub3A : i32
      %select_n3A = arith.select %and3A_182, %sub3A_183, %div3A : i32
      %mul3A_184 = arith.constant 50 : i32
      %mul3A_185 = arith.muli %select_n3A, %mul3A_184 : i32
      %sub3A_186 = arith.subi %add3A_121, %mul3A_185 : i32
      %add3A_187 = arith.addi %mul3A_2, %select_n3A : i32
      %dma_start3A_188 = arith.constant 0 : i32
      %dma_start3A_189 = arith.constant 0 : i32
      %dma_start3A_190 = arith.constant 0 : i32
      %dma_start3A_191 = arith.constant 0 : i32
      %dma_start3A_192 = tpu.memref_slice %arg7[%dma_start3A_188, %dma_start3A_189, %dma_start3A_190, %dma_start3A_191] : memref<2x8x8x129xf32, #tpu.memory_space<vmem>> -> memref<1x8x8x128xf32, #tpu.memory_space<vmem>>
      %dma_start3A_193 = tpu.memref_squeeze %dma_start3A_192 : memref<1x8x8x128xf32, #tpu.memory_space<vmem>> -> memref<8x8x128xf32, #tpu.memory_space<vmem>>
      %dma_start3A_194 = arith.constant 0 : i32
      %dma_start3A_195 = arith.constant 0 : i32
      %dma_start3A_196 = arith.constant 0 : i32
      %dma_start3A_197 = tpu.memref_slice %arg4[%sub3A_186, %dma_start3A_194, %add3A_187, %dma_start3A_195, %dma_start3A_196] : memref<50x8x128x8x128xf32, #tpu.memory_space<hbm>> -> memref<1x8x1x8x128xf32, #tpu.memory_space<hbm>>
      %dma_start3A_198 = tpu.memref_squeeze %dma_start3A_197 : memref<1x8x1x8x128xf32, #tpu.memory_space<hbm>> -> memref<8x8x128xf32, #tpu.memory_space<hbm>>
      %dma_start3A_199 = arith.constant 0 : i32
      %dma_start3A_200 = arith.constant 0 : i32
      %dma_start3A_201 = arith.constant 0 : i32
      %dma_start3A_202 = tpu.memref_slice %arg4[%sub3A_186, %dma_start3A_199, %add3A_187, %dma_start3A_200, %dma_start3A_201] : memref<50x8x128x8x128xf32, #tpu.memory_space<hbm>> -> memref<1x8x1x8x128xf32, #tpu.memory_space<hbm>>
      %dma_start3A_203 = tpu.memref_squeeze %dma_start3A_202 : memref<1x8x1x8x128xf32, #tpu.memory_space<hbm>> -> memref<8x8x128xf32, #tpu.memory_space<hbm>>
      %dma_start3A_204 = arith.constant 0 : i32
      %dma_start3A_205 = arith.constant 0 : i32
      %dma_start3A_206 = arith.constant 0 : i32
      %dma_start3A_207 = tpu.memref_slice %arg7[%dma_start3A_188, %dma_start3A_204, %dma_start3A_205, %dma_start3A_206] : memref<2x8x8x129xf32, #tpu.memory_space<vmem>> -> memref<1x8x8x128xf32, #tpu.memory_space<vmem>>
      %dma_start3A_208 = tpu.memref_squeeze %dma_start3A_207 : memref<1x8x8x128xf32, #tpu.memory_space<vmem>> -> memref<8x8x128xf32, #tpu.memory_space<vmem>>
      tpu.enqueue_dma source(%dma_start3A_208 : memref<8x8x128xf32, #tpu.memory_space<vmem>>) target(%dma_start3A_203 : memref<8x8x128xf32, #tpu.memory_space<hbm>>) target_semaphore(%arg12 : memref<!tpu.dma_semaphore, #tpu.memory_space<semaphore_mem>>)
      %add3A_209 = arith.constant 1 : i32
      %add3A_210 = arith.addi %add3A_119, %add3A_209 : i32
      %dma_wait3A_211 = arith.constant 1 : i32
      %dma_wait3A_212 = arith.constant 1 : i32
      %dma_wait3A_213 = arith.constant 0 : i32
      %dma_wait3A_214 = arith.constant 0 : i32
      %dma_wait3A_215 = tpu.memref_slice %arg6[%dma_wait3A_212, %dma_wait3A_213, %dma_wait3A_214] : memref<2x128x64xf32, #tpu.memory_space<vmem>> -> memref<1x128x64xf32, #tpu.memory_space<vmem>>
      %dma_wait3A_216 = tpu.memref_squeeze %dma_wait3A_215 : memref<1x128x64xf32, #tpu.memory_space<vmem>> -> memref<128x64xf32, #tpu.memory_space<vmem>>
      %dma_wait3A_217 = arith.constant 0 : i32
      %dma_wait3A_218 = tpu.memref_slice %arg5[%dma_wait3A_211, %dma_wait3A_217] : memref<2x128xi32, #tpu.memory_space<vmem>> -> memref<1x128xi32, #tpu.memory_space<vmem>>
      %dma_wait3A_219 = tpu.memref_squeeze %dma_wait3A_218 : memref<1x128xi32, #tpu.memory_space<vmem>> -> memref<128xi32, #tpu.memory_space<vmem>>
      %dma_wait3A_220 = arith.constant 0 : i32
      %dma_wait3A_221 = arith.constant 0 : i32
      %dma_wait3A_222 = tpu.memref_slice %arg2[%dma_wait3A_220, %dma_wait3A_221] : memref<1000000x64xf32, #tpu.memory_space<hbm>> -> memref<1000000x64xf32, #tpu.memory_space<hbm>>
      tpu.wait_indirect_dma semaphore(%arg11 : memref<!tpu.dma_semaphore, #tpu.memory_space<semaphore_mem>>) src(%dma_wait3A_222 : memref<1000000x64xf32, #tpu.memory_space<hbm>>) dst(%dma_wait3A_216 : memref<128x64xf32, #tpu.memory_space<vmem>>)
      %add3A_223 = arith.constant 2 : i32
      %add3A_224 = arith.addi %add3A_210, %add3A_223 : i32
      %lt3A_225 = arith.constant 200 : i32
      %lt3A_226 = arith.cmpi slt, %add3A_224, %lt3A_225 : i32
      %convert_element_type3A_227 = arith.extui %lt3A_226 : i1 to i32
      %cond3A_228 = arith.constant 0 : i32
      %cond3A_229 = arith.cmpi ne, %convert_element_type3A_227, %cond3A_228 : i32
      scf.if %cond3A_229 {
        %add3A_309 = arith.constant 2 : i32
        %add3A_310 = arith.addi %add3A_210, %add3A_309 : i32
        %jit3A_311 = arith.constant 50 : i32
        %div3A_312 = arith.divsi %add3A_310, %jit3A_311 : i32
        %sign3A_313 = arith.constant 0 : i32
        %sign3A_314 = arith.cmpi sgt, %add3A_310, %sign3A_313 : i32
        %sign3A_315 = arith.extui %sign3A_314 : i1 to i32
        %sign3A_316 = arith.constant 0 : i32
        %sign3A_317 = arith.cmpi slt, %add3A_310, %sign3A_316 : i32
        %sign3A_318 = arith.extui %sign3A_317 : i1 to i32
        %sign3A_319 = arith.subi %sign3A_315, %sign3A_318 : i32
        %sign3A_320 = arith.constant 0 : i32
        %sign3A_321 = arith.cmpi sgt, %jit3A_311, %sign3A_320 : i32
        %sign3A_322 = arith.extui %sign3A_321 : i1 to i32
        %sign3A_323 = arith.constant 0 : i32
        %sign3A_324 = arith.cmpi slt, %jit3A_311, %sign3A_323 : i32
        %sign3A_325 = arith.extui %sign3A_324 : i1 to i32
        %sign3A_326 = arith.subi %sign3A_322, %sign3A_325 : i32
        %ne3A_327 = arith.cmpi ne, %sign3A_319, %sign3A_326 : i32
        %rem3A_328 = arith.remsi %add3A_310, %jit3A_311 : i32
        %ne3A_329 = arith.constant 0 : i32
        %ne3A_330 = arith.cmpi ne, %rem3A_328, %ne3A_329 : i32
        %and3A_331 = arith.andi %ne3A_327, %ne3A_330 : i1
        %sub3A_332 = arith.constant 1 : i32
        %sub3A_333 = arith.subi %div3A_312, %sub3A_332 : i32
        %select_n3A_334 = arith.select %and3A_331, %sub3A_333, %div3A_312 : i32
        %mul3A_335 = arith.constant 50 : i32
        %mul3A_336 = arith.muli %select_n3A_334, %mul3A_335 : i32
        %sub3A_337 = arith.subi %add3A_310, %mul3A_336 : i32
        %add3A_338 = arith.addi %mul3A_2, %select_n3A_334 : i32
        %mul3A_339 = arith.constant 16384 : i32
        %mul3A_340 = arith.muli %sub3A_337, %mul3A_339 : i32
        %mul3A_341 = arith.constant 128 : i32
        %mul3A_342 = arith.muli %add3A_338, %mul3A_341 : i32
        %add3A_343 = arith.addi %mul3A_340, %mul3A_342 : i32
        %dma_start3A_344 = arith.constant 1 : i32
        %dma_start3A_345 = arith.constant 0 : i32
        %dma_start3A_346 = tpu.memref_slice %arg5[%dma_start3A_344, %dma_start3A_345] : memref<2x128xi32, #tpu.memory_space<vmem>> -> memref<1x128xi32, #tpu.memory_space<vmem>>
        %dma_start3A_347 = tpu.memref_squeeze %dma_start3A_346 : memref<1x128xi32, #tpu.memory_space<vmem>> -> memref<128xi32, #tpu.memory_space<vmem>>
        %dma_start3A_348 = tpu.memref_slice %arg3[%add3A_343] : memref<819200xi32, #tpu.memory_space<hbm>> -> memref<128xi32, #tpu.memory_space<hbm>>
        %dma_start3A_349 = arith.constant 0 : i32
        %dma_start3A_350 = tpu.memref_slice %arg5[%dma_start3A_344, %dma_start3A_349] : memref<2x128xi32, #tpu.memory_space<vmem>> -> memref<1x128xi32, #tpu.memory_space<vmem>>
        %dma_start3A_351 = tpu.memref_squeeze %dma_start3A_350 : memref<1x128xi32, #tpu.memory_space<vmem>> -> memref<128xi32, #tpu.memory_space<vmem>>
        %dma_start3A_352 = tpu.memref_slice %arg3[%add3A_343] : memref<819200xi32, #tpu.memory_space<hbm>> -> memref<128xi32, #tpu.memory_space<hbm>>
        tpu.enqueue_dma source(%dma_start3A_352 : memref<128xi32, #tpu.memory_space<hbm>>) target(%dma_start3A_351 : memref<128xi32, #tpu.memory_space<vmem>>) target_semaphore(%arg9 : memref<!tpu.dma_semaphore, #tpu.memory_space<semaphore_mem>>)
      } else {
      }
      %add3A_230 = arith.constant 1 : i32
      %add3A_231 = arith.addi %add3A_210, %add3A_230 : i32
      %lt3A_232 = arith.constant 200 : i32
      %lt3A_233 = arith.cmpi slt, %add3A_231, %lt3A_232 : i32
      %convert_element_type3A_234 = arith.extui %lt3A_233 : i1 to i32
      %cond3A_235 = arith.constant 0 : i32
      %cond3A_236 = arith.cmpi ne, %convert_element_type3A_234, %cond3A_235 : i32
      scf.if %cond3A_236 {
        %add3A_309 = arith.constant 1 : i32
        %add3A_310 = arith.addi %add3A_210, %add3A_309 : i32
        %jit3A_311 = arith.constant 50 : i32
        %div3A_312 = arith.divsi %add3A_310, %jit3A_311 : i32
        %sign3A_313 = arith.constant 0 : i32
        %sign3A_314 = arith.cmpi sgt, %add3A_310, %sign3A_313 : i32
        %sign3A_315 = arith.extui %sign3A_314 : i1 to i32
        %sign3A_316 = arith.constant 0 : i32
        %sign3A_317 = arith.cmpi slt, %add3A_310, %sign3A_316 : i32
        %sign3A_318 = arith.extui %sign3A_317 : i1 to i32
        %sign3A_319 = arith.subi %sign3A_315, %sign3A_318 : i32
        %sign3A_320 = arith.constant 0 : i32
        %sign3A_321 = arith.cmpi sgt, %jit3A_311, %sign3A_320 : i32
        %sign3A_322 = arith.extui %sign3A_321 : i1 to i32
        %sign3A_323 = arith.constant 0 : i32
        %sign3A_324 = arith.cmpi slt, %jit3A_311, %sign3A_323 : i32
        %sign3A_325 = arith.extui %sign3A_324 : i1 to i32
        %sign3A_326 = arith.subi %sign3A_322, %sign3A_325 : i32
        %ne3A_327 = arith.cmpi ne, %sign3A_319, %sign3A_326 : i32
        %rem3A_328 = arith.remsi %add3A_310, %jit3A_311 : i32
        %ne3A_329 = arith.constant 0 : i32
        %ne3A_330 = arith.cmpi ne, %rem3A_328, %ne3A_329 : i32
        %and3A_331 = arith.andi %ne3A_327, %ne3A_330 : i1
        %sub3A_332 = arith.constant 1 : i32
        %sub3A_333 = arith.subi %div3A_312, %sub3A_332 : i32
        %select_n3A_334 = arith.select %and3A_331, %sub3A_333, %div3A_312 : i32
        %mul3A_335 = arith.constant 50 : i32
        %mul3A_336 = arith.muli %select_n3A_334, %mul3A_335 : i32
        %sub3A_337 = arith.subi %add3A_310, %mul3A_336 : i32
        %add3A_338 = arith.addi %mul3A_2, %select_n3A_334 : i32
        %mul3A_339 = arith.constant 16384 : i32
        %mul3A_340 = arith.muli %sub3A_337, %mul3A_339 : i32
        %mul3A_341 = arith.constant 128 : i32
        %mul3A_342 = arith.muli %add3A_338, %mul3A_341 : i32
        %add3A_343 = arith.addi %mul3A_340, %mul3A_342 : i32
        %dma_wait3A_344 = arith.constant 0 : i32
        %dma_wait3A_345 = arith.constant 0 : i32
        %dma_wait3A_346 = tpu.memref_slice %arg5[%dma_wait3A_344, %dma_wait3A_345] : memref<2x128xi32, #tpu.memory_space<vmem>> -> memref<1x128xi32, #tpu.memory_space<vmem>>
        %dma_wait3A_347 = tpu.memref_squeeze %dma_wait3A_346 : memref<1x128xi32, #tpu.memory_space<vmem>> -> memref<128xi32, #tpu.memory_space<vmem>>
        %dma_wait3A_348 = tpu.memref_slice %arg3[%add3A_343] : memref<819200xi32, #tpu.memory_space<hbm>> -> memref<128xi32, #tpu.memory_space<hbm>>
        %dma_wait3A_349 = arith.constant 0 : i32
        %dma_wait3A_350 = tpu.memref_slice %arg5[%dma_wait3A_344, %dma_wait3A_349] : memref<2x128xi32, #tpu.memory_space<vmem>> -> memref<1x128xi32, #tpu.memory_space<vmem>>
        %dma_wait3A_351 = tpu.memref_squeeze %dma_wait3A_350 : memref<1x128xi32, #tpu.memory_space<vmem>> -> memref<128xi32, #tpu.memory_space<vmem>>
        %dma_wait3A_352 = tpu.memref_slice %arg3[%add3A_343] : memref<819200xi32, #tpu.memory_space<hbm>> -> memref<128xi32, #tpu.memory_space<hbm>>
        tpu.wait_dma2 semaphore(%arg8 : memref<!tpu.dma_semaphore, #tpu.memory_space<semaphore_mem>>) src(%dma_wait3A_352 : memref<128xi32, #tpu.memory_space<hbm>>) dst(%dma_wait3A_351 : memref<128xi32, #tpu.memory_space<vmem>>)
        %dma_start3A_353 = arith.constant 0 : i32
        %dma_start3A_354 = arith.constant 0 : i32
        %dma_start3A_355 = arith.constant 0 : i32
        %dma_start3A_356 = arith.constant 0 : i32
        %dma_start3A_357 = tpu.memref_slice %arg6[%dma_start3A_354, %dma_start3A_355, %dma_start3A_356] : memref<2x128x64xf32, #tpu.memory_space<vmem>> -> memref<1x128x64xf32, #tpu.memory_space<vmem>>
        %dma_start3A_358 = tpu.memref_squeeze %dma_start3A_357 : memref<1x128x64xf32, #tpu.memory_space<vmem>> -> memref<128x64xf32, #tpu.memory_space<vmem>>
        %dma_start3A_359 = arith.constant 0 : i32
        %dma_start3A_360 = tpu.memref_slice %arg5[%dma_start3A_353, %dma_start3A_359] : memref<2x128xi32, #tpu.memory_space<vmem>> -> memref<1x128xi32, #tpu.memory_space<vmem>>
        %dma_start3A_361 = tpu.memref_squeeze %dma_start3A_360 : memref<1x128xi32, #tpu.memory_space<vmem>> -> memref<128xi32, #tpu.memory_space<vmem>>
        %dma_start3A_362 = arith.constant 0 : i32
        %dma_start3A_363 = arith.constant 0 : i32
        %dma_start3A_364 = tpu.memref_slice %arg2[%dma_start3A_362, %dma_start3A_363] : memref<1000000x64xf32, #tpu.memory_space<hbm>> -> memref<1000000x64xf32, #tpu.memory_space<hbm>>
        tpu.enqueue_indirect_dma source(%dma_start3A_364 : memref<1000000x64xf32, #tpu.memory_space<hbm>>) target(%dma_start3A_358 : memref<128x64xf32, #tpu.memory_space<vmem>>) offsets(%dma_start3A_361 : memref<128xi32, #tpu.memory_space<vmem>>) semaphore(%arg10 : memref<!tpu.dma_semaphore, #tpu.memory_space<semaphore_mem>>)
      } else {
      }
      %ge3A_237 = arith.constant 2 : i32
      %ge3A_238 = arith.cmpi sge, %add3A_210, %ge3A_237 : i32
      %convert_element_type3A_239 = arith.extui %ge3A_238 : i1 to i32
      %cond3A_240 = arith.constant 0 : i32
      %cond3A_241 = arith.cmpi ne, %convert_element_type3A_239, %cond3A_240 : i32
      scf.if %cond3A_241 {
        %sub3A_309 = arith.constant 2 : i32
        %sub3A_310 = arith.subi %add3A_210, %sub3A_309 : i32
        %jit3A_311 = arith.constant 50 : i32
        %div3A_312 = arith.divsi %sub3A_310, %jit3A_311 : i32
        %sign3A_313 = arith.constant 0 : i32
        %sign3A_314 = arith.cmpi sgt, %sub3A_310, %sign3A_313 : i32
        %sign3A_315 = arith.extui %sign3A_314 : i1 to i32
        %sign3A_316 = arith.constant 0 : i32
        %sign3A_317 = arith.cmpi slt, %sub3A_310, %sign3A_316 : i32
        %sign3A_318 = arith.extui %sign3A_317 : i1 to i32
        %sign3A_319 = arith.subi %sign3A_315, %sign3A_318 : i32
        %sign3A_320 = arith.constant 0 : i32
        %sign3A_321 = arith.cmpi sgt, %jit3A_311, %sign3A_320 : i32
        %sign3A_322 = arith.extui %sign3A_321 : i1 to i32
        %sign3A_323 = arith.constant 0 : i32
        %sign3A_324 = arith.cmpi slt, %jit3A_311, %sign3A_323 : i32
        %sign3A_325 = arith.extui %sign3A_324 : i1 to i32
        %sign3A_326 = arith.subi %sign3A_322, %sign3A_325 : i32
        %ne3A_327 = arith.cmpi ne, %sign3A_319, %sign3A_326 : i32
        %rem3A_328 = arith.remsi %sub3A_310, %jit3A_311 : i32
        %ne3A_329 = arith.constant 0 : i32
        %ne3A_330 = arith.cmpi ne, %rem3A_328, %ne3A_329 : i32
        %and3A_331 = arith.andi %ne3A_327, %ne3A_330 : i1
        %sub3A_332 = arith.constant 1 : i32
        %sub3A_333 = arith.subi %div3A_312, %sub3A_332 : i32
        %select_n3A_334 = arith.select %and3A_331, %sub3A_333, %div3A_312 : i32
        %mul3A_335 = arith.constant 50 : i32
        %mul3A_336 = arith.muli %select_n3A_334, %mul3A_335 : i32
        %sub3A_337 = arith.subi %sub3A_310, %mul3A_336 : i32
        %add3A_338 = arith.addi %mul3A_2, %select_n3A_334 : i32
        %dma_wait3A_339 = arith.constant 1 : i32
        %dma_wait3A_340 = arith.constant 0 : i32
        %dma_wait3A_341 = arith.constant 0 : i32
        %dma_wait3A_342 = arith.constant 0 : i32
        %dma_wait3A_343 = tpu.memref_slice %arg7[%dma_wait3A_339, %dma_wait3A_340, %dma_wait3A_341, %dma_wait3A_342] : memref<2x8x8x129xf32, #tpu.memory_space<vmem>> -> memref<1x8x8x128xf32, #tpu.memory_space<vmem>>
        %dma_wait3A_344 = tpu.memref_squeeze %dma_wait3A_343 : memref<1x8x8x128xf32, #tpu.memory_space<vmem>> -> memref<8x8x128xf32, #tpu.memory_space<vmem>>
        %dma_wait3A_345 = arith.constant 0 : i32
        %dma_wait3A_346 = arith.constant 0 : i32
        %dma_wait3A_347 = arith.constant 0 : i32
        %dma_wait3A_348 = tpu.memref_slice %arg4[%sub3A_337, %dma_wait3A_345, %add3A_338, %dma_wait3A_346, %dma_wait3A_347] : memref<50x8x128x8x128xf32, #tpu.memory_space<hbm>> -> memref<1x8x1x8x128xf32, #tpu.memory_space<hbm>>
        %dma_wait3A_349 = tpu.memref_squeeze %dma_wait3A_348 : memref<1x8x1x8x128xf32, #tpu.memory_space<hbm>> -> memref<8x8x128xf32, #tpu.memory_space<hbm>>
        %dma_wait3A_350 = arith.constant 0 : i32
        %dma_wait3A_351 = arith.constant 0 : i32
        %dma_wait3A_352 = arith.constant 0 : i32
        %dma_wait3A_353 = tpu.memref_slice %arg4[%sub3A_337, %dma_wait3A_350, %add3A_338, %dma_wait3A_351, %dma_wait3A_352] : memref<50x8x128x8x128xf32, #tpu.memory_space<hbm>> -> memref<1x8x1x8x128xf32, #tpu.memory_space<hbm>>
        %dma_wait3A_354 = tpu.memref_squeeze %dma_wait3A_353 : memref<1x8x1x8x128xf32, #tpu.memory_space<hbm>> -> memref<8x8x128xf32, #tpu.memory_space<hbm>>
        %dma_wait3A_355 = arith.constant 0 : i32
        %dma_wait3A_356 = arith.constant 0 : i32
        %dma_wait3A_357 = arith.constant 0 : i32
        %dma_wait3A_358 = tpu.memref_slice %arg7[%dma_wait3A_339, %dma_wait3A_355, %dma_wait3A_356, %dma_wait3A_357] : memref<2x8x8x129xf32, #tpu.memory_space<vmem>> -> memref<1x8x8x128xf32, #tpu.memory_space<vmem>>
        %dma_wait3A_359 = tpu.memref_squeeze %dma_wait3A_358 : memref<1x8x8x128xf32, #tpu.memory_space<vmem>> -> memref<8x8x128xf32, #tpu.memory_space<vmem>>
        tpu.wait_dma2 semaphore(%arg13 : memref<!tpu.dma_semaphore, #tpu.memory_space<semaphore_mem>>) src(%dma_wait3A_359 : memref<8x8x128xf32, #tpu.memory_space<vmem>>) dst(%dma_wait3A_354 : memref<8x8x128xf32, #tpu.memory_space<hbm>>)
      } else {
      }
      %add3A_242 = arith.constant 0 : i32
      %add3A_243 = vector.broadcast %add3A_242 : i32 to vector<16xi32>
      %add3A_244 = arith.addi %shift_right_logical3A_4, %add3A_243 : vector<16xi32>
      %add3A_245 = arith.constant 2 : i32
      %add3A_246 = vector.broadcast %add3A_245 : i32 to vector<16xi32>
      %add3A_247 = arith.addi %shift_right_logical3A_4, %add3A_246 : vector<16xi32>
      %add3A_248 = arith.constant 4 : i32
      %add3A_249 = vector.broadcast %add3A_248 : i32 to vector<16xi32>
      %add3A_250 = arith.addi %shift_right_logical3A_4, %add3A_249 : vector<16xi32>
      %add3A_251 = arith.constant 6 : i32
      %add3A_252 = vector.broadcast %add3A_251 : i32 to vector<16xi32>
      %add3A_253 = arith.addi %shift_right_logical3A_4, %add3A_252 : vector<16xi32>
      %scan3A_254 = arith.constant 1 : i32
      %scan3A_255 = arith.constant 0 : i32
      %scan3A_256 = arith.constant 128 : i32
      %scan3A_257 = arith.addi %scan3A_255, %scan3A_256 : i32
      %scan3A_258 = arith.constant 16 : i32
      scf.for %scan3A_309 = %scan3A_255 to %scan3A_257 step %scan3A_258  : i32 {
        %mul3A_310 = arith.constant 1 : i32
        %mul3A_311 = arith.muli %scan3A_309, %mul3A_310 : i32
        %add3A_312 = arith.constant 0 : i32
        %add3A_313 = arith.addi %add3A_312, %mul3A_311 : i32
        %add3A_314 = vector.broadcast %add3A_313 : i32 to vector<16xi32>
        %add3A_315 = arith.addi %broadcast_in_dim3A_7, %add3A_314 : vector<16xi32>
        %get3A = arith.constant 1 : i32
        %get3A_316 = arith.index_cast %get3A : i32 to index
        %get3A_317 = arith.index_cast %add3A_313 : i32 to index
        %get3A_318 = arith.constant 0 : index
        %get3A_319 = tpu.vector_load %arg6[%get3A_316, %get3A_317, %get3A_318] {strides = array<i32>} : memref<2x128x64xf32, #tpu.memory_space<vmem>>, vector<16xf32>,
        %scatter3A = arith.constant 0 : i32
        %scatter3A_320 = arith.constant 0 : i32
        %scatter3A_321 = arith.constant 0 : i32
        %scatter3A_322 = tpu.memref_slice %arg7[%scan3A_254, %scatter3A, %scatter3A_320, %scatter3A_321] : memref<2x8x8x129xf32, #tpu.memory_space<vmem>> -> memref<1x8x8x129xf32, #tpu.memory_space<vmem>>
        %scatter3A_323 = tpu.memref_squeeze %scatter3A_322 : memref<1x8x8x129xf32, #tpu.memory_space<vmem>> -> memref<8x8x129xf32, #tpu.memory_space<vmem>>
        tpu.vector_store_idx %scatter3A_323[%add3A_244, %and3A_6, %add3A_315], %get3A_319 : memref<8x8x129xf32, #tpu.memory_space<vmem>>[vector<16xi32>, vector<16xi32>, vector<16xi32>], vector<16xf32>,
        %get3A_324 = arith.constant 1 : i32
        %get3A_325 = arith.index_cast %get3A_324 : i32 to index
        %get3A_326 = arith.index_cast %add3A_313 : i32 to index
        %get3A_327 = arith.constant 16 : index
        %get3A_328 = tpu.vector_load %arg6[%get3A_325, %get3A_326, %get3A_327] {strides = array<i32>} : memref<2x128x64xf32, #tpu.memory_space<vmem>>, vector<16xf32>,
        %scatter3A_329 = arith.constant 0 : i32
        %scatter3A_330 = arith.constant 0 : i32
        %scatter3A_331 = arith.constant 0 : i32
        %scatter3A_332 = tpu.memref_slice %arg7[%scan3A_254, %scatter3A_329, %scatter3A_330, %scatter3A_331] : memref<2x8x8x129xf32, #tpu.memory_space<vmem>> -> memref<1x8x8x129xf32, #tpu.memory_space<vmem>>
        %scatter3A_333 = tpu.memref_squeeze %scatter3A_332 : memref<1x8x8x129xf32, #tpu.memory_space<vmem>> -> memref<8x8x129xf32, #tpu.memory_space<vmem>>
        tpu.vector_store_idx %scatter3A_333[%add3A_247, %and3A_6, %add3A_315], %get3A_328 : memref<8x8x129xf32, #tpu.memory_space<vmem>>[vector<16xi32>, vector<16xi32>, vector<16xi32>], vector<16xf32>,
        %get3A_334 = arith.constant 1 : i32
        %get3A_335 = arith.index_cast %get3A_334 : i32 to index
        %get3A_336 = arith.index_cast %add3A_313 : i32 to index
        %get3A_337 = arith.constant 32 : index
        %get3A_338 = tpu.vector_load %arg6[%get3A_335, %get3A_336, %get3A_337] {strides = array<i32>} : memref<2x128x64xf32, #tpu.memory_space<vmem>>, vector<16xf32>,
        %scatter3A_339 = arith.constant 0 : i32
        %scatter3A_340 = arith.constant 0 : i32
        %scatter3A_341 = arith.constant 0 : i32
        %scatter3A_342 = tpu.memref_slice %arg7[%scan3A_254, %scatter3A_339, %scatter3A_340, %scatter3A_341] : memref<2x8x8x129xf32, #tpu.memory_space<vmem>> -> memref<1x8x8x129xf32, #tpu.memory_space<vmem>>
        %scatter3A_343 = tpu.memref_squeeze %scatter3A_342 : memref<1x8x8x129xf32, #tpu.memory_space<vmem>> -> memref<8x8x129xf32, #tpu.memory_space<vmem>>
        tpu.vector_store_idx %scatter3A_343[%add3A_250, %and3A_6, %add3A_315], %get3A_338 : memref<8x8x129xf32, #tpu.memory_space<vmem>>[vector<16xi32>, vector<16xi32>, vector<16xi32>], vector<16xf32>,
        %get3A_344 = arith.constant 1 : i32
        %get3A_345 = arith.index_cast %get3A_344 : i32 to index
        %get3A_346 = arith.index_cast %add3A_313 : i32 to index
        %get3A_347 = arith.constant 48 : index
        %get3A_348 = tpu.vector_load %arg6[%get3A_345, %get3A_346, %get3A_347] {strides = array<i32>} : memref<2x128x64xf32, #tpu.memory_space<vmem>>, vector<16xf32>,
        %scatter3A_349 = arith.constant 0 : i32
        %scatter3A_350 = arith.constant 0 : i32
        %scatter3A_351 = arith.constant 0 : i32
        %scatter3A_352 = tpu.memref_slice %arg7[%scan3A_254, %scatter3A_349, %scatter3A_350, %scatter3A_351] : memref<2x8x8x129xf32, #tpu.memory_space<vmem>> -> memref<1x8x8x129xf32, #tpu.memory_space<vmem>>
        %scatter3A_353 = tpu.memref_squeeze %scatter3A_352 : memref<1x8x8x129xf32, #tpu.memory_space<vmem>> -> memref<8x8x129xf32, #tpu.memory_space<vmem>>
        tpu.vector_store_idx %scatter3A_353[%add3A_253, %and3A_6, %add3A_315], %get3A_348 : memref<8x8x129xf32, #tpu.memory_space<vmem>>[vector<16xi32>, vector<16xi32>, vector<16xi32>], vector<16xf32>,
        %scan3A_354 = arith.constant 1 : i32
        %scan3A_355 = arith.addi %scan3A_309, %scan3A_354 : i32
        %mul3A_356 = arith.constant 1 : i32
        %mul3A_357 = arith.muli %scan3A_355, %mul3A_356 : i32
        %add3A_358 = arith.constant 0 : i32
        %add3A_359 = arith.addi %add3A_358, %mul3A_357 : i32
        %add3A_360 = vector.broadcast %add3A_359 : i32 to vector<16xi32>
        %add3A_361 = arith.addi %broadcast_in_dim3A_7, %add3A_360 : vector<16xi32>
        %get3A_362 = arith.constant 1 : i32
        %get3A_363 = arith.index_cast %get3A_362 : i32 to index
        %get3A_364 = arith.index_cast %add3A_359 : i32 to index
        %get3A_365 = arith.constant 0 : index
        %get3A_366 = tpu.vector_load %arg6[%get3A_363, %get3A_364, %get3A_365] {strides = array<i32>} : memref<2x128x64xf32, #tpu.memory_space<vmem>>, vector<16xf32>,
        %scatter3A_367 = arith.constant 0 : i32
        %scatter3A_368 = arith.constant 0 : i32
        %scatter3A_369 = arith.constant 0 : i32
        %scatter3A_370 = tpu.memref_slice %arg7[%scan3A_254, %scatter3A_367, %scatter3A_368, %scatter3A_369] : memref<2x8x8x129xf32, #tpu.memory_space<vmem>> -> memref<1x8x8x129xf32, #tpu.memory_space<vmem>>
        %scatter3A_371 = tpu.memref_squeeze %scatter3A_370 : memref<1x8x8x129xf32, #tpu.memory_space<vmem>> -> memref<8x8x129xf32, #tpu.memory_space<vmem>>
        tpu.vector_store_idx %scatter3A_371[%add3A_244, %and3A_6, %add3A_361], %get3A_366 : memref<8x8x129xf32, #tpu.memory_space<vmem>>[vector<16xi32>, vector<16xi32>, vector<16xi32>], vector<16xf32>,
        %get3A_372 = arith.constant 1 : i32
        %get3A_373 = arith.index_cast %get3A_372 : i32 to index
        %get3A_374 = arith.index_cast %add3A_359 : i32 to index
        %get3A_375 = arith.constant 16 : index
        %get3A_376 = tpu.vector_load %arg6[%get3A_373, %get3A_374, %get3A_375] {strides = array<i32>} : memref<2x128x64xf32, #tpu.memory_space<vmem>>, vector<16xf32>,
        %scatter3A_377 = arith.constant 0 : i32
        %scatter3A_378 = arith.constant 0 : i32
        %scatter3A_379 = arith.constant 0 : i32
        %scatter3A_380 = tpu.memref_slice %arg7[%scan3A_254, %scatter3A_377, %scatter3A_378, %scatter3A_379] : memref<2x8x8x129xf32, #tpu.memory_space<vmem>> -> memref<1x8x8x129xf32, #tpu.memory_space<vmem>>
        %scatter3A_381 = tpu.memref_squeeze %scatter3A_380 : memref<1x8x8x129xf32, #tpu.memory_space<vmem>> -> memref<8x8x129xf32, #tpu.memory_space<vmem>>
        tpu.vector_store_idx %scatter3A_381[%add3A_247, %and3A_6, %add3A_361], %get3A_376 : memref<8x8x129xf32, #tpu.memory_space<vmem>>[vector<16xi32>, vector<16xi32>, vector<16xi32>], vector<16xf32>,
        %get3A_382 = arith.constant 1 : i32
        %get3A_383 = arith.index_cast %get3A_382 : i32 to index
        %get3A_384 = arith.index_cast %add3A_359 : i32 to index
        %get3A_385 = arith.constant 32 : index
        %get3A_386 = tpu.vector_load %arg6[%get3A_383, %get3A_384, %get3A_385] {strides = array<i32>} : memref<2x128x64xf32, #tpu.memory_space<vmem>>, vector<16xf32>,
        %scatter3A_387 = arith.constant 0 : i32
        %scatter3A_388 = arith.constant 0 : i32
        %scatter3A_389 = arith.constant 0 : i32
        %scatter3A_390 = tpu.memref_slice %arg7[%scan3A_254, %scatter3A_387, %scatter3A_388, %scatter3A_389] : memref<2x8x8x129xf32, #tpu.memory_space<vmem>> -> memref<1x8x8x129xf32, #tpu.memory_space<vmem>>
        %scatter3A_391 = tpu.memref_squeeze %scatter3A_390 : memref<1x8x8x129xf32, #tpu.memory_space<vmem>> -> memref<8x8x129xf32, #tpu.memory_space<vmem>>
        tpu.vector_store_idx %scatter3A_391[%add3A_250, %and3A_6, %add3A_361], %get3A_386 : memref<8x8x129xf32, #tpu.memory_space<vmem>>[vector<16xi32>, vector<16xi32>, vector<16xi32>], vector<16xf32>,
        %get3A_392 = arith.constant 1 : i32
        %get3A_393 = arith.index_cast %get3A_392 : i32 to index
        %get3A_394 = arith.index_cast %add3A_359 : i32 to index
        %get3A_395 = arith.constant 48 : index
        %get3A_396 = tpu.vector_load %arg6[%get3A_393, %get3A_394, %get3A_395] {strides = array<i32>} : memref<2x128x64xf32, #tpu.memory_space<vmem>>, vector<16xf32>,
        %scatter3A_397 = arith.constant 0 : i32
        %scatter3A_398 = arith.constant 0 : i32
        %scatter3A_399 = arith.constant 0 : i32
        %scatter3A_400 = tpu.memref_slice %arg7[%scan3A_254, %scatter3A_397, %scatter3A_398, %scatter3A_399] : memref<2x8x8x129xf32, #tpu.memory_space<vmem>> -> memref<1x8x8x129xf32, #tpu.memory_space<vmem>>
        %scatter3A_401 = tpu.memref_squeeze %scatter3A_400 : memref<1x8x8x129xf32, #tpu.memory_space<vmem>> -> memref<8x8x129xf32, #tpu.memory_space<vmem>>
        tpu.vector_store_idx %scatter3A_401[%add3A_253, %and3A_6, %add3A_361], %get3A_396 : memref<8x8x129xf32, #tpu.memory_space<vmem>>[vector<16xi32>, vector<16xi32>, vector<16xi32>], vector<16xf32>,
        %scan3A_402 = arith.constant 2 : i32
        %scan3A_403 = arith.addi %scan3A_309, %scan3A_402 : i32
        %mul3A_404 = arith.constant 1 : i32
        %mul3A_405 = arith.muli %scan3A_403, %mul3A_404 : i32
        %add3A_406 = arith.constant 0 : i32
        %add3A_407 = arith.addi %add3A_406, %mul3A_405 : i32
        %add3A_408 = vector.broadcast %add3A_407 : i32 to vector<16xi32>
        %add3A_409 = arith.addi %broadcast_in_dim3A_7, %add3A_408 : vector<16xi32>
        %get3A_410 = arith.constant 1 : i32
        %get3A_411 = arith.index_cast %get3A_410 : i32 to index
        %get3A_412 = arith.index_cast %add3A_407 : i32 to index
        %get3A_413 = arith.constant 0 : index
        %get3A_414 = tpu.vector_load %arg6[%get3A_411, %get3A_412, %get3A_413] {strides = array<i32>} : memref<2x128x64xf32, #tpu.memory_space<vmem>>, vector<16xf32>,
        %scatter3A_415 = arith.constant 0 : i32
        %scatter3A_416 = arith.constant 0 : i32
        %scatter3A_417 = arith.constant 0 : i32
        %scatter3A_418 = tpu.memref_slice %arg7[%scan3A_254, %scatter3A_415, %scatter3A_416, %scatter3A_417] : memref<2x8x8x129xf32, #tpu.memory_space<vmem>> -> memref<1x8x8x129xf32, #tpu.memory_space<vmem>>
        %scatter3A_419 = tpu.memref_squeeze %scatter3A_418 : memref<1x8x8x129xf32, #tpu.memory_space<vmem>> -> memref<8x8x129xf32, #tpu.memory_space<vmem>>
        tpu.vector_store_idx %scatter3A_419[%add3A_244, %and3A_6, %add3A_409], %get3A_414 : memref<8x8x129xf32, #tpu.memory_space<vmem>>[vector<16xi32>, vector<16xi32>, vector<16xi32>], vector<16xf32>,
        %get3A_420 = arith.constant 1 : i32
        %get3A_421 = arith.index_cast %get3A_420 : i32 to index
        %get3A_422 = arith.index_cast %add3A_407 : i32 to index
        %get3A_423 = arith.constant 16 : index
        %get3A_424 = tpu.vector_load %arg6[%get3A_421, %get3A_422, %get3A_423] {strides = array<i32>} : memref<2x128x64xf32, #tpu.memory_space<vmem>>, vector<16xf32>,
        %scatter3A_425 = arith.constant 0 : i32
        %scatter3A_426 = arith.constant 0 : i32
        %scatter3A_427 = arith.constant 0 : i32
        %scatter3A_428 = tpu.memref_slice %arg7[%scan3A_254, %scatter3A_425, %scatter3A_426, %scatter3A_427] : memref<2x8x8x129xf32, #tpu.memory_space<vmem>> -> memref<1x8x8x129xf32, #tpu.memory_space<vmem>>
        %scatter3A_429 = tpu.memref_squeeze %scatter3A_428 : memref<1x8x8x129xf32, #tpu.memory_space<vmem>> -> memref<8x8x129xf32, #tpu.memory_space<vmem>>
        tpu.vector_store_idx %scatter3A_429[%add3A_247, %and3A_6, %add3A_409], %get3A_424 : memref<8x8x129xf32, #tpu.memory_space<vmem>>[vector<16xi32>, vector<16xi32>, vector<16xi32>], vector<16xf32>,
        %get3A_430 = arith.constant 1 : i32
        %get3A_431 = arith.index_cast %get3A_430 : i32 to index
        %get3A_432 = arith.index_cast %add3A_407 : i32 to index
        %get3A_433 = arith.constant 32 : index
        %get3A_434 = tpu.vector_load %arg6[%get3A_431, %get3A_432, %get3A_433] {strides = array<i32>} : memref<2x128x64xf32, #tpu.memory_space<vmem>>, vector<16xf32>,
        %scatter3A_435 = arith.constant 0 : i32
        %scatter3A_436 = arith.constant 0 : i32
        %scatter3A_437 = arith.constant 0 : i32
        %scatter3A_438 = tpu.memref_slice %arg7[%scan3A_254, %scatter3A_435, %scatter3A_436, %scatter3A_437] : memref<2x8x8x129xf32, #tpu.memory_space<vmem>> -> memref<1x8x8x129xf32, #tpu.memory_space<vmem>>
        %scatter3A_439 = tpu.memref_squeeze %scatter3A_438 : memref<1x8x8x129xf32, #tpu.memory_space<vmem>> -> memref<8x8x129xf32, #tpu.memory_space<vmem>>
        tpu.vector_store_idx %scatter3A_439[%add3A_250, %and3A_6, %add3A_409], %get3A_434 : memref<8x8x129xf32, #tpu.memory_space<vmem>>[vector<16xi32>, vector<16xi32>, vector<16xi32>], vector<16xf32>,
        %get3A_440 = arith.constant 1 : i32
        %get3A_441 = arith.index_cast %get3A_440 : i32 to index
        %get3A_442 = arith.index_cast %add3A_407 : i32 to index
        %get3A_443 = arith.constant 48 : index
        %get3A_444 = tpu.vector_load %arg6[%get3A_441, %get3A_442, %get3A_443] {strides = array<i32>} : memref<2x128x64xf32, #tpu.memory_space<vmem>>, vector<16xf32>,
        %scatter3A_445 = arith.constant 0 : i32
        %scatter3A_446 = arith.constant 0 : i32
        %scatter3A_447 = arith.constant 0 : i32
        %scatter3A_448 = tpu.memref_slice %arg7[%scan3A_254, %scatter3A_445, %scatter3A_446, %scatter3A_447] : memref<2x8x8x129xf32, #tpu.memory_space<vmem>> -> memref<1x8x8x129xf32, #tpu.memory_space<vmem>>
        %scatter3A_449 = tpu.memref_squeeze %scatter3A_448 : memref<1x8x8x129xf32, #tpu.memory_space<vmem>> -> memref<8x8x129xf32, #tpu.memory_space<vmem>>
        tpu.vector_store_idx %scatter3A_449[%add3A_253, %and3A_6, %add3A_409], %get3A_444 : memref<8x8x129xf32, #tpu.memory_space<vmem>>[vector<16xi32>, vector<16xi32>, vector<16xi32>], vector<16xf32>,
        %scan3A_450 = arith.constant 3 : i32
        %scan3A_451 = arith.addi %scan3A_309, %scan3A_450 : i32
        %mul3A_452 = arith.constant 1 : i32
        %mul3A_453 = arith.muli %scan3A_451, %mul3A_452 : i32
        %add3A_454 = arith.constant 0 : i32
        %add3A_455 = arith.addi %add3A_454, %mul3A_453 : i32
        %add3A_456 = vector.broadcast %add3A_455 : i32 to vector<16xi32>
        %add3A_457 = arith.addi %broadcast_in_dim3A_7, %add3A_456 : vector<16xi32>
        %get3A_458 = arith.constant 1 : i32
        %get3A_459 = arith.index_cast %get3A_458 : i32 to index
        %get3A_460 = arith.index_cast %add3A_455 : i32 to index
        %get3A_461 = arith.constant 0 : index
        %get3A_462 = tpu.vector_load %arg6[%get3A_459, %get3A_460, %get3A_461] {strides = array<i32>} : memref<2x128x64xf32, #tpu.memory_space<vmem>>, vector<16xf32>,
        %scatter3A_463 = arith.constant 0 : i32
        %scatter3A_464 = arith.constant 0 : i32
        %scatter3A_465 = arith.constant 0 : i32
        %scatter3A_466 = tpu.memref_slice %arg7[%scan3A_254, %scatter3A_463, %scatter3A_464, %scatter3A_465] : memref<2x8x8x129xf32, #tpu.memory_space<vmem>> -> memref<1x8x8x129xf32, #tpu.memory_space<vmem>>
        %scatter3A_467 = tpu.memref_squeeze %scatter3A_466 : memref<1x8x8x129xf32, #tpu.memory_space<vmem>> -> memref<8x8x129xf32, #tpu.memory_space<vmem>>
        tpu.vector_store_idx %scatter3A_467[%add3A_244, %and3A_6, %add3A_457], %get3A_462 : memref<8x8x129xf32, #tpu.memory_space<vmem>>[vector<16xi32>, vector<16xi32>, vector<16xi32>], vector<16xf32>,
        %get3A_468 = arith.constant 1 : i32
        %get3A_469 = arith.index_cast %get3A_468 : i32 to index
        %get3A_470 = arith.index_cast %add3A_455 : i32 to index
        %get3A_471 = arith.constant 16 : index
        %get3A_472 = tpu.vector_load %arg6[%get3A_469, %get3A_470, %get3A_471] {strides = array<i32>} : memref<2x128x64xf32, #tpu.memory_space<vmem>>, vector<16xf32>,
        %scatter3A_473 = arith.constant 0 : i32
        %scatter3A_474 = arith.constant 0 : i32
        %scatter3A_475 = arith.constant 0 : i32
        %scatter3A_476 = tpu.memref_slice %arg7[%scan3A_254, %scatter3A_473, %scatter3A_474, %scatter3A_475] : memref<2x8x8x129xf32, #tpu.memory_space<vmem>> -> memref<1x8x8x129xf32, #tpu.memory_space<vmem>>
        %scatter3A_477 = tpu.memref_squeeze %scatter3A_476 : memref<1x8x8x129xf32, #tpu.memory_space<vmem>> -> memref<8x8x129xf32, #tpu.memory_space<vmem>>
        tpu.vector_store_idx %scatter3A_477[%add3A_247, %and3A_6, %add3A_457], %get3A_472 : memref<8x8x129xf32, #tpu.memory_space<vmem>>[vector<16xi32>, vector<16xi32>, vector<16xi32>], vector<16xf32>,
        %get3A_478 = arith.constant 1 : i32
        %get3A_479 = arith.index_cast %get3A_478 : i32 to index
        %get3A_480 = arith.index_cast %add3A_455 : i32 to index
        %get3A_481 = arith.constant 32 : index
        %get3A_482 = tpu.vector_load %arg6[%get3A_479, %get3A_480, %get3A_481] {strides = array<i32>} : memref<2x128x64xf32, #tpu.memory_space<vmem>>, vector<16xf32>,
        %scatter3A_483 = arith.constant 0 : i32
        %scatter3A_484 = arith.constant 0 : i32
        %scatter3A_485 = arith.constant 0 : i32
        %scatter3A_486 = tpu.memref_slice %arg7[%scan3A_254, %scatter3A_483, %scatter3A_484, %scatter3A_485] : memref<2x8x8x129xf32, #tpu.memory_space<vmem>> -> memref<1x8x8x129xf32, #tpu.memory_space<vmem>>
        %scatter3A_487 = tpu.memref_squeeze %scatter3A_486 : memref<1x8x8x129xf32, #tpu.memory_space<vmem>> -> memref<8x8x129xf32, #tpu.memory_space<vmem>>
        tpu.vector_store_idx %scatter3A_487[%add3A_250, %and3A_6, %add3A_457], %get3A_482 : memref<8x8x129xf32, #tpu.memory_space<vmem>>[vector<16xi32>, vector<16xi32>, vector<16xi32>], vector<16xf32>,
        %get3A_488 = arith.constant 1 : i32
        %get3A_489 = arith.index_cast %get3A_488 : i32 to index
        %get3A_490 = arith.index_cast %add3A_455 : i32 to index
        %get3A_491 = arith.constant 48 : index
        %get3A_492 = tpu.vector_load %arg6[%get3A_489, %get3A_490, %get3A_491] {strides = array<i32>} : memref<2x128x64xf32, #tpu.memory_space<vmem>>, vector<16xf32>,
        %scatter3A_493 = arith.constant 0 : i32
        %scatter3A_494 = arith.constant 0 : i32
        %scatter3A_495 = arith.constant 0 : i32
        %scatter3A_496 = tpu.memref_slice %arg7[%scan3A_254, %scatter3A_493, %scatter3A_494, %scatter3A_495] : memref<2x8x8x129xf32, #tpu.memory_space<vmem>> -> memref<1x8x8x129xf32, #tpu.memory_space<vmem>>
        %scatter3A_497 = tpu.memref_squeeze %scatter3A_496 : memref<1x8x8x129xf32, #tpu.memory_space<vmem>> -> memref<8x8x129xf32, #tpu.memory_space<vmem>>
        tpu.vector_store_idx %scatter3A_497[%add3A_253, %and3A_6, %add3A_457], %get3A_492 : memref<8x8x129xf32, #tpu.memory_space<vmem>>[vector<16xi32>, vector<16xi32>, vector<16xi32>], vector<16xf32>,
        %scan3A_498 = arith.constant 4 : i32
        %scan3A_499 = arith.addi %scan3A_309, %scan3A_498 : i32
        %mul3A_500 = arith.constant 1 : i32
        %mul3A_501 = arith.muli %scan3A_499, %mul3A_500 : i32
        %add3A_502 = arith.constant 0 : i32
        %add3A_503 = arith.addi %add3A_502, %mul3A_501 : i32
        %add3A_504 = vector.broadcast %add3A_503 : i32 to vector<16xi32>
        %add3A_505 = arith.addi %broadcast_in_dim3A_7, %add3A_504 : vector<16xi32>
        %get3A_506 = arith.constant 1 : i32
        %get3A_507 = arith.index_cast %get3A_506 : i32 to index
        %get3A_508 = arith.index_cast %add3A_503 : i32 to index
        %get3A_509 = arith.constant 0 : index
        %get3A_510 = tpu.vector_load %arg6[%get3A_507, %get3A_508, %get3A_509] {strides = array<i32>} : memref<2x128x64xf32, #tpu.memory_space<vmem>>, vector<16xf32>,
        %scatter3A_511 = arith.constant 0 : i32
        %scatter3A_512 = arith.constant 0 : i32
        %scatter3A_513 = arith.constant 0 : i32
        %scatter3A_514 = tpu.memref_slice %arg7[%scan3A_254, %scatter3A_511, %scatter3A_512, %scatter3A_513] : memref<2x8x8x129xf32, #tpu.memory_space<vmem>> -> memref<1x8x8x129xf32, #tpu.memory_space<vmem>>
        %scatter3A_515 = tpu.memref_squeeze %scatter3A_514 : memref<1x8x8x129xf32, #tpu.memory_space<vmem>> -> memref<8x8x129xf32, #tpu.memory_space<vmem>>
        tpu.vector_store_idx %scatter3A_515[%add3A_244, %and3A_6, %add3A_505], %get3A_510 : memref<8x8x129xf32, #tpu.memory_space<vmem>>[vector<16xi32>, vector<16xi32>, vector<16xi32>], vector<16xf32>,
        %get3A_516 = arith.constant 1 : i32
        %get3A_517 = arith.index_cast %get3A_516 : i32 to index
        %get3A_518 = arith.index_cast %add3A_503 : i32 to index
        %get3A_519 = arith.constant 16 : index
        %get3A_520 = tpu.vector_load %arg6[%get3A_517, %get3A_518, %get3A_519] {strides = array<i32>} : memref<2x128x64xf32, #tpu.memory_space<vmem>>, vector<16xf32>,
        %scatter3A_521 = arith.constant 0 : i32
        %scatter3A_522 = arith.constant 0 : i32
        %scatter3A_523 = arith.constant 0 : i32
        %scatter3A_524 = tpu.memref_slice %arg7[%scan3A_254, %scatter3A_521, %scatter3A_522, %scatter3A_523] : memref<2x8x8x129xf32, #tpu.memory_space<vmem>> -> memref<1x8x8x129xf32, #tpu.memory_space<vmem>>
        %scatter3A_525 = tpu.memref_squeeze %scatter3A_524 : memref<1x8x8x129xf32, #tpu.memory_space<vmem>> -> memref<8x8x129xf32, #tpu.memory_space<vmem>>
        tpu.vector_store_idx %scatter3A_525[%add3A_247, %and3A_6, %add3A_505], %get3A_520 : memref<8x8x129xf32, #tpu.memory_space<vmem>>[vector<16xi32>, vector<16xi32>, vector<16xi32>], vector<16xf32>,
        %get3A_526 = arith.constant 1 : i32
        %get3A_527 = arith.index_cast %get3A_526 : i32 to index
        %get3A_528 = arith.index_cast %add3A_503 : i32 to index
        %get3A_529 = arith.constant 32 : index
        %get3A_530 = tpu.vector_load %arg6[%get3A_527, %get3A_528, %get3A_529] {strides = array<i32>} : memref<2x128x64xf32, #tpu.memory_space<vmem>>, vector<16xf32>,
        %scatter3A_531 = arith.constant 0 : i32
        %scatter3A_532 = arith.constant 0 : i32
        %scatter3A_533 = arith.constant 0 : i32
        %scatter3A_534 = tpu.memref_slice %arg7[%scan3A_254, %scatter3A_531, %scatter3A_532, %scatter3A_533] : memref<2x8x8x129xf32, #tpu.memory_space<vmem>> -> memref<1x8x8x129xf32, #tpu.memory_space<vmem>>
        %scatter3A_535 = tpu.memref_squeeze %scatter3A_534 : memref<1x8x8x129xf32, #tpu.memory_space<vmem>> -> memref<8x8x129xf32, #tpu.memory_space<vmem>>
        tpu.vector_store_idx %scatter3A_535[%add3A_250, %and3A_6, %add3A_505], %get3A_530 : memref<8x8x129xf32, #tpu.memory_space<vmem>>[vector<16xi32>, vector<16xi32>, vector<16xi32>], vector<16xf32>,
        %get3A_536 = arith.constant 1 : i32
        %get3A_537 = arith.index_cast %get3A_536 : i32 to index
        %get3A_538 = arith.index_cast %add3A_503 : i32 to index
        %get3A_539 = arith.constant 48 : index
        %get3A_540 = tpu.vector_load %arg6[%get3A_537, %get3A_538, %get3A_539] {strides = array<i32>} : memref<2x128x64xf32, #tpu.memory_space<vmem>>, vector<16xf32>,
        %scatter3A_541 = arith.constant 0 : i32
        %scatter3A_542 = arith.constant 0 : i32
        %scatter3A_543 = arith.constant 0 : i32
        %scatter3A_544 = tpu.memref_slice %arg7[%scan3A_254, %scatter3A_541, %scatter3A_542, %scatter3A_543] : memref<2x8x8x129xf32, #tpu.memory_space<vmem>> -> memref<1x8x8x129xf32, #tpu.memory_space<vmem>>
        %scatter3A_545 = tpu.memref_squeeze %scatter3A_544 : memref<1x8x8x129xf32, #tpu.memory_space<vmem>> -> memref<8x8x129xf32, #tpu.memory_space<vmem>>
        tpu.vector_store_idx %scatter3A_545[%add3A_253, %and3A_6, %add3A_505], %get3A_540 : memref<8x8x129xf32, #tpu.memory_space<vmem>>[vector<16xi32>, vector<16xi32>, vector<16xi32>], vector<16xf32>,
        %scan3A_546 = arith.constant 5 : i32
        %scan3A_547 = arith.addi %scan3A_309, %scan3A_546 : i32
        %mul3A_548 = arith.constant 1 : i32
        %mul3A_549 = arith.muli %scan3A_547, %mul3A_548 : i32
        %add3A_550 = arith.constant 0 : i32
        %add3A_551 = arith.addi %add3A_550, %mul3A_549 : i32
        %add3A_552 = vector.broadcast %add3A_551 : i32 to vector<16xi32>
        %add3A_553 = arith.addi %broadcast_in_dim3A_7, %add3A_552 : vector<16xi32>
        %get3A_554 = arith.constant 1 : i32
        %get3A_555 = arith.index_cast %get3A_554 : i32 to index
        %get3A_556 = arith.index_cast %add3A_551 : i32 to index
        %get3A_557 = arith.constant 0 : index
        %get3A_558 = tpu.vector_load %arg6[%get3A_555, %get3A_556, %get3A_557] {strides = array<i32>} : memref<2x128x64xf32, #tpu.memory_space<vmem>>, vector<16xf32>,
        %scatter3A_559 = arith.constant 0 : i32
        %scatter3A_560 = arith.constant 0 : i32
        %scatter3A_561 = arith.constant 0 : i32
        %scatter3A_562 = tpu.memref_slice %arg7[%scan3A_254, %scatter3A_559, %scatter3A_560, %scatter3A_561] : memref<2x8x8x129xf32, #tpu.memory_space<vmem>> -> memref<1x8x8x129xf32, #tpu.memory_space<vmem>>
        %scatter3A_563 = tpu.memref_squeeze %scatter3A_562 : memref<1x8x8x129xf32, #tpu.memory_space<vmem>> -> memref<8x8x129xf32, #tpu.memory_space<vmem>>
        tpu.vector_store_idx %scatter3A_563[%add3A_244, %and3A_6, %add3A_553], %get3A_558 : memref<8x8x129xf32, #tpu.memory_space<vmem>>[vector<16xi32>, vector<16xi32>, vector<16xi32>], vector<16xf32>,
        %get3A_564 = arith.constant 1 : i32
        %get3A_565 = arith.index_cast %get3A_564 : i32 to index
        %get3A_566 = arith.index_cast %add3A_551 : i32 to index
        %get3A_567 = arith.constant 16 : index
        %get3A_568 = tpu.vector_load %arg6[%get3A_565, %get3A_566, %get3A_567] {strides = array<i32>} : memref<2x128x64xf32, #tpu.memory_space<vmem>>, vector<16xf32>,
        %scatter3A_569 = arith.constant 0 : i32
        %scatter3A_570 = arith.constant 0 : i32
        %scatter3A_571 = arith.constant 0 : i32
        %scatter3A_572 = tpu.memref_slice %arg7[%scan3A_254, %scatter3A_569, %scatter3A_570, %scatter3A_571] : memref<2x8x8x129xf32, #tpu.memory_space<vmem>> -> memref<1x8x8x129xf32, #tpu.memory_space<vmem>>
        %scatter3A_573 = tpu.memref_squeeze %scatter3A_572 : memref<1x8x8x129xf32, #tpu.memory_space<vmem>> -> memref<8x8x129xf32, #tpu.memory_space<vmem>>
        tpu.vector_store_idx %scatter3A_573[%add3A_247, %and3A_6, %add3A_553], %get3A_568 : memref<8x8x129xf32, #tpu.memory_space<vmem>>[vector<16xi32>, vector<16xi32>, vector<16xi32>], vector<16xf32>,
        %get3A_574 = arith.constant 1 : i32
        %get3A_575 = arith.index_cast %get3A_574 : i32 to index
        %get3A_576 = arith.index_cast %add3A_551 : i32 to index
        %get3A_577 = arith.constant 32 : index
        %get3A_578 = tpu.vector_load %arg6[%get3A_575, %get3A_576, %get3A_577] {strides = array<i32>} : memref<2x128x64xf32, #tpu.memory_space<vmem>>, vector<16xf32>,
        %scatter3A_579 = arith.constant 0 : i32
        %scatter3A_580 = arith.constant 0 : i32
        %scatter3A_581 = arith.constant 0 : i32
        %scatter3A_582 = tpu.memref_slice %arg7[%scan3A_254, %scatter3A_579, %scatter3A_580, %scatter3A_581] : memref<2x8x8x129xf32, #tpu.memory_space<vmem>> -> memref<1x8x8x129xf32, #tpu.memory_space<vmem>>
        %scatter3A_583 = tpu.memref_squeeze %scatter3A_582 : memref<1x8x8x129xf32, #tpu.memory_space<vmem>> -> memref<8x8x129xf32, #tpu.memory_space<vmem>>
        tpu.vector_store_idx %scatter3A_583[%add3A_250, %and3A_6, %add3A_553], %get3A_578 : memref<8x8x129xf32, #tpu.memory_space<vmem>>[vector<16xi32>, vector<16xi32>, vector<16xi32>], vector<16xf32>,
        %get3A_584 = arith.constant 1 : i32
        %get3A_585 = arith.index_cast %get3A_584 : i32 to index
        %get3A_586 = arith.index_cast %add3A_551 : i32 to index
        %get3A_587 = arith.constant 48 : index
        %get3A_588 = tpu.vector_load %arg6[%get3A_585, %get3A_586, %get3A_587] {strides = array<i32>} : memref<2x128x64xf32, #tpu.memory_space<vmem>>, vector<16xf32>,
        %scatter3A_589 = arith.constant 0 : i32
        %scatter3A_590 = arith.constant 0 : i32
        %scatter3A_591 = arith.constant 0 : i32
        %scatter3A_592 = tpu.memref_slice %arg7[%scan3A_254, %scatter3A_589, %scatter3A_590, %scatter3A_591] : memref<2x8x8x129xf32, #tpu.memory_space<vmem>> -> memref<1x8x8x129xf32, #tpu.memory_space<vmem>>
        %scatter3A_593 = tpu.memref_squeeze %scatter3A_592 : memref<1x8x8x129xf32, #tpu.memory_space<vmem>> -> memref<8x8x129xf32, #tpu.memory_space<vmem>>
        tpu.vector_store_idx %scatter3A_593[%add3A_253, %and3A_6, %add3A_553], %get3A_588 : memref<8x8x129xf32, #tpu.memory_space<vmem>>[vector<16xi32>, vector<16xi32>, vector<16xi32>], vector<16xf32>,
        %scan3A_594 = arith.constant 6 : i32
        %scan3A_595 = arith.addi %scan3A_309, %scan3A_594 : i32
        %mul3A_596 = arith.constant 1 : i32
        %mul3A_597 = arith.muli %scan3A_595, %mul3A_596 : i32
        %add3A_598 = arith.constant 0 : i32
        %add3A_599 = arith.addi %add3A_598, %mul3A_597 : i32
        %add3A_600 = vector.broadcast %add3A_599 : i32 to vector<16xi32>
        %add3A_601 = arith.addi %broadcast_in_dim3A_7, %add3A_600 : vector<16xi32>
        %get3A_602 = arith.constant 1 : i32
        %get3A_603 = arith.index_cast %get3A_602 : i32 to index
        %get3A_604 = arith.index_cast %add3A_599 : i32 to index
        %get3A_605 = arith.constant 0 : index
        %get3A_606 = tpu.vector_load %arg6[%get3A_603, %get3A_604, %get3A_605] {strides = array<i32>} : memref<2x128x64xf32, #tpu.memory_space<vmem>>, vector<16xf32>,
        %scatter3A_607 = arith.constant 0 : i32
        %scatter3A_608 = arith.constant 0 : i32
        %scatter3A_609 = arith.constant 0 : i32
        %scatter3A_610 = tpu.memref_slice %arg7[%scan3A_254, %scatter3A_607, %scatter3A_608, %scatter3A_609] : memref<2x8x8x129xf32, #tpu.memory_space<vmem>> -> memref<1x8x8x129xf32, #tpu.memory_space<vmem>>
        %scatter3A_611 = tpu.memref_squeeze %scatter3A_610 : memref<1x8x8x129xf32, #tpu.memory_space<vmem>> -> memref<8x8x129xf32, #tpu.memory_space<vmem>>
        tpu.vector_store_idx %scatter3A_611[%add3A_244, %and3A_6, %add3A_601], %get3A_606 : memref<8x8x129xf32, #tpu.memory_space<vmem>>[vector<16xi32>, vector<16xi32>, vector<16xi32>], vector<16xf32>,
        %get3A_612 = arith.constant 1 : i32
        %get3A_613 = arith.index_cast %get3A_612 : i32 to index
        %get3A_614 = arith.index_cast %add3A_599 : i32 to index
        %get3A_615 = arith.constant 16 : index
        %get3A_616 = tpu.vector_load %arg6[%get3A_613, %get3A_614, %get3A_615] {strides = array<i32>} : memref<2x128x64xf32, #tpu.memory_space<vmem>>, vector<16xf32>,
        %scatter3A_617 = arith.constant 0 : i32
        %scatter3A_618 = arith.constant 0 : i32
        %scatter3A_619 = arith.constant 0 : i32
        %scatter3A_620 = tpu.memref_slice %arg7[%scan3A_254, %scatter3A_617, %scatter3A_618, %scatter3A_619] : memref<2x8x8x129xf32, #tpu.memory_space<vmem>> -> memref<1x8x8x129xf32, #tpu.memory_space<vmem>>
        %scatter3A_621 = tpu.memref_squeeze %scatter3A_620 : memref<1x8x8x129xf32, #tpu.memory_space<vmem>> -> memref<8x8x129xf32, #tpu.memory_space<vmem>>
        tpu.vector_store_idx %scatter3A_621[%add3A_247, %and3A_6, %add3A_601], %get3A_616 : memref<8x8x129xf32, #tpu.memory_space<vmem>>[vector<16xi32>, vector<16xi32>, vector<16xi32>], vector<16xf32>,
        %get3A_622 = arith.constant 1 : i32
        %get3A_623 = arith.index_cast %get3A_622 : i32 to index
        %get3A_624 = arith.index_cast %add3A_599 : i32 to index
        %get3A_625 = arith.constant 32 : index
        %get3A_626 = tpu.vector_load %arg6[%get3A_623, %get3A_624, %get3A_625] {strides = array<i32>} : memref<2x128x64xf32, #tpu.memory_space<vmem>>, vector<16xf32>,
        %scatter3A_627 = arith.constant 0 : i32
        %scatter3A_628 = arith.constant 0 : i32
        %scatter3A_629 = arith.constant 0 : i32
        %scatter3A_630 = tpu.memref_slice %arg7[%scan3A_254, %scatter3A_627, %scatter3A_628, %scatter3A_629] : memref<2x8x8x129xf32, #tpu.memory_space<vmem>> -> memref<1x8x8x129xf32, #tpu.memory_space<vmem>>
        %scatter3A_631 = tpu.memref_squeeze %scatter3A_630 : memref<1x8x8x129xf32, #tpu.memory_space<vmem>> -> memref<8x8x129xf32, #tpu.memory_space<vmem>>
        tpu.vector_store_idx %scatter3A_631[%add3A_250, %and3A_6, %add3A_601], %get3A_626 : memref<8x8x129xf32, #tpu.memory_space<vmem>>[vector<16xi32>, vector<16xi32>, vector<16xi32>], vector<16xf32>,
        %get3A_632 = arith.constant 1 : i32
        %get3A_633 = arith.index_cast %get3A_632 : i32 to index
        %get3A_634 = arith.index_cast %add3A_599 : i32 to index
        %get3A_635 = arith.constant 48 : index
        %get3A_636 = tpu.vector_load %arg6[%get3A_633, %get3A_634, %get3A_635] {strides = array<i32>} : memref<2x128x64xf32, #tpu.memory_space<vmem>>, vector<16xf32>,
        %scatter3A_637 = arith.constant 0 : i32
        %scatter3A_638 = arith.constant 0 : i32
        %scatter3A_639 = arith.constant 0 : i32
        %scatter3A_640 = tpu.memref_slice %arg7[%scan3A_254, %scatter3A_637, %scatter3A_638, %scatter3A_639] : memref<2x8x8x129xf32, #tpu.memory_space<vmem>> -> memref<1x8x8x129xf32, #tpu.memory_space<vmem>>
        %scatter3A_641 = tpu.memref_squeeze %scatter3A_640 : memref<1x8x8x129xf32, #tpu.memory_space<vmem>> -> memref<8x8x129xf32, #tpu.memory_space<vmem>>
        tpu.vector_store_idx %scatter3A_641[%add3A_253, %and3A_6, %add3A_601], %get3A_636 : memref<8x8x129xf32, #tpu.memory_space<vmem>>[vector<16xi32>, vector<16xi32>, vector<16xi32>], vector<16xf32>,
        %scan3A_642 = arith.constant 7 : i32
        %scan3A_643 = arith.addi %scan3A_309, %scan3A_642 : i32
        %mul3A_644 = arith.constant 1 : i32
        %mul3A_645 = arith.muli %scan3A_643, %mul3A_644 : i32
        %add3A_646 = arith.constant 0 : i32
        %add3A_647 = arith.addi %add3A_646, %mul3A_645 : i32
        %add3A_648 = vector.broadcast %add3A_647 : i32 to vector<16xi32>
        %add3A_649 = arith.addi %broadcast_in_dim3A_7, %add3A_648 : vector<16xi32>
        %get3A_650 = arith.constant 1 : i32
        %get3A_651 = arith.index_cast %get3A_650 : i32 to index
        %get3A_652 = arith.index_cast %add3A_647 : i32 to index
        %get3A_653 = arith.constant 0 : index
        %get3A_654 = tpu.vector_load %arg6[%get3A_651, %get3A_652, %get3A_653] {strides = array<i32>} : memref<2x128x64xf32, #tpu.memory_space<vmem>>, vector<16xf32>,
        %scatter3A_655 = arith.constant 0 : i32
        %scatter3A_656 = arith.constant 0 : i32
        %scatter3A_657 = arith.constant 0 : i32
        %scatter3A_658 = tpu.memref_slice %arg7[%scan3A_254, %scatter3A_655, %scatter3A_656, %scatter3A_657] : memref<2x8x8x129xf32, #tpu.memory_space<vmem>> -> memref<1x8x8x129xf32, #tpu.memory_space<vmem>>
        %scatter3A_659 = tpu.memref_squeeze %scatter3A_658 : memref<1x8x8x129xf32, #tpu.memory_space<vmem>> -> memref<8x8x129xf32, #tpu.memory_space<vmem>>
        tpu.vector_store_idx %scatter3A_659[%add3A_244, %and3A_6, %add3A_649], %get3A_654 : memref<8x8x129xf32, #tpu.memory_space<vmem>>[vector<16xi32>, vector<16xi32>, vector<16xi32>], vector<16xf32>,
        %get3A_660 = arith.constant 1 : i32
        %get3A_661 = arith.index_cast %get3A_660 : i32 to index
        %get3A_662 = arith.index_cast %add3A_647 : i32 to index
        %get3A_663 = arith.constant 16 : index
        %get3A_664 = tpu.vector_load %arg6[%get3A_661, %get3A_662, %get3A_663] {strides = array<i32>} : memref<2x128x64xf32, #tpu.memory_space<vmem>>, vector<16xf32>,
        %scatter3A_665 = arith.constant 0 : i32
        %scatter3A_666 = arith.constant 0 : i32
        %scatter3A_667 = arith.constant 0 : i32
        %scatter3A_668 = tpu.memref_slice %arg7[%scan3A_254, %scatter3A_665, %scatter3A_666, %scatter3A_667] : memref<2x8x8x129xf32, #tpu.memory_space<vmem>> -> memref<1x8x8x129xf32, #tpu.memory_space<vmem>>
        %scatter3A_669 = tpu.memref_squeeze %scatter3A_668 : memref<1x8x8x129xf32, #tpu.memory_space<vmem>> -> memref<8x8x129xf32, #tpu.memory_space<vmem>>
        tpu.vector_store_idx %scatter3A_669[%add3A_247, %and3A_6, %add3A_649], %get3A_664 : memref<8x8x129xf32, #tpu.memory_space<vmem>>[vector<16xi32>, vector<16xi32>, vector<16xi32>], vector<16xf32>,
        %get3A_670 = arith.constant 1 : i32
        %get3A_671 = arith.index_cast %get3A_670 : i32 to index
        %get3A_672 = arith.index_cast %add3A_647 : i32 to index
        %get3A_673 = arith.constant 32 : index
        %get3A_674 = tpu.vector_load %arg6[%get3A_671, %get3A_672, %get3A_673] {strides = array<i32>} : memref<2x128x64xf32, #tpu.memory_space<vmem>>, vector<16xf32>,
        %scatter3A_675 = arith.constant 0 : i32
        %scatter3A_676 = arith.constant 0 : i32
        %scatter3A_677 = arith.constant 0 : i32
        %scatter3A_678 = tpu.memref_slice %arg7[%scan3A_254, %scatter3A_675, %scatter3A_676, %scatter3A_677] : memref<2x8x8x129xf32, #tpu.memory_space<vmem>> -> memref<1x8x8x129xf32, #tpu.memory_space<vmem>>
        %scatter3A_679 = tpu.memref_squeeze %scatter3A_678 : memref<1x8x8x129xf32, #tpu.memory_space<vmem>> -> memref<8x8x129xf32, #tpu.memory_space<vmem>>
        tpu.vector_store_idx %scatter3A_679[%add3A_250, %and3A_6, %add3A_649], %get3A_674 : memref<8x8x129xf32, #tpu.memory_space<vmem>>[vector<16xi32>, vector<16xi32>, vector<16xi32>], vector<16xf32>,
        %get3A_680 = arith.constant 1 : i32
        %get3A_681 = arith.index_cast %get3A_680 : i32 to index
        %get3A_682 = arith.index_cast %add3A_647 : i32 to index
        %get3A_683 = arith.constant 48 : index
        %get3A_684 = tpu.vector_load %arg6[%get3A_681, %get3A_682, %get3A_683] {strides = array<i32>} : memref<2x128x64xf32, #tpu.memory_space<vmem>>, vector<16xf32>,
        %scatter3A_685 = arith.constant 0 : i32
        %scatter3A_686 = arith.constant 0 : i32
        %scatter3A_687 = arith.constant 0 : i32
        %scatter3A_688 = tpu.memref_slice %arg7[%scan3A_254, %scatter3A_685, %scatter3A_686, %scatter3A_687] : memref<2x8x8x129xf32, #tpu.memory_space<vmem>> -> memref<1x8x8x129xf32, #tpu.memory_space<vmem>>
        %scatter3A_689 = tpu.memref_squeeze %scatter3A_688 : memref<1x8x8x129xf32, #tpu.memory_space<vmem>> -> memref<8x8x129xf32, #tpu.memory_space<vmem>>
        tpu.vector_store_idx %scatter3A_689[%add3A_253, %and3A_6, %add3A_649], %get3A_684 : memref<8x8x129xf32, #tpu.memory_space<vmem>>[vector<16xi32>, vector<16xi32>, vector<16xi32>], vector<16xf32>,
        %scan3A_690 = arith.constant 8 : i32
        %scan3A_691 = arith.addi %scan3A_309, %scan3A_690 : i32
        %mul3A_692 = arith.constant 1 : i32
        %mul3A_693 = arith.muli %scan3A_691, %mul3A_692 : i32
        %add3A_694 = arith.constant 0 : i32
        %add3A_695 = arith.addi %add3A_694, %mul3A_693 : i32
        %add3A_696 = vector.broadcast %add3A_695 : i32 to vector<16xi32>
        %add3A_697 = arith.addi %broadcast_in_dim3A_7, %add3A_696 : vector<16xi32>
        %get3A_698 = arith.constant 1 : i32
        %get3A_699 = arith.index_cast %get3A_698 : i32 to index
        %get3A_700 = arith.index_cast %add3A_695 : i32 to index
        %get3A_701 = arith.constant 0 : index
        %get3A_702 = tpu.vector_load %arg6[%get3A_699, %get3A_700, %get3A_701] {strides = array<i32>} : memref<2x128x64xf32, #tpu.memory_space<vmem>>, vector<16xf32>,
        %scatter3A_703 = arith.constant 0 : i32
        %scatter3A_704 = arith.constant 0 : i32
        %scatter3A_705 = arith.constant 0 : i32
        %scatter3A_706 = tpu.memref_slice %arg7[%scan3A_254, %scatter3A_703, %scatter3A_704, %scatter3A_705] : memref<2x8x8x129xf32, #tpu.memory_space<vmem>> -> memref<1x8x8x129xf32, #tpu.memory_space<vmem>>
        %scatter3A_707 = tpu.memref_squeeze %scatter3A_706 : memref<1x8x8x129xf32, #tpu.memory_space<vmem>> -> memref<8x8x129xf32, #tpu.memory_space<vmem>>
        tpu.vector_store_idx %scatter3A_707[%add3A_244, %and3A_6, %add3A_697], %get3A_702 : memref<8x8x129xf32, #tpu.memory_space<vmem>>[vector<16xi32>, vector<16xi32>, vector<16xi32>], vector<16xf32>,
        %get3A_708 = arith.constant 1 : i32
        %get3A_709 = arith.index_cast %get3A_708 : i32 to index
        %get3A_710 = arith.index_cast %add3A_695 : i32 to index
        %get3A_711 = arith.constant 16 : index
        %get3A_712 = tpu.vector_load %arg6[%get3A_709, %get3A_710, %get3A_711] {strides = array<i32>} : memref<2x128x64xf32, #tpu.memory_space<vmem>>, vector<16xf32>,
        %scatter3A_713 = arith.constant 0 : i32
        %scatter3A_714 = arith.constant 0 : i32
        %scatter3A_715 = arith.constant 0 : i32
        %scatter3A_716 = tpu.memref_slice %arg7[%scan3A_254, %scatter3A_713, %scatter3A_714, %scatter3A_715] : memref<2x8x8x129xf32, #tpu.memory_space<vmem>> -> memref<1x8x8x129xf32, #tpu.memory_space<vmem>>
        %scatter3A_717 = tpu.memref_squeeze %scatter3A_716 : memref<1x8x8x129xf32, #tpu.memory_space<vmem>> -> memref<8x8x129xf32, #tpu.memory_space<vmem>>
        tpu.vector_store_idx %scatter3A_717[%add3A_247, %and3A_6, %add3A_697], %get3A_712 : memref<8x8x129xf32, #tpu.memory_space<vmem>>[vector<16xi32>, vector<16xi32>, vector<16xi32>], vector<16xf32>,
        %get3A_718 = arith.constant 1 : i32
        %get3A_719 = arith.index_cast %get3A_718 : i32 to index
        %get3A_720 = arith.index_cast %add3A_695 : i32 to index
        %get3A_721 = arith.constant 32 : index
        %get3A_722 = tpu.vector_load %arg6[%get3A_719, %get3A_720, %get3A_721] {strides = array<i32>} : memref<2x128x64xf32, #tpu.memory_space<vmem>>, vector<16xf32>,
        %scatter3A_723 = arith.constant 0 : i32
        %scatter3A_724 = arith.constant 0 : i32
        %scatter3A_725 = arith.constant 0 : i32
        %scatter3A_726 = tpu.memref_slice %arg7[%scan3A_254, %scatter3A_723, %scatter3A_724, %scatter3A_725] : memref<2x8x8x129xf32, #tpu.memory_space<vmem>> -> memref<1x8x8x129xf32, #tpu.memory_space<vmem>>
        %scatter3A_727 = tpu.memref_squeeze %scatter3A_726 : memref<1x8x8x129xf32, #tpu.memory_space<vmem>> -> memref<8x8x129xf32, #tpu.memory_space<vmem>>
        tpu.vector_store_idx %scatter3A_727[%add3A_250, %and3A_6, %add3A_697], %get3A_722 : memref<8x8x129xf32, #tpu.memory_space<vmem>>[vector<16xi32>, vector<16xi32>, vector<16xi32>], vector<16xf32>,
        %get3A_728 = arith.constant 1 : i32
        %get3A_729 = arith.index_cast %get3A_728 : i32 to index
        %get3A_730 = arith.index_cast %add3A_695 : i32 to index
        %get3A_731 = arith.constant 48 : index
        %get3A_732 = tpu.vector_load %arg6[%get3A_729, %get3A_730, %get3A_731] {strides = array<i32>} : memref<2x128x64xf32, #tpu.memory_space<vmem>>, vector<16xf32>,
        %scatter3A_733 = arith.constant 0 : i32
        %scatter3A_734 = arith.constant 0 : i32
        %scatter3A_735 = arith.constant 0 : i32
        %scatter3A_736 = tpu.memref_slice %arg7[%scan3A_254, %scatter3A_733, %scatter3A_734, %scatter3A_735] : memref<2x8x8x129xf32, #tpu.memory_space<vmem>> -> memref<1x8x8x129xf32, #tpu.memory_space<vmem>>
        %scatter3A_737 = tpu.memref_squeeze %scatter3A_736 : memref<1x8x8x129xf32, #tpu.memory_space<vmem>> -> memref<8x8x129xf32, #tpu.memory_space<vmem>>
        tpu.vector_store_idx %scatter3A_737[%add3A_253, %and3A_6, %add3A_697], %get3A_732 : memref<8x8x129xf32, #tpu.memory_space<vmem>>[vector<16xi32>, vector<16xi32>, vector<16xi32>], vector<16xf32>,
        %scan3A_738 = arith.constant 9 : i32
        %scan3A_739 = arith.addi %scan3A_309, %scan3A_738 : i32
        %mul3A_740 = arith.constant 1 : i32
        %mul3A_741 = arith.muli %scan3A_739, %mul3A_740 : i32
        %add3A_742 = arith.constant 0 : i32
        %add3A_743 = arith.addi %add3A_742, %mul3A_741 : i32
        %add3A_744 = vector.broadcast %add3A_743 : i32 to vector<16xi32>
        %add3A_745 = arith.addi %broadcast_in_dim3A_7, %add3A_744 : vector<16xi32>
        %get3A_746 = arith.constant 1 : i32
        %get3A_747 = arith.index_cast %get3A_746 : i32 to index
        %get3A_748 = arith.index_cast %add3A_743 : i32 to index
        %get3A_749 = arith.constant 0 : index
        %get3A_750 = tpu.vector_load %arg6[%get3A_747, %get3A_748, %get3A_749] {strides = array<i32>} : memref<2x128x64xf32, #tpu.memory_space<vmem>>, vector<16xf32>,
        %scatter3A_751 = arith.constant 0 : i32
        %scatter3A_752 = arith.constant 0 : i32
        %scatter3A_753 = arith.constant 0 : i32
        %scatter3A_754 = tpu.memref_slice %arg7[%scan3A_254, %scatter3A_751, %scatter3A_752, %scatter3A_753] : memref<2x8x8x129xf32, #tpu.memory_space<vmem>> -> memref<1x8x8x129xf32, #tpu.memory_space<vmem>>
        %scatter3A_755 = tpu.memref_squeeze %scatter3A_754 : memref<1x8x8x129xf32, #tpu.memory_space<vmem>> -> memref<8x8x129xf32, #tpu.memory_space<vmem>>
        tpu.vector_store_idx %scatter3A_755[%add3A_244, %and3A_6, %add3A_745], %get3A_750 : memref<8x8x129xf32, #tpu.memory_space<vmem>>[vector<16xi32>, vector<16xi32>, vector<16xi32>], vector<16xf32>,
        %get3A_756 = arith.constant 1 : i32
        %get3A_757 = arith.index_cast %get3A_756 : i32 to index
        %get3A_758 = arith.index_cast %add3A_743 : i32 to index
        %get3A_759 = arith.constant 16 : index
        %get3A_760 = tpu.vector_load %arg6[%get3A_757, %get3A_758, %get3A_759] {strides = array<i32>} : memref<2x128x64xf32, #tpu.memory_space<vmem>>, vector<16xf32>,
        %scatter3A_761 = arith.constant 0 : i32
        %scatter3A_762 = arith.constant 0 : i32
        %scatter3A_763 = arith.constant 0 : i32
        %scatter3A_764 = tpu.memref_slice %arg7[%scan3A_254, %scatter3A_761, %scatter3A_762, %scatter3A_763] : memref<2x8x8x129xf32, #tpu.memory_space<vmem>> -> memref<1x8x8x129xf32, #tpu.memory_space<vmem>>
        %scatter3A_765 = tpu.memref_squeeze %scatter3A_764 : memref<1x8x8x129xf32, #tpu.memory_space<vmem>> -> memref<8x8x129xf32, #tpu.memory_space<vmem>>
        tpu.vector_store_idx %scatter3A_765[%add3A_247, %and3A_6, %add3A_745], %get3A_760 : memref<8x8x129xf32, #tpu.memory_space<vmem>>[vector<16xi32>, vector<16xi32>, vector<16xi32>], vector<16xf32>,
        %get3A_766 = arith.constant 1 : i32
        %get3A_767 = arith.index_cast %get3A_766 : i32 to index
        %get3A_768 = arith.index_cast %add3A_743 : i32 to index
        %get3A_769 = arith.constant 32 : index
        %get3A_770 = tpu.vector_load %arg6[%get3A_767, %get3A_768, %get3A_769] {strides = array<i32>} : memref<2x128x64xf32, #tpu.memory_space<vmem>>, vector<16xf32>,
        %scatter3A_771 = arith.constant 0 : i32
        %scatter3A_772 = arith.constant 0 : i32
        %scatter3A_773 = arith.constant 0 : i32
        %scatter3A_774 = tpu.memref_slice %arg7[%scan3A_254, %scatter3A_771, %scatter3A_772, %scatter3A_773] : memref<2x8x8x129xf32, #tpu.memory_space<vmem>> -> memref<1x8x8x129xf32, #tpu.memory_space<vmem>>
        %scatter3A_775 = tpu.memref_squeeze %scatter3A_774 : memref<1x8x8x129xf32, #tpu.memory_space<vmem>> -> memref<8x8x129xf32, #tpu.memory_space<vmem>>
        tpu.vector_store_idx %scatter3A_775[%add3A_250, %and3A_6, %add3A_745], %get3A_770 : memref<8x8x129xf32, #tpu.memory_space<vmem>>[vector<16xi32>, vector<16xi32>, vector<16xi32>], vector<16xf32>,
        %get3A_776 = arith.constant 1 : i32
        %get3A_777 = arith.index_cast %get3A_776 : i32 to index
        %get3A_778 = arith.index_cast %add3A_743 : i32 to index
        %get3A_779 = arith.constant 48 : index
        %get3A_780 = tpu.vector_load %arg6[%get3A_777, %get3A_778, %get3A_779] {strides = array<i32>} : memref<2x128x64xf32, #tpu.memory_space<vmem>>, vector<16xf32>,
        %scatter3A_781 = arith.constant 0 : i32
        %scatter3A_782 = arith.constant 0 : i32
        %scatter3A_783 = arith.constant 0 : i32
        %scatter3A_784 = tpu.memref_slice %arg7[%scan3A_254, %scatter3A_781, %scatter3A_782, %scatter3A_783] : memref<2x8x8x129xf32, #tpu.memory_space<vmem>> -> memref<1x8x8x129xf32, #tpu.memory_space<vmem>>
        %scatter3A_785 = tpu.memref_squeeze %scatter3A_784 : memref<1x8x8x129xf32, #tpu.memory_space<vmem>> -> memref<8x8x129xf32, #tpu.memory_space<vmem>>
        tpu.vector_store_idx %scatter3A_785[%add3A_253, %and3A_6, %add3A_745], %get3A_780 : memref<8x8x129xf32, #tpu.memory_space<vmem>>[vector<16xi32>, vector<16xi32>, vector<16xi32>], vector<16xf32>,
        %scan3A_786 = arith.constant 10 : i32
        %scan3A_787 = arith.addi %scan3A_309, %scan3A_786 : i32
        %mul3A_788 = arith.constant 1 : i32
        %mul3A_789 = arith.muli %scan3A_787, %mul3A_788 : i32
        %add3A_790 = arith.constant 0 : i32
        %add3A_791 = arith.addi %add3A_790, %mul3A_789 : i32
        %add3A_792 = vector.broadcast %add3A_791 : i32 to vector<16xi32>
        %add3A_793 = arith.addi %broadcast_in_dim3A_7, %add3A_792 : vector<16xi32>
        %get3A_794 = arith.constant 1 : i32
        %get3A_795 = arith.index_cast %get3A_794 : i32 to index
        %get3A_796 = arith.index_cast %add3A_791 : i32 to index
        %get3A_797 = arith.constant 0 : index
        %get3A_798 = tpu.vector_load %arg6[%get3A_795, %get3A_796, %get3A_797] {strides = array<i32>} : memref<2x128x64xf32, #tpu.memory_space<vmem>>, vector<16xf32>,
        %scatter3A_799 = arith.constant 0 : i32
        %scatter3A_800 = arith.constant 0 : i32
        %scatter3A_801 = arith.constant 0 : i32
        %scatter3A_802 = tpu.memref_slice %arg7[%scan3A_254, %scatter3A_799, %scatter3A_800, %scatter3A_801] : memref<2x8x8x129xf32, #tpu.memory_space<vmem>> -> memref<1x8x8x129xf32, #tpu.memory_space<vmem>>
        %scatter3A_803 = tpu.memref_squeeze %scatter3A_802 : memref<1x8x8x129xf32, #tpu.memory_space<vmem>> -> memref<8x8x129xf32, #tpu.memory_space<vmem>>
        tpu.vector_store_idx %scatter3A_803[%add3A_244, %and3A_6, %add3A_793], %get3A_798 : memref<8x8x129xf32, #tpu.memory_space<vmem>>[vector<16xi32>, vector<16xi32>, vector<16xi32>], vector<16xf32>,
        %get3A_804 = arith.constant 1 : i32
        %get3A_805 = arith.index_cast %get3A_804 : i32 to index
        %get3A_806 = arith.index_cast %add3A_791 : i32 to index
        %get3A_807 = arith.constant 16 : index
        %get3A_808 = tpu.vector_load %arg6[%get3A_805, %get3A_806, %get3A_807] {strides = array<i32>} : memref<2x128x64xf32, #tpu.memory_space<vmem>>, vector<16xf32>,
        %scatter3A_809 = arith.constant 0 : i32
        %scatter3A_810 = arith.constant 0 : i32
        %scatter3A_811 = arith.constant 0 : i32
        %scatter3A_812 = tpu.memref_slice %arg7[%scan3A_254, %scatter3A_809, %scatter3A_810, %scatter3A_811] : memref<2x8x8x129xf32, #tpu.memory_space<vmem>> -> memref<1x8x8x129xf32, #tpu.memory_space<vmem>>
        %scatter3A_813 = tpu.memref_squeeze %scatter3A_812 : memref<1x8x8x129xf32, #tpu.memory_space<vmem>> -> memref<8x8x129xf32, #tpu.memory_space<vmem>>
        tpu.vector_store_idx %scatter3A_813[%add3A_247, %and3A_6, %add3A_793], %get3A_808 : memref<8x8x129xf32, #tpu.memory_space<vmem>>[vector<16xi32>, vector<16xi32>, vector<16xi32>], vector<16xf32>,
        %get3A_814 = arith.constant 1 : i32
        %get3A_815 = arith.index_cast %get3A_814 : i32 to index
        %get3A_816 = arith.index_cast %add3A_791 : i32 to index
        %get3A_817 = arith.constant 32 : index
        %get3A_818 = tpu.vector_load %arg6[%get3A_815, %get3A_816, %get3A_817] {strides = array<i32>} : memref<2x128x64xf32, #tpu.memory_space<vmem>>, vector<16xf32>,
        %scatter3A_819 = arith.constant 0 : i32
        %scatter3A_820 = arith.constant 0 : i32
        %scatter3A_821 = arith.constant 0 : i32
        %scatter3A_822 = tpu.memref_slice %arg7[%scan3A_254, %scatter3A_819, %scatter3A_820, %scatter3A_821] : memref<2x8x8x129xf32, #tpu.memory_space<vmem>> -> memref<1x8x8x129xf32, #tpu.memory_space<vmem>>
        %scatter3A_823 = tpu.memref_squeeze %scatter3A_822 : memref<1x8x8x129xf32, #tpu.memory_space<vmem>> -> memref<8x8x129xf32, #tpu.memory_space<vmem>>
        tpu.vector_store_idx %scatter3A_823[%add3A_250, %and3A_6, %add3A_793], %get3A_818 : memref<8x8x129xf32, #tpu.memory_space<vmem>>[vector<16xi32>, vector<16xi32>, vector<16xi32>], vector<16xf32>,
        %get3A_824 = arith.constant 1 : i32
        %get3A_825 = arith.index_cast %get3A_824 : i32 to index
        %get3A_826 = arith.index_cast %add3A_791 : i32 to index
        %get3A_827 = arith.constant 48 : index
        %get3A_828 = tpu.vector_load %arg6[%get3A_825, %get3A_826, %get3A_827] {strides = array<i32>} : memref<2x128x64xf32, #tpu.memory_space<vmem>>, vector<16xf32>,
        %scatter3A_829 = arith.constant 0 : i32
        %scatter3A_830 = arith.constant 0 : i32
        %scatter3A_831 = arith.constant 0 : i32
        %scatter3A_832 = tpu.memref_slice %arg7[%scan3A_254, %scatter3A_829, %scatter3A_830, %scatter3A_831] : memref<2x8x8x129xf32, #tpu.memory_space<vmem>> -> memref<1x8x8x129xf32, #tpu.memory_space<vmem>>
        %scatter3A_833 = tpu.memref_squeeze %scatter3A_832 : memref<1x8x8x129xf32, #tpu.memory_space<vmem>> -> memref<8x8x129xf32, #tpu.memory_space<vmem>>
        tpu.vector_store_idx %scatter3A_833[%add3A_253, %and3A_6, %add3A_793], %get3A_828 : memref<8x8x129xf32, #tpu.memory_space<vmem>>[vector<16xi32>, vector<16xi32>, vector<16xi32>], vector<16xf32>,
        %scan3A_834 = arith.constant 11 : i32
        %scan3A_835 = arith.addi %scan3A_309, %scan3A_834 : i32
        %mul3A_836 = arith.constant 1 : i32
        %mul3A_837 = arith.muli %scan3A_835, %mul3A_836 : i32
        %add3A_838 = arith.constant 0 : i32
        %add3A_839 = arith.addi %add3A_838, %mul3A_837 : i32
        %add3A_840 = vector.broadcast %add3A_839 : i32 to vector<16xi32>
        %add3A_841 = arith.addi %broadcast_in_dim3A_7, %add3A_840 : vector<16xi32>
        %get3A_842 = arith.constant 1 : i32
        %get3A_843 = arith.index_cast %get3A_842 : i32 to index
        %get3A_844 = arith.index_cast %add3A_839 : i32 to index
        %get3A_845 = arith.constant 0 : index
        %get3A_846 = tpu.vector_load %arg6[%get3A_843, %get3A_844, %get3A_845] {strides = array<i32>} : memref<2x128x64xf32, #tpu.memory_space<vmem>>, vector<16xf32>,
        %scatter3A_847 = arith.constant 0 : i32
        %scatter3A_848 = arith.constant 0 : i32
        %scatter3A_849 = arith.constant 0 : i32
        %scatter3A_850 = tpu.memref_slice %arg7[%scan3A_254, %scatter3A_847, %scatter3A_848, %scatter3A_849] : memref<2x8x8x129xf32, #tpu.memory_space<vmem>> -> memref<1x8x8x129xf32, #tpu.memory_space<vmem>>
        %scatter3A_851 = tpu.memref_squeeze %scatter3A_850 : memref<1x8x8x129xf32, #tpu.memory_space<vmem>> -> memref<8x8x129xf32, #tpu.memory_space<vmem>>
        tpu.vector_store_idx %scatter3A_851[%add3A_244, %and3A_6, %add3A_841], %get3A_846 : memref<8x8x129xf32, #tpu.memory_space<vmem>>[vector<16xi32>, vector<16xi32>, vector<16xi32>], vector<16xf32>,
        %get3A_852 = arith.constant 1 : i32
        %get3A_853 = arith.index_cast %get3A_852 : i32 to index
        %get3A_854 = arith.index_cast %add3A_839 : i32 to index
        %get3A_855 = arith.constant 16 : index
        %get3A_856 = tpu.vector_load %arg6[%get3A_853, %get3A_854, %get3A_855] {strides = array<i32>} : memref<2x128x64xf32, #tpu.memory_space<vmem>>, vector<16xf32>,
        %scatter3A_857 = arith.constant 0 : i32
        %scatter3A_858 = arith.constant 0 : i32
        %scatter3A_859 = arith.constant 0 : i32
        %scatter3A_860 = tpu.memref_slice %arg7[%scan3A_254, %scatter3A_857, %scatter3A_858, %scatter3A_859] : memref<2x8x8x129xf32, #tpu.memory_space<vmem>> -> memref<1x8x8x129xf32, #tpu.memory_space<vmem>>
        %scatter3A_861 = tpu.memref_squeeze %scatter3A_860 : memref<1x8x8x129xf32, #tpu.memory_space<vmem>> -> memref<8x8x129xf32, #tpu.memory_space<vmem>>
        tpu.vector_store_idx %scatter3A_861[%add3A_247, %and3A_6, %add3A_841], %get3A_856 : memref<8x8x129xf32, #tpu.memory_space<vmem>>[vector<16xi32>, vector<16xi32>, vector<16xi32>], vector<16xf32>,
        %get3A_862 = arith.constant 1 : i32
        %get3A_863 = arith.index_cast %get3A_862 : i32 to index
        %get3A_864 = arith.index_cast %add3A_839 : i32 to index
        %get3A_865 = arith.constant 32 : index
        %get3A_866 = tpu.vector_load %arg6[%get3A_863, %get3A_864, %get3A_865] {strides = array<i32>} : memref<2x128x64xf32, #tpu.memory_space<vmem>>, vector<16xf32>,
        %scatter3A_867 = arith.constant 0 : i32
        %scatter3A_868 = arith.constant 0 : i32
        %scatter3A_869 = arith.constant 0 : i32
        %scatter3A_870 = tpu.memref_slice %arg7[%scan3A_254, %scatter3A_867, %scatter3A_868, %scatter3A_869] : memref<2x8x8x129xf32, #tpu.memory_space<vmem>> -> memref<1x8x8x129xf32, #tpu.memory_space<vmem>>
        %scatter3A_871 = tpu.memref_squeeze %scatter3A_870 : memref<1x8x8x129xf32, #tpu.memory_space<vmem>> -> memref<8x8x129xf32, #tpu.memory_space<vmem>>
        tpu.vector_store_idx %scatter3A_871[%add3A_250, %and3A_6, %add3A_841], %get3A_866 : memref<8x8x129xf32, #tpu.memory_space<vmem>>[vector<16xi32>, vector<16xi32>, vector<16xi32>], vector<16xf32>,
        %get3A_872 = arith.constant 1 : i32
        %get3A_873 = arith.index_cast %get3A_872 : i32 to index
        %get3A_874 = arith.index_cast %add3A_839 : i32 to index
        %get3A_875 = arith.constant 48 : index
        %get3A_876 = tpu.vector_load %arg6[%get3A_873, %get3A_874, %get3A_875] {strides = array<i32>} : memref<2x128x64xf32, #tpu.memory_space<vmem>>, vector<16xf32>,
        %scatter3A_877 = arith.constant 0 : i32
        %scatter3A_878 = arith.constant 0 : i32
        %scatter3A_879 = arith.constant 0 : i32
        %scatter3A_880 = tpu.memref_slice %arg7[%scan3A_254, %scatter3A_877, %scatter3A_878, %scatter3A_879] : memref<2x8x8x129xf32, #tpu.memory_space<vmem>> -> memref<1x8x8x129xf32, #tpu.memory_space<vmem>>
        %scatter3A_881 = tpu.memref_squeeze %scatter3A_880 : memref<1x8x8x129xf32, #tpu.memory_space<vmem>> -> memref<8x8x129xf32, #tpu.memory_space<vmem>>
        tpu.vector_store_idx %scatter3A_881[%add3A_253, %and3A_6, %add3A_841], %get3A_876 : memref<8x8x129xf32, #tpu.memory_space<vmem>>[vector<16xi32>, vector<16xi32>, vector<16xi32>], vector<16xf32>,
        %scan3A_882 = arith.constant 12 : i32
        %scan3A_883 = arith.addi %scan3A_309, %scan3A_882 : i32
        %mul3A_884 = arith.constant 1 : i32
        %mul3A_885 = arith.muli %scan3A_883, %mul3A_884 : i32
        %add3A_886 = arith.constant 0 : i32
        %add3A_887 = arith.addi %add3A_886, %mul3A_885 : i32
        %add3A_888 = vector.broadcast %add3A_887 : i32 to vector<16xi32>
        %add3A_889 = arith.addi %broadcast_in_dim3A_7, %add3A_888 : vector<16xi32>
        %get3A_890 = arith.constant 1 : i32
        %get3A_891 = arith.index_cast %get3A_890 : i32 to index
        %get3A_892 = arith.index_cast %add3A_887 : i32 to index
        %get3A_893 = arith.constant 0 : index
        %get3A_894 = tpu.vector_load %arg6[%get3A_891, %get3A_892, %get3A_893] {strides = array<i32>} : memref<2x128x64xf32, #tpu.memory_space<vmem>>, vector<16xf32>,
        %scatter3A_895 = arith.constant 0 : i32
        %scatter3A_896 = arith.constant 0 : i32
        %scatter3A_897 = arith.constant 0 : i32
        %scatter3A_898 = tpu.memref_slice %arg7[%scan3A_254, %scatter3A_895, %scatter3A_896, %scatter3A_897] : memref<2x8x8x129xf32, #tpu.memory_space<vmem>> -> memref<1x8x8x129xf32, #tpu.memory_space<vmem>>
        %scatter3A_899 = tpu.memref_squeeze %scatter3A_898 : memref<1x8x8x129xf32, #tpu.memory_space<vmem>> -> memref<8x8x129xf32, #tpu.memory_space<vmem>>
        tpu.vector_store_idx %scatter3A_899[%add3A_244, %and3A_6, %add3A_889], %get3A_894 : memref<8x8x129xf32, #tpu.memory_space<vmem>>[vector<16xi32>, vector<16xi32>, vector<16xi32>], vector<16xf32>,
        %get3A_900 = arith.constant 1 : i32
        %get3A_901 = arith.index_cast %get3A_900 : i32 to index
        %get3A_902 = arith.index_cast %add3A_887 : i32 to index
        %get3A_903 = arith.constant 16 : index
        %get3A_904 = tpu.vector_load %arg6[%get3A_901, %get3A_902, %get3A_903] {strides = array<i32>} : memref<2x128x64xf32, #tpu.memory_space<vmem>>, vector<16xf32>,
        %scatter3A_905 = arith.constant 0 : i32
        %scatter3A_906 = arith.constant 0 : i32
        %scatter3A_907 = arith.constant 0 : i32
        %scatter3A_908 = tpu.memref_slice %arg7[%scan3A_254, %scatter3A_905, %scatter3A_906, %scatter3A_907] : memref<2x8x8x129xf32, #tpu.memory_space<vmem>> -> memref<1x8x8x129xf32, #tpu.memory_space<vmem>>
        %scatter3A_909 = tpu.memref_squeeze %scatter3A_908 : memref<1x8x8x129xf32, #tpu.memory_space<vmem>> -> memref<8x8x129xf32, #tpu.memory_space<vmem>>
        tpu.vector_store_idx %scatter3A_909[%add3A_247, %and3A_6, %add3A_889], %get3A_904 : memref<8x8x129xf32, #tpu.memory_space<vmem>>[vector<16xi32>, vector<16xi32>, vector<16xi32>], vector<16xf32>,
        %get3A_910 = arith.constant 1 : i32
        %get3A_911 = arith.index_cast %get3A_910 : i32 to index
        %get3A_912 = arith.index_cast %add3A_887 : i32 to index
        %get3A_913 = arith.constant 32 : index
        %get3A_914 = tpu.vector_load %arg6[%get3A_911, %get3A_912, %get3A_913] {strides = array<i32>} : memref<2x128x64xf32, #tpu.memory_space<vmem>>, vector<16xf32>,
        %scatter3A_915 = arith.constant 0 : i32
        %scatter3A_916 = arith.constant 0 : i32
        %scatter3A_917 = arith.constant 0 : i32
        %scatter3A_918 = tpu.memref_slice %arg7[%scan3A_254, %scatter3A_915, %scatter3A_916, %scatter3A_917] : memref<2x8x8x129xf32, #tpu.memory_space<vmem>> -> memref<1x8x8x129xf32, #tpu.memory_space<vmem>>
        %scatter3A_919 = tpu.memref_squeeze %scatter3A_918 : memref<1x8x8x129xf32, #tpu.memory_space<vmem>> -> memref<8x8x129xf32, #tpu.memory_space<vmem>>
        tpu.vector_store_idx %scatter3A_919[%add3A_250, %and3A_6, %add3A_889], %get3A_914 : memref<8x8x129xf32, #tpu.memory_space<vmem>>[vector<16xi32>, vector<16xi32>, vector<16xi32>], vector<16xf32>,
        %get3A_920 = arith.constant 1 : i32
        %get3A_921 = arith.index_cast %get3A_920 : i32 to index
        %get3A_922 = arith.index_cast %add3A_887 : i32 to index
        %get3A_923 = arith.constant 48 : index
        %get3A_924 = tpu.vector_load %arg6[%get3A_921, %get3A_922, %get3A_923] {strides = array<i32>} : memref<2x128x64xf32, #tpu.memory_space<vmem>>, vector<16xf32>,
        %scatter3A_925 = arith.constant 0 : i32
        %scatter3A_926 = arith.constant 0 : i32
        %scatter3A_927 = arith.constant 0 : i32
        %scatter3A_928 = tpu.memref_slice %arg7[%scan3A_254, %scatter3A_925, %scatter3A_926, %scatter3A_927] : memref<2x8x8x129xf32, #tpu.memory_space<vmem>> -> memref<1x8x8x129xf32, #tpu.memory_space<vmem>>
        %scatter3A_929 = tpu.memref_squeeze %scatter3A_928 : memref<1x8x8x129xf32, #tpu.memory_space<vmem>> -> memref<8x8x129xf32, #tpu.memory_space<vmem>>
        tpu.vector_store_idx %scatter3A_929[%add3A_253, %and3A_6, %add3A_889], %get3A_924 : memref<8x8x129xf32, #tpu.memory_space<vmem>>[vector<16xi32>, vector<16xi32>, vector<16xi32>], vector<16xf32>,
        %scan3A_930 = arith.constant 13 : i32
        %scan3A_931 = arith.addi %scan3A_309, %scan3A_930 : i32
        %mul3A_932 = arith.constant 1 : i32
        %mul3A_933 = arith.muli %scan3A_931, %mul3A_932 : i32
        %add3A_934 = arith.constant 0 : i32
        %add3A_935 = arith.addi %add3A_934, %mul3A_933 : i32
        %add3A_936 = vector.broadcast %add3A_935 : i32 to vector<16xi32>
        %add3A_937 = arith.addi %broadcast_in_dim3A_7, %add3A_936 : vector<16xi32>
        %get3A_938 = arith.constant 1 : i32
        %get3A_939 = arith.index_cast %get3A_938 : i32 to index
        %get3A_940 = arith.index_cast %add3A_935 : i32 to index
        %get3A_941 = arith.constant 0 : index
        %get3A_942 = tpu.vector_load %arg6[%get3A_939, %get3A_940, %get3A_941] {strides = array<i32>} : memref<2x128x64xf32, #tpu.memory_space<vmem>>, vector<16xf32>,
        %scatter3A_943 = arith.constant 0 : i32
        %scatter3A_944 = arith.constant 0 : i32
        %scatter3A_945 = arith.constant 0 : i32
        %scatter3A_946 = tpu.memref_slice %arg7[%scan3A_254, %scatter3A_943, %scatter3A_944, %scatter3A_945] : memref<2x8x8x129xf32, #tpu.memory_space<vmem>> -> memref<1x8x8x129xf32, #tpu.memory_space<vmem>>
        %scatter3A_947 = tpu.memref_squeeze %scatter3A_946 : memref<1x8x8x129xf32, #tpu.memory_space<vmem>> -> memref<8x8x129xf32, #tpu.memory_space<vmem>>
        tpu.vector_store_idx %scatter3A_947[%add3A_244, %and3A_6, %add3A_937], %get3A_942 : memref<8x8x129xf32, #tpu.memory_space<vmem>>[vector<16xi32>, vector<16xi32>, vector<16xi32>], vector<16xf32>,
        %get3A_948 = arith.constant 1 : i32
        %get3A_949 = arith.index_cast %get3A_948 : i32 to index
        %get3A_950 = arith.index_cast %add3A_935 : i32 to index
        %get3A_951 = arith.constant 16 : index
        %get3A_952 = tpu.vector_load %arg6[%get3A_949, %get3A_950, %get3A_951] {strides = array<i32>} : memref<2x128x64xf32, #tpu.memory_space<vmem>>, vector<16xf32>,
        %scatter3A_953 = arith.constant 0 : i32
        %scatter3A_954 = arith.constant 0 : i32
        %scatter3A_955 = arith.constant 0 : i32
        %scatter3A_956 = tpu.memref_slice %arg7[%scan3A_254, %scatter3A_953, %scatter3A_954, %scatter3A_955] : memref<2x8x8x129xf32, #tpu.memory_space<vmem>> -> memref<1x8x8x129xf32, #tpu.memory_space<vmem>>
        %scatter3A_957 = tpu.memref_squeeze %scatter3A_956 : memref<1x8x8x129xf32, #tpu.memory_space<vmem>> -> memref<8x8x129xf32, #tpu.memory_space<vmem>>
        tpu.vector_store_idx %scatter3A_957[%add3A_247, %and3A_6, %add3A_937], %get3A_952 : memref<8x8x129xf32, #tpu.memory_space<vmem>>[vector<16xi32>, vector<16xi32>, vector<16xi32>], vector<16xf32>,
        %get3A_958 = arith.constant 1 : i32
        %get3A_959 = arith.index_cast %get3A_958 : i32 to index
        %get3A_960 = arith.index_cast %add3A_935 : i32 to index
        %get3A_961 = arith.constant 32 : index
        %get3A_962 = tpu.vector_load %arg6[%get3A_959, %get3A_960, %get3A_961] {strides = array<i32>} : memref<2x128x64xf32, #tpu.memory_space<vmem>>, vector<16xf32>,
        %scatter3A_963 = arith.constant 0 : i32
        %scatter3A_964 = arith.constant 0 : i32
        %scatter3A_965 = arith.constant 0 : i32
        %scatter3A_966 = tpu.memref_slice %arg7[%scan3A_254, %scatter3A_963, %scatter3A_964, %scatter3A_965] : memref<2x8x8x129xf32, #tpu.memory_space<vmem>> -> memref<1x8x8x129xf32, #tpu.memory_space<vmem>>
        %scatter3A_967 = tpu.memref_squeeze %scatter3A_966 : memref<1x8x8x129xf32, #tpu.memory_space<vmem>> -> memref<8x8x129xf32, #tpu.memory_space<vmem>>
        tpu.vector_store_idx %scatter3A_967[%add3A_250, %and3A_6, %add3A_937], %get3A_962 : memref<8x8x129xf32, #tpu.memory_space<vmem>>[vector<16xi32>, vector<16xi32>, vector<16xi32>], vector<16xf32>,
        %get3A_968 = arith.constant 1 : i32
        %get3A_969 = arith.index_cast %get3A_968 : i32 to index
        %get3A_970 = arith.index_cast %add3A_935 : i32 to index
        %get3A_971 = arith.constant 48 : index
        %get3A_972 = tpu.vector_load %arg6[%get3A_969, %get3A_970, %get3A_971] {strides = array<i32>} : memref<2x128x64xf32, #tpu.memory_space<vmem>>, vector<16xf32>,
        %scatter3A_973 = arith.constant 0 : i32
        %scatter3A_974 = arith.constant 0 : i32
        %scatter3A_975 = arith.constant 0 : i32
        %scatter3A_976 = tpu.memref_slice %arg7[%scan3A_254, %scatter3A_973, %scatter3A_974, %scatter3A_975] : memref<2x8x8x129xf32, #tpu.memory_space<vmem>> -> memref<1x8x8x129xf32, #tpu.memory_space<vmem>>
        %scatter3A_977 = tpu.memref_squeeze %scatter3A_976 : memref<1x8x8x129xf32, #tpu.memory_space<vmem>> -> memref<8x8x129xf32, #tpu.memory_space<vmem>>
        tpu.vector_store_idx %scatter3A_977[%add3A_253, %and3A_6, %add3A_937], %get3A_972 : memref<8x8x129xf32, #tpu.memory_space<vmem>>[vector<16xi32>, vector<16xi32>, vector<16xi32>], vector<16xf32>,
        %scan3A_978 = arith.constant 14 : i32
        %scan3A_979 = arith.addi %scan3A_309, %scan3A_978 : i32
        %mul3A_980 = arith.constant 1 : i32
        %mul3A_981 = arith.muli %scan3A_979, %mul3A_980 : i32
        %add3A_982 = arith.constant 0 : i32
        %add3A_983 = arith.addi %add3A_982, %mul3A_981 : i32
        %add3A_984 = vector.broadcast %add3A_983 : i32 to vector<16xi32>
        %add3A_985 = arith.addi %broadcast_in_dim3A_7, %add3A_984 : vector<16xi32>
        %get3A_986 = arith.constant 1 : i32
        %get3A_987 = arith.index_cast %get3A_986 : i32 to index
        %get3A_988 = arith.index_cast %add3A_983 : i32 to index
        %get3A_989 = arith.constant 0 : index
        %get3A_990 = tpu.vector_load %arg6[%get3A_987, %get3A_988, %get3A_989] {strides = array<i32>} : memref<2x128x64xf32, #tpu.memory_space<vmem>>, vector<16xf32>,
        %scatter3A_991 = arith.constant 0 : i32
        %scatter3A_992 = arith.constant 0 : i32
        %scatter3A_993 = arith.constant 0 : i32
        %scatter3A_994 = tpu.memref_slice %arg7[%scan3A_254, %scatter3A_991, %scatter3A_992, %scatter3A_993] : memref<2x8x8x129xf32, #tpu.memory_space<vmem>> -> memref<1x8x8x129xf32, #tpu.memory_space<vmem>>
        %scatter3A_995 = tpu.memref_squeeze %scatter3A_994 : memref<1x8x8x129xf32, #tpu.memory_space<vmem>> -> memref<8x8x129xf32, #tpu.memory_space<vmem>>
        tpu.vector_store_idx %scatter3A_995[%add3A_244, %and3A_6, %add3A_985], %get3A_990 : memref<8x8x129xf32, #tpu.memory_space<vmem>>[vector<16xi32>, vector<16xi32>, vector<16xi32>], vector<16xf32>,
        %get3A_996 = arith.constant 1 : i32
        %get3A_997 = arith.index_cast %get3A_996 : i32 to index
        %get3A_998 = arith.index_cast %add3A_983 : i32 to index
        %get3A_999 = arith.constant 16 : index
        %get3A_1000 = tpu.vector_load %arg6[%get3A_997, %get3A_998, %get3A_999] {strides = array<i32>} : memref<2x128x64xf32, #tpu.memory_space<vmem>>, vector<16xf32>,
        %scatter3A_1001 = arith.constant 0 : i32
        %scatter3A_1002 = arith.constant 0 : i32
        %scatter3A_1003 = arith.constant 0 : i32
        %scatter3A_1004 = tpu.memref_slice %arg7[%scan3A_254, %scatter3A_1001, %scatter3A_1002, %scatter3A_1003] : memref<2x8x8x129xf32, #tpu.memory_space<vmem>> -> memref<1x8x8x129xf32, #tpu.memory_space<vmem>>
        %scatter3A_1005 = tpu.memref_squeeze %scatter3A_1004 : memref<1x8x8x129xf32, #tpu.memory_space<vmem>> -> memref<8x8x129xf32, #tpu.memory_space<vmem>>
        tpu.vector_store_idx %scatter3A_1005[%add3A_247, %and3A_6, %add3A_985], %get3A_1000 : memref<8x8x129xf32, #tpu.memory_space<vmem>>[vector<16xi32>, vector<16xi32>, vector<16xi32>], vector<16xf32>,
        %get3A_1006 = arith.constant 1 : i32
        %get3A_1007 = arith.index_cast %get3A_1006 : i32 to index
        %get3A_1008 = arith.index_cast %add3A_983 : i32 to index
        %get3A_1009 = arith.constant 32 : index
        %get3A_1010 = tpu.vector_load %arg6[%get3A_1007, %get3A_1008, %get3A_1009] {strides = array<i32>} : memref<2x128x64xf32, #tpu.memory_space<vmem>>, vector<16xf32>,
        %scatter3A_1011 = arith.constant 0 : i32
        %scatter3A_1012 = arith.constant 0 : i32
        %scatter3A_1013 = arith.constant 0 : i32
        %scatter3A_1014 = tpu.memref_slice %arg7[%scan3A_254, %scatter3A_1011, %scatter3A_1012, %scatter3A_1013] : memref<2x8x8x129xf32, #tpu.memory_space<vmem>> -> memref<1x8x8x129xf32, #tpu.memory_space<vmem>>
        %scatter3A_1015 = tpu.memref_squeeze %scatter3A_1014 : memref<1x8x8x129xf32, #tpu.memory_space<vmem>> -> memref<8x8x129xf32, #tpu.memory_space<vmem>>
        tpu.vector_store_idx %scatter3A_1015[%add3A_250, %and3A_6, %add3A_985], %get3A_1010 : memref<8x8x129xf32, #tpu.memory_space<vmem>>[vector<16xi32>, vector<16xi32>, vector<16xi32>], vector<16xf32>,
        %get3A_1016 = arith.constant 1 : i32
        %get3A_1017 = arith.index_cast %get3A_1016 : i32 to index
        %get3A_1018 = arith.index_cast %add3A_983 : i32 to index
        %get3A_1019 = arith.constant 48 : index
        %get3A_1020 = tpu.vector_load %arg6[%get3A_1017, %get3A_1018, %get3A_1019] {strides = array<i32>} : memref<2x128x64xf32, #tpu.memory_space<vmem>>, vector<16xf32>,
        %scatter3A_1021 = arith.constant 0 : i32
        %scatter3A_1022 = arith.constant 0 : i32
        %scatter3A_1023 = arith.constant 0 : i32
        %scatter3A_1024 = tpu.memref_slice %arg7[%scan3A_254, %scatter3A_1021, %scatter3A_1022, %scatter3A_1023] : memref<2x8x8x129xf32, #tpu.memory_space<vmem>> -> memref<1x8x8x129xf32, #tpu.memory_space<vmem>>
        %scatter3A_1025 = tpu.memref_squeeze %scatter3A_1024 : memref<1x8x8x129xf32, #tpu.memory_space<vmem>> -> memref<8x8x129xf32, #tpu.memory_space<vmem>>
        tpu.vector_store_idx %scatter3A_1025[%add3A_253, %and3A_6, %add3A_985], %get3A_1020 : memref<8x8x129xf32, #tpu.memory_space<vmem>>[vector<16xi32>, vector<16xi32>, vector<16xi32>], vector<16xf32>,
        %scan3A_1026 = arith.constant 15 : i32
        %scan3A_1027 = arith.addi %scan3A_309, %scan3A_1026 : i32
        %mul3A_1028 = arith.constant 1 : i32
        %mul3A_1029 = arith.muli %scan3A_1027, %mul3A_1028 : i32
        %add3A_1030 = arith.constant 0 : i32
        %add3A_1031 = arith.addi %add3A_1030, %mul3A_1029 : i32
        %add3A_1032 = vector.broadcast %add3A_1031 : i32 to vector<16xi32>
        %add3A_1033 = arith.addi %broadcast_in_dim3A_7, %add3A_1032 : vector<16xi32>
        %get3A_1034 = arith.constant 1 : i32
        %get3A_1035 = arith.index_cast %get3A_1034 : i32 to index
        %get3A_1036 = arith.index_cast %add3A_1031 : i32 to index
        %get3A_1037 = arith.constant 0 : index
        %get3A_1038 = tpu.vector_load %arg6[%get3A_1035, %get3A_1036, %get3A_1037] {strides = array<i32>} : memref<2x128x64xf32, #tpu.memory_space<vmem>>, vector<16xf32>,
        %scatter3A_1039 = arith.constant 0 : i32
        %scatter3A_1040 = arith.constant 0 : i32
        %scatter3A_1041 = arith.constant 0 : i32
        %scatter3A_1042 = tpu.memref_slice %arg7[%scan3A_254, %scatter3A_1039, %scatter3A_1040, %scatter3A_1041] : memref<2x8x8x129xf32, #tpu.memory_space<vmem>> -> memref<1x8x8x129xf32, #tpu.memory_space<vmem>>
        %scatter3A_1043 = tpu.memref_squeeze %scatter3A_1042 : memref<1x8x8x129xf32, #tpu.memory_space<vmem>> -> memref<8x8x129xf32, #tpu.memory_space<vmem>>
        tpu.vector_store_idx %scatter3A_1043[%add3A_244, %and3A_6, %add3A_1033], %get3A_1038 : memref<8x8x129xf32, #tpu.memory_space<vmem>>[vector<16xi32>, vector<16xi32>, vector<16xi32>], vector<16xf32>,
        %get3A_1044 = arith.constant 1 : i32
        %get3A_1045 = arith.index_cast %get3A_1044 : i32 to index
        %get3A_1046 = arith.index_cast %add3A_1031 : i32 to index
        %get3A_1047 = arith.constant 16 : index
        %get3A_1048 = tpu.vector_load %arg6[%get3A_1045, %get3A_1046, %get3A_1047] {strides = array<i32>} : memref<2x128x64xf32, #tpu.memory_space<vmem>>, vector<16xf32>,
        %scatter3A_1049 = arith.constant 0 : i32
        %scatter3A_1050 = arith.constant 0 : i32
        %scatter3A_1051 = arith.constant 0 : i32
        %scatter3A_1052 = tpu.memref_slice %arg7[%scan3A_254, %scatter3A_1049, %scatter3A_1050, %scatter3A_1051] : memref<2x8x8x129xf32, #tpu.memory_space<vmem>> -> memref<1x8x8x129xf32, #tpu.memory_space<vmem>>
        %scatter3A_1053 = tpu.memref_squeeze %scatter3A_1052 : memref<1x8x8x129xf32, #tpu.memory_space<vmem>> -> memref<8x8x129xf32, #tpu.memory_space<vmem>>
        tpu.vector_store_idx %scatter3A_1053[%add3A_247, %and3A_6, %add3A_1033], %get3A_1048 : memref<8x8x129xf32, #tpu.memory_space<vmem>>[vector<16xi32>, vector<16xi32>, vector<16xi32>], vector<16xf32>,
        %get3A_1054 = arith.constant 1 : i32
        %get3A_1055 = arith.index_cast %get3A_1054 : i32 to index
        %get3A_1056 = arith.index_cast %add3A_1031 : i32 to index
        %get3A_1057 = arith.constant 32 : index
        %get3A_1058 = tpu.vector_load %arg6[%get3A_1055, %get3A_1056, %get3A_1057] {strides = array<i32>} : memref<2x128x64xf32, #tpu.memory_space<vmem>>, vector<16xf32>,
        %scatter3A_1059 = arith.constant 0 : i32
        %scatter3A_1060 = arith.constant 0 : i32
        %scatter3A_1061 = arith.constant 0 : i32
        %scatter3A_1062 = tpu.memref_slice %arg7[%scan3A_254, %scatter3A_1059, %scatter3A_1060, %scatter3A_1061] : memref<2x8x8x129xf32, #tpu.memory_space<vmem>> -> memref<1x8x8x129xf32, #tpu.memory_space<vmem>>
        %scatter3A_1063 = tpu.memref_squeeze %scatter3A_1062 : memref<1x8x8x129xf32, #tpu.memory_space<vmem>> -> memref<8x8x129xf32, #tpu.memory_space<vmem>>
        tpu.vector_store_idx %scatter3A_1063[%add3A_250, %and3A_6, %add3A_1033], %get3A_1058 : memref<8x8x129xf32, #tpu.memory_space<vmem>>[vector<16xi32>, vector<16xi32>, vector<16xi32>], vector<16xf32>,
        %get3A_1064 = arith.constant 1 : i32
        %get3A_1065 = arith.index_cast %get3A_1064 : i32 to index
        %get3A_1066 = arith.index_cast %add3A_1031 : i32 to index
        %get3A_1067 = arith.constant 48 : index
        %get3A_1068 = tpu.vector_load %arg6[%get3A_1065, %get3A_1066, %get3A_1067] {strides = array<i32>} : memref<2x128x64xf32, #tpu.memory_space<vmem>>, vector<16xf32>,
        %scatter3A_1069 = arith.constant 0 : i32
        %scatter3A_1070 = arith.constant 0 : i32
        %scatter3A_1071 = arith.constant 0 : i32
        %scatter3A_1072 = tpu.memref_slice %arg7[%scan3A_254, %scatter3A_1069, %scatter3A_1070, %scatter3A_1071] : memref<2x8x8x129xf32, #tpu.memory_space<vmem>> -> memref<1x8x8x129xf32, #tpu.memory_space<vmem>>
        %scatter3A_1073 = tpu.memref_squeeze %scatter3A_1072 : memref<1x8x8x129xf32, #tpu.memory_space<vmem>> -> memref<8x8x129xf32, #tpu.memory_space<vmem>>
        tpu.vector_store_idx %scatter3A_1073[%add3A_253, %and3A_6, %add3A_1033], %get3A_1068 : memref<8x8x129xf32, #tpu.memory_space<vmem>>[vector<16xi32>, vector<16xi32>, vector<16xi32>], vector<16xf32>,
      }
      %scan3A_259 = arith.constant 128 : i32
      %jit3A_260 = arith.constant 50 : i32
      %div3A_261 = arith.divsi %add3A_210, %jit3A_260 : i32
      %sign3A_262 = arith.constant 0 : i32
      %sign3A_263 = arith.cmpi sgt, %add3A_210, %sign3A_262 : i32
      %sign3A_264 = arith.extui %sign3A_263 : i1 to i32
      %sign3A_265 = arith.constant 0 : i32
      %sign3A_266 = arith.cmpi slt, %add3A_210, %sign3A_265 : i32
      %sign3A_267 = arith.extui %sign3A_266 : i1 to i32
      %sign3A_268 = arith.subi %sign3A_264, %sign3A_267 : i32
      %sign3A_269 = arith.constant 0 : i32
      %sign3A_270 = arith.cmpi sgt, %jit3A_260, %sign3A_269 : i32
      %sign3A_271 = arith.extui %sign3A_270 : i1 to i32
      %sign3A_272 = arith.constant 0 : i32
      %sign3A_273 = arith.cmpi slt, %jit3A_260, %sign3A_272 : i32
      %sign3A_274 = arith.extui %sign3A_273 : i1 to i32
      %sign3A_275 = arith.subi %sign3A_271, %sign3A_274 : i32
      %ne3A_276 = arith.cmpi ne, %sign3A_268, %sign3A_275 : i32
      %rem3A_277 = arith.remsi %add3A_210, %jit3A_260 : i32
      %ne3A_278 = arith.constant 0 : i32
      %ne3A_279 = arith.cmpi ne, %rem3A_277, %ne3A_278 : i32
      %and3A_280 = arith.andi %ne3A_276, %ne3A_279 : i1
      %sub3A_281 = arith.constant 1 : i32
      %sub3A_282 = arith.subi %div3A_261, %sub3A_281 : i32
      %select_n3A_283 = arith.select %and3A_280, %sub3A_282, %div3A_261 : i32
      %mul3A_284 = arith.constant 50 : i32
      %mul3A_285 = arith.muli %select_n3A_283, %mul3A_284 : i32
      %sub3A_286 = arith.subi %add3A_210, %mul3A_285 : i32
      %add3A_287 = arith.addi %mul3A_2, %select_n3A_283 : i32
      %dma_start3A_288 = arith.constant 1 : i32
      %dma_start3A_289 = arith.constant 0 : i32
      %dma_start3A_290 = arith.constant 0 : i32
      %dma_start3A_291 = arith.constant 0 : i32
      %dma_start3A_292 = tpu.memref_slice %arg7[%dma_start3A_288, %dma_start3A_289, %dma_start3A_290, %dma_start3A_291] : memref<2x8x8x129xf32, #tpu.memory_space<vmem>> -> memref<1x8x8x128xf32, #tpu.memory_space<vmem>>
      %dma_start3A_293 = tpu.memref_squeeze %dma_start3A_292 : memref<1x8x8x128xf32, #tpu.memory_space<vmem>> -> memref<8x8x128xf32, #tpu.memory_space<vmem>>
      %dma_start3A_294 = arith.constant 0 : i32
      %dma_start3A_295 = arith.constant 0 : i32
      %dma_start3A_296 = arith.constant 0 : i32
      %dma_start3A_297 = tpu.memref_slice %arg4[%sub3A_286, %dma_start3A_294, %add3A_287, %dma_start3A_295, %dma_start3A_296] : memref<50x8x128x8x128xf32, #tpu.memory_space<hbm>> -> memref<1x8x1x8x128xf32, #tpu.memory_space<hbm>>
      %dma_start3A_298 = tpu.memref_squeeze %dma_start3A_297 : memref<1x8x1x8x128xf32, #tpu.memory_space<hbm>> -> memref<8x8x128xf32, #tpu.memory_space<hbm>>
      %dma_start3A_299 = arith.constant 0 : i32
      %dma_start3A_300 = arith.constant 0 : i32
      %dma_start3A_301 = arith.constant 0 : i32
      %dma_start3A_302 = tpu.memref_slice %arg4[%sub3A_286, %dma_start3A_299, %add3A_287, %dma_start3A_300, %dma_start3A_301] : memref<50x8x128x8x128xf32, #tpu.memory_space<hbm>> -> memref<1x8x1x8x128xf32, #tpu.memory_space<hbm>>
      %dma_start3A_303 = tpu.memref_squeeze %dma_start3A_302 : memref<1x8x1x8x128xf32, #tpu.memory_space<hbm>> -> memref<8x8x128xf32, #tpu.memory_space<hbm>>
      %dma_start3A_304 = arith.constant 0 : i32
      %dma_start3A_305 = arith.constant 0 : i32
      %dma_start3A_306 = arith.constant 0 : i32
      %dma_start3A_307 = tpu.memref_slice %arg7[%dma_start3A_288, %dma_start3A_304, %dma_start3A_305, %dma_start3A_306] : memref<2x8x8x129xf32, #tpu.memory_space<vmem>> -> memref<1x8x8x128xf32, #tpu.memory_space<vmem>>
      %dma_start3A_308 = tpu.memref_squeeze %dma_start3A_307 : memref<1x8x8x128xf32, #tpu.memory_space<vmem>> -> memref<8x8x128xf32, #tpu.memory_space<vmem>>
      tpu.enqueue_dma source(%dma_start3A_308 : memref<8x8x128xf32, #tpu.memory_space<vmem>>) target(%dma_start3A_303 : memref<8x8x128xf32, #tpu.memory_space<hbm>>) target_semaphore(%arg13 : memref<!tpu.dma_semaphore, #tpu.memory_space<semaphore_mem>>)
    }
    %scan3A_66 = arith.constant 100 : i32
    %add3A_67 = arith.constant 3 : i32
    %add3A_68 = arith.addi %mul3A_2, %add3A_67 : i32
    %dma_wait3A_69 = arith.constant 0 : i32
    %dma_wait3A_70 = arith.constant 48 : i32
    %dma_wait3A_71 = arith.constant 0 : i32
    %dma_wait3A_72 = arith.constant 0 : i32
    %dma_wait3A_73 = arith.constant 0 : i32
    %dma_wait3A_74 = tpu.memref_slice %arg7[%dma_wait3A_69, %dma_wait3A_71, %dma_wait3A_72, %dma_wait3A_73] : memref<2x8x8x129xf32, #tpu.memory_space<vmem>> -> memref<1x8x8x128xf32, #tpu.memory_space<vmem>>
    %dma_wait3A_75 = tpu.memref_squeeze %dma_wait3A_74 : memref<1x8x8x128xf32, #tpu.memory_space<vmem>> -> memref<8x8x128xf32, #tpu.memory_space<vmem>>
    %dma_wait3A_76 = arith.constant 0 : i32
    %dma_wait3A_77 = arith.constant 0 : i32
    %dma_wait3A_78 = arith.constant 0 : i32
    %dma_wait3A_79 = tpu.memref_slice %arg4[%dma_wait3A_70, %dma_wait3A_76, %add3A_68, %dma_wait3A_77, %dma_wait3A_78] : memref<50x8x128x8x128xf32, #tpu.memory_space<hbm>> -> memref<1x8x1x8x128xf32, #tpu.memory_space<hbm>>
    %dma_wait3A_80 = tpu.memref_squeeze %dma_wait3A_79 : memref<1x8x1x8x128xf32, #tpu.memory_space<hbm>> -> memref<8x8x128xf32, #tpu.memory_space<hbm>>
    %dma_wait3A_81 = arith.constant 0 : i32
    %dma_wait3A_82 = arith.constant 0 : i32
    %dma_wait3A_83 = arith.constant 0 : i32
    %dma_wait3A_84 = tpu.memref_slice %arg4[%dma_wait3A_70, %dma_wait3A_81, %add3A_68, %dma_wait3A_82, %dma_wait3A_83] : memref<50x8x128x8x128xf32, #tpu.memory_space<hbm>> -> memref<1x8x1x8x128xf32, #tpu.memory_space<hbm>>
    %dma_wait3A_85 = tpu.memref_squeeze %dma_wait3A_84 : memref<1x8x1x8x128xf32, #tpu.memory_space<hbm>> -> memref<8x8x128xf32, #tpu.memory_space<hbm>>
    %dma_wait3A_86 = arith.constant 0 : i32
    %dma_wait3A_87 = arith.constant 0 : i32
    %dma_wait3A_88 = arith.constant 0 : i32
    %dma_wait3A_89 = tpu.memref_slice %arg7[%dma_wait3A_69, %dma_wait3A_86, %dma_wait3A_87, %dma_wait3A_88] : memref<2x8x8x129xf32, #tpu.memory_space<vmem>> -> memref<1x8x8x128xf32, #tpu.memory_space<vmem>>
    %dma_wait3A_90 = tpu.memref_squeeze %dma_wait3A_89 : memref<1x8x8x128xf32, #tpu.memory_space<vmem>> -> memref<8x8x128xf32, #tpu.memory_space<vmem>>
    tpu.wait_dma2 semaphore(%arg12 : memref<!tpu.dma_semaphore, #tpu.memory_space<semaphore_mem>>) src(%dma_wait3A_90 : memref<8x8x128xf32, #tpu.memory_space<vmem>>) dst(%dma_wait3A_85 : memref<8x8x128xf32, #tpu.memory_space<hbm>>)
    %add3A_91 = arith.constant 3 : i32
    %add3A_92 = arith.addi %mul3A_2, %add3A_91 : i32
    %dma_wait3A_93 = arith.constant 1 : i32
    %dma_wait3A_94 = arith.constant 49 : i32
    %dma_wait3A_95 = arith.constant 0 : i32
    %dma_wait3A_96 = arith.constant 0 : i32
    %dma_wait3A_97 = arith.constant 0 : i32
    %dma_wait3A_98 = tpu.memref_slice %arg7[%dma_wait3A_93, %dma_wait3A_95, %dma_wait3A_96, %dma_wait3A_97] : memref<2x8x8x129xf32, #tpu.memory_space<vmem>> -> memref<1x8x8x128xf32, #tpu.memory_space<vmem>>
    %dma_wait3A_99 = tpu.memref_squeeze %dma_wait3A_98 : memref<1x8x8x128xf32, #tpu.memory_space<vmem>> -> memref<8x8x128xf32, #tpu.memory_space<vmem>>
    %dma_wait3A_100 = arith.constant 0 : i32
    %dma_wait3A_101 = arith.constant 0 : i32
    %dma_wait3A_102 = arith.constant 0 : i32
    %dma_wait3A_103 = tpu.memref_slice %arg4[%dma_wait3A_94, %dma_wait3A_100, %add3A_92, %dma_wait3A_101, %dma_wait3A_102] : memref<50x8x128x8x128xf32, #tpu.memory_space<hbm>> -> memref<1x8x1x8x128xf32, #tpu.memory_space<hbm>>
    %dma_wait3A_104 = tpu.memref_squeeze %dma_wait3A_103 : memref<1x8x1x8x128xf32, #tpu.memory_space<hbm>> -> memref<8x8x128xf32, #tpu.memory_space<hbm>>
    %dma_wait3A_105 = arith.constant 0 : i32
    %dma_wait3A_106 = arith.constant 0 : i32
    %dma_wait3A_107 = arith.constant 0 : i32
    %dma_wait3A_108 = tpu.memref_slice %arg4[%dma_wait3A_94, %dma_wait3A_105, %add3A_92, %dma_wait3A_106, %dma_wait3A_107] : memref<50x8x128x8x128xf32, #tpu.memory_space<hbm>> -> memref<1x8x1x8x128xf32, #tpu.memory_space<hbm>>
    %dma_wait3A_109 = tpu.memref_squeeze %dma_wait3A_108 : memref<1x8x1x8x128xf32, #tpu.memory_space<hbm>> -> memref<8x8x128xf32, #tpu.memory_space<hbm>>
    %dma_wait3A_110 = arith.constant 0 : i32
    %dma_wait3A_111 = arith.constant 0 : i32
    %dma_wait3A_112 = arith.constant 0 : i32
    %dma_wait3A_113 = tpu.memref_slice %arg7[%dma_wait3A_93, %dma_wait3A_110, %dma_wait3A_111, %dma_wait3A_112] : memref<2x8x8x129xf32, #tpu.memory_space<vmem>> -> memref<1x8x8x128xf32, #tpu.memory_space<vmem>>
    %dma_wait3A_114 = tpu.memref_squeeze %dma_wait3A_113 : memref<1x8x8x128xf32, #tpu.memory_space<vmem>> -> memref<8x8x128xf32, #tpu.memory_space<vmem>>
    tpu.wait_dma2 semaphore(%arg13 : memref<!tpu.dma_semaphore, #tpu.memory_space<semaphore_mem>>) src(%dma_wait3A_114 : memref<8x8x128xf32, #tpu.memory_space<vmem>>) dst(%dma_wait3A_109 : memref<8x8x128xf32, #tpu.memory_space<hbm>>)
    return
  }
}

</mosaic_0001>

<sc_bundles>
// kernel: kernel.3.cloned.1.call-start
scs
__scs_entry_jumppad:
0x0: {  	(pc) =	sbr.rel $0x88, $3  }
0x1: {  	(tag) =	ssettag $0x0;
	lr =	simm.s32 $0x1  }
0x2: {  	[smem:$0x3F9F] =	sst lr;
	_ =	strace $0xD0000000  }
0x3: {  	_ = 	snop  }
0x4: {  	_ = 	snop  }
0x5: {  	_ = 	snop  }
0x6: {  	_ = 	snop  }
0x7: {  	_ = 	snop  }
__scs_overlays_trampoline_lowered:
0x8: {  	[smem:$0x3FAE] =	sst s0  }
0x9: {  	[smem:$0x3FAF] =	sst s1  }
0xa: {  	[smem:$0x3FB0] =	sst s2  }
0xb: {  	[smem:$0x3FB1] =	sst s3  }
0xc: {  	[smem:$0x3FB2] =	sst s4  }
0xd: {  	[smem:$0x3FB3] =	sst s5  }
0xe: {  	[smem:$0x3FB4] =	sst s6  }
0xf: {  	[smem:$0x3FB5] =	sst s7  }
0x10: {  	[smem:$0x3FB6] =	sst s8  }
0x11: {  	[smem:$0x3FB7] =	sst s9;
	s0 =	simm.s32 @!p0 $0x0  }
0x12: {  	s1 =	sld [smem:$0x3F9D];
	s0 =	simm.s32 @p0 $0x1  }
0x13: {  	[smem:$0x3FB8] =	sst s0;
	s0 =	simm.s32 @!p1 $0x0  }
0x14: {  	s2 =	sld [smem:$0x3F9C];
	s0 =	simm.s32 @p1 $0x1  }
0x15: {  	[smem:$0x3FB9] =	sst s0;
	s0 =	simm.s32 @!p2 $0x0  }
0x16: {  	s3 =	sld [smem:$0x3FDB];
	s0 =	simm.s32 @p2 $0x1  }
0x17: {  	s4 =	simm.s32 $0x1BF5;
	[smem:$0x3FBB] =	sst s0  }
0x18: {  	s0 =	sld [smem:$0x3F9E];
	_ =	swait.ge [sflag:s4], $0x0  }
0x19: {  	s7 =	sld [smem:$0x3F9F]  }
0x1a: {  	s8 =	sadd.s32 $0xFFFFE003, lr  }
0x1b: {  	s9 =	sadd.s32 $0xFFFFFEF7, lr;
	s5 =	simm.s32 $0xFFFFFFFF;
	p2 =	slt.u32 s8, $0xFFFFF086  }
0x1c: {  	p1 =	slt.u32 s9, $0xF7A;
	s5 =	simm.s32 @!p2 $0x0  }
0x1d: {  	s5 =	simm.s32 @p1 $0x1;
	p0 =	seq.s32 s7, s2  }
0x1e: {  	s7 =	smul.u32 @!p0 $0xF7A, s2;
	p2 =	seq.s32 @!p0 s5, $0x0  }
0x1f: {  	s9 =	smul.u32 $0xF7A, s1;
	s8 =	simm.s32 @!p0 $0x1BF5;
	p2 =	por !p2, p0  }
0x20: {  	[sflag:s8] =	ssyncset.s32 @!p0 $0xFFFFF086;
	s6 =	sadd.s32 @!p0 s3, s7;
	s7 =	simm.s32 @!p0 $0x108  }
0x21: {  	s3 =	sadd.s32 s3, s9;
	s6 =	sadd.s32 @!p0 $0x88, s6;
	s7 =	simm.s32 @p2 $0x1082  }
0x22: {  	[simem:s7], [sflag:s8] =	dma.local @!p0 [hbm:s6], $0xF7A  }
0x23: {  	s9 =	sor.u32 $0xD0000000, s2;
	s6 =	simm.s32 $0x108;
	_ =	swait.ge @!p0 [sflag:s8], $0x0  }
0x24: {  	s3 =	sadd.s32 $0x88, s3;
	s6 =	simm.s32 @!p1 $0x1082;
	[sflag:s4] =	ssyncset.s32 $0xFFFFF086  }
0x25: {  	[simem:s6], [sflag:s4] =	dma.local [hbm:s3], $0xF7A  }
0x26: {  	[smem:$0x3F9F] =	sst s1;
	(tag) =	ssettag s2;
	_ =	strace s9  }
0x27: {  	s1 =	sld [smem:$0x3FAF]  }
0x28: {  	s2 =	sld [smem:$0x3FB0]  }
0x29: {  	s4 =	sld [smem:$0x3FB2]  }
0x2a: {  	p0 =	seq.s32 s5, $0x0;
	s5 =	sld [smem:$0x3FB3]  }
0x2b: {  	s6 =	sld [smem:$0x3FB4]  }
0x2c: {  	s7 =	sld [smem:$0x3FB5]  }
0x2d: {  	s3 =	simm.s32 $0x108;
	s8 =	sld [smem:$0x3FB6]  }
0x2e: {  	s3 =	simm.s32 @!p0 $0x1082;
	s9 =	sld [smem:$0x3FB7]  }
0x2f: {  	lr =	sadd.s32 s0, s3;
	s0 =	sld [smem:$0x3FAE]  }
0x30: {  	s3 =	sld [smem:$0x3FB1]  }
0x31: {  	[smem:$0x3FBA] =	sst s10  }
0x32: {  	s10 =	sld [smem:$0x3FB8];
	_ =	sdelay $0x3  }
0x33: {  	p0 =	seq.s32 s10, $0x1;
	s10 =	sld [smem:$0x3FBA];
	_ =	sdelay $0x3  }
0x34: {  	[smem:$0x3FBA] =	sst s10  }
0x35: {  	s10 =	sld [smem:$0x3FB9];
	_ =	sdelay $0x3  }
0x36: {  	p1 =	seq.s32 s10, $0x1;
	s10 =	sld [smem:$0x3FBA];
	_ =	sdelay $0x3  }
0x37: {  	[smem:$0x3FBA] =	sst s10  }
0x38: {  	s10 =	sld [smem:$0x3FBB]  }
0x39: {  	_ = 	snop;
	(pc) =	sbr.ind lr, $3  }
0x3a: {  	_ = 	snop  }
0x3b: {  	_ = 	snop  }
0x3c: {  	p2 =	seq.s32 s10, $0x1;
	s10 =	sld [smem:$0x3FBA]  }
0x3d: {  	_ =	shalt  }
0x3e: {  	_ =	shalt  }
0x3f: {  	_ =	shalt  }
0x40: {  	_ =	shalt  }
0x41: {  	_ =	shalt  }
0x42: {  	_ =	shalt  }
0x43: {  	_ =	shalt  }
0x44: {  	_ =	shalt  }
0x45: {  	_ =	shalt  }
0x46: {  	_ =	shalt  }
0x47: {  	_ =	shalt  }
0x48: {  	_ =	shalt  }
0x49: {  	_ =	shalt  }
0x4a: {  	_ =	shalt  }
0x4b: {  	_ =	shalt  }
0x4c: {  	_ =	shalt  }
0x4d: {  	_ =	shalt  }
0x4e: {  	_ =	shalt  }
0x4f: {  	_ =	shalt  }
0x50: {  	_ =	shalt  }
0x51: {  	_ =	shalt  }
0x52: {  	_ =	shalt  }
0x53: {  	_ =	shalt  }
0x54: {  	_ =	shalt  }
0x55: {  	_ =	shalt  }
0x56: {  	_ =	shalt  }
0x57: {  	_ =	shalt  }
0x58: {  	_ =	shalt  }
0x59: {  	_ =	shalt  }
0x5a: {  	_ =	shalt  }
0x5b: {  	_ =	shalt  }
0x5c: {  	_ =	shalt  }
0x5d: {  	_ =	shalt  }
0x5e: {  	_ =	shalt  }
0x5f: {  	_ =	shalt  }
0x60: {  	_ =	shalt  }
0x61: {  	_ =	shalt  }
0x62: {  	_ =	shalt  }
0x63: {  	_ =	shalt  }
0x64: {  	_ =	shalt  }
0x65: {  	_ =	shalt  }
0x66: {  	_ =	shalt  }
0x67: {  	_ =	shalt  }
0x68: {  	_ =	shalt  }
0x69: {  	_ =	shalt  }
0x6a: {  	_ =	shalt  }
0x6b: {  	_ =	shalt  }
0x6c: {  	_ =	shalt  }
0x6d: {  	_ =	shalt  }
0x6e: {  	_ =	shalt  }
0x6f: {  	_ =	shalt  }
0x70: {  	_ =	shalt  }
0x71: {  	_ =	shalt  }
0x72: {  	_ =	shalt  }
0x73: {  	_ =	shalt  }
0x74: {  	_ =	shalt  }
0x75: {  	_ =	shalt  }
0x76: {  	_ =	shalt  }
0x77: {  	_ =	shalt  }
0x78: {  	_ =	shalt  }
0x79: {  	_ =	shalt  }
0x7a: {  	_ =	shalt  }
0x7b: {  	_ =	shalt  }
0x7c: {  	_ =	shalt  }
0x7d: {  	_ =	shalt  }
0x7e: {  	_ =	shalt  }
0x7f: {  	_ =	shalt  }
0x80: {  	_ =	shalt  }
0x81: {  	_ =	shalt  }
0x82: {  	_ =	shalt  }
0x83: {  	_ =	shalt  }
0x84: {  	_ =	shalt  }
0x85: {  	_ =	shalt  }
0x86: {  	_ =	shalt  }
0x87: {  	_ =	shalt  }
.Lfunc_end0:
.L_simem_size_0:
called_computation_lowered:
.L_overlay_start_0:
0x88: {  	s2 =	sld [smem:$0x3FD9]  }
0x89: {  	s3 =	sld [smem:$0x3FFE];
	_ =	sdelay $0x1  }
0x8a: {  	s1 =	srdreg.scid  }
0x8b: {  	s0 =	sand.u32 $0x1, s1  }
0x8c: {  	s17 =	sshll.u32 s0, $0xA;
	s2 =	sadd.s32 s3, s2  }
0x8d: {  	s2 =	sadd.s32 s2, s17  }
0x8e: {  	[smem:$0x3FC6] =	sst s2  }
0x8f: {  	_ = 	snop  }
0x90: {  	s2 =	sld [smem:$0x3FD0];
	(tm) =	ssettm $0x1  }
0x91: {  	s18 =	sld [smem:$0x3FFB];
	_ =	sdelay $0x3  }
0x92: {  	_ =	strace s18  }
0x93: {  	s3 =	sld [smem:$0x3FFC];
	_ =	sdelay $0x3  }
0x94: {  	_ =	strace s3  }
0x95: {  	s3 =	sld [smem:$0x3FFD];
	_ =	sdelay $0x3  }
0x96: {  	_ =	strace s3  }
0x97: {  	_ =	strace $0x8FFFFFFF  }
0x98: {  	s19 =	sld [smem:$0x3FDB];
	_ =	sdelay $0x1  }
0x99: {  	s4 =	simm.s32 $_scs_section_size  }
0x9a: {  	s5 =	simm.s32 $_size__tile_overlayer_lowered;
	s6 =	simm.s32 $_tile_overlayer_lowered  }
0x9b: {  	s22 =	simm.s32 $0x1BFF;
	s21 =	sshll.u32 s6, $0x1;
	s3 =	sadd.s32 s4, s19  }
0x9c: {  	s7 =	simm.s32 $0x0;
	s20 =	sshll.u32 s5, $0x1;
	s5 =	sadd.s32 s21, s3  }
0x9d: {  	[timem:s7], [sflag:s22] =	dma.local [hbm:s5], s20  }
0x9e: {  	_ =	swait.ge [sflag:s22], s20  }
0x9f: {  	s4 =	ssub.s32 $0x0, s20;
	[sflag:s22] =	ssyncset.done $0x0  }
0xa0: {  	[sflag:s22] =	ssyncadd.s32 s4;
	_ =	sdelay $0x1  }
0xa1: {  	s23 =	simm.s32 $0x1B8B  }
0xa2: {  	_ =	swait.ge [sflag:s23], $0x1  }
0xa3: {  	[sflag:s23] =	ssyncset.done $0x0  }
0xa4: {  	s25 =	simm.s32 $0x1B8E;
	s24 =	sld [smem:$0x3FFE];
	[sflag:s23] =	ssyncadd.s32 $0xFFFFFFFF  }
0xa5: {  	s26 =	simm.s32 $execute0_lowered;
	[smem:$0x3FD2] =	sst s25  }
0xa6: {  	s5 =	sshll.u32 s26, $0x1;
	_ =	strace $0x80000046;
	[dreg:$0x1] =	wrdreg $0xFFFFFFFF  }
0xa7: {  	s28 =	simm.s32 $_size_execute0_lowered;
	s3 =	sadd.s32 s3, s5;
	[dreg:$0x0] =	wrdreg $0x0  }
0xa8: {  	s5 =	sshll.u32 s28, $0x1;
	[dreg:$0x2] =	wrdreg s3  }
0xa9: {  	[dreg:$0x3] =	wrdreg s5  }
0xaa: {  	[dreg:$0x4] =	wrdreg $0xC0  }
0xab: {  	_ =	task [dreg:s7], $0x5FFFF  }
0xac: {  	[dreg:$0x1] =	wrdreg $0xFFFFFFFF  }
0xad: {  	[dreg:$0x0] =	wrdreg $0x60  }
0xae: {  	[dreg:$0x2] =	wrdreg s24  }
0xaf: {  	[dreg:$0x3] =	wrdreg s2  }
0xb0: {  	[dreg:$0x4] =	wrdreg $0x9  }
0xb1: {  	_ =	task.clear_ibuf [dreg:s7], $0x5FFFF;
	_ =	strace $0x90000046  }
0xb2: {  	s29 =	simm.s32 $0x9;
	_ =	strace $0x80000048  }
0xb3: {  	_ =	swait.ge [sflag:s29], $0x1  }
0xb4: {  	[sflag:s29] =	ssyncadd.s32 $0xFFFFFFFF  }
0xb5: {  	_ =	strace $0x90000048  }
0xb6: {  	_ =	sfence  }
0xb7: {  	s30 =	sld [smem:$0x0];
	_ =	sdelay $0x2  }
0xb8: {  	s31 =	sshll.u32 s1, $0xD;
	s1 =	sshrl.u32 s1, $0x2  }
0xb9: {  	s3 =	sand.u32 $0x4000, s31;
	s1 =	sadd.s32 s1, s30  }
0xba: {  	s0 =	sor.u32 s3, s0;
	s1 =	sshll.u32 s1, $0x11  }
0xbb: {  	s0 =	sor.u32 s1, s0  }
0xbc: {  	s0 =	sadd.s32 $0x8F2B, s0  }
0xbd: {  	[sflag:s0] =	ssyncadd.remote.s32 $0x1  }
0xbe: {  	_ =	sfence.sel $0xFFFF  }
0xbf: {  	[dreg:$0x0] =	wrdreg $0xFFFFFFFF;
	(pc) =	sbr.abs _section_cstart, $3  }
0xc0: {  	[dreg:$0x1] =	wrdreg $0xFFFFFFFF  }
0xc1: {  	_ =	task.clear_ibuf [dreg:s7], $0x2FFFF;
	_ =	strace $0x9FFFFFFF  }
0xc2: {  	(tm) =	ssettm $0x7FFFFFFF  }
0xc3: {  	_ =	shalt  }
tec
execute0_lowered:
.L_overlay_start_1:
0x0: {  	(tag) =	ssettag $0x1  }
0x1: {  	v0 =	vlaneseq.u32  }
0x2: {  	v0 =	vmul.u32 $0x88, v0  }
0x3: {  	s0 =	rddreg [dreg:$0x0];
	v1 =	vimm.s32 $0x0;
	vm0 =	vcmask $0x300  }
0x4: {  	s1 =	rddreg [dreg:$0x1];
	v1 =	vsel vm0, $0x3, v1;
	v2 =	vadd.s32 $0x880, v0  }
0x5: {  	s3 =	simm.s32 $0x0;
	s4 =	srdreg.scid;
	s2 =	stileid.u32;
	v3 =	vadd.s32 $0x1100, v0;
	v4 =	vadd.s32 $0x1980, v0;
	v5 =	vor.u32 $0x1, v0  }
0x6: {  	s10 =	simm.s32 $0x80;
	s11 =	simm.s32 $0x1;
	s12 =	simm.s32 $0x100;
	v6 =	vadd.s32 $0x881, v0;
	v7 =	vadd.s32 $0x1101, v0;
	v8 =	vadd.s32 $0x1981, v0  }
0x7: {  	s13 =	simm.s32 $0x3;
	s14 =	simm.s32 $0x2;
	s15 =	simm.s32 $0x2100;
	v9 =	vor.u32 $0x2, v0;
	v10 =	vadd.s32 $0x882, v0;
	v11 =	vadd.s32 $0x1102, v0  }
0x8: {  	s16 =	simm.s32 $0x4100;
	s17 =	simm.s32 $0x4;
	s18 =	simm.s32 $0x6300;
	v12 =	vadd.s32 $0x1982, v0;
	v13 =	vor.u32 $0x3, v0;
	v14 =	vadd.s32 $0x883, v0  }
0x9: {  	s19 =	simm.s32 $0x5;
	s20 =	simm.s32 $0x6;
	s21 =	simm.s32 $0x0;
	v15 =	vadd.s32 $0x1103, v0;
	v16 =	vadd.s32 $0x1983, v0;
	v17 =	vor.u32 $0x4, v0  }
0xa: {  	[smem:$0x7FF] =	sst s3;
	s4 =	sand.u32 $0x1, s4;
	s5 =	sshll.u32 s2, $0x1;
	v18 =	vadd.s32 $0x884, v0;
	v19 =	vadd.s32 $0x1104, v0;
	v20 =	vadd.s32 $0x1984, v0  }
0xb: {  	_ =	strace $0x80000047;
	s6 =	ssub.s32 $0x2, s4;
	s7 =	sor.u32 s4, s5;
	v21 =	vor.u32 $0x5, v0;
	v22 =	vadd.s32 $0x885, v0;
	v23 =	vadd.s32 $0x1105, v0  }
0xc: {  	s4 =	sadd.s32 $0x600, s0;
	s8 =	sshrl.u32 s6, $0x1;
	s9 =	sshll.u32 s7, $0x6;
	v24 =	vadd.s32 $0x1985, v0;
	v25 =	vor.u32 $0x6, v0;
	v26 =	vadd.s32 $0x886, v0  }
0xd: {  	s5 =	sadd.s32 $0xF42A00, s0;
	v27 =	vadd.s32 $0x1106, v0;
	v28 =	vadd.s32 $0x1986, v0;
	v29 =	vor.u32 $0x7, v0;
	s31 =	ssub.s32 s6, s8;
	s6 =	sadd.s32 s4, s9  }
0xe: {  	s7 =	sshll.u32 s7, $0x2;
	v30 =	vadd.s32 $0x887, v0;
	v31 =	vadd.s32 $0x1107, v0;
	v32 =	vadd.s32 $0x1987, v0;
	s8 =	sadd.s32 $0x800, s6;
	s9 =	smax.u32 s31, $0x1  }
.LBB2_1:
0xf: {  	[tilespmem:s3], [sflag:$0x1] =	stream.linear.gather [hbm4b:s6+s3], $0x80, $0x38;
	[tilespmem:$0x8500] =	vst v63  }
0x10: {  	_ = 	snop  }
0x11: {  	[tilespmem:s10], [sflag:$0x2] =	stream.linear.gather [hbm4b:s8+s3], $0x80, $0x38;
	[tilespmem:$0x8500] =	vst v63  }
0x12: {  	_ =	swait.ge [sflag:s11], $0x80  }
0x13: {  	[sflag:s11] =	ssyncset.done $0x0  }
0x14: {  	s22 =	simm.s32 $0x0;
	[sflag:s11] =	ssyncadd.s32 $0xFFFFFF80  }
0x15: {  	[tilespmem:s12], [sflag:$0x3] =	stream.indirect.gather [hbm4b:s5+s10], $0x40, s3, s10, $0xb8;
	[tilespmem:$0x8500] =	vst v63  }
.LBB2_2:
0x16: {  	s26 =	sshll.u32 s22, $0x1;
	p0 =	seq.s32 s22, $0x63  }
0x17: {  	s0 =	sadd.s32 @!p0 $0x2, s26  }
0x18: {  	s23 =	sand.u32 @!p0 $0xFF, s0  }
0x19: {  	s23 =	smul.u32 @!p0 $0x29, s23;
	_ =	sdelay $0x1  }
0x1a: {  	s23 =	sshrl.u32 @!p0 s23, $0xB  }
0x1b: {  	s24 =	smul.u32 @!p0 $0x3FFCE, s23;
	_ =	sdelay $0x1  }
0x1c: {  	s23 =	sadd.s32 @!p0 s23, s7;
	s0 =	sadd.s32 @!p0 s0, s24  }
0x1d: {  	s23 =	sshll.u32 @!p0 s23, $0x7;
	s0 =	sshll.u32 @!p0 s0, $0xE  }
0x1e: {  	_ =	swait.ge [sflag:s13], $0x2000;
	s0 =	sor.u32 @!p0 s23, s0  }
0x1f: {  	[sflag:s13] =	ssyncset.done $0x0;
	s0 =	sshrl.u32 @!p0 s0, $0x3  }
0x20: {  	[sflag:s13] =	ssyncadd.s32 $0xFFFFE000;
	s23 =	simm.s32 @!p0 $0x0;
	s0 =	sadd.s32 @!p0 s4, s0  }
0x21: {  	[tilespmem:s23], [sflag:$0x1] =	stream.linear.gather @!p0 [hbm4b:s0+s23], $0x80, $0x38;
	[tilespmem:$0x8500] =	vst v63  }
0x22: {  	_ =	swait.ge [sflag:s14], $0x80  }
0x23: {  	s25 =	simm.s32 $0x0;
	p1 =	seq.s32 s22, $0x0;
	[sflag:s14] =	ssyncset.done $0x0  }
0x24: {  	v33 =	vmov s25;
	s0 =	simm.s32 @!p1 $0x5;
	[sflag:s14] =	ssyncadd.s32 $0xFFFFFF80  }
0x25: {  	v33 =	vshrl.u32 v33, $0x3;
	[tilespmem:s15], [sflag:$0x4] =	stream.indirect.gather [hbm4b:s5+s10], $0x40, s10, s10, $0xb8;
	[tilespmem:$0x8500] =	vst v63  }
0x26: {  	v33 =	vshll.u32 v33, v1;
	_ =	swait.ge @!p1 [sflag:s0], $0x2000  }
0x27: {  	v33 =	vbroadcast v33, $0x0;
	[sflag:s0] =	ssyncset.done @!p1 $0x0  }
0x28: {  	s24 =	simm.s32 $0x300;
	[sflag:s0] =	ssyncadd.s32 @!p1 $0xFFFFE000  }
0x29: {  	v35 =	vadd.s32 v0, v33;
	v34 =	vld [tilespmem:s24+$0xFFFFFE00];
	_ =	sdelay $0x4  }
0x2a: {  	[tilespmem:v35+s16+$0x0] =	vst.idx.msk $0xffff, v34  }
0x2b: {  	v44 =	vadd.s32 v2, v33;
	v34 =	vld [tilespmem:s24+$0xFFFFFE10];
	_ =	sdelay $0x4  }
0x2c: {  	[tilespmem:v44+s16+$0x0] =	vst.idx.msk $0xffff, v34  }
0x2d: {  	v45 =	vadd.s32 v3, v33;
	v34 =	vld [tilespmem:s24+$0xFFFFFE20];
	_ =	sdelay $0x4  }
0x2e: {  	[tilespmem:v45+s16+$0x0] =	vst.idx.msk $0xffff, v34  }
0x2f: {  	s29 =	simm.s32 $0x1;
	v33 =	vadd.s32 v4, v33;
	v34 =	vld [tilespmem:s24+$0xFFFFFE30]  }
0x30: {  	v46 =	vmov s29  }
0x31: {  	v35 =	vshrl.u32 v46, $0x3  }
0x32: {  	v35 =	vshll.u32 v35, v1  }
0x33: {  	v35 =	vbroadcast v35, $0x0  }
0x34: {  	[tilespmem:v33+s16+$0x0] =	vst.idx.msk $0xffff, v34  }
0x35: {  	v47 =	vadd.s32 v5, v35;
	v33 =	vld [tilespmem:s24+$0xFFFFFE40];
	_ =	sdelay $0x4  }
0x36: {  	[tilespmem:v47+s16+$0x0] =	vst.idx.msk $0xffff, v33  }
0x37: {  	v48 =	vadd.s32 v6, v35;
	v33 =	vld [tilespmem:s24+$0xFFFFFE50];
	_ =	sdelay $0x4  }
0x38: {  	[tilespmem:v48+s16+$0x0] =	vst.idx.msk $0xffff, v33  }
0x39: {  	v49 =	vadd.s32 v7, v35;
	v33 =	vld [tilespmem:s24+$0xFFFFFE60];
	_ =	sdelay $0x4  }
0x3a: {  	[tilespmem:v49+s16+$0x0] =	vst.idx.msk $0xffff, v33  }
0x3b: {  	s30 =	simm.s32 $0x2;
	v50 =	vadd.s32 v8, v35;
	v33 =	vld [tilespmem:s24+$0xFFFFFE70]  }
0x3c: {  	v51 =	vmov s30  }
0x3d: {  	v35 =	vshrl.u32 v51, $0x3  }
0x3e: {  	v35 =	vshll.u32 v35, v1  }
0x3f: {  	v35 =	vbroadcast v35, $0x0  }
0x40: {  	[tilespmem:v50+s16+$0x0] =	vst.idx.msk $0xffff, v33  }
0x41: {  	v52 =	vadd.s32 v9, v35;
	v33 =	vld [tilespmem:s24+$0xFFFFFE80];
	_ =	sdelay $0x4  }
0x42: {  	[tilespmem:v52+s16+$0x0] =	vst.idx.msk $0xffff, v33  }
0x43: {  	v53 =	vadd.s32 v10, v35;
	v33 =	vld [tilespmem:s24+$0xFFFFFE90];
	_ =	sdelay $0x4  }
0x44: {  	[tilespmem:v53+s16+$0x0] =	vst.idx.msk $0xffff, v33  }
0x45: {  	v54 =	vadd.s32 v11, v35;
	v33 =	vld [tilespmem:s24+$0xFFFFFEA0];
	_ =	sdelay $0x4  }
0x46: {  	[tilespmem:v54+s16+$0x0] =	vst.idx.msk $0xffff, v33  }
0x47: {  	s31 =	simm.s32 $0x3;
	v55 =	vadd.s32 v12, v35;
	v33 =	vld [tilespmem:s24+$0xFFFFFEB0]  }
0x48: {  	v56 =	vmov s31  }
0x49: {  	v35 =	vshrl.u32 v56, $0x3  }
0x4a: {  	v35 =	vshll.u32 v35, v1  }
0x4b: {  	v35 =	vbroadcast v35, $0x0  }
0x4c: {  	[tilespmem:v55+s16+$0x0] =	vst.idx.msk $0xffff, v33  }
0x4d: {  	v57 =	vadd.s32 v13, v35;
	v33 =	vld [tilespmem:s24+$0xFFFFFEC0];
	_ =	sdelay $0x4  }
0x4e: {  	[tilespmem:v57+s16+$0x0] =	vst.idx.msk $0xffff, v33  }
0x4f: {  	v58 =	vadd.s32 v14, v35;
	v33 =	vld [tilespmem:s24+$0xFFFFFED0];
	_ =	sdelay $0x4  }
0x50: {  	[tilespmem:v58+s16+$0x0] =	vst.idx.msk $0xffff, v33  }
0x51: {  	v59 =	vadd.s32 v15, v35;
	v33 =	vld [tilespmem:s24+$0xFFFFFEE0];
	_ =	sdelay $0x4  }
0x52: {  	[tilespmem:v59+s16+$0x0] =	vst.idx.msk $0xffff, v33  }
0x53: {  	s2 =	simm.s32 $0x4;
	v60 =	vadd.s32 v16, v35;
	v33 =	vld [tilespmem:s24+$0xFFFFFEF0]  }
0x54: {  	v61 =	vmov s2  }
0x55: {  	v35 =	vshrl.u32 v61, $0x3  }
0x56: {  	v35 =	vshll.u32 v35, v1  }
0x57: {  	v35 =	vbroadcast v35, $0x0  }
0x58: {  	[tilespmem:v60+s16+$0x0] =	vst.idx.msk $0xffff, v33  }
0x59: {  	v62 =	vadd.s32 v17, v35;
	v33 =	vld [tilespmem:s24+$0xFFFFFF00];
	_ =	sdelay $0x4  }
0x5a: {  	[tilespmem:v62+s16+$0x0] =	vst.idx.msk $0xffff, v33  }
0x5b: {  	v63 =	vadd.s32 v18, v35;
	v33 =	vld [tilespmem:s24+$0xFFFFFF10];
	_ =	sdelay $0x4  }
0x5c: {  	[tilespmem:v63+s16+$0x0] =	vst.idx.msk $0xffff, v33  }
0x5d: {  	v36 =	vadd.s32 v19, v35;
	v33 =	vld [tilespmem:s24+$0xFFFFFF20];
	_ =	sdelay $0x4  }
0x5e: {  	[tilespmem:v36+s16+$0x0] =	vst.idx.msk $0xffff, v33  }
0x5f: {  	s23 =	simm.s32 $0x5;
	v37 =	vadd.s32 v20, v35;
	v33 =	vld [tilespmem:s24+$0xFFFFFF30]  }
0x60: {  	v38 =	vmov s23  }
0x61: {  	v35 =	vshrl.u32 v38, $0x3  }
0x62: {  	v35 =	vshll.u32 v35, v1  }
0x63: {  	v35 =	vbroadcast v35, $0x0  }
0x64: {  	[tilespmem:v37+s16+$0x0] =	vst.idx.msk $0xffff, v33  }
0x65: {  	v39 =	vadd.s32 v21, v35;
	v33 =	vld [tilespmem:s24+$0xFFFFFF40];
	_ =	sdelay $0x4  }
0x66: {  	[tilespmem:v39+s16+$0x0] =	vst.idx.msk $0xffff, v33  }
0x67: {  	v40 =	vadd.s32 v22, v35;
	v33 =	vld [tilespmem:s24+$0xFFFFFF50];
	_ =	sdelay $0x4  }
0x68: {  	[tilespmem:v40+s16+$0x0] =	vst.idx.msk $0xffff, v33  }
0x69: {  	v41 =	vadd.s32 v23, v35;
	v33 =	vld [tilespmem:s24+$0xFFFFFF60];
	_ =	sdelay $0x4  }
0x6a: {  	[tilespmem:v41+s16+$0x0] =	vst.idx.msk $0xffff, v33  }
0x6b: {  	s25 =	simm.s32 $0x6;
	v42 =	vadd.s32 v24, v35;
	v33 =	vld [tilespmem:s24+$0xFFFFFF70]  }
0x6c: {  	v43 =	vmov s25  }
0x6d: {  	v35 =	vshrl.u32 v43, $0x3  }
0x6e: {  	v35 =	vshll.u32 v35, v1  }
0x6f: {  	v35 =	vbroadcast v35, $0x0  }
0x70: {  	[tilespmem:v42+s16+$0x0] =	vst.idx.msk $0xffff, v33  }
0x71: {  	v44 =	vadd.s32 v25, v35;
	v33 =	vld [tilespmem:s24+$0xFFFFFF80];
	_ =	sdelay $0x4  }
0x72: {  	[tilespmem:v44+s16+$0x0] =	vst.idx.msk $0xffff, v33  }
0x73: {  	v45 =	vadd.s32 v26, v35;
	v33 =	vld [tilespmem:s24+$0xFFFFFF90];
	_ =	sdelay $0x4  }
0x74: {  	[tilespmem:v45+s16+$0x0] =	vst.idx.msk $0xffff, v33  }
0x75: {  	v46 =	vadd.s32 v27, v35;
	v33 =	vld [tilespmem:s24+$0xFFFFFFA0];
	_ =	sdelay $0x4  }
0x76: {  	[tilespmem:v46+s16+$0x0] =	vst.idx.msk $0xffff, v33  }
0x77: {  	s29 =	simm.s32 $0x7;
	v47 =	vadd.s32 v28, v35;
	v33 =	vld [tilespmem:s24+$0xFFFFFFB0]  }
0x78: {  	v48 =	vmov s29  }
0x79: {  	v35 =	vshrl.u32 v48, $0x3  }
0x7a: {  	v35 =	vshll.u32 v35, v1  }
0x7b: {  	v35 =	vbroadcast v35, $0x0  }
0x7c: {  	[tilespmem:v47+s16+$0x0] =	vst.idx.msk $0xffff, v33  }
0x7d: {  	v49 =	vadd.s32 v29, v35;
	v33 =	vld [tilespmem:s24+$0xFFFFFFC0];
	_ =	sdelay $0x4  }
0x7e: {  	[tilespmem:v49+s16+$0x0] =	vst.idx.msk $0xffff, v33  }
0x7f: {  	v50 =	vadd.s32 v30, v35;
	v33 =	vld [tilespmem:s24+$0xFFFFFFD0];
	_ =	sdelay $0x4  }
0x80: {  	[tilespmem:v50+s16+$0x0] =	vst.idx.msk $0xffff, v33  }
0x81: {  	v51 =	vadd.s32 v31, v35;
	v33 =	vld [tilespmem:s24+$0xFFFFFFE0];
	_ =	sdelay $0x4  }
0x82: {  	[tilespmem:v51+s16+$0x0] =	vst.idx.msk $0xffff, v33  }
0x83: {  	s30 =	simm.s32 $0x8;
	v52 =	vadd.s32 v32, v35;
	v33 =	vld [tilespmem:s24+$0xFFFFFFF0]  }
0x84: {  	v53 =	vmov s30  }
0x85: {  	v35 =	vshrl.u32 v53, $0x3  }
0x86: {  	v35 =	vshll.u32 v35, v1  }
0x87: {  	v35 =	vbroadcast v35, $0x0  }
0x88: {  	[tilespmem:v52+s16+$0x0] =	vst.idx.msk $0xffff, v33  }
0x89: {  	v54 =	vadd.s32 v0, v35;
	v33 =	vld [tilespmem:s24+$0x0];
	_ =	sdelay $0x4  }
0x8a: {  	[tilespmem:v54+s16+$0x0] =	vst.idx.msk $0xffff, v33  }
0x8b: {  	v55 =	vadd.s32 v2, v35;
	v33 =	vld [tilespmem:s24+$0x10];
	_ =	sdelay $0x4  }
0x8c: {  	[tilespmem:v55+s16+$0x0] =	vst.idx.msk $0xffff, v33  }
0x8d: {  	v56 =	vadd.s32 v3, v35;
	v33 =	vld [tilespmem:s24+$0x20];
	_ =	sdelay $0x4  }
0x8e: {  	[tilespmem:v56+s16+$0x0] =	vst.idx.msk $0xffff, v33  }
0x8f: {  	s31 =	simm.s32 $0x9;
	v57 =	vadd.s32 v4, v35;
	v33 =	vld [tilespmem:s24+$0x30]  }
0x90: {  	v58 =	vmov s31  }
0x91: {  	v35 =	vshrl.u32 v58, $0x3  }
0x92: {  	v35 =	vshll.u32 v35, v1  }
0x93: {  	v35 =	vbroadcast v35, $0x0  }
0x94: {  	[tilespmem:v57+s16+$0x0] =	vst.idx.msk $0xffff, v33  }
0x95: {  	v59 =	vadd.s32 v5, v35;
	v33 =	vld [tilespmem:s24+$0x40];
	_ =	sdelay $0x4  }
0x96: {  	[tilespmem:v59+s16+$0x0] =	vst.idx.msk $0xffff, v33  }
0x97: {  	v60 =	vadd.s32 v6, v35;
	v33 =	vld [tilespmem:s24+$0x50];
	_ =	sdelay $0x4  }
0x98: {  	[tilespmem:v60+s16+$0x0] =	vst.idx.msk $0xffff, v33  }
0x99: {  	v61 =	vadd.s32 v7, v35;
	v33 =	vld [tilespmem:s24+$0x60];
	_ =	sdelay $0x4  }
0x9a: {  	[tilespmem:v61+s16+$0x0] =	vst.idx.msk $0xffff, v33  }
0x9b: {  	s2 =	simm.s32 $0xA;
	v62 =	vadd.s32 v8, v35;
	v33 =	vld [tilespmem:s24+$0x70]  }
0x9c: {  	v63 =	vmov s2  }
0x9d: {  	v35 =	vshrl.u32 v63, $0x3  }
0x9e: {  	v35 =	vshll.u32 v35, v1  }
0x9f: {  	v35 =	vbroadcast v35, $0x0  }
0xa0: {  	[tilespmem:v62+s16+$0x0] =	vst.idx.msk $0xffff, v33  }
0xa1: {  	v36 =	vadd.s32 v9, v35;
	v33 =	vld [tilespmem:s24+$0x80];
	_ =	sdelay $0x4  }
0xa2: {  	[tilespmem:v36+s16+$0x0] =	vst.idx.msk $0xffff, v33  }
0xa3: {  	v37 =	vadd.s32 v10, v35;
	v33 =	vld [tilespmem:s24+$0x90];
	_ =	sdelay $0x4  }
0xa4: {  	[tilespmem:v37+s16+$0x0] =	vst.idx.msk $0xffff, v33  }
0xa5: {  	v38 =	vadd.s32 v11, v35;
	v33 =	vld [tilespmem:s24+$0xA0];
	_ =	sdelay $0x4  }
0xa6: {  	[tilespmem:v38+s16+$0x0] =	vst.idx.msk $0xffff, v33  }
0xa7: {  	s23 =	simm.s32 $0xB;
	v39 =	vadd.s32 v12, v35;
	v33 =	vld [tilespmem:s24+$0xB0]  }
0xa8: {  	v40 =	vmov s23  }
0xa9: {  	v35 =	vshrl.u32 v40, $0x3  }
0xaa: {  	v35 =	vshll.u32 v35, v1  }
0xab: {  	v35 =	vbroadcast v35, $0x0  }
0xac: {  	[tilespmem:v39+s16+$0x0] =	vst.idx.msk $0xffff, v33  }
0xad: {  	v41 =	vadd.s32 v13, v35;
	v33 =	vld [tilespmem:s24+$0xC0];
	_ =	sdelay $0x4  }
0xae: {  	[tilespmem:v41+s16+$0x0] =	vst.idx.msk $0xffff, v33  }
0xaf: {  	v42 =	vadd.s32 v14, v35;
	v33 =	vld [tilespmem:s24+$0xD0];
	_ =	sdelay $0x4  }
0xb0: {  	[tilespmem:v42+s16+$0x0] =	vst.idx.msk $0xffff, v33  }
0xb1: {  	v43 =	vadd.s32 v15, v35;
	v33 =	vld [tilespmem:s24+$0xE0];
	_ =	sdelay $0x4  }
0xb2: {  	[tilespmem:v43+s16+$0x0] =	vst.idx.msk $0xffff, v33  }
0xb3: {  	s25 =	simm.s32 $0xC;
	v44 =	vadd.s32 v16, v35;
	v33 =	vld [tilespmem:s24+$0xF0]  }
0xb4: {  	v45 =	vmov s25  }
0xb5: {  	v35 =	vshrl.u32 v45, $0x3  }
0xb6: {  	v35 =	vshll.u32 v35, v1  }
0xb7: {  	v35 =	vbroadcast v35, $0x0  }
0xb8: {  	[tilespmem:v44+s16+$0x0] =	vst.idx.msk $0xffff, v33  }
0xb9: {  	v46 =	vadd.s32 v17, v35;
	v33 =	vld [tilespmem:s24+$0x100];
	_ =	sdelay $0x4  }
0xba: {  	[tilespmem:v46+s16+$0x0] =	vst.idx.msk $0xffff, v33  }
0xbb: {  	v47 =	vadd.s32 v18, v35;
	v33 =	vld [tilespmem:s24+$0x110];
	_ =	sdelay $0x4  }
0xbc: {  	[tilespmem:v47+s16+$0x0] =	vst.idx.msk $0xffff, v33  }
0xbd: {  	v48 =	vadd.s32 v19, v35;
	v33 =	vld [tilespmem:s24+$0x120];
	_ =	sdelay $0x4  }
0xbe: {  	[tilespmem:v48+s16+$0x0] =	vst.idx.msk $0xffff, v33  }
0xbf: {  	s29 =	simm.s32 $0xD;
	v49 =	vadd.s32 v20, v35;
	v33 =	vld [tilespmem:s24+$0x130]  }
0xc0: {  	v50 =	vmov s29  }
0xc1: {  	v35 =	vshrl.u32 v50, $0x3  }
0xc2: {  	v35 =	vshll.u32 v35, v1  }
0xc3: {  	v35 =	vbroadcast v35, $0x0  }
0xc4: {  	[tilespmem:v49+s16+$0x0] =	vst.idx.msk $0xffff, v33  }
0xc5: {  	v51 =	vadd.s32 v21, v35;
	v33 =	vld [tilespmem:s24+$0x140];
	_ =	sdelay $0x4  }
0xc6: {  	[tilespmem:v51+s16+$0x0] =	vst.idx.msk $0xffff, v33  }
0xc7: {  	v52 =	vadd.s32 v22, v35;
	v33 =	vld [tilespmem:s24+$0x150];
	_ =	sdelay $0x4  }
0xc8: {  	[tilespmem:v52+s16+$0x0] =	vst.idx.msk $0xffff, v33  }
0xc9: {  	v53 =	vadd.s32 v23, v35;
	v33 =	vld [tilespmem:s24+$0x160];
	_ =	sdelay $0x4  }
0xca: {  	[tilespmem:v53+s16+$0x0] =	vst.idx.msk $0xffff, v33  }
0xcb: {  	s30 =	simm.s32 $0xE;
	v54 =	vadd.s32 v24, v35;
	v33 =	vld [tilespmem:s24+$0x170]  }
0xcc: {  	v55 =	vmov s30  }
0xcd: {  	v35 =	vshrl.u32 v55, $0x3  }
0xce: {  	v35 =	vshll.u32 v35, v1  }
0xcf: {  	v35 =	vbroadcast v35, $0x0  }
0xd0: {  	[tilespmem:v54+s16+$0x0] =	vst.idx.msk $0xffff, v33  }
0xd1: {  	v56 =	vadd.s32 v25, v35;
	v33 =	vld [tilespmem:s24+$0x180];
	_ =	sdelay $0x4  }
0xd2: {  	[tilespmem:v56+s16+$0x0] =	vst.idx.msk $0xffff, v33  }
0xd3: {  	v57 =	vadd.s32 v26, v35;
	v33 =	vld [tilespmem:s24+$0x190];
	_ =	sdelay $0x4  }
0xd4: {  	[tilespmem:v57+s16+$0x0] =	vst.idx.msk $0xffff, v33  }
0xd5: {  	v58 =	vadd.s32 v27, v35;
	v33 =	vld [tilespmem:s24+$0x1A0];
	_ =	sdelay $0x4  }
0xd6: {  	[tilespmem:v58+s16+$0x0] =	vst.idx.msk $0xffff, v33  }
0xd7: {  	s31 =	simm.s32 $0xF;
	v59 =	vadd.s32 v28, v35;
	v33 =	vld [tilespmem:s24+$0x1B0]  }
0xd8: {  	v60 =	vmov s31  }
0xd9: {  	v35 =	vshrl.u32 v60, $0x3  }
0xda: {  	v35 =	vshll.u32 v35, v1  }
0xdb: {  	v35 =	vbroadcast v35, $0x0  }
0xdc: {  	[tilespmem:v59+s16+$0x0] =	vst.idx.msk $0xffff, v33  }
0xdd: {  	v61 =	vadd.s32 v29, v35;
	v33 =	vld [tilespmem:s24+$0x1C0];
	_ =	sdelay $0x4  }
0xde: {  	[tilespmem:v61+s16+$0x0] =	vst.idx.msk $0xffff, v33  }
0xdf: {  	v62 =	vadd.s32 v30, v35;
	v33 =	vld [tilespmem:s24+$0x1D0];
	_ =	sdelay $0x4  }
0xe0: {  	[tilespmem:v62+s16+$0x0] =	vst.idx.msk $0xffff, v33  }
0xe1: {  	v63 =	vadd.s32 v31, v35;
	v33 =	vld [tilespmem:s24+$0x1E0];
	_ =	sdelay $0x4  }
0xe2: {  	[tilespmem:v63+s16+$0x0] =	vst.idx.msk $0xffff, v33  }
0xe3: {  	s25 =	simm.s32 $0x10;
	v34 =	vadd.s32 v32, v35;
	v33 =	vld [tilespmem:s24+$0x1F0]  }
0xe4: {  	s28 =	simm.s32 $0x20;
	s23 =	sor.u32 $0x1, s26;
	v35 =	vmov s25  }
.LBB2_3:
0xe5: {  	p1 =	slt.u32 s28, $0x70;
	v35 =	vshrl.u32 v35, $0x3  }
0xe6: {  	v35 =	vshll.u32 v35, v1  }
0xe7: {  	v35 =	vbroadcast v35, $0x0  }
0xe8: {  	s24 =	sadd.s32 $0x400, s24;
	[tilespmem:v34+s16+$0x0] =	vst.idx.msk $0xffff, v33  }
0xe9: {  	v33 =	vld [tilespmem:s24+$0xFFFFFE00];
	v34 =	vadd.s32 v0, v35;
	_ =	sdelay $0x4  }
0xea: {  	[tilespmem:v34+s16+$0x0] =	vst.idx.msk $0xffff, v33  }
0xeb: {  	v34 =	vadd.s32 v2, v35;
	v33 =	vld [tilespmem:s24+$0xFFFFFE10];
	_ =	sdelay $0x4  }
0xec: {  	[tilespmem:v34+s16+$0x0] =	vst.idx.msk $0xffff, v33  }
0xed: {  	v34 =	vadd.s32 v3, v35;
	v33 =	vld [tilespmem:s24+$0xFFFFFE20];
	_ =	sdelay $0x4  }
0xee: {  	[tilespmem:v34+s16+$0x0] =	vst.idx.msk $0xffff, v33  }
0xef: {  	s0 =	sadd.s32 $0x1, s25;
	v34 =	vadd.s32 v4, v35;
	v33 =	vld [tilespmem:s24+$0xFFFFFE30]  }
0xf0: {  	v35 =	vmov s0  }
0xf1: {  	v35 =	vshrl.u32 v35, $0x3  }
0xf2: {  	v35 =	vshll.u32 v35, v1  }
0xf3: {  	v35 =	vbroadcast v35, $0x0  }
0xf4: {  	[tilespmem:v34+s16+$0x0] =	vst.idx.msk $0xffff, v33  }
0xf5: {  	v34 =	vadd.s32 v5, v35;
	v33 =	vld [tilespmem:s24+$0xFFFFFE40];
	_ =	sdelay $0x4  }
0xf6: {  	[tilespmem:v34+s16+$0x0] =	vst.idx.msk $0xffff, v33  }
0xf7: {  	v34 =	vadd.s32 v6, v35;
	v33 =	vld [tilespmem:s24+$0xFFFFFE50];
	_ =	sdelay $0x4  }
0xf8: {  	[tilespmem:v34+s16+$0x0] =	vst.idx.msk $0xffff, v33  }
0xf9: {  	v34 =	vadd.s32 v7, v35;
	v33 =	vld [tilespmem:s24+$0xFFFFFE60];
	_ =	sdelay $0x4  }
0xfa: {  	[tilespmem:v34+s16+$0x0] =	vst.idx.msk $0xffff, v33  }
0xfb: {  	s0 =	sadd.s32 $0x2, s25;
	v34 =	vadd.s32 v8, v35;
	v33 =	vld [tilespmem:s24+$0xFFFFFE70]  }
0xfc: {  	v35 =	vmov s0  }
0xfd: {  	v35 =	vshrl.u32 v35, $0x3  }
0xfe: {  	v35 =	vshll.u32 v35, v1  }
0xff: {  	v35 =	vbroadcast v35, $0x0  }
0x100: {  	[tilespmem:v34+s16+$0x0] =	vst.idx.msk $0xffff, v33  }
0x101: {  	v34 =	vadd.s32 v9, v35;
	v33 =	vld [tilespmem:s24+$0xFFFFFE80];
	_ =	sdelay $0x4  }
0x102: {  	[tilespmem:v34+s16+$0x0] =	vst.idx.msk $0xffff, v33  }
0x103: {  	v34 =	vadd.s32 v10, v35;
	v33 =	vld [tilespmem:s24+$0xFFFFFE90];
	_ =	sdelay $0x4  }
0x104: {  	[tilespmem:v34+s16+$0x0] =	vst.idx.msk $0xffff, v33  }
0x105: {  	v34 =	vadd.s32 v11, v35;
	v33 =	vld [tilespmem:s24+$0xFFFFFEA0];
	_ =	sdelay $0x4  }
0x106: {  	[tilespmem:v34+s16+$0x0] =	vst.idx.msk $0xffff, v33  }
0x107: {  	s0 =	sadd.s32 $0x3, s25;
	v34 =	vadd.s32 v12, v35;
	v33 =	vld [tilespmem:s24+$0xFFFFFEB0]  }
0x108: {  	v35 =	vmov s0  }
0x109: {  	v35 =	vshrl.u32 v35, $0x3  }
0x10a: {  	v35 =	vshll.u32 v35, v1  }
0x10b: {  	v35 =	vbroadcast v35, $0x0  }
0x10c: {  	[tilespmem:v34+s16+$0x0] =	vst.idx.msk $0xffff, v33  }
0x10d: {  	v34 =	vadd.s32 v13, v35;
	v33 =	vld [tilespmem:s24+$0xFFFFFEC0];
	_ =	sdelay $0x4  }
0x10e: {  	[tilespmem:v34+s16+$0x0] =	vst.idx.msk $0xffff, v33  }
0x10f: {  	v34 =	vadd.s32 v14, v35;
	v33 =	vld [tilespmem:s24+$0xFFFFFED0];
	_ =	sdelay $0x4  }
0x110: {  	[tilespmem:v34+s16+$0x0] =	vst.idx.msk $0xffff, v33  }
0x111: {  	v34 =	vadd.s32 v15, v35;
	v33 =	vld [tilespmem:s24+$0xFFFFFEE0];
	_ =	sdelay $0x4  }
0x112: {  	[tilespmem:v34+s16+$0x0] =	vst.idx.msk $0xffff, v33  }
0x113: {  	s0 =	sadd.s32 $0x4, s25;
	v34 =	vadd.s32 v16, v35;
	v33 =	vld [tilespmem:s24+$0xFFFFFEF0]  }
0x114: {  	v35 =	vmov s0  }
0x115: {  	v35 =	vshrl.u32 v35, $0x3  }
0x116: {  	v35 =	vshll.u32 v35, v1  }
0x117: {  	v35 =	vbroadcast v35, $0x0  }
0x118: {  	[tilespmem:v34+s16+$0x0] =	vst.idx.msk $0xffff, v33  }
0x119: {  	v34 =	vadd.s32 v17, v35;
	v33 =	vld [tilespmem:s24+$0xFFFFFF00];
	_ =	sdelay $0x4  }
0x11a: {  	[tilespmem:v34+s16+$0x0] =	vst.idx.msk $0xffff, v33  }
0x11b: {  	v34 =	vadd.s32 v18, v35;
	v33 =	vld [tilespmem:s24+$0xFFFFFF10];
	_ =	sdelay $0x4  }
0x11c: {  	[tilespmem:v34+s16+$0x0] =	vst.idx.msk $0xffff, v33  }
0x11d: {  	v34 =	vadd.s32 v19, v35;
	v33 =	vld [tilespmem:s24+$0xFFFFFF20];
	_ =	sdelay $0x4  }
0x11e: {  	[tilespmem:v34+s16+$0x0] =	vst.idx.msk $0xffff, v33  }
0x11f: {  	s0 =	sadd.s32 $0x5, s25;
	v34 =	vadd.s32 v20, v35;
	v33 =	vld [tilespmem:s24+$0xFFFFFF30]  }
0x120: {  	v35 =	vmov s0  }
0x121: {  	v35 =	vshrl.u32 v35, $0x3  }
0x122: {  	v35 =	vshll.u32 v35, v1  }
0x123: {  	v35 =	vbroadcast v35, $0x0  }
0x124: {  	[tilespmem:v34+s16+$0x0] =	vst.idx.msk $0xffff, v33  }
0x125: {  	v34 =	vadd.s32 v21, v35;
	v33 =	vld [tilespmem:s24+$0xFFFFFF40];
	_ =	sdelay $0x4  }
0x126: {  	[tilespmem:v34+s16+$0x0] =	vst.idx.msk $0xffff, v33  }
0x127: {  	v34 =	vadd.s32 v22, v35;
	v33 =	vld [tilespmem:s24+$0xFFFFFF50];
	_ =	sdelay $0x4  }
0x128: {  	[tilespmem:v34+s16+$0x0] =	vst.idx.msk $0xffff, v33  }
0x129: {  	v34 =	vadd.s32 v23, v35;
	v33 =	vld [tilespmem:s24+$0xFFFFFF60];
	_ =	sdelay $0x4  }
0x12a: {  	[tilespmem:v34+s16+$0x0] =	vst.idx.msk $0xffff, v33  }
0x12b: {  	s0 =	sadd.s32 $0x6, s25;
	v34 =	vadd.s32 v24, v35;
	v33 =	vld [tilespmem:s24+$0xFFFFFF70]  }
0x12c: {  	v35 =	vmov s0  }
0x12d: {  	v35 =	vshrl.u32 v35, $0x3  }
0x12e: {  	v35 =	vshll.u32 v35, v1  }
0x12f: {  	v35 =	vbroadcast v35, $0x0  }
0x130: {  	[tilespmem:v34+s16+$0x0] =	vst.idx.msk $0xffff, v33  }
0x131: {  	v34 =	vadd.s32 v25, v35;
	v33 =	vld [tilespmem:s24+$0xFFFFFF80];
	_ =	sdelay $0x4  }
0x132: {  	[tilespmem:v34+s16+$0x0] =	vst.idx.msk $0xffff, v33  }
0x133: {  	v34 =	vadd.s32 v26, v35;
	v33 =	vld [tilespmem:s24+$0xFFFFFF90];
	_ =	sdelay $0x4  }
0x134: {  	[tilespmem:v34+s16+$0x0] =	vst.idx.msk $0xffff, v33  }
0x135: {  	v34 =	vadd.s32 v27, v35;
	v33 =	vld [tilespmem:s24+$0xFFFFFFA0];
	_ =	sdelay $0x4  }
0x136: {  	[tilespmem:v34+s16+$0x0] =	vst.idx.msk $0xffff, v33  }
0x137: {  	s0 =	sadd.s32 $0x7, s25;
	v34 =	vadd.s32 v28, v35;
	v33 =	vld [tilespmem:s24+$0xFFFFFFB0]  }
0x138: {  	v35 =	vmov s0  }
0x139: {  	v35 =	vshrl.u32 v35, $0x3  }
0x13a: {  	v35 =	vshll.u32 v35, v1  }
0x13b: {  	v35 =	vbroadcast v35, $0x0  }
0x13c: {  	[tilespmem:v34+s16+$0x0] =	vst.idx.msk $0xffff, v33  }
0x13d: {  	v34 =	vadd.s32 v29, v35;
	v33 =	vld [tilespmem:s24+$0xFFFFFFC0];
	_ =	sdelay $0x4  }
0x13e: {  	[tilespmem:v34+s16+$0x0] =	vst.idx.msk $0xffff, v33  }
0x13f: {  	v34 =	vadd.s32 v30, v35;
	v33 =	vld [tilespmem:s24+$0xFFFFFFD0];
	_ =	sdelay $0x4  }
0x140: {  	[tilespmem:v34+s16+$0x0] =	vst.idx.msk $0xffff, v33  }
0x141: {  	v34 =	vadd.s32 v31, v35;
	v33 =	vld [tilespmem:s24+$0xFFFFFFE0];
	_ =	sdelay $0x4  }
0x142: {  	[tilespmem:v34+s16+$0x0] =	vst.idx.msk $0xffff, v33  }
0x143: {  	s0 =	sadd.s32 $0x8, s25;
	v34 =	vadd.s32 v32, v35;
	v33 =	vld [tilespmem:s24+$0xFFFFFFF0]  }
0x144: {  	v35 =	vmov s0  }
0x145: {  	v35 =	vshrl.u32 v35, $0x3  }
0x146: {  	v35 =	vshll.u32 v35, v1  }
0x147: {  	v35 =	vbroadcast v35, $0x0  }
0x148: {  	[tilespmem:v34+s16+$0x0] =	vst.idx.msk $0xffff, v33  }
0x149: {  	v34 =	vadd.s32 v0, v35;
	v33 =	vld [tilespmem:s24+$0x0];
	_ =	sdelay $0x4  }
0x14a: {  	[tilespmem:v34+s16+$0x0] =	vst.idx.msk $0xffff, v33  }
0x14b: {  	v34 =	vadd.s32 v2, v35;
	v33 =	vld [tilespmem:s24+$0x10];
	_ =	sdelay $0x4  }
0x14c: {  	[tilespmem:v34+s16+$0x0] =	vst.idx.msk $0xffff, v33  }
0x14d: {  	v34 =	vadd.s32 v3, v35;
	v33 =	vld [tilespmem:s24+$0x20];
	_ =	sdelay $0x4  }
0x14e: {  	[tilespmem:v34+s16+$0x0] =	vst.idx.msk $0xffff, v33  }
0x14f: {  	s0 =	sadd.s32 $0x9, s25;
	v34 =	vadd.s32 v4, v35;
	v33 =	vld [tilespmem:s24+$0x30]  }
0x150: {  	v35 =	vmov s0  }
0x151: {  	v35 =	vshrl.u32 v35, $0x3  }
0x152: {  	v35 =	vshll.u32 v35, v1  }
0x153: {  	v35 =	vbroadcast v35, $0x0  }
0x154: {  	[tilespmem:v34+s16+$0x0] =	vst.idx.msk $0xffff, v33  }
0x155: {  	v34 =	vadd.s32 v5, v35;
	v33 =	vld [tilespmem:s24+$0x40];
	_ =	sdelay $0x4  }
0x156: {  	[tilespmem:v34+s16+$0x0] =	vst.idx.msk $0xffff, v33  }
0x157: {  	v34 =	vadd.s32 v6, v35;
	v33 =	vld [tilespmem:s24+$0x50];
	_ =	sdelay $0x4  }
0x158: {  	[tilespmem:v34+s16+$0x0] =	vst.idx.msk $0xffff, v33  }
0x159: {  	v34 =	vadd.s32 v7, v35;
	v33 =	vld [tilespmem:s24+$0x60];
	_ =	sdelay $0x4  }
0x15a: {  	[tilespmem:v34+s16+$0x0] =	vst.idx.msk $0xffff, v33  }
0x15b: {  	s0 =	sadd.s32 $0xA, s25;
	v34 =	vadd.s32 v8, v35;
	v33 =	vld [tilespmem:s24+$0x70]  }
0x15c: {  	v35 =	vmov s0  }
0x15d: {  	v35 =	vshrl.u32 v35, $0x3  }
0x15e: {  	v35 =	vshll.u32 v35, v1  }
0x15f: {  	v35 =	vbroadcast v35, $0x0  }
0x160: {  	[tilespmem:v34+s16+$0x0] =	vst.idx.msk $0xffff, v33  }
0x161: {  	v34 =	vadd.s32 v9, v35;
	v33 =	vld [tilespmem:s24+$0x80];
	_ =	sdelay $0x4  }
0x162: {  	[tilespmem:v34+s16+$0x0] =	vst.idx.msk $0xffff, v33  }
0x163: {  	v34 =	vadd.s32 v10, v35;
	v33 =	vld [tilespmem:s24+$0x90];
	_ =	sdelay $0x4  }
0x164: {  	[tilespmem:v34+s16+$0x0] =	vst.idx.msk $0xffff, v33  }
0x165: {  	v34 =	vadd.s32 v11, v35;
	v33 =	vld [tilespmem:s24+$0xA0];
	_ =	sdelay $0x4  }
0x166: {  	[tilespmem:v34+s16+$0x0] =	vst.idx.msk $0xffff, v33  }
0x167: {  	s0 =	sadd.s32 $0xB, s25;
	v34 =	vadd.s32 v12, v35;
	v33 =	vld [tilespmem:s24+$0xB0]  }
0x168: {  	v35 =	vmov s0  }
0x169: {  	v35 =	vshrl.u32 v35, $0x3  }
0x16a: {  	v35 =	vshll.u32 v35, v1  }
0x16b: {  	v35 =	vbroadcast v35, $0x0  }
0x16c: {  	[tilespmem:v34+s16+$0x0] =	vst.idx.msk $0xffff, v33  }
0x16d: {  	v34 =	vadd.s32 v13, v35;
	v33 =	vld [tilespmem:s24+$0xC0];
	_ =	sdelay $0x4  }
0x16e: {  	[tilespmem:v34+s16+$0x0] =	vst.idx.msk $0xffff, v33  }
0x16f: {  	v34 =	vadd.s32 v14, v35;
	v33 =	vld [tilespmem:s24+$0xD0];
	_ =	sdelay $0x4  }
0x170: {  	[tilespmem:v34+s16+$0x0] =	vst.idx.msk $0xffff, v33  }
0x171: {  	v34 =	vadd.s32 v15, v35;
	v33 =	vld [tilespmem:s24+$0xE0];
	_ =	sdelay $0x4  }
0x172: {  	[tilespmem:v34+s16+$0x0] =	vst.idx.msk $0xffff, v33  }
0x173: {  	s0 =	sadd.s32 $0xC, s25;
	v34 =	vadd.s32 v16, v35;
	v33 =	vld [tilespmem:s24+$0xF0]  }
0x174: {  	v35 =	vmov s0  }
0x175: {  	v35 =	vshrl.u32 v35, $0x3  }
0x176: {  	v35 =	vshll.u32 v35, v1  }
0x177: {  	v35 =	vbroadcast v35, $0x0  }
0x178: {  	[tilespmem:v34+s16+$0x0] =	vst.idx.msk $0xffff, v33  }
0x179: {  	v34 =	vadd.s32 v17, v35;
	v33 =	vld [tilespmem:s24+$0x100];
	_ =	sdelay $0x4  }
0x17a: {  	[tilespmem:v34+s16+$0x0] =	vst.idx.msk $0xffff, v33  }
0x17b: {  	v34 =	vadd.s32 v18, v35;
	v33 =	vld [tilespmem:s24+$0x110];
	_ =	sdelay $0x4  }
0x17c: {  	[tilespmem:v34+s16+$0x0] =	vst.idx.msk $0xffff, v33  }
0x17d: {  	v34 =	vadd.s32 v19, v35;
	v33 =	vld [tilespmem:s24+$0x120];
	_ =	sdelay $0x4  }
0x17e: {  	[tilespmem:v34+s16+$0x0] =	vst.idx.msk $0xffff, v33  }
0x17f: {  	s0 =	sadd.s32 $0xD, s25;
	v34 =	vadd.s32 v20, v35;
	v33 =	vld [tilespmem:s24+$0x130]  }
0x180: {  	v35 =	vmov s0  }
0x181: {  	v35 =	vshrl.u32 v35, $0x3  }
0x182: {  	v35 =	vshll.u32 v35, v1  }
0x183: {  	v35 =	vbroadcast v35, $0x0  }
0x184: {  	[tilespmem:v34+s16+$0x0] =	vst.idx.msk $0xffff, v33  }
0x185: {  	v34 =	vadd.s32 v21, v35;
	v33 =	vld [tilespmem:s24+$0x140];
	_ =	sdelay $0x4  }
0x186: {  	[tilespmem:v34+s16+$0x0] =	vst.idx.msk $0xffff, v33  }
0x187: {  	v34 =	vadd.s32 v22, v35;
	v33 =	vld [tilespmem:s24+$0x150];
	_ =	sdelay $0x4  }
0x188: {  	[tilespmem:v34+s16+$0x0] =	vst.idx.msk $0xffff, v33  }
0x189: {  	v34 =	vadd.s32 v23, v35;
	v33 =	vld [tilespmem:s24+$0x160];
	_ =	sdelay $0x4  }
0x18a: {  	[tilespmem:v34+s16+$0x0] =	vst.idx.msk $0xffff, v33  }
0x18b: {  	s0 =	sadd.s32 $0xE, s25;
	v34 =	vadd.s32 v24, v35;
	v33 =	vld [tilespmem:s24+$0x170]  }
0x18c: {  	v35 =	vmov s0  }
0x18d: {  	v35 =	vshrl.u32 v35, $0x3  }
0x18e: {  	v35 =	vshll.u32 v35, v1  }
0x18f: {  	v35 =	vbroadcast v35, $0x0  }
0x190: {  	[tilespmem:v34+s16+$0x0] =	vst.idx.msk $0xffff, v33  }
0x191: {  	v34 =	vadd.s32 v25, v35;
	v33 =	vld [tilespmem:s24+$0x180];
	_ =	sdelay $0x4  }
0x192: {  	[tilespmem:v34+s16+$0x0] =	vst.idx.msk $0xffff, v33  }
0x193: {  	v34 =	vadd.s32 v26, v35;
	v33 =	vld [tilespmem:s24+$0x190];
	_ =	sdelay $0x4  }
0x194: {  	[tilespmem:v34+s16+$0x0] =	vst.idx.msk $0xffff, v33  }
0x195: {  	v34 =	vadd.s32 v27, v35;
	v33 =	vld [tilespmem:s24+$0x1A0];
	_ =	sdelay $0x4  }
0x196: {  	[tilespmem:v34+s16+$0x0] =	vst.idx.msk $0xffff, v33  }
0x197: {  	s0 =	sadd.s32 $0xF, s25;
	s25 =	smov.u32 s28;
	v34 =	vadd.s32 v28, v35;
	v33 =	vld [tilespmem:s24+$0x1B0]  }
0x198: {  	v35 =	vmov s0  }
0x199: {  	v35 =	vshrl.u32 v35, $0x3  }
0x19a: {  	v35 =	vshll.u32 v35, v1  }
0x19b: {  	v35 =	vbroadcast v35, $0x0  }
0x19c: {  	[tilespmem:v34+s16+$0x0] =	vst.idx.msk $0xffff, v33  }
0x19d: {  	v34 =	vadd.s32 v29, v35;
	v33 =	vld [tilespmem:s24+$0x1C0];
	_ =	sdelay $0x4  }
0x19e: {  	[tilespmem:v34+s16+$0x0] =	vst.idx.msk $0xffff, v33  }
0x19f: {  	v34 =	vadd.s32 v30, v35;
	v33 =	vld [tilespmem:s24+$0x1D0];
	_ =	sdelay $0x4  }
0x1a0: {  	[tilespmem:v34+s16+$0x0] =	vst.idx.msk $0xffff, v33  }
0x1a1: {  	v34 =	vadd.s32 v31, v35;
	v33 =	vld [tilespmem:s24+$0x1E0];
	_ =	sdelay $0x2  }
.Ltmp0:
0x1a2: {  	(pc) =	sbr.rel @p1 .LBB2_3-.Ltmp0, $4  }
0x1a3: {  	_ = 	snop  }
0x1a4: {  	[tilespmem:v34+s16+$0x0] =	vst.idx.msk $0xffff, v33  }
0x1a5: {  	v34 =	vadd.s32 v32, v35;
	v33 =	vld [tilespmem:s24+$0x1F0]  }
0x1a6: {  	s28 =	sadd.s32 $0x10, s28;
	v35 =	vmov s25  }
0x1a7: {  	_ = 	snop  }
0x1a8: {  	v35 =	vshrl.u32 v35, $0x3  }
0x1a9: {  	v35 =	vshll.u32 v35, v1  }
0x1aa: {  	v35 =	vbroadcast v35, $0x0  }
0x1ab: {  	s28 =	sadd.s32 $0x400, s24;
	[tilespmem:v34+s16+$0x0] =	vst.idx.msk $0xffff, v33  }
0x1ac: {  	v33 =	vld [tilespmem:s28+$0xFFFFFE00];
	v41 =	vadd.s32 v0, v35;
	_ =	sdelay $0x4  }
0x1ad: {  	[tilespmem:v41+s16+$0x0] =	vst.idx.msk $0xffff, v33  }
0x1ae: {  	v42 =	vadd.s32 v2, v35;
	v33 =	vld [tilespmem:s28+$0xFFFFFE10];
	_ =	sdelay $0x4  }
0x1af: {  	[tilespmem:v42+s16+$0x0] =	vst.idx.msk $0xffff, v33  }
0x1b0: {  	v43 =	vadd.s32 v3, v35;
	v33 =	vld [tilespmem:s28+$0xFFFFFE20];
	_ =	sdelay $0x4  }
0x1b1: {  	[tilespmem:v43+s16+$0x0] =	vst.idx.msk $0xffff, v33  }
0x1b2: {  	s0 =	sadd.s32 $0x1, s25;
	v44 =	vadd.s32 v4, v35;
	v33 =	vld [tilespmem:s28+$0xFFFFFE30]  }
0x1b3: {  	v45 =	vmov s0  }
0x1b4: {  	v35 =	vshrl.u32 v45, $0x3  }
0x1b5: {  	v35 =	vshll.u32 v35, v1  }
0x1b6: {  	v35 =	vbroadcast v35, $0x0  }
0x1b7: {  	[tilespmem:v44+s16+$0x0] =	vst.idx.msk $0xffff, v33  }
0x1b8: {  	v46 =	vadd.s32 v5, v35;
	v33 =	vld [tilespmem:s28+$0xFFFFFE40];
	_ =	sdelay $0x4  }
0x1b9: {  	[tilespmem:v46+s16+$0x0] =	vst.idx.msk $0xffff, v33  }
0x1ba: {  	v47 =	vadd.s32 v6, v35;
	v33 =	vld [tilespmem:s28+$0xFFFFFE50];
	_ =	sdelay $0x4  }
0x1bb: {  	[tilespmem:v47+s16+$0x0] =	vst.idx.msk $0xffff, v33  }
0x1bc: {  	v48 =	vadd.s32 v7, v35;
	v33 =	vld [tilespmem:s28+$0xFFFFFE60];
	_ =	sdelay $0x4  }
0x1bd: {  	[tilespmem:v48+s16+$0x0] =	vst.idx.msk $0xffff, v33  }
0x1be: {  	s2 =	sadd.s32 $0x2, s25;
	v49 =	vadd.s32 v8, v35;
	v33 =	vld [tilespmem:s28+$0xFFFFFE70]  }
0x1bf: {  	v50 =	vmov s2  }
0x1c0: {  	v35 =	vshrl.u32 v50, $0x3  }
0x1c1: {  	v35 =	vshll.u32 v35, v1  }
0x1c2: {  	v35 =	vbroadcast v35, $0x0  }
0x1c3: {  	[tilespmem:v49+s16+$0x0] =	vst.idx.msk $0xffff, v33  }
0x1c4: {  	v51 =	vadd.s32 v9, v35;
	v33 =	vld [tilespmem:s28+$0xFFFFFE80];
	_ =	sdelay $0x4  }
0x1c5: {  	[tilespmem:v51+s16+$0x0] =	vst.idx.msk $0xffff, v33  }
0x1c6: {  	v52 =	vadd.s32 v10, v35;
	v33 =	vld [tilespmem:s28+$0xFFFFFE90];
	_ =	sdelay $0x4  }
0x1c7: {  	[tilespmem:v52+s16+$0x0] =	vst.idx.msk $0xffff, v33  }
0x1c8: {  	v53 =	vadd.s32 v11, v35;
	v33 =	vld [tilespmem:s28+$0xFFFFFEA0];
	_ =	sdelay $0x4  }
0x1c9: {  	[tilespmem:v53+s16+$0x0] =	vst.idx.msk $0xffff, v33  }
0x1ca: {  	s24 =	sadd.s32 $0x3, s25;
	v54 =	vadd.s32 v12, v35;
	v33 =	vld [tilespmem:s28+$0xFFFFFEB0]  }
0x1cb: {  	v55 =	vmov s24  }
0x1cc: {  	v35 =	vshrl.u32 v55, $0x3  }
0x1cd: {  	v35 =	vshll.u32 v35, v1  }
0x1ce: {  	v35 =	vbroadcast v35, $0x0  }
0x1cf: {  	[tilespmem:v54+s16+$0x0] =	vst.idx.msk $0xffff, v33  }
0x1d0: {  	v56 =	vadd.s32 v13, v35;
	v33 =	vld [tilespmem:s28+$0xFFFFFEC0];
	_ =	sdelay $0x4  }
0x1d1: {  	[tilespmem:v56+s16+$0x0] =	vst.idx.msk $0xffff, v33  }
0x1d2: {  	v57 =	vadd.s32 v14, v35;
	v33 =	vld [tilespmem:s28+$0xFFFFFED0];
	_ =	sdelay $0x4  }
0x1d3: {  	[tilespmem:v57+s16+$0x0] =	vst.idx.msk $0xffff, v33  }
0x1d4: {  	v58 =	vadd.s32 v15, v35;
	v33 =	vld [tilespmem:s28+$0xFFFFFEE0];
	_ =	sdelay $0x4  }
0x1d5: {  	[tilespmem:v58+s16+$0x0] =	vst.idx.msk $0xffff, v33  }
0x1d6: {  	s2 =	sadd.s32 $0x4, s25;
	v59 =	vadd.s32 v16, v35;
	v33 =	vld [tilespmem:s28+$0xFFFFFEF0]  }
0x1d7: {  	v60 =	vmov s2  }
0x1d8: {  	v35 =	vshrl.u32 v60, $0x3  }
0x1d9: {  	v35 =	vshll.u32 v35, v1  }
0x1da: {  	v35 =	vbroadcast v35, $0x0  }
0x1db: {  	[tilespmem:v59+s16+$0x0] =	vst.idx.msk $0xffff, v33  }
0x1dc: {  	v61 =	vadd.s32 v17, v35;
	v33 =	vld [tilespmem:s28+$0xFFFFFF00];
	_ =	sdelay $0x4  }
0x1dd: {  	[tilespmem:v61+s16+$0x0] =	vst.idx.msk $0xffff, v33  }
0x1de: {  	v62 =	vadd.s32 v18, v35;
	v33 =	vld [tilespmem:s28+$0xFFFFFF10];
	_ =	sdelay $0x4  }
0x1df: {  	[tilespmem:v62+s16+$0x0] =	vst.idx.msk $0xffff, v33  }
0x1e0: {  	v63 =	vadd.s32 v19, v35;
	v33 =	vld [tilespmem:s28+$0xFFFFFF20];
	_ =	sdelay $0x4  }
0x1e1: {  	[tilespmem:v63+s16+$0x0] =	vst.idx.msk $0xffff, v33  }
0x1e2: {  	s24 =	sadd.s32 $0x5, s25;
	v36 =	vadd.s32 v20, v35;
	v33 =	vld [tilespmem:s28+$0xFFFFFF30]  }
0x1e3: {  	v37 =	vmov s24  }
0x1e4: {  	v35 =	vshrl.u32 v37, $0x3  }
0x1e5: {  	v35 =	vshll.u32 v35, v1  }
0x1e6: {  	v35 =	vbroadcast v35, $0x0  }
0x1e7: {  	[tilespmem:v36+s16+$0x0] =	vst.idx.msk $0xffff, v33  }
0x1e8: {  	v38 =	vadd.s32 v21, v35;
	v33 =	vld [tilespmem:s28+$0xFFFFFF40];
	_ =	sdelay $0x4  }
0x1e9: {  	[tilespmem:v38+s16+$0x0] =	vst.idx.msk $0xffff, v33  }
0x1ea: {  	v39 =	vadd.s32 v22, v35;
	v33 =	vld [tilespmem:s28+$0xFFFFFF50];
	_ =	sdelay $0x4  }
0x1eb: {  	[tilespmem:v39+s16+$0x0] =	vst.idx.msk $0xffff, v33  }
0x1ec: {  	v40 =	vadd.s32 v23, v35;
	v33 =	vld [tilespmem:s28+$0xFFFFFF60];
	_ =	sdelay $0x4  }
0x1ed: {  	[tilespmem:v40+s16+$0x0] =	vst.idx.msk $0xffff, v33  }
0x1ee: {  	s2 =	sadd.s32 $0x6, s25;
	v41 =	vadd.s32 v24, v35;
	v33 =	vld [tilespmem:s28+$0xFFFFFF70]  }
0x1ef: {  	v42 =	vmov s2  }
0x1f0: {  	v35 =	vshrl.u32 v42, $0x3  }
0x1f1: {  	v35 =	vshll.u32 v35, v1  }
0x1f2: {  	v35 =	vbroadcast v35, $0x0  }
0x1f3: {  	[tilespmem:v41+s16+$0x0] =	vst.idx.msk $0xffff, v33  }
0x1f4: {  	v43 =	vadd.s32 v25, v35;
	v33 =	vld [tilespmem:s28+$0xFFFFFF80];
	_ =	sdelay $0x4  }
0x1f5: {  	[tilespmem:v43+s16+$0x0] =	vst.idx.msk $0xffff, v33  }
0x1f6: {  	v44 =	vadd.s32 v26, v35;
	v33 =	vld [tilespmem:s28+$0xFFFFFF90];
	_ =	sdelay $0x4  }
0x1f7: {  	[tilespmem:v44+s16+$0x0] =	vst.idx.msk $0xffff, v33  }
0x1f8: {  	v45 =	vadd.s32 v27, v35;
	v33 =	vld [tilespmem:s28+$0xFFFFFFA0];
	_ =	sdelay $0x4  }
0x1f9: {  	[tilespmem:v45+s16+$0x0] =	vst.idx.msk $0xffff, v33  }
0x1fa: {  	s24 =	sadd.s32 $0x7, s25;
	v46 =	vadd.s32 v28, v35;
	v33 =	vld [tilespmem:s28+$0xFFFFFFB0]  }
0x1fb: {  	v47 =	vmov s24  }
0x1fc: {  	v35 =	vshrl.u32 v47, $0x3  }
0x1fd: {  	v35 =	vshll.u32 v35, v1  }
0x1fe: {  	v35 =	vbroadcast v35, $0x0  }
0x1ff: {  	[tilespmem:v46+s16+$0x0] =	vst.idx.msk $0xffff, v33  }
0x200: {  	v48 =	vadd.s32 v29, v35;
	v33 =	vld [tilespmem:s28+$0xFFFFFFC0];
	_ =	sdelay $0x4  }
0x201: {  	[tilespmem:v48+s16+$0x0] =	vst.idx.msk $0xffff, v33  }
0x202: {  	v49 =	vadd.s32 v30, v35;
	v33 =	vld [tilespmem:s28+$0xFFFFFFD0];
	_ =	sdelay $0x4  }
0x203: {  	[tilespmem:v49+s16+$0x0] =	vst.idx.msk $0xffff, v33  }
0x204: {  	v50 =	vadd.s32 v31, v35;
	v33 =	vld [tilespmem:s28+$0xFFFFFFE0];
	_ =	sdelay $0x4  }
0x205: {  	[tilespmem:v50+s16+$0x0] =	vst.idx.msk $0xffff, v33  }
0x206: {  	s2 =	sadd.s32 $0x8, s25;
	v51 =	vadd.s32 v32, v35;
	v33 =	vld [tilespmem:s28+$0xFFFFFFF0]  }
0x207: {  	v52 =	vmov s2  }
0x208: {  	v35 =	vshrl.u32 v52, $0x3  }
0x209: {  	v35 =	vshll.u32 v35, v1  }
0x20a: {  	v35 =	vbroadcast v35, $0x0  }
0x20b: {  	[tilespmem:v51+s16+$0x0] =	vst.idx.msk $0xffff, v33  }
0x20c: {  	v53 =	vadd.s32 v0, v35;
	v33 =	vld [tilespmem:s28+$0x0];
	_ =	sdelay $0x4  }
0x20d: {  	[tilespmem:v53+s16+$0x0] =	vst.idx.msk $0xffff, v33  }
0x20e: {  	v54 =	vadd.s32 v2, v35;
	v33 =	vld [tilespmem:s28+$0x10];
	_ =	sdelay $0x4  }
0x20f: {  	[tilespmem:v54+s16+$0x0] =	vst.idx.msk $0xffff, v33  }
0x210: {  	v55 =	vadd.s32 v3, v35;
	v33 =	vld [tilespmem:s28+$0x20];
	_ =	sdelay $0x4  }
0x211: {  	[tilespmem:v55+s16+$0x0] =	vst.idx.msk $0xffff, v33  }
0x212: {  	s24 =	sadd.s32 $0x9, s25;
	v56 =	vadd.s32 v4, v35;
	v33 =	vld [tilespmem:s28+$0x30]  }
0x213: {  	v57 =	vmov s24  }
0x214: {  	v35 =	vshrl.u32 v57, $0x3  }
0x215: {  	v35 =	vshll.u32 v35, v1  }
0x216: {  	v35 =	vbroadcast v35, $0x0  }
0x217: {  	[tilespmem:v56+s16+$0x0] =	vst.idx.msk $0xffff, v33  }
0x218: {  	v58 =	vadd.s32 v5, v35;
	v33 =	vld [tilespmem:s28+$0x40];
	_ =	sdelay $0x4  }
0x219: {  	[tilespmem:v58+s16+$0x0] =	vst.idx.msk $0xffff, v33  }
0x21a: {  	v59 =	vadd.s32 v6, v35;
	v33 =	vld [tilespmem:s28+$0x50];
	_ =	sdelay $0x4  }
0x21b: {  	[tilespmem:v59+s16+$0x0] =	vst.idx.msk $0xffff, v33  }
0x21c: {  	v60 =	vadd.s32 v7, v35;
	v33 =	vld [tilespmem:s28+$0x60];
	_ =	sdelay $0x4  }
0x21d: {  	[tilespmem:v60+s16+$0x0] =	vst.idx.msk $0xffff, v33  }
0x21e: {  	s2 =	sadd.s32 $0xA, s25;
	v61 =	vadd.s32 v8, v35;
	v33 =	vld [tilespmem:s28+$0x70]  }
0x21f: {  	v62 =	vmov s2  }
0x220: {  	v35 =	vshrl.u32 v62, $0x3  }
0x221: {  	v35 =	vshll.u32 v35, v1  }
0x222: {  	v35 =	vbroadcast v35, $0x0  }
0x223: {  	[tilespmem:v61+s16+$0x0] =	vst.idx.msk $0xffff, v33  }
0x224: {  	v63 =	vadd.s32 v9, v35;
	v33 =	vld [tilespmem:s28+$0x80];
	_ =	sdelay $0x4  }
0x225: {  	[tilespmem:v63+s16+$0x0] =	vst.idx.msk $0xffff, v33  }
0x226: {  	v36 =	vadd.s32 v10, v35;
	v33 =	vld [tilespmem:s28+$0x90];
	_ =	sdelay $0x4  }
0x227: {  	[tilespmem:v36+s16+$0x0] =	vst.idx.msk $0xffff, v33  }
0x228: {  	v37 =	vadd.s32 v11, v35;
	v33 =	vld [tilespmem:s28+$0xA0];
	_ =	sdelay $0x4  }
0x229: {  	[tilespmem:v37+s16+$0x0] =	vst.idx.msk $0xffff, v33  }
0x22a: {  	s24 =	sadd.s32 $0xB, s25;
	v38 =	vadd.s32 v12, v35;
	v33 =	vld [tilespmem:s28+$0xB0]  }
0x22b: {  	v39 =	vmov s24  }
0x22c: {  	v35 =	vshrl.u32 v39, $0x3  }
0x22d: {  	v35 =	vshll.u32 v35, v1  }
0x22e: {  	v35 =	vbroadcast v35, $0x0  }
0x22f: {  	[tilespmem:v38+s16+$0x0] =	vst.idx.msk $0xffff, v33  }
0x230: {  	v40 =	vadd.s32 v13, v35;
	v33 =	vld [tilespmem:s28+$0xC0];
	_ =	sdelay $0x4  }
0x231: {  	[tilespmem:v40+s16+$0x0] =	vst.idx.msk $0xffff, v33  }
0x232: {  	v41 =	vadd.s32 v14, v35;
	v33 =	vld [tilespmem:s28+$0xD0];
	_ =	sdelay $0x4  }
0x233: {  	[tilespmem:v41+s16+$0x0] =	vst.idx.msk $0xffff, v33  }
0x234: {  	v42 =	vadd.s32 v15, v35;
	v33 =	vld [tilespmem:s28+$0xE0];
	_ =	sdelay $0x4  }
0x235: {  	[tilespmem:v42+s16+$0x0] =	vst.idx.msk $0xffff, v33  }
0x236: {  	s2 =	sadd.s32 $0xC, s25;
	v43 =	vadd.s32 v16, v35;
	v33 =	vld [tilespmem:s28+$0xF0]  }
0x237: {  	v44 =	vmov s2  }
0x238: {  	v35 =	vshrl.u32 v44, $0x3  }
0x239: {  	v35 =	vshll.u32 v35, v1  }
0x23a: {  	v35 =	vbroadcast v35, $0x0  }
0x23b: {  	[tilespmem:v43+s16+$0x0] =	vst.idx.msk $0xffff, v33  }
0x23c: {  	v45 =	vadd.s32 v17, v35;
	v33 =	vld [tilespmem:s28+$0x100];
	_ =	sdelay $0x4  }
0x23d: {  	[tilespmem:v45+s16+$0x0] =	vst.idx.msk $0xffff, v33  }
0x23e: {  	v46 =	vadd.s32 v18, v35;
	v33 =	vld [tilespmem:s28+$0x110];
	_ =	sdelay $0x4  }
0x23f: {  	[tilespmem:v46+s16+$0x0] =	vst.idx.msk $0xffff, v33  }
0x240: {  	v47 =	vadd.s32 v19, v35;
	v33 =	vld [tilespmem:s28+$0x120];
	_ =	sdelay $0x4  }
0x241: {  	[tilespmem:v47+s16+$0x0] =	vst.idx.msk $0xffff, v33  }
0x242: {  	s24 =	sadd.s32 $0xD, s25;
	v48 =	vadd.s32 v20, v35;
	v33 =	vld [tilespmem:s28+$0x130]  }
0x243: {  	v49 =	vmov s24  }
0x244: {  	v35 =	vshrl.u32 v49, $0x3  }
0x245: {  	v35 =	vshll.u32 v35, v1  }
0x246: {  	v35 =	vbroadcast v35, $0x0  }
0x247: {  	[tilespmem:v48+s16+$0x0] =	vst.idx.msk $0xffff, v33  }
0x248: {  	v50 =	vadd.s32 v21, v35;
	v33 =	vld [tilespmem:s28+$0x140];
	_ =	sdelay $0x4  }
0x249: {  	[tilespmem:v50+s16+$0x0] =	vst.idx.msk $0xffff, v33  }
0x24a: {  	v51 =	vadd.s32 v22, v35;
	v33 =	vld [tilespmem:s28+$0x150];
	_ =	sdelay $0x4  }
0x24b: {  	[tilespmem:v51+s16+$0x0] =	vst.idx.msk $0xffff, v33  }
0x24c: {  	v52 =	vadd.s32 v23, v35;
	v33 =	vld [tilespmem:s28+$0x160];
	_ =	sdelay $0x4  }
0x24d: {  	[tilespmem:v52+s16+$0x0] =	vst.idx.msk $0xffff, v33  }
0x24e: {  	s2 =	sadd.s32 $0xE, s25;
	v53 =	vadd.s32 v24, v35;
	v33 =	vld [tilespmem:s28+$0x170]  }
0x24f: {  	v54 =	vmov s2  }
0x250: {  	v35 =	vshrl.u32 v54, $0x3  }
0x251: {  	v35 =	vshll.u32 v35, v1  }
0x252: {  	v35 =	vbroadcast v35, $0x0  }
0x253: {  	[tilespmem:v53+s16+$0x0] =	vst.idx.msk $0xffff, v33  }
0x254: {  	v55 =	vadd.s32 v25, v35;
	v33 =	vld [tilespmem:s28+$0x180];
	_ =	sdelay $0x4  }
0x255: {  	[tilespmem:v55+s16+$0x0] =	vst.idx.msk $0xffff, v33  }
0x256: {  	v56 =	vadd.s32 v26, v35;
	v33 =	vld [tilespmem:s28+$0x190];
	_ =	sdelay $0x4  }
0x257: {  	[tilespmem:v56+s16+$0x0] =	vst.idx.msk $0xffff, v33  }
0x258: {  	v57 =	vadd.s32 v27, v35;
	v33 =	vld [tilespmem:s28+$0x1A0];
	_ =	sdelay $0x4  }
0x259: {  	[tilespmem:v57+s16+$0x0] =	vst.idx.msk $0xffff, v33  }
0x25a: {  	s24 =	sadd.s32 $0xF, s25;
	v58 =	vadd.s32 v28, v35;
	v33 =	vld [tilespmem:s28+$0x1B0]  }
0x25b: {  	v59 =	vmov s24  }
0x25c: {  	v35 =	vshrl.u32 v59, $0x3  }
0x25d: {  	v35 =	vshll.u32 v35, v1  }
0x25e: {  	v35 =	vbroadcast v35, $0x0  }
0x25f: {  	[tilespmem:v58+s16+$0x0] =	vst.idx.msk $0xffff, v33  }
0x260: {  	v60 =	vadd.s32 v29, v35;
	v33 =	vld [tilespmem:s28+$0x1C0];
	_ =	sdelay $0x4  }
0x261: {  	[tilespmem:v60+s16+$0x0] =	vst.idx.msk $0xffff, v33  }
0x262: {  	v61 =	vadd.s32 v30, v35;
	v33 =	vld [tilespmem:s28+$0x1D0];
	_ =	sdelay $0x4  }
0x263: {  	[tilespmem:v61+s16+$0x0] =	vst.idx.msk $0xffff, v33  }
0x264: {  	v62 =	vadd.s32 v31, v35;
	v33 =	vld [tilespmem:s28+$0x1E0];
	_ =	sdelay $0x1  }
0x265: {  	s25 =	smulhi.u32 $0x51EB851F, s22;
	_ =	sdelay $0x1  }
0x266: {  	s0 =	sshrl.u32 s25, $0x3  }
0x267: {  	s24 =	smul.u32 $0xFFFFFFCE, s0;
	[tilespmem:v62+s16+$0x0] =	vst.idx.msk $0xffff, v33  }
0x268: {  	v63 =	vadd.s32 v32, v35;
	v33 =	vld [tilespmem:s28+$0x1F0]  }
0x269: {  	s0 =	sadd.s32 s7, s0;
	s2 =	sadd.s32 s26, s24  }
0x26a: {  	s25 =	sshll.u32 s0, $0xA;
	s28 =	sshll.u32 s2, $0x14  }
0x26b: {  	s0 =	sadd.s32 s25, s28  }
0x26c: {  	s0 =	sshrl.u32 s0, $0x3  }
0x26d: {  	s2 =	simm.s32 $0x4100;
	s29 =	sadd.s32 s1, s0;
	[tilespmem:v63+s16+$0x0] =	vst.idx.msk $0xffff, v33  }
0x26e: {  	[hbm4b:s29+s3] =	stream.linear.scatter [tilespmem:s2], [sflag:$0x5], $0x80, $0x38;
	[tilespmem:$0x8500] =	vst v63  }
0x26f: {  	s28 =	sadd.s32 $0x10, s29;
	s2 =	simm.s32 $0x4188  }
0x270: {  	[hbm4b:s28+s3] =	stream.linear.scatter [tilespmem:s2], [sflag:$0x5], $0x80, $0x38;
	[tilespmem:$0x8500] =	vst v63  }
0x271: {  	s2 =	simm.s32 $0x4210;
	s28 =	sadd.s32 $0x20, s29  }
0x272: {  	[hbm4b:s28+s3] =	stream.linear.scatter [tilespmem:s2], [sflag:$0x5], $0x80, $0x38;
	[tilespmem:$0x8500] =	vst v63  }
0x273: {  	s2 =	simm.s32 $0x4298;
	s28 =	sadd.s32 $0x30, s29  }
0x274: {  	[hbm4b:s28+s3] =	stream.linear.scatter [tilespmem:s2], [sflag:$0x5], $0x80, $0x38;
	[tilespmem:$0x8500] =	vst v63  }
0x275: {  	s2 =	simm.s32 $0x4320;
	s28 =	sadd.s32 $0x40, s29  }
0x276: {  	[hbm4b:s28+s3] =	stream.linear.scatter [tilespmem:s2], [sflag:$0x5], $0x80, $0x38;
	[tilespmem:$0x8500] =	vst v63  }
0x277: {  	s30 =	simm.s32 $0x2200;
	s2 =	simm.s32 $0x43A8;
	s28 =	sadd.s32 $0x50, s29  }
0x278: {  	[hbm4b:s28+s3] =	stream.linear.scatter [tilespmem:s2], [sflag:$0x5], $0x80, $0x38;
	[tilespmem:$0x8500] =	vst v63  }
0x279: {  	s31 =	simm.s32 $0x44B8;
	s2 =	simm.s32 $0x4430;
	s28 =	sadd.s32 $0x60, s29  }
0x27a: {  	[hbm4b:s28+s3] =	stream.linear.scatter [tilespmem:s2], [sflag:$0x5], $0x80, $0x38;
	[tilespmem:$0x8500] =	vst v63  }
0x27b: {  	s0 =	sadd.s32 $0x70, s29;
	s29 =	sadd.s32 $0x4000, s29;
	s28 =	simm.s32 $0x440  }
.LBB2_5:
0x27c: {  	[hbm4b:s0+s3] =	stream.linear.scatter [tilespmem:s31], [sflag:$0x5], $0x80, $0x38;
	[tilespmem:$0x8500] =	vst v63  }
0x27d: {  	s0 =	smov.u32 s28;
	s28 =	smov.u32 s30  }
0x27e: {  	s2 =	sadd.s32 $0x1100, s30;
	s28 =	sshra.s32 s28, $0x2;
	s31 =	sadd.s32 $0x4100, s0  }
0x27f: {  	[hbm4b:s29+s3] =	stream.linear.scatter [tilespmem:s31], [sflag:$0x5], $0x80, $0x38;
	[tilespmem:$0x8500] =	vst v63  }
0x280: {  	p1 =	sne.s32 s30, $0x7700;
	s30 =	sadd.s32 $0x4188, s0;
	s31 =	sadd.s32 $0x10, s29  }
0x281: {  	[hbm4b:s31+s3] =	stream.linear.scatter [tilespmem:s30], [sflag:$0x5], $0x80, $0x38;
	[tilespmem:$0x8500] =	vst v63  }
0x282: {  	s30 =	sadd.s32 $0x4210, s0;
	s31 =	sadd.s32 $0x20, s29  }
0x283: {  	[hbm4b:s31+s3] =	stream.linear.scatter [tilespmem:s30], [sflag:$0x5], $0x80, $0x38;
	[tilespmem:$0x8500] =	vst v63  }
0x284: {  	s30 =	sadd.s32 $0x4298, s0;
	s31 =	sadd.s32 $0x30, s29  }
0x285: {  	[hbm4b:s31+s3] =	stream.linear.scatter [tilespmem:s30], [sflag:$0x5], $0x80, $0x38;
	[tilespmem:$0x8500] =	vst v63  }
0x286: {  	s30 =	sadd.s32 $0x4320, s0;
	s31 =	sadd.s32 $0x40, s29  }
0x287: {  	[hbm4b:s31+s3] =	stream.linear.scatter [tilespmem:s30], [sflag:$0x5], $0x80, $0x38;
	[tilespmem:$0x8500] =	vst v63  }
0x288: {  	s30 =	sadd.s32 $0x43A8, s0;
	s31 =	sadd.s32 $0x50, s29  }
0x289: {  	[hbm4b:s31+s3] =	stream.linear.scatter [tilespmem:s30], [sflag:$0x5], $0x80, $0x38;
	[tilespmem:$0x8500] =	vst v63  }
.Ltmp1:
0x28a: {  	_ = 	snop;
	(pc) =	sbr.rel @p1 .LBB2_5-.Ltmp1, $4  }
0x28b: {  	s30 =	sadd.s32 $0x4430, s0;
	s31 =	sadd.s32 $0x60, s29  }
0x28c: {  	[hbm4b:s31+s3] =	stream.linear.scatter [tilespmem:s30], [sflag:$0x5], $0x80, $0x38;
	[tilespmem:$0x8500] =	vst v63  }
0x28d: {  	s31 =	sadd.s32 $0x44B8, s0  }
0x28e: {  	s0 =	sadd.s32 $0x70, s29;
	s29 =	sadd.s32 $0x4000, s29;
	s30 =	smov.u32 s2  }
0x28f: {  	[hbm4b:s0+s3] =	stream.linear.scatter [tilespmem:s31], [sflag:$0x5], $0x80, $0x38;
	[tilespmem:$0x8500] =	vst v63  }
0x290: {  	s30 =	sadd.s32 $0x4100, s28  }
0x291: {  	[hbm4b:s29+s3] =	stream.linear.scatter [tilespmem:s30], [sflag:$0x5], $0x80, $0x38;
	[tilespmem:$0x8500] =	vst v63  }
0x292: {  	s31 =	sadd.s32 $0x4188, s28;
	s2 =	sadd.s32 $0x10, s29  }
0x293: {  	[hbm4b:s2+s3] =	stream.linear.scatter [tilespmem:s31], [sflag:$0x5], $0x80, $0x38;
	[tilespmem:$0x8500] =	vst v63  }
0x294: {  	s30 =	sadd.s32 $0x4210, s28;
	s31 =	sadd.s32 $0x20, s29  }
0x295: {  	[hbm4b:s31+s3] =	stream.linear.scatter [tilespmem:s30], [sflag:$0x5], $0x80, $0x38;
	[tilespmem:$0x8500] =	vst v63  }
0x296: {  	s30 =	sadd.s32 $0x4298, s28;
	s31 =	sadd.s32 $0x30, s29  }
0x297: {  	[hbm4b:s31+s3] =	stream.linear.scatter [tilespmem:s30], [sflag:$0x5], $0x80, $0x38;
	[tilespmem:$0x8500] =	vst v63  }
0x298: {  	s30 =	sadd.s32 $0x4320, s28;
	s31 =	sadd.s32 $0x40, s29  }
0x299: {  	[hbm4b:s31+s3] =	stream.linear.scatter [tilespmem:s30], [sflag:$0x5], $0x80, $0x38;
	[tilespmem:$0x8500] =	vst v63  }
0x29a: {  	s0 =	sadd.s32 @!p0 $0x3, s26;
	s30 =	sadd.s32 $0x43A8, s28;
	s31 =	sadd.s32 $0x50, s29  }
0x29b: {  	[hbm4b:s31+s3] =	stream.linear.scatter [tilespmem:s30], [sflag:$0x5], $0x80, $0x38;
	[tilespmem:$0x8500] =	vst v63  }
0x29c: {  	s26 =	sadd.s32 $0x4430, s28;
	s31 =	sadd.s32 $0x60, s29;
	s30 =	smulhi.u32 @!p0 $0x51EB851F, s0  }
0x29d: {  	[hbm4b:s31+s3] =	stream.linear.scatter [tilespmem:s26], [sflag:$0x5], $0x80, $0x38;
	[tilespmem:$0x8500] =	vst v63  }
0x29e: {  	s2 =	sshrl.u32 @!p0 s30, $0x4  }
0x29f: {  	s30 =	sadd.s32 $0x44B8, s28;
	s28 =	sadd.s32 $0x70, s29;
	s29 =	smul.u32 @!p0 $0x3FFCE, s2  }
0x2a0: {  	[hbm4b:s28+s3] =	stream.linear.scatter [tilespmem:s30], [sflag:$0x5], $0x80, $0x38;
	[tilespmem:$0x8500] =	vst v63  }
0x2a1: {  	s2 =	sadd.s32 @!p0 s7, s2;
	s0 =	sadd.s32 @!p0 s0, s29  }
0x2a2: {  	s2 =	sshll.u32 @!p0 s2, $0x7;
	s0 =	sshll.u32 @!p0 s0, $0xE  }
0x2a3: {  	_ =	swait.ge [sflag:s17], $0x2000;
	s0 =	sadd.s32 @!p0 s2, s0  }
0x2a4: {  	s26 =	simm.s32 @!p0 $0x80;
	[sflag:s17] =	ssyncset.done $0x0;
	s0 =	sshrl.u32 @!p0 s0, $0x3  }
0x2a5: {  	[sflag:s17] =	ssyncadd.s32 $0xFFFFE000;
	s2 =	simm.s32 @!p0 $0x0;
	s0 =	sadd.s32 @!p0 s4, s0  }
0x2a6: {  	[tilespmem:s26], [sflag:$0x2] =	stream.linear.gather @!p0 [hbm4b:s0+s2], $0x80, $0x38;
	[tilespmem:$0x8500] =	vst v63  }
0x2a7: {  	s0 =	simm.s32 @!p0 $0x1  }
0x2a8: {  	_ =	swait.ge @!p0 [sflag:s0], $0x80  }
0x2a9: {  	p1 =	seq.s32 @!p0 s22, $0x0;
	[sflag:s0] =	ssyncset.done @!p0 $0x0  }
0x2aa: {  	s31 =	simm.s32 $0x0;
	[sflag:s0] =	ssyncadd.s32 @!p0 $0xFFFFFF80;
	s0 =	simm.s32 @!p0 $0x100  }
0x2ab: {  	v33 =	vmov s31;
	[tilespmem:s0], [sflag:$0x3] =	stream.indirect.gather @!p0 [hbm4b:s5+s26], $0x40, s2, s26, $0xb8;
	[tilespmem:$0x8500] =	vst v63  }
0x2ac: {  	v33 =	vshrl.u32 v33, $0x3;
	p0 =	por p0, !p1  }
0x2ad: {  	v33 =	vshll.u32 v33, v1;
	_ =	swait.ge @p0 [sflag:s20], $0x2000  }
0x2ae: {  	v33 =	vbroadcast v33, $0x0;
	[sflag:s20] =	ssyncset.done @p0 $0x0  }
0x2af: {  	s26 =	simm.s32 $0x24F0;
	[sflag:s20] =	ssyncadd.s32 @p0 $0xFFFFE000  }
0x2b0: {  	v35 =	vadd.s32 v0, v33;
	v34 =	vld [tilespmem:s26+$0xFFFFFC10];
	_ =	sdelay $0x4  }
0x2b1: {  	[tilespmem:v35+s18+$0x0] =	vst.idx.msk $0xffff, v34  }
0x2b2: {  	v44 =	vadd.s32 v2, v33;
	v34 =	vld [tilespmem:s26+$0xFFFFFC20];
	_ =	sdelay $0x4  }
0x2b3: {  	[tilespmem:v44+s18+$0x0] =	vst.idx.msk $0xffff, v34  }
0x2b4: {  	v45 =	vadd.s32 v3, v33;
	v34 =	vld [tilespmem:s26+$0xFFFFFC30];
	_ =	sdelay $0x4  }
0x2b5: {  	[tilespmem:v45+s18+$0x0] =	vst.idx.msk $0xffff, v34  }
0x2b6: {  	v33 =	vadd.s32 v4, v33;
	s2 =	simm.s32 $0x1;
	v34 =	vld [tilespmem:s26+$0xFFFFFC40]  }
0x2b7: {  	v46 =	vmov s2  }
0x2b8: {  	v35 =	vshrl.u32 v46, $0x3  }
0x2b9: {  	v35 =	vshll.u32 v35, v1  }
0x2ba: {  	v35 =	vbroadcast v35, $0x0  }
0x2bb: {  	[tilespmem:v33+s18+$0x0] =	vst.idx.msk $0xffff, v34  }
0x2bc: {  	v47 =	vadd.s32 v5, v35;
	v33 =	vld [tilespmem:s26+$0xFFFFFC50];
	_ =	sdelay $0x4  }
0x2bd: {  	[tilespmem:v47+s18+$0x0] =	vst.idx.msk $0xffff, v33  }
0x2be: {  	v48 =	vadd.s32 v6, v35;
	v33 =	vld [tilespmem:s26+$0xFFFFFC60];
	_ =	sdelay $0x4  }
0x2bf: {  	[tilespmem:v48+s18+$0x0] =	vst.idx.msk $0xffff, v33  }
0x2c0: {  	v49 =	vadd.s32 v7, v35;
	v33 =	vld [tilespmem:s26+$0xFFFFFC70];
	_ =	sdelay $0x4  }
0x2c1: {  	[tilespmem:v49+s18+$0x0] =	vst.idx.msk $0xffff, v33  }
0x2c2: {  	s30 =	simm.s32 $0x2;
	v50 =	vadd.s32 v8, v35;
	v33 =	vld [tilespmem:s26+$0xFFFFFC80]  }
0x2c3: {  	v51 =	vmov s30  }
0x2c4: {  	v35 =	vshrl.u32 v51, $0x3  }
0x2c5: {  	v35 =	vshll.u32 v35, v1  }
0x2c6: {  	v35 =	vbroadcast v35, $0x0  }
0x2c7: {  	[tilespmem:v50+s18+$0x0] =	vst.idx.msk $0xffff, v33  }
0x2c8: {  	v52 =	vadd.s32 v9, v35;
	v33 =	vld [tilespmem:s26+$0xFFFFFC90];
	_ =	sdelay $0x4  }
0x2c9: {  	[tilespmem:v52+s18+$0x0] =	vst.idx.msk $0xffff, v33  }
0x2ca: {  	v53 =	vadd.s32 v10, v35;
	v33 =	vld [tilespmem:s26+$0xFFFFFCA0];
	_ =	sdelay $0x4  }
0x2cb: {  	[tilespmem:v53+s18+$0x0] =	vst.idx.msk $0xffff, v33  }
0x2cc: {  	v54 =	vadd.s32 v11, v35;
	v33 =	vld [tilespmem:s26+$0xFFFFFCB0];
	_ =	sdelay $0x4  }
0x2cd: {  	[tilespmem:v54+s18+$0x0] =	vst.idx.msk $0xffff, v33  }
0x2ce: {  	s31 =	simm.s32 $0x3;
	v55 =	vadd.s32 v12, v35;
	v33 =	vld [tilespmem:s26+$0xFFFFFCC0]  }
0x2cf: {  	v56 =	vmov s31  }
0x2d0: {  	v35 =	vshrl.u32 v56, $0x3  }
0x2d1: {  	v35 =	vshll.u32 v35, v1  }
0x2d2: {  	v35 =	vbroadcast v35, $0x0  }
0x2d3: {  	[tilespmem:v55+s18+$0x0] =	vst.idx.msk $0xffff, v33  }
0x2d4: {  	v57 =	vadd.s32 v13, v35;
	v33 =	vld [tilespmem:s26+$0xFFFFFCD0];
	_ =	sdelay $0x4  }
0x2d5: {  	[tilespmem:v57+s18+$0x0] =	vst.idx.msk $0xffff, v33  }
0x2d6: {  	v58 =	vadd.s32 v14, v35;
	v33 =	vld [tilespmem:s26+$0xFFFFFCE0];
	_ =	sdelay $0x4  }
0x2d7: {  	[tilespmem:v58+s18+$0x0] =	vst.idx.msk $0xffff, v33  }
0x2d8: {  	v59 =	vadd.s32 v15, v35;
	v33 =	vld [tilespmem:s26+$0xFFFFFCF0];
	_ =	sdelay $0x4  }
0x2d9: {  	[tilespmem:v59+s18+$0x0] =	vst.idx.msk $0xffff, v33  }
0x2da: {  	s2 =	simm.s32 $0x4;
	v60 =	vadd.s32 v16, v35;
	v33 =	vld [tilespmem:s26+$0xFFFFFD00]  }
0x2db: {  	v61 =	vmov s2  }
0x2dc: {  	v35 =	vshrl.u32 v61, $0x3  }
0x2dd: {  	v35 =	vshll.u32 v35, v1  }
0x2de: {  	v35 =	vbroadcast v35, $0x0  }
0x2df: {  	[tilespmem:v60+s18+$0x0] =	vst.idx.msk $0xffff, v33  }
0x2e0: {  	v62 =	vadd.s32 v17, v35;
	v33 =	vld [tilespmem:s26+$0xFFFFFD10];
	_ =	sdelay $0x4  }
0x2e1: {  	[tilespmem:v62+s18+$0x0] =	vst.idx.msk $0xffff, v33  }
0x2e2: {  	v63 =	vadd.s32 v18, v35;
	v33 =	vld [tilespmem:s26+$0xFFFFFD20];
	_ =	sdelay $0x4  }
0x2e3: {  	[tilespmem:v63+s18+$0x0] =	vst.idx.msk $0xffff, v33  }
0x2e4: {  	v36 =	vadd.s32 v19, v35;
	v33 =	vld [tilespmem:s26+$0xFFFFFD30];
	_ =	sdelay $0x4  }
0x2e5: {  	[tilespmem:v36+s18+$0x0] =	vst.idx.msk $0xffff, v33  }
0x2e6: {  	s30 =	simm.s32 $0x5;
	v37 =	vadd.s32 v20, v35;
	v33 =	vld [tilespmem:s26+$0xFFFFFD40]  }
0x2e7: {  	v38 =	vmov s30  }
0x2e8: {  	v35 =	vshrl.u32 v38, $0x3  }
0x2e9: {  	v35 =	vshll.u32 v35, v1  }
0x2ea: {  	v35 =	vbroadcast v35, $0x0  }
0x2eb: {  	[tilespmem:v37+s18+$0x0] =	vst.idx.msk $0xffff, v33  }
0x2ec: {  	v39 =	vadd.s32 v21, v35;
	v33 =	vld [tilespmem:s26+$0xFFFFFD50];
	_ =	sdelay $0x4  }
0x2ed: {  	[tilespmem:v39+s18+$0x0] =	vst.idx.msk $0xffff, v33  }
0x2ee: {  	v40 =	vadd.s32 v22, v35;
	v33 =	vld [tilespmem:s26+$0xFFFFFD60];
	_ =	sdelay $0x4  }
0x2ef: {  	[tilespmem:v40+s18+$0x0] =	vst.idx.msk $0xffff, v33  }
0x2f0: {  	v41 =	vadd.s32 v23, v35;
	v33 =	vld [tilespmem:s26+$0xFFFFFD70];
	_ =	sdelay $0x4  }
0x2f1: {  	[tilespmem:v41+s18+$0x0] =	vst.idx.msk $0xffff, v33  }
0x2f2: {  	s31 =	simm.s32 $0x6;
	v42 =	vadd.s32 v24, v35;
	v33 =	vld [tilespmem:s26+$0xFFFFFD80]  }
0x2f3: {  	v43 =	vmov s31  }
0x2f4: {  	v35 =	vshrl.u32 v43, $0x3  }
0x2f5: {  	v35 =	vshll.u32 v35, v1  }
0x2f6: {  	v35 =	vbroadcast v35, $0x0  }
0x2f7: {  	[tilespmem:v42+s18+$0x0] =	vst.idx.msk $0xffff, v33  }
0x2f8: {  	v44 =	vadd.s32 v25, v35;
	v33 =	vld [tilespmem:s26+$0xFFFFFD90];
	_ =	sdelay $0x4  }
0x2f9: {  	[tilespmem:v44+s18+$0x0] =	vst.idx.msk $0xffff, v33  }
0x2fa: {  	v45 =	vadd.s32 v26, v35;
	v33 =	vld [tilespmem:s26+$0xFFFFFDA0];
	_ =	sdelay $0x4  }
0x2fb: {  	[tilespmem:v45+s18+$0x0] =	vst.idx.msk $0xffff, v33  }
0x2fc: {  	v46 =	vadd.s32 v27, v35;
	v33 =	vld [tilespmem:s26+$0xFFFFFDB0];
	_ =	sdelay $0x4  }
0x2fd: {  	[tilespmem:v46+s18+$0x0] =	vst.idx.msk $0xffff, v33  }
0x2fe: {  	s2 =	simm.s32 $0x7;
	v47 =	vadd.s32 v28, v35;
	v33 =	vld [tilespmem:s26+$0xFFFFFDC0]  }
0x2ff: {  	v48 =	vmov s2  }
0x300: {  	v35 =	vshrl.u32 v48, $0x3  }
0x301: {  	v35 =	vshll.u32 v35, v1  }
0x302: {  	v35 =	vbroadcast v35, $0x0  }
0x303: {  	[tilespmem:v47+s18+$0x0] =	vst.idx.msk $0xffff, v33  }
0x304: {  	v49 =	vadd.s32 v29, v35;
	v33 =	vld [tilespmem:s26+$0xFFFFFDD0];
	_ =	sdelay $0x4  }
0x305: {  	[tilespmem:v49+s18+$0x0] =	vst.idx.msk $0xffff, v33  }
0x306: {  	v50 =	vadd.s32 v30, v35;
	v33 =	vld [tilespmem:s26+$0xFFFFFDE0];
	_ =	sdelay $0x4  }
0x307: {  	[tilespmem:v50+s18+$0x0] =	vst.idx.msk $0xffff, v33  }
0x308: {  	v51 =	vadd.s32 v31, v35;
	v33 =	vld [tilespmem:s26+$0xFFFFFDF0];
	_ =	sdelay $0x4  }
0x309: {  	[tilespmem:v51+s18+$0x0] =	vst.idx.msk $0xffff, v33  }
0x30a: {  	s30 =	simm.s32 $0x8;
	v52 =	vadd.s32 v32, v35;
	v33 =	vld [tilespmem:s26+$0xFFFFFE00]  }
0x30b: {  	v53 =	vmov s30  }
0x30c: {  	v35 =	vshrl.u32 v53, $0x3  }
0x30d: {  	v35 =	vshll.u32 v35, v1  }
0x30e: {  	v35 =	vbroadcast v35, $0x0  }
0x30f: {  	[tilespmem:v52+s18+$0x0] =	vst.idx.msk $0xffff, v33  }
0x310: {  	v54 =	vadd.s32 v0, v35;
	v33 =	vld [tilespmem:s26+$0xFFFFFE10];
	_ =	sdelay $0x4  }
0x311: {  	[tilespmem:v54+s18+$0x0] =	vst.idx.msk $0xffff, v33  }
0x312: {  	v55 =	vadd.s32 v2, v35;
	v33 =	vld [tilespmem:s26+$0xFFFFFE20];
	_ =	sdelay $0x4  }
0x313: {  	[tilespmem:v55+s18+$0x0] =	vst.idx.msk $0xffff, v33  }
0x314: {  	v56 =	vadd.s32 v3, v35;
	v33 =	vld [tilespmem:s26+$0xFFFFFE30];
	_ =	sdelay $0x4  }
0x315: {  	[tilespmem:v56+s18+$0x0] =	vst.idx.msk $0xffff, v33  }
0x316: {  	s31 =	simm.s32 $0x9;
	v57 =	vadd.s32 v4, v35;
	v33 =	vld [tilespmem:s26+$0xFFFFFE40]  }
0x317: {  	v58 =	vmov s31  }
0x318: {  	v35 =	vshrl.u32 v58, $0x3  }
0x319: {  	v35 =	vshll.u32 v35, v1  }
0x31a: {  	v35 =	vbroadcast v35, $0x0  }
0x31b: {  	[tilespmem:v57+s18+$0x0] =	vst.idx.msk $0xffff, v33  }
0x31c: {  	v59 =	vadd.s32 v5, v35;
	v33 =	vld [tilespmem:s26+$0xFFFFFE50];
	_ =	sdelay $0x4  }
0x31d: {  	[tilespmem:v59+s18+$0x0] =	vst.idx.msk $0xffff, v33  }
0x31e: {  	v60 =	vadd.s32 v6, v35;
	v33 =	vld [tilespmem:s26+$0xFFFFFE60];
	_ =	sdelay $0x4  }
0x31f: {  	[tilespmem:v60+s18+$0x0] =	vst.idx.msk $0xffff, v33  }
0x320: {  	v61 =	vadd.s32 v7, v35;
	v33 =	vld [tilespmem:s26+$0xFFFFFE70];
	_ =	sdelay $0x4  }
0x321: {  	[tilespmem:v61+s18+$0x0] =	vst.idx.msk $0xffff, v33  }
0x322: {  	s2 =	simm.s32 $0xA;
	v62 =	vadd.s32 v8, v35;
	v33 =	vld [tilespmem:s26+$0xFFFFFE80]  }
0x323: {  	v63 =	vmov s2  }
0x324: {  	v35 =	vshrl.u32 v63, $0x3  }
0x325: {  	v35 =	vshll.u32 v35, v1  }
0x326: {  	v35 =	vbroadcast v35, $0x0  }
0x327: {  	[tilespmem:v62+s18+$0x0] =	vst.idx.msk $0xffff, v33  }
0x328: {  	v36 =	vadd.s32 v9, v35;
	v33 =	vld [tilespmem:s26+$0xFFFFFE90];
	_ =	sdelay $0x4  }
0x329: {  	[tilespmem:v36+s18+$0x0] =	vst.idx.msk $0xffff, v33  }
0x32a: {  	v37 =	vadd.s32 v10, v35;
	v33 =	vld [tilespmem:s26+$0xFFFFFEA0];
	_ =	sdelay $0x4  }
0x32b: {  	[tilespmem:v37+s18+$0x0] =	vst.idx.msk $0xffff, v33  }
0x32c: {  	v38 =	vadd.s32 v11, v35;
	v33 =	vld [tilespmem:s26+$0xFFFFFEB0];
	_ =	sdelay $0x4  }
0x32d: {  	[tilespmem:v38+s18+$0x0] =	vst.idx.msk $0xffff, v33  }
0x32e: {  	s30 =	simm.s32 $0xB;
	v39 =	vadd.s32 v12, v35;
	v33 =	vld [tilespmem:s26+$0xFFFFFEC0]  }
0x32f: {  	v40 =	vmov s30  }
0x330: {  	v35 =	vshrl.u32 v40, $0x3  }
0x331: {  	v35 =	vshll.u32 v35, v1  }
0x332: {  	v35 =	vbroadcast v35, $0x0  }
0x333: {  	[tilespmem:v39+s18+$0x0] =	vst.idx.msk $0xffff, v33  }
0x334: {  	v41 =	vadd.s32 v13, v35;
	v33 =	vld [tilespmem:s26+$0xFFFFFED0];
	_ =	sdelay $0x4  }
0x335: {  	[tilespmem:v41+s18+$0x0] =	vst.idx.msk $0xffff, v33  }
0x336: {  	v42 =	vadd.s32 v14, v35;
	v33 =	vld [tilespmem:s26+$0xFFFFFEE0];
	_ =	sdelay $0x4  }
0x337: {  	[tilespmem:v42+s18+$0x0] =	vst.idx.msk $0xffff, v33  }
0x338: {  	v43 =	vadd.s32 v15, v35;
	v33 =	vld [tilespmem:s26+$0xFFFFFEF0];
	_ =	sdelay $0x4  }
0x339: {  	[tilespmem:v43+s18+$0x0] =	vst.idx.msk $0xffff, v33  }
0x33a: {  	s31 =	simm.s32 $0xC;
	v44 =	vadd.s32 v16, v35;
	v33 =	vld [tilespmem:s26+$0xFFFFFF00]  }
0x33b: {  	v45 =	vmov s31  }
0x33c: {  	v35 =	vshrl.u32 v45, $0x3  }
0x33d: {  	v35 =	vshll.u32 v35, v1  }
0x33e: {  	v35 =	vbroadcast v35, $0x0  }
0x33f: {  	[tilespmem:v44+s18+$0x0] =	vst.idx.msk $0xffff, v33  }
0x340: {  	v46 =	vadd.s32 v17, v35;
	v33 =	vld [tilespmem:s26+$0xFFFFFF10];
	_ =	sdelay $0x4  }
0x341: {  	[tilespmem:v46+s18+$0x0] =	vst.idx.msk $0xffff, v33  }
0x342: {  	v47 =	vadd.s32 v18, v35;
	v33 =	vld [tilespmem:s26+$0xFFFFFF20];
	_ =	sdelay $0x4  }
0x343: {  	[tilespmem:v47+s18+$0x0] =	vst.idx.msk $0xffff, v33  }
0x344: {  	v48 =	vadd.s32 v19, v35;
	v33 =	vld [tilespmem:s26+$0xFFFFFF30];
	_ =	sdelay $0x4  }
0x345: {  	[tilespmem:v48+s18+$0x0] =	vst.idx.msk $0xffff, v33  }
0x346: {  	s2 =	simm.s32 $0xD;
	v49 =	vadd.s32 v20, v35;
	v33 =	vld [tilespmem:s26+$0xFFFFFF40]  }
0x347: {  	v50 =	vmov s2  }
0x348: {  	v35 =	vshrl.u32 v50, $0x3  }
0x349: {  	v35 =	vshll.u32 v35, v1  }
0x34a: {  	v35 =	vbroadcast v35, $0x0  }
0x34b: {  	[tilespmem:v49+s18+$0x0] =	vst.idx.msk $0xffff, v33  }
0x34c: {  	v51 =	vadd.s32 v21, v35;
	v33 =	vld [tilespmem:s26+$0xFFFFFF50];
	_ =	sdelay $0x4  }
0x34d: {  	[tilespmem:v51+s18+$0x0] =	vst.idx.msk $0xffff, v33  }
0x34e: {  	v52 =	vadd.s32 v22, v35;
	v33 =	vld [tilespmem:s26+$0xFFFFFF60];
	_ =	sdelay $0x4  }
0x34f: {  	[tilespmem:v52+s18+$0x0] =	vst.idx.msk $0xffff, v33  }
0x350: {  	v53 =	vadd.s32 v23, v35;
	v33 =	vld [tilespmem:s26+$0xFFFFFF70];
	_ =	sdelay $0x4  }
0x351: {  	[tilespmem:v53+s18+$0x0] =	vst.idx.msk $0xffff, v33  }
0x352: {  	s30 =	simm.s32 $0xE;
	v54 =	vadd.s32 v24, v35;
	v33 =	vld [tilespmem:s26+$0xFFFFFF80]  }
0x353: {  	v55 =	vmov s30  }
0x354: {  	v35 =	vshrl.u32 v55, $0x3  }
0x355: {  	v35 =	vshll.u32 v35, v1  }
0x356: {  	v35 =	vbroadcast v35, $0x0  }
0x357: {  	[tilespmem:v54+s18+$0x0] =	vst.idx.msk $0xffff, v33  }
0x358: {  	v56 =	vadd.s32 v25, v35;
	v33 =	vld [tilespmem:s26+$0xFFFFFF90];
	_ =	sdelay $0x4  }
0x359: {  	[tilespmem:v56+s18+$0x0] =	vst.idx.msk $0xffff, v33  }
0x35a: {  	v57 =	vadd.s32 v26, v35;
	v33 =	vld [tilespmem:s26+$0xFFFFFFA0];
	_ =	sdelay $0x4  }
0x35b: {  	[tilespmem:v57+s18+$0x0] =	vst.idx.msk $0xffff, v33  }
0x35c: {  	v58 =	vadd.s32 v27, v35;
	v33 =	vld [tilespmem:s26+$0xFFFFFFB0];
	_ =	sdelay $0x4  }
0x35d: {  	[tilespmem:v58+s18+$0x0] =	vst.idx.msk $0xffff, v33  }
0x35e: {  	s31 =	simm.s32 $0xF;
	v59 =	vadd.s32 v28, v35;
	v33 =	vld [tilespmem:s26+$0xFFFFFFC0]  }
0x35f: {  	v60 =	vmov s31  }
0x360: {  	v35 =	vshrl.u32 v60, $0x3  }
0x361: {  	v35 =	vshll.u32 v35, v1  }
0x362: {  	v35 =	vbroadcast v35, $0x0  }
0x363: {  	[tilespmem:v59+s18+$0x0] =	vst.idx.msk $0xffff, v33  }
0x364: {  	v61 =	vadd.s32 v29, v35;
	v33 =	vld [tilespmem:s26+$0xFFFFFFD0];
	_ =	sdelay $0x4  }
0x365: {  	[tilespmem:v61+s18+$0x0] =	vst.idx.msk $0xffff, v33  }
0x366: {  	v62 =	vadd.s32 v30, v35;
	v33 =	vld [tilespmem:s26+$0xFFFFFFE0];
	_ =	sdelay $0x4  }
0x367: {  	[tilespmem:v62+s18+$0x0] =	vst.idx.msk $0xffff, v33  }
0x368: {  	v63 =	vadd.s32 v31, v35;
	v33 =	vld [tilespmem:s26+$0xFFFFFFF0];
	_ =	sdelay $0x4  }
0x369: {  	[tilespmem:v63+s18+$0x0] =	vst.idx.msk $0xffff, v33  }
0x36a: {  	s28 =	simm.s32 $0x10;
	v34 =	vadd.s32 v32, v35;
	v33 =	vld [tilespmem:s26+$0x0]  }
0x36b: {  	s29 =	simm.s32 $0x20;
	v35 =	vmov s28  }
.LBB2_7:
0x36c: {  	p0 =	slt.u32 s29, $0x70;
	v35 =	vshrl.u32 v35, $0x3  }
0x36d: {  	v35 =	vshll.u32 v35, v1  }
0x36e: {  	v35 =	vbroadcast v35, $0x0  }
0x36f: {  	s26 =	sadd.s32 $0x400, s26;
	[tilespmem:v34+s18+$0x0] =	vst.idx.msk $0xffff, v33  }
0x370: {  	v33 =	vld [tilespmem:s26+$0xFFFFFC10];
	v34 =	vadd.s32 v0, v35;
	_ =	sdelay $0x4  }
0x371: {  	[tilespmem:v34+s18+$0x0] =	vst.idx.msk $0xffff, v33  }
0x372: {  	v34 =	vadd.s32 v2, v35;
	v33 =	vld [tilespmem:s26+$0xFFFFFC20];
	_ =	sdelay $0x4  }
0x373: {  	[tilespmem:v34+s18+$0x0] =	vst.idx.msk $0xffff, v33  }
0x374: {  	v34 =	vadd.s32 v3, v35;
	v33 =	vld [tilespmem:s26+$0xFFFFFC30];
	_ =	sdelay $0x4  }
0x375: {  	[tilespmem:v34+s18+$0x0] =	vst.idx.msk $0xffff, v33  }
0x376: {  	s0 =	sadd.s32 $0x1, s28;
	v34 =	vadd.s32 v4, v35;
	v33 =	vld [tilespmem:s26+$0xFFFFFC40]  }
0x377: {  	v35 =	vmov s0  }
0x378: {  	v35 =	vshrl.u32 v35, $0x3  }
0x379: {  	v35 =	vshll.u32 v35, v1  }
0x37a: {  	v35 =	vbroadcast v35, $0x0  }
0x37b: {  	[tilespmem:v34+s18+$0x0] =	vst.idx.msk $0xffff, v33  }
0x37c: {  	v34 =	vadd.s32 v5, v35;
	v33 =	vld [tilespmem:s26+$0xFFFFFC50];
	_ =	sdelay $0x4  }
0x37d: {  	[tilespmem:v34+s18+$0x0] =	vst.idx.msk $0xffff, v33  }
0x37e: {  	v34 =	vadd.s32 v6, v35;
	v33 =	vld [tilespmem:s26+$0xFFFFFC60];
	_ =	sdelay $0x4  }
0x37f: {  	[tilespmem:v34+s18+$0x0] =	vst.idx.msk $0xffff, v33  }
0x380: {  	v34 =	vadd.s32 v7, v35;
	v33 =	vld [tilespmem:s26+$0xFFFFFC70];
	_ =	sdelay $0x4  }
0x381: {  	[tilespmem:v34+s18+$0x0] =	vst.idx.msk $0xffff, v33  }
0x382: {  	s0 =	sadd.s32 $0x2, s28;
	v34 =	vadd.s32 v8, v35;
	v33 =	vld [tilespmem:s26+$0xFFFFFC80]  }
0x383: {  	v35 =	vmov s0  }
0x384: {  	v35 =	vshrl.u32 v35, $0x3  }
0x385: {  	v35 =	vshll.u32 v35, v1  }
0x386: {  	v35 =	vbroadcast v35, $0x0  }
0x387: {  	[tilespmem:v34+s18+$0x0] =	vst.idx.msk $0xffff, v33  }
0x388: {  	v34 =	vadd.s32 v9, v35;
	v33 =	vld [tilespmem:s26+$0xFFFFFC90];
	_ =	sdelay $0x4  }
0x389: {  	[tilespmem:v34+s18+$0x0] =	vst.idx.msk $0xffff, v33  }
0x38a: {  	v34 =	vadd.s32 v10, v35;
	v33 =	vld [tilespmem:s26+$0xFFFFFCA0];
	_ =	sdelay $0x4  }
0x38b: {  	[tilespmem:v34+s18+$0x0] =	vst.idx.msk $0xffff, v33  }
0x38c: {  	v34 =	vadd.s32 v11, v35;
	v33 =	vld [tilespmem:s26+$0xFFFFFCB0];
	_ =	sdelay $0x4  }
0x38d: {  	[tilespmem:v34+s18+$0x0] =	vst.idx.msk $0xffff, v33  }
0x38e: {  	s0 =	sadd.s32 $0x3, s28;
	v34 =	vadd.s32 v12, v35;
	v33 =	vld [tilespmem:s26+$0xFFFFFCC0]  }
0x38f: {  	v35 =	vmov s0  }
0x390: {  	v35 =	vshrl.u32 v35, $0x3  }
0x391: {  	v35 =	vshll.u32 v35, v1  }
0x392: {  	v35 =	vbroadcast v35, $0x0  }
0x393: {  	[tilespmem:v34+s18+$0x0] =	vst.idx.msk $0xffff, v33  }
0x394: {  	v34 =	vadd.s32 v13, v35;
	v33 =	vld [tilespmem:s26+$0xFFFFFCD0];
	_ =	sdelay $0x4  }
0x395: {  	[tilespmem:v34+s18+$0x0] =	vst.idx.msk $0xffff, v33  }
0x396: {  	v34 =	vadd.s32 v14, v35;
	v33 =	vld [tilespmem:s26+$0xFFFFFCE0];
	_ =	sdelay $0x4  }
0x397: {  	[tilespmem:v34+s18+$0x0] =	vst.idx.msk $0xffff, v33  }
0x398: {  	v34 =	vadd.s32 v15, v35;
	v33 =	vld [tilespmem:s26+$0xFFFFFCF0];
	_ =	sdelay $0x4  }
0x399: {  	[tilespmem:v34+s18+$0x0] =	vst.idx.msk $0xffff, v33  }
0x39a: {  	s0 =	sadd.s32 $0x4, s28;
	v34 =	vadd.s32 v16, v35;
	v33 =	vld [tilespmem:s26+$0xFFFFFD00]  }
0x39b: {  	v35 =	vmov s0  }
0x39c: {  	v35 =	vshrl.u32 v35, $0x3  }
0x39d: {  	v35 =	vshll.u32 v35, v1  }
0x39e: {  	v35 =	vbroadcast v35, $0x0  }
0x39f: {  	[tilespmem:v34+s18+$0x0] =	vst.idx.msk $0xffff, v33  }
0x3a0: {  	v34 =	vadd.s32 v17, v35;
	v33 =	vld [tilespmem:s26+$0xFFFFFD10];
	_ =	sdelay $0x4  }
0x3a1: {  	[tilespmem:v34+s18+$0x0] =	vst.idx.msk $0xffff, v33  }
0x3a2: {  	v34 =	vadd.s32 v18, v35;
	v33 =	vld [tilespmem:s26+$0xFFFFFD20];
	_ =	sdelay $0x4  }
0x3a3: {  	[tilespmem:v34+s18+$0x0] =	vst.idx.msk $0xffff, v33  }
0x3a4: {  	v34 =	vadd.s32 v19, v35;
	v33 =	vld [tilespmem:s26+$0xFFFFFD30];
	_ =	sdelay $0x4  }
0x3a5: {  	[tilespmem:v34+s18+$0x0] =	vst.idx.msk $0xffff, v33  }
0x3a6: {  	s0 =	sadd.s32 $0x5, s28;
	v34 =	vadd.s32 v20, v35;
	v33 =	vld [tilespmem:s26+$0xFFFFFD40]  }
0x3a7: {  	v35 =	vmov s0  }
0x3a8: {  	v35 =	vshrl.u32 v35, $0x3  }
0x3a9: {  	v35 =	vshll.u32 v35, v1  }
0x3aa: {  	v35 =	vbroadcast v35, $0x0  }
0x3ab: {  	[tilespmem:v34+s18+$0x0] =	vst.idx.msk $0xffff, v33  }
0x3ac: {  	v34 =	vadd.s32 v21, v35;
	v33 =	vld [tilespmem:s26+$0xFFFFFD50];
	_ =	sdelay $0x4  }
0x3ad: {  	[tilespmem:v34+s18+$0x0] =	vst.idx.msk $0xffff, v33  }
0x3ae: {  	v34 =	vadd.s32 v22, v35;
	v33 =	vld [tilespmem:s26+$0xFFFFFD60];
	_ =	sdelay $0x4  }
0x3af: {  	[tilespmem:v34+s18+$0x0] =	vst.idx.msk $0xffff, v33  }
0x3b0: {  	v34 =	vadd.s32 v23, v35;
	v33 =	vld [tilespmem:s26+$0xFFFFFD70];
	_ =	sdelay $0x4  }
0x3b1: {  	[tilespmem:v34+s18+$0x0] =	vst.idx.msk $0xffff, v33  }
0x3b2: {  	s0 =	sadd.s32 $0x6, s28;
	v34 =	vadd.s32 v24, v35;
	v33 =	vld [tilespmem:s26+$0xFFFFFD80]  }
0x3b3: {  	v35 =	vmov s0  }
0x3b4: {  	v35 =	vshrl.u32 v35, $0x3  }
0x3b5: {  	v35 =	vshll.u32 v35, v1  }
0x3b6: {  	v35 =	vbroadcast v35, $0x0  }
0x3b7: {  	[tilespmem:v34+s18+$0x0] =	vst.idx.msk $0xffff, v33  }
0x3b8: {  	v34 =	vadd.s32 v25, v35;
	v33 =	vld [tilespmem:s26+$0xFFFFFD90];
	_ =	sdelay $0x4  }
0x3b9: {  	[tilespmem:v34+s18+$0x0] =	vst.idx.msk $0xffff, v33  }
0x3ba: {  	v34 =	vadd.s32 v26, v35;
	v33 =	vld [tilespmem:s26+$0xFFFFFDA0];
	_ =	sdelay $0x4  }
0x3bb: {  	[tilespmem:v34+s18+$0x0] =	vst.idx.msk $0xffff, v33  }
0x3bc: {  	v34 =	vadd.s32 v27, v35;
	v33 =	vld [tilespmem:s26+$0xFFFFFDB0];
	_ =	sdelay $0x4  }
0x3bd: {  	[tilespmem:v34+s18+$0x0] =	vst.idx.msk $0xffff, v33  }
0x3be: {  	s0 =	sadd.s32 $0x7, s28;
	v34 =	vadd.s32 v28, v35;
	v33 =	vld [tilespmem:s26+$0xFFFFFDC0]  }
0x3bf: {  	v35 =	vmov s0  }
0x3c0: {  	v35 =	vshrl.u32 v35, $0x3  }
0x3c1: {  	v35 =	vshll.u32 v35, v1  }
0x3c2: {  	v35 =	vbroadcast v35, $0x0  }
0x3c3: {  	[tilespmem:v34+s18+$0x0] =	vst.idx.msk $0xffff, v33  }
0x3c4: {  	v34 =	vadd.s32 v29, v35;
	v33 =	vld [tilespmem:s26+$0xFFFFFDD0];
	_ =	sdelay $0x4  }
0x3c5: {  	[tilespmem:v34+s18+$0x0] =	vst.idx.msk $0xffff, v33  }
0x3c6: {  	v34 =	vadd.s32 v30, v35;
	v33 =	vld [tilespmem:s26+$0xFFFFFDE0];
	_ =	sdelay $0x4  }
0x3c7: {  	[tilespmem:v34+s18+$0x0] =	vst.idx.msk $0xffff, v33  }
0x3c8: {  	v34 =	vadd.s32 v31, v35;
	v33 =	vld [tilespmem:s26+$0xFFFFFDF0];
	_ =	sdelay $0x4  }
0x3c9: {  	[tilespmem:v34+s18+$0x0] =	vst.idx.msk $0xffff, v33  }
0x3ca: {  	s0 =	sadd.s32 $0x8, s28;
	v34 =	vadd.s32 v32, v35;
	v33 =	vld [tilespmem:s26+$0xFFFFFE00]  }
0x3cb: {  	v35 =	vmov s0  }
0x3cc: {  	v35 =	vshrl.u32 v35, $0x3  }
0x3cd: {  	v35 =	vshll.u32 v35, v1  }
0x3ce: {  	v35 =	vbroadcast v35, $0x0  }
0x3cf: {  	[tilespmem:v34+s18+$0x0] =	vst.idx.msk $0xffff, v33  }
0x3d0: {  	v34 =	vadd.s32 v0, v35;
	v33 =	vld [tilespmem:s26+$0xFFFFFE10];
	_ =	sdelay $0x4  }
0x3d1: {  	[tilespmem:v34+s18+$0x0] =	vst.idx.msk $0xffff, v33  }
0x3d2: {  	v34 =	vadd.s32 v2, v35;
	v33 =	vld [tilespmem:s26+$0xFFFFFE20];
	_ =	sdelay $0x4  }
0x3d3: {  	[tilespmem:v34+s18+$0x0] =	vst.idx.msk $0xffff, v33  }
0x3d4: {  	v34 =	vadd.s32 v3, v35;
	v33 =	vld [tilespmem:s26+$0xFFFFFE30];
	_ =	sdelay $0x4  }
0x3d5: {  	[tilespmem:v34+s18+$0x0] =	vst.idx.msk $0xffff, v33  }
0x3d6: {  	s0 =	sadd.s32 $0x9, s28;
	v34 =	vadd.s32 v4, v35;
	v33 =	vld [tilespmem:s26+$0xFFFFFE40]  }
0x3d7: {  	v35 =	vmov s0  }
0x3d8: {  	v35 =	vshrl.u32 v35, $0x3  }
0x3d9: {  	v35 =	vshll.u32 v35, v1  }
0x3da: {  	v35 =	vbroadcast v35, $0x0  }
0x3db: {  	[tilespmem:v34+s18+$0x0] =	vst.idx.msk $0xffff, v33  }
0x3dc: {  	v34 =	vadd.s32 v5, v35;
	v33 =	vld [tilespmem:s26+$0xFFFFFE50];
	_ =	sdelay $0x4  }
0x3dd: {  	[tilespmem:v34+s18+$0x0] =	vst.idx.msk $0xffff, v33  }
0x3de: {  	v34 =	vadd.s32 v6, v35;
	v33 =	vld [tilespmem:s26+$0xFFFFFE60];
	_ =	sdelay $0x4  }
0x3df: {  	[tilespmem:v34+s18+$0x0] =	vst.idx.msk $0xffff, v33  }
0x3e0: {  	v34 =	vadd.s32 v7, v35;
	v33 =	vld [tilespmem:s26+$0xFFFFFE70];
	_ =	sdelay $0x4  }
0x3e1: {  	[tilespmem:v34+s18+$0x0] =	vst.idx.msk $0xffff, v33  }
0x3e2: {  	s0 =	sadd.s32 $0xA, s28;
	v34 =	vadd.s32 v8, v35;
	v33 =	vld [tilespmem:s26+$0xFFFFFE80]  }
0x3e3: {  	v35 =	vmov s0  }
0x3e4: {  	v35 =	vshrl.u32 v35, $0x3  }
0x3e5: {  	v35 =	vshll.u32 v35, v1  }
0x3e6: {  	v35 =	vbroadcast v35, $0x0  }
0x3e7: {  	[tilespmem:v34+s18+$0x0] =	vst.idx.msk $0xffff, v33  }
0x3e8: {  	v34 =	vadd.s32 v9, v35;
	v33 =	vld [tilespmem:s26+$0xFFFFFE90];
	_ =	sdelay $0x4  }
0x3e9: {  	[tilespmem:v34+s18+$0x0] =	vst.idx.msk $0xffff, v33  }
0x3ea: {  	v34 =	vadd.s32 v10, v35;
	v33 =	vld [tilespmem:s26+$0xFFFFFEA0];
	_ =	sdelay $0x4  }
0x3eb: {  	[tilespmem:v34+s18+$0x0] =	vst.idx.msk $0xffff, v33  }
0x3ec: {  	v34 =	vadd.s32 v11, v35;
	v33 =	vld [tilespmem:s26+$0xFFFFFEB0];
	_ =	sdelay $0x4  }
0x3ed: {  	[tilespmem:v34+s18+$0x0] =	vst.idx.msk $0xffff, v33  }
0x3ee: {  	s0 =	sadd.s32 $0xB, s28;
	v34 =	vadd.s32 v12, v35;
	v33 =	vld [tilespmem:s26+$0xFFFFFEC0]  }
0x3ef: {  	v35 =	vmov s0  }
0x3f0: {  	v35 =	vshrl.u32 v35, $0x3  }
0x3f1: {  	v35 =	vshll.u32 v35, v1  }
0x3f2: {  	v35 =	vbroadcast v35, $0x0  }
0x3f3: {  	[tilespmem:v34+s18+$0x0] =	vst.idx.msk $0xffff, v33  }
0x3f4: {  	v34 =	vadd.s32 v13, v35;
	v33 =	vld [tilespmem:s26+$0xFFFFFED0];
	_ =	sdelay $0x4  }
0x3f5: {  	[tilespmem:v34+s18+$0x0] =	vst.idx.msk $0xffff, v33  }
0x3f6: {  	v34 =	vadd.s32 v14, v35;
	v33 =	vld [tilespmem:s26+$0xFFFFFEE0];
	_ =	sdelay $0x4  }
0x3f7: {  	[tilespmem:v34+s18+$0x0] =	vst.idx.msk $0xffff, v33  }
0x3f8: {  	v34 =	vadd.s32 v15, v35;
	v33 =	vld [tilespmem:s26+$0xFFFFFEF0];
	_ =	sdelay $0x4  }
0x3f9: {  	[tilespmem:v34+s18+$0x0] =	vst.idx.msk $0xffff, v33  }
0x3fa: {  	s0 =	sadd.s32 $0xC, s28;
	v34 =	vadd.s32 v16, v35;
	v33 =	vld [tilespmem:s26+$0xFFFFFF00]  }
0x3fb: {  	v35 =	vmov s0  }
0x3fc: {  	v35 =	vshrl.u32 v35, $0x3  }
0x3fd: {  	v35 =	vshll.u32 v35, v1  }
0x3fe: {  	v35 =	vbroadcast v35, $0x0  }
0x3ff: {  	[tilespmem:v34+s18+$0x0] =	vst.idx.msk $0xffff, v33  }
0x400: {  	v34 =	vadd.s32 v17, v35;
	v33 =	vld [tilespmem:s26+$0xFFFFFF10];
	_ =	sdelay $0x4  }
0x401: {  	[tilespmem:v34+s18+$0x0] =	vst.idx.msk $0xffff, v33  }
0x402: {  	v34 =	vadd.s32 v18, v35;
	v33 =	vld [tilespmem:s26+$0xFFFFFF20];
	_ =	sdelay $0x4  }
0x403: {  	[tilespmem:v34+s18+$0x0] =	vst.idx.msk $0xffff, v33  }
0x404: {  	v34 =	vadd.s32 v19, v35;
	v33 =	vld [tilespmem:s26+$0xFFFFFF30];
	_ =	sdelay $0x4  }
0x405: {  	[tilespmem:v34+s18+$0x0] =	vst.idx.msk $0xffff, v33  }
0x406: {  	s0 =	sadd.s32 $0xD, s28;
	v34 =	vadd.s32 v20, v35;
	v33 =	vld [tilespmem:s26+$0xFFFFFF40]  }
0x407: {  	v35 =	vmov s0  }
0x408: {  	v35 =	vshrl.u32 v35, $0x3  }
0x409: {  	v35 =	vshll.u32 v35, v1  }
0x40a: {  	v35 =	vbroadcast v35, $0x0  }
0x40b: {  	[tilespmem:v34+s18+$0x0] =	vst.idx.msk $0xffff, v33  }
0x40c: {  	v34 =	vadd.s32 v21, v35;
	v33 =	vld [tilespmem:s26+$0xFFFFFF50];
	_ =	sdelay $0x4  }
0x40d: {  	[tilespmem:v34+s18+$0x0] =	vst.idx.msk $0xffff, v33  }
0x40e: {  	v34 =	vadd.s32 v22, v35;
	v33 =	vld [tilespmem:s26+$0xFFFFFF60];
	_ =	sdelay $0x4  }
0x40f: {  	[tilespmem:v34+s18+$0x0] =	vst.idx.msk $0xffff, v33  }
0x410: {  	v34 =	vadd.s32 v23, v35;
	v33 =	vld [tilespmem:s26+$0xFFFFFF70];
	_ =	sdelay $0x4  }
0x411: {  	[tilespmem:v34+s18+$0x0] =	vst.idx.msk $0xffff, v33  }
0x412: {  	s0 =	sadd.s32 $0xE, s28;
	v34 =	vadd.s32 v24, v35;
	v33 =	vld [tilespmem:s26+$0xFFFFFF80]  }
0x413: {  	v35 =	vmov s0  }
0x414: {  	v35 =	vshrl.u32 v35, $0x3  }
0x415: {  	v35 =	vshll.u32 v35, v1  }
0x416: {  	v35 =	vbroadcast v35, $0x0  }
0x417: {  	[tilespmem:v34+s18+$0x0] =	vst.idx.msk $0xffff, v33  }
0x418: {  	v34 =	vadd.s32 v25, v35;
	v33 =	vld [tilespmem:s26+$0xFFFFFF90];
	_ =	sdelay $0x4  }
0x419: {  	[tilespmem:v34+s18+$0x0] =	vst.idx.msk $0xffff, v33  }
0x41a: {  	v34 =	vadd.s32 v26, v35;
	v33 =	vld [tilespmem:s26+$0xFFFFFFA0];
	_ =	sdelay $0x4  }
0x41b: {  	[tilespmem:v34+s18+$0x0] =	vst.idx.msk $0xffff, v33  }
0x41c: {  	v34 =	vadd.s32 v27, v35;
	v33 =	vld [tilespmem:s26+$0xFFFFFFB0];
	_ =	sdelay $0x4  }
0x41d: {  	[tilespmem:v34+s18+$0x0] =	vst.idx.msk $0xffff, v33  }
0x41e: {  	s0 =	sadd.s32 $0xF, s28;
	s28 =	smov.u32 s29;
	v34 =	vadd.s32 v28, v35;
	v33 =	vld [tilespmem:s26+$0xFFFFFFC0]  }
0x41f: {  	v35 =	vmov s0  }
0x420: {  	v35 =	vshrl.u32 v35, $0x3  }
0x421: {  	v35 =	vshll.u32 v35, v1  }
0x422: {  	v35 =	vbroadcast v35, $0x0  }
0x423: {  	[tilespmem:v34+s18+$0x0] =	vst.idx.msk $0xffff, v33  }
0x424: {  	v34 =	vadd.s32 v29, v35;
	v33 =	vld [tilespmem:s26+$0xFFFFFFD0];
	_ =	sdelay $0x4  }
0x425: {  	[tilespmem:v34+s18+$0x0] =	vst.idx.msk $0xffff, v33  }
0x426: {  	v34 =	vadd.s32 v30, v35;
	v33 =	vld [tilespmem:s26+$0xFFFFFFE0];
	_ =	sdelay $0x4  }
0x427: {  	[tilespmem:v34+s18+$0x0] =	vst.idx.msk $0xffff, v33  }
0x428: {  	v34 =	vadd.s32 v31, v35;
	v33 =	vld [tilespmem:s26+$0xFFFFFFF0];
	_ =	sdelay $0x2  }
.Ltmp2:
0x429: {  	(pc) =	sbr.rel @p0 .LBB2_7-.Ltmp2, $4  }
0x42a: {  	_ = 	snop  }
0x42b: {  	[tilespmem:v34+s18+$0x0] =	vst.idx.msk $0xffff, v33  }
0x42c: {  	v34 =	vadd.s32 v32, v35;
	v33 =	vld [tilespmem:s26+$0x0]  }
0x42d: {  	s29 =	sadd.s32 $0x10, s29;
	v35 =	vmov s28  }
0x42e: {  	_ = 	snop  }
0x42f: {  	v35 =	vshrl.u32 v35, $0x3  }
0x430: {  	v35 =	vshll.u32 v35, v1  }
0x431: {  	v35 =	vbroadcast v35, $0x0  }
0x432: {  	s26 =	sadd.s32 $0x400, s26;
	[tilespmem:v34+s18+$0x0] =	vst.idx.msk $0xffff, v33  }
0x433: {  	v33 =	vld [tilespmem:s26+$0xFFFFFC10];
	v41 =	vadd.s32 v0, v35;
	_ =	sdelay $0x4  }
0x434: {  	[tilespmem:v41+s18+$0x0] =	vst.idx.msk $0xffff, v33  }
0x435: {  	v42 =	vadd.s32 v2, v35;
	v33 =	vld [tilespmem:s26+$0xFFFFFC20];
	_ =	sdelay $0x4  }
0x436: {  	[tilespmem:v42+s18+$0x0] =	vst.idx.msk $0xffff, v33  }
0x437: {  	v43 =	vadd.s32 v3, v35;
	v33 =	vld [tilespmem:s26+$0xFFFFFC30];
	_ =	sdelay $0x4  }
0x438: {  	[tilespmem:v43+s18+$0x0] =	vst.idx.msk $0xffff, v33  }
0x439: {  	s0 =	sadd.s32 $0x1, s28;
	v44 =	vadd.s32 v4, v35;
	v33 =	vld [tilespmem:s26+$0xFFFFFC40]  }
0x43a: {  	v45 =	vmov s0  }
0x43b: {  	v35 =	vshrl.u32 v45, $0x3  }
0x43c: {  	v35 =	vshll.u32 v35, v1  }
0x43d: {  	v35 =	vbroadcast v35, $0x0  }
0x43e: {  	[tilespmem:v44+s18+$0x0] =	vst.idx.msk $0xffff, v33  }
0x43f: {  	v46 =	vadd.s32 v5, v35;
	v33 =	vld [tilespmem:s26+$0xFFFFFC50];
	_ =	sdelay $0x4  }
0x440: {  	[tilespmem:v46+s18+$0x0] =	vst.idx.msk $0xffff, v33  }
0x441: {  	v47 =	vadd.s32 v6, v35;
	v33 =	vld [tilespmem:s26+$0xFFFFFC60];
	_ =	sdelay $0x4  }
0x442: {  	[tilespmem:v47+s18+$0x0] =	vst.idx.msk $0xffff, v33  }
0x443: {  	v48 =	vadd.s32 v7, v35;
	v33 =	vld [tilespmem:s26+$0xFFFFFC70];
	_ =	sdelay $0x4  }
0x444: {  	[tilespmem:v48+s18+$0x0] =	vst.idx.msk $0xffff, v33  }
0x445: {  	s31 =	sadd.s32 $0x2, s28;
	v49 =	vadd.s32 v8, v35;
	v33 =	vld [tilespmem:s26+$0xFFFFFC80]  }
0x446: {  	v50 =	vmov s31  }
0x447: {  	v35 =	vshrl.u32 v50, $0x3  }
0x448: {  	v35 =	vshll.u32 v35, v1  }
0x449: {  	v35 =	vbroadcast v35, $0x0  }
0x44a: {  	[tilespmem:v49+s18+$0x0] =	vst.idx.msk $0xffff, v33  }
0x44b: {  	v51 =	vadd.s32 v9, v35;
	v33 =	vld [tilespmem:s26+$0xFFFFFC90];
	_ =	sdelay $0x4  }
0x44c: {  	[tilespmem:v51+s18+$0x0] =	vst.idx.msk $0xffff, v33  }
0x44d: {  	v52 =	vadd.s32 v10, v35;
	v33 =	vld [tilespmem:s26+$0xFFFFFCA0];
	_ =	sdelay $0x4  }
0x44e: {  	[tilespmem:v52+s18+$0x0] =	vst.idx.msk $0xffff, v33  }
0x44f: {  	v53 =	vadd.s32 v11, v35;
	v33 =	vld [tilespmem:s26+$0xFFFFFCB0];
	_ =	sdelay $0x4  }
0x450: {  	[tilespmem:v53+s18+$0x0] =	vst.idx.msk $0xffff, v33  }
0x451: {  	s2 =	sadd.s32 $0x3, s28;
	v54 =	vadd.s32 v12, v35;
	v33 =	vld [tilespmem:s26+$0xFFFFFCC0]  }
0x452: {  	v55 =	vmov s2  }
0x453: {  	v35 =	vshrl.u32 v55, $0x3  }
0x454: {  	v35 =	vshll.u32 v35, v1  }
0x455: {  	v35 =	vbroadcast v35, $0x0  }
0x456: {  	[tilespmem:v54+s18+$0x0] =	vst.idx.msk $0xffff, v33  }
0x457: {  	v56 =	vadd.s32 v13, v35;
	v33 =	vld [tilespmem:s26+$0xFFFFFCD0];
	_ =	sdelay $0x4  }
0x458: {  	[tilespmem:v56+s18+$0x0] =	vst.idx.msk $0xffff, v33  }
0x459: {  	v57 =	vadd.s32 v14, v35;
	v33 =	vld [tilespmem:s26+$0xFFFFFCE0];
	_ =	sdelay $0x4  }
0x45a: {  	[tilespmem:v57+s18+$0x0] =	vst.idx.msk $0xffff, v33  }
0x45b: {  	v58 =	vadd.s32 v15, v35;
	v33 =	vld [tilespmem:s26+$0xFFFFFCF0];
	_ =	sdelay $0x4  }
0x45c: {  	[tilespmem:v58+s18+$0x0] =	vst.idx.msk $0xffff, v33  }
0x45d: {  	s29 =	sadd.s32 $0x4, s28;
	v59 =	vadd.s32 v16, v35;
	v33 =	vld [tilespmem:s26+$0xFFFFFD00]  }
0x45e: {  	v60 =	vmov s29  }
0x45f: {  	v35 =	vshrl.u32 v60, $0x3  }
0x460: {  	v35 =	vshll.u32 v35, v1  }
0x461: {  	v35 =	vbroadcast v35, $0x0  }
0x462: {  	[tilespmem:v59+s18+$0x0] =	vst.idx.msk $0xffff, v33  }
0x463: {  	v61 =	vadd.s32 v17, v35;
	v33 =	vld [tilespmem:s26+$0xFFFFFD10];
	_ =	sdelay $0x4  }
0x464: {  	[tilespmem:v61+s18+$0x0] =	vst.idx.msk $0xffff, v33  }
0x465: {  	v62 =	vadd.s32 v18, v35;
	v33 =	vld [tilespmem:s26+$0xFFFFFD20];
	_ =	sdelay $0x4  }
0x466: {  	[tilespmem:v62+s18+$0x0] =	vst.idx.msk $0xffff, v33  }
0x467: {  	v63 =	vadd.s32 v19, v35;
	v33 =	vld [tilespmem:s26+$0xFFFFFD30];
	_ =	sdelay $0x4  }
0x468: {  	[tilespmem:v63+s18+$0x0] =	vst.idx.msk $0xffff, v33  }
0x469: {  	s30 =	sadd.s32 $0x5, s28;
	v36 =	vadd.s32 v20, v35;
	v33 =	vld [tilespmem:s26+$0xFFFFFD40]  }
0x46a: {  	v37 =	vmov s30  }
0x46b: {  	v35 =	vshrl.u32 v37, $0x3  }
0x46c: {  	v35 =	vshll.u32 v35, v1  }
0x46d: {  	v35 =	vbroadcast v35, $0x0  }
0x46e: {  	[tilespmem:v36+s18+$0x0] =	vst.idx.msk $0xffff, v33  }
0x46f: {  	v38 =	vadd.s32 v21, v35;
	v33 =	vld [tilespmem:s26+$0xFFFFFD50];
	_ =	sdelay $0x4  }
0x470: {  	[tilespmem:v38+s18+$0x0] =	vst.idx.msk $0xffff, v33  }
0x471: {  	v39 =	vadd.s32 v22, v35;
	v33 =	vld [tilespmem:s26+$0xFFFFFD60];
	_ =	sdelay $0x4  }
0x472: {  	[tilespmem:v39+s18+$0x0] =	vst.idx.msk $0xffff, v33  }
0x473: {  	v40 =	vadd.s32 v23, v35;
	v33 =	vld [tilespmem:s26+$0xFFFFFD70];
	_ =	sdelay $0x4  }
0x474: {  	[tilespmem:v40+s18+$0x0] =	vst.idx.msk $0xffff, v33  }
0x475: {  	s31 =	sadd.s32 $0x6, s28;
	v41 =	vadd.s32 v24, v35;
	v33 =	vld [tilespmem:s26+$0xFFFFFD80]  }
0x476: {  	v42 =	vmov s31  }
0x477: {  	v35 =	vshrl.u32 v42, $0x3  }
0x478: {  	v35 =	vshll.u32 v35, v1  }
0x479: {  	v35 =	vbroadcast v35, $0x0  }
0x47a: {  	[tilespmem:v41+s18+$0x0] =	vst.idx.msk $0xffff, v33  }
0x47b: {  	v43 =	vadd.s32 v25, v35;
	v33 =	vld [tilespmem:s26+$0xFFFFFD90];
	_ =	sdelay $0x4  }
0x47c: {  	[tilespmem:v43+s18+$0x0] =	vst.idx.msk $0xffff, v33  }
0x47d: {  	v44 =	vadd.s32 v26, v35;
	v33 =	vld [tilespmem:s26+$0xFFFFFDA0];
	_ =	sdelay $0x4  }
0x47e: {  	[tilespmem:v44+s18+$0x0] =	vst.idx.msk $0xffff, v33  }
0x47f: {  	v45 =	vadd.s32 v27, v35;
	v33 =	vld [tilespmem:s26+$0xFFFFFDB0];
	_ =	sdelay $0x4  }
0x480: {  	[tilespmem:v45+s18+$0x0] =	vst.idx.msk $0xffff, v33  }
0x481: {  	s2 =	sadd.s32 $0x7, s28;
	v46 =	vadd.s32 v28, v35;
	v33 =	vld [tilespmem:s26+$0xFFFFFDC0]  }
0x482: {  	v47 =	vmov s2  }
0x483: {  	v35 =	vshrl.u32 v47, $0x3  }
0x484: {  	v35 =	vshll.u32 v35, v1  }
0x485: {  	v35 =	vbroadcast v35, $0x0  }
0x486: {  	[tilespmem:v46+s18+$0x0] =	vst.idx.msk $0xffff, v33  }
0x487: {  	v48 =	vadd.s32 v29, v35;
	v33 =	vld [tilespmem:s26+$0xFFFFFDD0];
	_ =	sdelay $0x4  }
0x488: {  	[tilespmem:v48+s18+$0x0] =	vst.idx.msk $0xffff, v33  }
0x489: {  	v49 =	vadd.s32 v30, v35;
	v33 =	vld [tilespmem:s26+$0xFFFFFDE0];
	_ =	sdelay $0x4  }
0x48a: {  	[tilespmem:v49+s18+$0x0] =	vst.idx.msk $0xffff, v33  }
0x48b: {  	v50 =	vadd.s32 v31, v35;
	v33 =	vld [tilespmem:s26+$0xFFFFFDF0];
	_ =	sdelay $0x4  }
0x48c: {  	[tilespmem:v50+s18+$0x0] =	vst.idx.msk $0xffff, v33  }
0x48d: {  	s29 =	sadd.s32 $0x8, s28;
	v51 =	vadd.s32 v32, v35;
	v33 =	vld [tilespmem:s26+$0xFFFFFE00]  }
0x48e: {  	v52 =	vmov s29  }
0x48f: {  	v35 =	vshrl.u32 v52, $0x3  }
0x490: {  	v35 =	vshll.u32 v35, v1  }
0x491: {  	v35 =	vbroadcast v35, $0x0  }
0x492: {  	[tilespmem:v51+s18+$0x0] =	vst.idx.msk $0xffff, v33  }
0x493: {  	v53 =	vadd.s32 v0, v35;
	v33 =	vld [tilespmem:s26+$0xFFFFFE10];
	_ =	sdelay $0x4  }
0x494: {  	[tilespmem:v53+s18+$0x0] =	vst.idx.msk $0xffff, v33  }
0x495: {  	v54 =	vadd.s32 v2, v35;
	v33 =	vld [tilespmem:s26+$0xFFFFFE20];
	_ =	sdelay $0x4  }
0x496: {  	[tilespmem:v54+s18+$0x0] =	vst.idx.msk $0xffff, v33  }
0x497: {  	v55 =	vadd.s32 v3, v35;
	v33 =	vld [tilespmem:s26+$0xFFFFFE30];
	_ =	sdelay $0x4  }
0x498: {  	[tilespmem:v55+s18+$0x0] =	vst.idx.msk $0xffff, v33  }
0x499: {  	s30 =	sadd.s32 $0x9, s28;
	v56 =	vadd.s32 v4, v35;
	v33 =	vld [tilespmem:s26+$0xFFFFFE40]  }
0x49a: {  	v57 =	vmov s30  }
0x49b: {  	v35 =	vshrl.u32 v57, $0x3  }
0x49c: {  	v35 =	vshll.u32 v35, v1  }
0x49d: {  	v35 =	vbroadcast v35, $0x0  }
0x49e: {  	[tilespmem:v56+s18+$0x0] =	vst.idx.msk $0xffff, v33  }
0x49f: {  	v58 =	vadd.s32 v5, v35;
	v33 =	vld [tilespmem:s26+$0xFFFFFE50];
	_ =	sdelay $0x4  }
0x4a0: {  	[tilespmem:v58+s18+$0x0] =	vst.idx.msk $0xffff, v33  }
0x4a1: {  	v59 =	vadd.s32 v6, v35;
	v33 =	vld [tilespmem:s26+$0xFFFFFE60];
	_ =	sdelay $0x4  }
0x4a2: {  	[tilespmem:v59+s18+$0x0] =	vst.idx.msk $0xffff, v33  }
0x4a3: {  	v60 =	vadd.s32 v7, v35;
	v33 =	vld [tilespmem:s26+$0xFFFFFE70];
	_ =	sdelay $0x4  }
0x4a4: {  	[tilespmem:v60+s18+$0x0] =	vst.idx.msk $0xffff, v33  }
0x4a5: {  	s31 =	sadd.s32 $0xA, s28;
	v61 =	vadd.s32 v8, v35;
	v33 =	vld [tilespmem:s26+$0xFFFFFE80]  }
0x4a6: {  	v62 =	vmov s31  }
0x4a7: {  	v35 =	vshrl.u32 v62, $0x3  }
0x4a8: {  	v35 =	vshll.u32 v35, v1  }
0x4a9: {  	v35 =	vbroadcast v35, $0x0  }
0x4aa: {  	[tilespmem:v61+s18+$0x0] =	vst.idx.msk $0xffff, v33  }
0x4ab: {  	v63 =	vadd.s32 v9, v35;
	v33 =	vld [tilespmem:s26+$0xFFFFFE90];
	_ =	sdelay $0x4  }
0x4ac: {  	[tilespmem:v63+s18+$0x0] =	vst.idx.msk $0xffff, v33  }
0x4ad: {  	v36 =	vadd.s32 v10, v35;
	v33 =	vld [tilespmem:s26+$0xFFFFFEA0];
	_ =	sdelay $0x4  }
0x4ae: {  	[tilespmem:v36+s18+$0x0] =	vst.idx.msk $0xffff, v33  }
0x4af: {  	v37 =	vadd.s32 v11, v35;
	v33 =	vld [tilespmem:s26+$0xFFFFFEB0];
	_ =	sdelay $0x4  }
0x4b0: {  	[tilespmem:v37+s18+$0x0] =	vst.idx.msk $0xffff, v33  }
0x4b1: {  	s2 =	sadd.s32 $0xB, s28;
	v38 =	vadd.s32 v12, v35;
	v33 =	vld [tilespmem:s26+$0xFFFFFEC0]  }
0x4b2: {  	v39 =	vmov s2  }
0x4b3: {  	v35 =	vshrl.u32 v39, $0x3  }
0x4b4: {  	v35 =	vshll.u32 v35, v1  }
0x4b5: {  	v35 =	vbroadcast v35, $0x0  }
0x4b6: {  	[tilespmem:v38+s18+$0x0] =	vst.idx.msk $0xffff, v33  }
0x4b7: {  	v40 =	vadd.s32 v13, v35;
	v33 =	vld [tilespmem:s26+$0xFFFFFED0];
	_ =	sdelay $0x4  }
0x4b8: {  	[tilespmem:v40+s18+$0x0] =	vst.idx.msk $0xffff, v33  }
0x4b9: {  	v41 =	vadd.s32 v14, v35;
	v33 =	vld [tilespmem:s26+$0xFFFFFEE0];
	_ =	sdelay $0x4  }
0x4ba: {  	[tilespmem:v41+s18+$0x0] =	vst.idx.msk $0xffff, v33  }
0x4bb: {  	v42 =	vadd.s32 v15, v35;
	v33 =	vld [tilespmem:s26+$0xFFFFFEF0];
	_ =	sdelay $0x4  }
0x4bc: {  	[tilespmem:v42+s18+$0x0] =	vst.idx.msk $0xffff, v33  }
0x4bd: {  	s29 =	sadd.s32 $0xC, s28;
	v43 =	vadd.s32 v16, v35;
	v33 =	vld [tilespmem:s26+$0xFFFFFF00]  }
0x4be: {  	v44 =	vmov s29  }
0x4bf: {  	v35 =	vshrl.u32 v44, $0x3  }
0x4c0: {  	v35 =	vshll.u32 v35, v1  }
0x4c1: {  	v35 =	vbroadcast v35, $0x0  }
0x4c2: {  	[tilespmem:v43+s18+$0x0] =	vst.idx.msk $0xffff, v33  }
0x4c3: {  	v45 =	vadd.s32 v17, v35;
	v33 =	vld [tilespmem:s26+$0xFFFFFF10];
	_ =	sdelay $0x4  }
0x4c4: {  	[tilespmem:v45+s18+$0x0] =	vst.idx.msk $0xffff, v33  }
0x4c5: {  	v46 =	vadd.s32 v18, v35;
	v33 =	vld [tilespmem:s26+$0xFFFFFF20];
	_ =	sdelay $0x4  }
0x4c6: {  	[tilespmem:v46+s18+$0x0] =	vst.idx.msk $0xffff, v33  }
0x4c7: {  	v47 =	vadd.s32 v19, v35;
	v33 =	vld [tilespmem:s26+$0xFFFFFF30];
	_ =	sdelay $0x4  }
0x4c8: {  	[tilespmem:v47+s18+$0x0] =	vst.idx.msk $0xffff, v33  }
0x4c9: {  	s30 =	sadd.s32 $0xD, s28;
	v48 =	vadd.s32 v20, v35;
	v33 =	vld [tilespmem:s26+$0xFFFFFF40]  }
0x4ca: {  	v49 =	vmov s30  }
0x4cb: {  	v35 =	vshrl.u32 v49, $0x3  }
0x4cc: {  	v35 =	vshll.u32 v35, v1  }
0x4cd: {  	v35 =	vbroadcast v35, $0x0  }
0x4ce: {  	[tilespmem:v48+s18+$0x0] =	vst.idx.msk $0xffff, v33  }
0x4cf: {  	v50 =	vadd.s32 v21, v35;
	v33 =	vld [tilespmem:s26+$0xFFFFFF50];
	_ =	sdelay $0x4  }
0x4d0: {  	[tilespmem:v50+s18+$0x0] =	vst.idx.msk $0xffff, v33  }
0x4d1: {  	v51 =	vadd.s32 v22, v35;
	v33 =	vld [tilespmem:s26+$0xFFFFFF60];
	_ =	sdelay $0x4  }
0x4d2: {  	[tilespmem:v51+s18+$0x0] =	vst.idx.msk $0xffff, v33  }
0x4d3: {  	v52 =	vadd.s32 v23, v35;
	v33 =	vld [tilespmem:s26+$0xFFFFFF70];
	_ =	sdelay $0x4  }
0x4d4: {  	[tilespmem:v52+s18+$0x0] =	vst.idx.msk $0xffff, v33  }
0x4d5: {  	s31 =	sadd.s32 $0xE, s28;
	v53 =	vadd.s32 v24, v35;
	v33 =	vld [tilespmem:s26+$0xFFFFFF80]  }
0x4d6: {  	v54 =	vmov s31  }
0x4d7: {  	v35 =	vshrl.u32 v54, $0x3  }
0x4d8: {  	v35 =	vshll.u32 v35, v1  }
0x4d9: {  	v35 =	vbroadcast v35, $0x0  }
0x4da: {  	[tilespmem:v53+s18+$0x0] =	vst.idx.msk $0xffff, v33  }
0x4db: {  	v55 =	vadd.s32 v25, v35;
	v33 =	vld [tilespmem:s26+$0xFFFFFF90];
	_ =	sdelay $0x4  }
0x4dc: {  	[tilespmem:v55+s18+$0x0] =	vst.idx.msk $0xffff, v33  }
0x4dd: {  	v56 =	vadd.s32 v26, v35;
	v33 =	vld [tilespmem:s26+$0xFFFFFFA0];
	_ =	sdelay $0x4  }
0x4de: {  	[tilespmem:v56+s18+$0x0] =	vst.idx.msk $0xffff, v33  }
0x4df: {  	v57 =	vadd.s32 v27, v35;
	v33 =	vld [tilespmem:s26+$0xFFFFFFB0];
	_ =	sdelay $0x4  }
0x4e0: {  	[tilespmem:v57+s18+$0x0] =	vst.idx.msk $0xffff, v33  }
0x4e1: {  	s2 =	sadd.s32 $0xF, s28;
	v58 =	vadd.s32 v28, v35;
	v33 =	vld [tilespmem:s26+$0xFFFFFFC0]  }
0x4e2: {  	v59 =	vmov s2  }
0x4e3: {  	v35 =	vshrl.u32 v59, $0x3  }
0x4e4: {  	v35 =	vshll.u32 v35, v1  }
0x4e5: {  	v35 =	vbroadcast v35, $0x0  }
0x4e6: {  	[tilespmem:v58+s18+$0x0] =	vst.idx.msk $0xffff, v33  }
0x4e7: {  	v60 =	vadd.s32 v29, v35;
	v33 =	vld [tilespmem:s26+$0xFFFFFFD0];
	_ =	sdelay $0x4  }
0x4e8: {  	[tilespmem:v60+s18+$0x0] =	vst.idx.msk $0xffff, v33  }
0x4e9: {  	v61 =	vadd.s32 v30, v35;
	v33 =	vld [tilespmem:s26+$0xFFFFFFE0];
	_ =	sdelay $0x4  }
0x4ea: {  	[tilespmem:v61+s18+$0x0] =	vst.idx.msk $0xffff, v33  }
0x4eb: {  	v62 =	vadd.s32 v31, v35;
	v33 =	vld [tilespmem:s26+$0xFFFFFFF0];
	_ =	sdelay $0x4  }
0x4ec: {  	[tilespmem:v62+s18+$0x0] =	vst.idx.msk $0xffff, v33  }
0x4ed: {  	v63 =	vadd.s32 v32, v35;
	v33 =	vld [tilespmem:s26+$0x0]  }
0x4ee: {  	s24 =	sadd.s32 s24, s23  }
0x4ef: {  	s0 =	sshll.u32 s24, $0x14  }
0x4f0: {  	s0 =	sadd.s32 s25, s0  }
0x4f1: {  	s0 =	sshrl.u32 s0, $0x3  }
0x4f2: {  	s2 =	sadd.s32 s1, s0;
	s26 =	simm.s32 $0x6300;
	[tilespmem:v63+s18+$0x0] =	vst.idx.msk $0xffff, v33  }
0x4f3: {  	[hbm4b:s2+s3] =	stream.linear.scatter [tilespmem:s26], [sflag:$0x6], $0x80, $0x38;
	[tilespmem:$0x8500] =	vst v63  }
0x4f4: {  	s28 =	simm.s32 $0x6388;
	s29 =	sadd.s32 $0x10, s2  }
0x4f5: {  	[hbm4b:s29+s3] =	stream.linear.scatter [tilespmem:s28], [sflag:$0x6], $0x80, $0x38;
	[tilespmem:$0x8500] =	vst v63  }
0x4f6: {  	s23 =	simm.s32 $0x6498;
	s30 =	simm.s32 $0x6410;
	s31 =	sadd.s32 $0x20, s2  }
0x4f7: {  	[hbm4b:s31+s3] =	stream.linear.scatter [tilespmem:s30], [sflag:$0x6], $0x80, $0x38;
	[tilespmem:$0x8500] =	vst v63  }
0x4f8: {  	s25 =	simm.s32 $0x6520;
	s24 =	sadd.s32 $0x30, s2;
	s0 =	sadd.s32 $0x70, s2  }
0x4f9: {  	[hbm4b:s24+s3] =	stream.linear.scatter [tilespmem:s23], [sflag:$0x6], $0x80, $0x38;
	[tilespmem:$0x8500] =	vst v63  }
0x4fa: {  	s26 =	sadd.s32 $0x40, s2;
	s28 =	simm.s32 $0x65A8;
	s29 =	sadd.s32 $0x50, s2  }
0x4fb: {  	[hbm4b:s26+s3] =	stream.linear.scatter [tilespmem:s25], [sflag:$0x6], $0x80, $0x38;
	[tilespmem:$0x8500] =	vst v63  }
0x4fc: {  	s30 =	simm.s32 $0x6630;
	s31 =	sadd.s32 $0x60, s2;
	s23 =	simm.s32 $0x440  }
0x4fd: {  	[hbm4b:s29+s3] =	stream.linear.scatter [tilespmem:s28], [sflag:$0x6], $0x80, $0x38;
	[tilespmem:$0x8500] =	vst v63  }
0x4fe: {  	s24 =	sadd.s32 $0x4000, s2;
	s25 =	simm.s32 $0x2200;
	s26 =	simm.s32 $0x66B8  }
0x4ff: {  	[hbm4b:s31+s3] =	stream.linear.scatter [tilespmem:s30], [sflag:$0x6], $0x80, $0x38;
	[tilespmem:$0x8500] =	vst v63  }
.LBB2_9:
0x500: {  	[hbm4b:s0+s3] =	stream.linear.scatter [tilespmem:s26], [sflag:$0x6], $0x80, $0x38;
	[tilespmem:$0x8500] =	vst v63  }
0x501: {  	s0 =	smov.u32 s23;
	s2 =	smov.u32 s25  }
0x502: {  	s23 =	sshra.s32 s2, $0x2;
	s2 =	sadd.s32 $0x1100, s25;
	s26 =	sadd.s32 $0x6300, s0  }
0x503: {  	[hbm4b:s24+s3] =	stream.linear.scatter [tilespmem:s26], [sflag:$0x6], $0x80, $0x38;
	[tilespmem:$0x8500] =	vst v63  }
0x504: {  	p0 =	sne.s32 s25, $0x7700;
	s25 =	sadd.s32 $0x6388, s0;
	s26 =	sadd.s32 $0x10, s24  }
0x505: {  	[hbm4b:s26+s3] =	stream.linear.scatter [tilespmem:s25], [sflag:$0x6], $0x80, $0x38;
	[tilespmem:$0x8500] =	vst v63  }
0x506: {  	s25 =	sadd.s32 $0x6410, s0;
	s26 =	sadd.s32 $0x20, s24  }
0x507: {  	[hbm4b:s26+s3] =	stream.linear.scatter [tilespmem:s25], [sflag:$0x6], $0x80, $0x38;
	[tilespmem:$0x8500] =	vst v63  }
0x508: {  	s25 =	sadd.s32 $0x6498, s0;
	s26 =	sadd.s32 $0x30, s24  }
0x509: {  	[hbm4b:s26+s3] =	stream.linear.scatter [tilespmem:s25], [sflag:$0x6], $0x80, $0x38;
	[tilespmem:$0x8500] =	vst v63  }
0x50a: {  	s25 =	sadd.s32 $0x6520, s0;
	s26 =	sadd.s32 $0x40, s24  }
0x50b: {  	[hbm4b:s26+s3] =	stream.linear.scatter [tilespmem:s25], [sflag:$0x6], $0x80, $0x38;
	[tilespmem:$0x8500] =	vst v63  }
0x50c: {  	s25 =	sadd.s32 $0x65A8, s0;
	s26 =	sadd.s32 $0x50, s24  }
0x50d: {  	[hbm4b:s26+s3] =	stream.linear.scatter [tilespmem:s25], [sflag:$0x6], $0x80, $0x38;
	[tilespmem:$0x8500] =	vst v63  }
.Ltmp3:
0x50e: {  	_ = 	snop;
	(pc) =	sbr.rel @p0 .LBB2_9-.Ltmp3, $4  }
0x50f: {  	s25 =	sadd.s32 $0x6630, s0;
	s26 =	sadd.s32 $0x60, s24  }
0x510: {  	[hbm4b:s26+s3] =	stream.linear.scatter [tilespmem:s25], [sflag:$0x6], $0x80, $0x38;
	[tilespmem:$0x8500] =	vst v63  }
0x511: {  	s26 =	sadd.s32 $0x66B8, s0  }
0x512: {  	s0 =	sadd.s32 $0x70, s24;
	s24 =	sadd.s32 $0x4000, s24;
	s25 =	smov.u32 s2  }
0x513: {  	[hbm4b:s0+s3] =	stream.linear.scatter [tilespmem:s26], [sflag:$0x6], $0x80, $0x38;
	[tilespmem:$0x8500] =	vst v63  }
0x514: {  	s30 =	sadd.s32 $0x6300, s23  }
0x515: {  	[hbm4b:s24+s3] =	stream.linear.scatter [tilespmem:s30], [sflag:$0x6], $0x80, $0x38;
	[tilespmem:$0x8500] =	vst v63  }
0x516: {  	s31 =	sadd.s32 $0x6388, s23;
	s2 =	sadd.s32 $0x10, s24  }
0x517: {  	[hbm4b:s2+s3] =	stream.linear.scatter [tilespmem:s31], [sflag:$0x6], $0x80, $0x38;
	[tilespmem:$0x8500] =	vst v63  }
0x518: {  	s25 =	sadd.s32 $0x6410, s23;
	s26 =	sadd.s32 $0x20, s24  }
0x519: {  	[hbm4b:s26+s3] =	stream.linear.scatter [tilespmem:s25], [sflag:$0x6], $0x80, $0x38;
	[tilespmem:$0x8500] =	vst v63  }
0x51a: {  	s28 =	sadd.s32 $0x6498, s23;
	s29 =	sadd.s32 $0x30, s24  }
0x51b: {  	[hbm4b:s29+s3] =	stream.linear.scatter [tilespmem:s28], [sflag:$0x6], $0x80, $0x38;
	[tilespmem:$0x8500] =	vst v63  }
0x51c: {  	s22 =	sadd.s32 $0x1, s22;
	s30 =	sadd.s32 $0x6520, s23;
	s31 =	sadd.s32 $0x40, s24  }
0x51d: {  	[hbm4b:s31+s3] =	stream.linear.scatter [tilespmem:s30], [sflag:$0x6], $0x80, $0x38;
	[tilespmem:$0x8500] =	vst v63  }
0x51e: {  	p0 =	sne.s32 s22, $0x64;
	s25 =	sadd.s32 $0x65A8, s23;
	s26 =	sadd.s32 $0x50, s24  }
0x51f: {  	[hbm4b:s26+s3] =	stream.linear.scatter [tilespmem:s25], [sflag:$0x6], $0x80, $0x38;
	[tilespmem:$0x8500] =	vst v63  }
.Ltmp4:
0x520: {  	_ = 	snop;
	(pc) =	sbr.rel @p0 .LBB2_2-.Ltmp4, $4  }
0x521: {  	s28 =	sadd.s32 $0x6630, s23;
	s29 =	sadd.s32 $0x60, s24  }
0x522: {  	[hbm4b:s29+s3] =	stream.linear.scatter [tilespmem:s28], [sflag:$0x6], $0x80, $0x38;
	[tilespmem:$0x8500] =	vst v63  }
0x523: {  	s30 =	sadd.s32 $0x66B8, s23;
	s31 =	sadd.s32 $0x70, s24  }
0x524: {  	[hbm4b:s31+s3] =	stream.linear.scatter [tilespmem:s30], [sflag:$0x6], $0x80, $0x38;
	[tilespmem:$0x8500] =	vst v63  }
0x525: {  	s21 =	sadd.s32 $0x1, s21  }
0x526: {  	_ =	swait.ge [sflag:s19], $0x2000;
	p0 =	sne.s32 s21, s9  }
.Ltmp5:
0x527: {  	[sflag:s19] =	ssyncset.done $0x0;
	(pc) =	sbr.rel @p0 .LBB2_1-.Ltmp5, $4  }
0x528: {  	[sflag:s19] =	ssyncadd.s32 $0xFFFFE000  }
0x529: {  	_ =	swait.ge [sflag:s20], $0x2000  }
0x52a: {  	[sflag:s20] =	ssyncset.done $0x0  }
0x52b: {  	[sflag:s20] =	ssyncadd.s32 $0xFFFFE000  }
0x52c: {  	_ =	sfence.sel $0x180000  }
0x52d: {  	[bflag:$0x0] =	sbarrier.arrive $0xFFFF  }
0x52e: {  	_ =	strace $0x90000047  }
0x52f: {  	s0 =	stileid.u32;
	[bflag:$0x2] =	sbarrier.arrive $0xFFFF  }
0x530: {  	p0 =	sne.s32 s0, $0x0;
	s0 =	rddreg [dreg:$0x2]  }
0x531: {  	s0 =	sadd.s32 @!p0 $0x100000, s0  }
0x532: {  	[sflag:s0] =	ssyncadd.tile.s32 @!p0 $0x1;
	_ =	shalt  }
.Lfunc_end2:
_tile_overlayer_lowered:
.L_overlay_start_2:
0x533: {  	(tag) =	ssettag $0x2  }
0x534: {  	s0 =	rddreg [dreg:$0x0];
	s2 =	stileid.u32  }
0x535: {  	s1 =	rddreg [dreg:$0x1];
	p0 =	sne.s32 s2, $0x0  }
0x536: {  	s3 =	rddreg [dreg:$0x2];
	[bflag:$0x3] =	sbarrier.arrive $0xFFFF;
	s2 =	simm.s32 @!p0 $0x1C07  }
0x537: {  	[timem:s3], [sflag:s2] =	dma.local @!p0 [hbm:s0], s1  }
0x538: {  	s0 =	simm.s32 @!p0 $0x7  }
0x539: {  	_ =	swait.ge @!p0 [sflag:s0], s1  }
0x53a: {  	s1 =	ssub.s32 @!p0 $0x0, s1;
	[sflag:s0] =	ssyncset.done @!p0 $0x0  }
0x53b: {  	[sflag:s0] =	ssyncadd.s32 @!p0 s1  }
0x53c: {  	[bflag:$0x3] =	sbarrier.arrive $0xFFFF  }
0x53d: {  	_ =	shalt  }

</sc_bundles>
